<compile_context>
chip_gen: v7x
topology: tpu7x:2x2x1
jax: 0.10.2.dev20260603
libtpu: 0.0.44.dev20260713+nightly
codegen_flags: <defaults>
</compile_context>

<pallas_src>
import functools

import jax
import jax.numpy as jnp
from jax import lax
from jax.experimental import pallas as pl
from jax.experimental.pallas import tpu as pltpu
from jax.experimental.pallas import tpu_sc as plsc

VOCAB = 100000
D = 64
B, H, W = 4, 384, 384
P = H * W
N = B * P
LANES = 16

C = W
CS = C + 1
CG = C // 128
NBUF = 3
OBUF = 2
ISLOT = 6
MSLOT = 2


def _make_kernel():
    info = plsc.get_sparse_core_info()
    NC, NS = info.num_cores, info.num_subcores
    NW = NC * NS
    per_w = N // NW
    rows_w = per_w // C
    assert N % NW == 0 and per_w % C == 0 and P % per_w == 0
    unroll = ISLOT
    assert rows_w % unroll == 0

    mesh = plsc.VectorSubcoreMesh(core_axis_name="c", subcore_axis_name="s")

    @functools.partial(
        pl.kernel,
        mesh=mesh,
        compiler_params=pltpu.CompilerParams(
            needs_layout_passes=False,
            use_tc_tiling_on_sc=False,
        ),
        out_type=jax.ShapeDtypeStruct((B, D, H, W), jnp.float32),
        scratch_types=[
            pltpu.VMEM((ISLOT * C,), jnp.int32),
            pltpu.VMEM((MSLOT * C,), jnp.float32),
            [pltpu.VMEM((C, D), jnp.float32)] * NBUF,
            [pltpu.VMEM((D, CS), jnp.float32)] * OBUF,
            [pltpu.SemaphoreType.DMA] * NBUF,
            [pltpu.SemaphoreType.DMA] * OBUF,
            [pltpu.SemaphoreType.DMA] * ISLOT,
            [pltpu.SemaphoreType.DMA] * MSLOT,
        ],
    )
    def k(idx_hbm, mask_hbm, table_hbm, out_hbm, idx_v, mask_v, rows, trans,
          gsem, osem, isem, msem):
        wid = lax.axis_index("s") * NC + lax.axis_index("c")
        wpi = P // per_w
        b = wid // wpi
        r0 = (wid - b * wpi) * rows_w
        iota = lax.iota(jnp.int32, LANES)
        d_vecs = [kq * LANES + iota for kq in range(D // LANES)]

        def idx_copy(c, sl):
            return pltpu.make_async_copy(
                idx_hbm.at[b, 0, r0 + c, :],
                idx_v.at[pl.ds(sl * C, C)],
                isem[sl],
            )

        def mask_copy(c, sl):
            return pltpu.make_async_copy(
                mask_hbm.at[b, 0, r0 + c, :],
                mask_v.at[pl.ds(sl * C, C)],
                msem[sl],
            )

        def gather(sl_i, buf):
            return [
                pltpu.make_async_copy(
                    table_hbm.at[idx_v.at[pl.ds(sl_i * C + j * 128, 128)]],
                    rows[buf].at[pl.ds(j * 128, 128)],
                    gsem[buf],
                )
                for j in range(CG)
            ]

        def out_copy(c, tb):
            return pltpu.make_async_copy(
                trans[tb].at[:, pl.ds(0, C)],
                out_hbm.at[b, :, r0 + c, :],
                osem[tb],
            )

        for sl in range(ISLOT):
            idx_copy(sl, sl).start()
        for sl in range(MSLOT):
            mask_copy(sl, sl).start()
        for c in range(NBUF):
            idx_copy(c, c).wait()
            for cp in gather(c, c):
                cp.start()

        def super_body(s, carry):
            for ks in range(unroll):
                i = s * unroll + ks
                buf = ks % NBUF
                tb = ks % OBUF
                msl = ks % MSLOT
                for cp in gather(ks % ISLOT, buf):
                    cp.wait()
                mask_copy(i, msl).wait()

                @pl.when(i + ISLOT < rows_w)
                def _():
                    idx_copy(i + ISLOT, ks).start()

                @pl.when(i >= OBUF)
                def _():
                    out_copy(i - OBUF, tb).wait()

                def g_body(g, c2, buf=buf, tb=tb, msl=msl):
                    g16 = g * LANES
                    mvec = mask_v[pl.ds(msl * C + g16, LANES)]
                    for p16 in range(LANES):
                        p = g16 + p16
                        mb = jnp.full((LANES,), mvec[p16])
                        p_vec = jnp.full((LANES,), p, jnp.int32)
                        for kq in range(D // LANES):
                            v = rows[buf][p, pl.ds(kq * LANES, LANES)]
                            plsc.store_scatter(
                                trans[tb], [d_vecs[kq], p_vec], v * mb
                            )
                    return c2

                lax.fori_loop(0, 1, g_body, 0)

                @pl.when(i + NBUF < rows_w)
                def _():
                    idx_copy(i + NBUF, (ks + NBUF) % ISLOT).wait()
                    for cp in gather((ks + NBUF) % ISLOT, buf):
                        cp.start()

                @pl.when(i + MSLOT < rows_w)
                def _():
                    mask_copy(i + MSLOT, msl).start()

                out_copy(i, tb).start()
            return carry

        lax.fori_loop(0, rows_w // unroll, super_body, 0)

        for tail in range(OBUF):
            c = rows_w - OBUF + tail
            out_copy(c, c % OBUF).wait()

    return k


_kernel = _make_kernel()


@jax.jit
def kernel(vertices, E_mask, embed_map):
    return _kernel(vertices.astype(jnp.int32), E_mask, embed_map)

# --- scband reference (transcript-rebuilt; emitter-appended) ---
"""Pipeline reference for scband-create-embedding-18794776887675 (READ-ONLY COPY).

The authoritative reference and input builder live on the scoring server;
editing this copy changes nothing except your own understanding.
"""

import jax, jax.numpy as jnp
import numpy as np

VOCAB = 100000
EMBED_DIM = 64
B, H, W = 4, 384, 384


def setup_inputs(seed: int = 0) -> dict:
    key = jax.random.key(seed)
    k1, k2, k3 = jax.random.split(key, 3)
    vertices = jax.random.randint(k1, (B, 1, H, W), 0, VOCAB, dtype=jnp.int64)
    E_mask = jax.random.uniform(k2, (B, 1, H, W), dtype=jnp.float32)
    embed_map = jax.random.normal(k3, (VOCAB, EMBED_DIM), dtype=jnp.float32)
    return {"vertices": vertices, "E_mask": E_mask, "embed_map": embed_map}


def reference(vertices, E_mask, embed_map):
    # vertices: int64[B, 1, H, W]  (the ndim == 4 branch of the torch module)
    # embed_map[vertices] -> [B, 1, H, W, D]; squeeze(dim=1) -> [B, H, W, D]
    emb = jnp.take(embed_map, vertices, axis=0)
    emb = jnp.squeeze(emb, axis=1)
    # permute(0, 3, 1, 2) -> [B, D, H, W], then elementwise mask multiply
    emb = jnp.transpose(emb, (0, 3, 1, 2)) * E_mask
    return emb

if __name__ == "__main__":
    import jax
    _d = setup_inputs()
    print(jax.jit(kernel)(*tuple(_d.values())))

</pallas_src>

<mosaic_0001>
#map = affine_map<(d0, d1) -> (0, 0, 0, 0)>
#map1 = affine_map<(d0, d1) -> (0, 0)>
module attributes {stable_mosaic.version = 14 : i64} {
  func.func @k(%arg0: i32, %arg1: i32, %arg2: memref<4x1x384x384xi32, #tpu.memory_space<hbm>>, %arg3: memref<4x1x384x384xf32, #tpu.memory_space<hbm>>, %arg4: memref<100000x64xf32, #tpu.memory_space<hbm>>, %arg5: memref<4x64x384x384xf32, #tpu.memory_space<hbm>>, %arg6: memref<2304xi32, #tpu.memory_space<vmem>>, %arg7: memref<768xf32, #tpu.memory_space<vmem>>, %arg8: memref<384x64xf32, #tpu.memory_space<vmem>>, %arg9: memref<384x64xf32, #tpu.memory_space<vmem>>, %arg10: memref<384x64xf32, #tpu.memory_space<vmem>>, %arg11: memref<64x385xf32, #tpu.memory_space<vmem>>, %arg12: memref<64x385xf32, #tpu.memory_space<vmem>>, %arg13: memref<!tpu.dma_semaphore, #tpu.memory_space<semaphore_mem>>, %arg14: memref<!tpu.dma_semaphore, #tpu.memory_space<semaphore_mem>>, %arg15: memref<!tpu.dma_semaphore, #tpu.memory_space<semaphore_mem>>, %arg16: memref<!tpu.dma_semaphore, #tpu.memory_space<semaphore_mem>>, %arg17: memref<!tpu.dma_semaphore, #tpu.memory_space<semaphore_mem>>, %arg18: memref<!tpu.dma_semaphore, #tpu.memory_space<semaphore_mem>>, %arg19: memref<!tpu.dma_semaphore, #tpu.memory_space<semaphore_mem>>, %arg20: memref<!tpu.dma_semaphore, #tpu.memory_space<semaphore_mem>>, %arg21: memref<!tpu.dma_semaphore, #tpu.memory_space<semaphore_mem>>, %arg22: memref<!tpu.dma_semaphore, #tpu.memory_space<semaphore_mem>>, %arg23: memref<!tpu.dma_semaphore, #tpu.memory_space<semaphore_mem>>, %arg24: memref<!tpu.dma_semaphore, #tpu.memory_space<semaphore_mem>>, %arg25: memref<!tpu.dma_semaphore, #tpu.memory_space<semaphore_mem>>) attributes {dimension_semantics = [#tpu.dimension_semantics<core_parallel>, #tpu.dimension_semantics<subcore_parallel>], iteration_bounds = array<i64: 2, 16>, scalar_prefetch = 0 : i64, scratch_operands = 20 : i64, tpu.core_type = #tpu.core_type<sc_vector_subcore>, window_params = [{transform_indices = #map}, {transform_indices = #map}, {transform_indices = #map1}, {transform_indices = #map}]} {
    %mul3A = arith.constant 2 : i32
    %mul3A_0 = arith.muli %arg1, %mul3A : i32
    %add3A = arith.addi %mul3A_0, %arg0 : i32
    %jit3A = arith.constant 8 : i32
    %div3A = arith.divsi %add3A, %jit3A : i32
    %sign3A = arith.constant 0 : i32
    %sign3A_1 = arith.cmpi sgt, %add3A, %sign3A : i32
    %sign3A_2 = arith.extui %sign3A_1 : i1 to i32
    %sign3A_3 = arith.constant 0 : i32
    %sign3A_4 = arith.cmpi slt, %add3A, %sign3A_3 : i32
    %sign3A_5 = arith.extui %sign3A_4 : i1 to i32
    %sign3A_6 = arith.subi %sign3A_2, %sign3A_5 : i32
    %sign3A_7 = arith.constant 0 : i32
    %sign3A_8 = arith.cmpi sgt, %jit3A, %sign3A_7 : i32
    %sign3A_9 = arith.extui %sign3A_8 : i1 to i32
    %sign3A_10 = arith.constant 0 : i32
    %sign3A_11 = arith.cmpi slt, %jit3A, %sign3A_10 : i32
    %sign3A_12 = arith.extui %sign3A_11 : i1 to i32
    %sign3A_13 = arith.subi %sign3A_9, %sign3A_12 : i32
    %ne3A = arith.cmpi ne, %sign3A_6, %sign3A_13 : i32
    %rem3A = arith.remsi %add3A, %jit3A : i32
    %ne3A_14 = arith.constant 0 : i32
    %ne3A_15 = arith.cmpi ne, %rem3A, %ne3A_14 : i32
    %and3A = arith.andi %ne3A, %ne3A_15 : i1
    %sub3A = arith.constant 1 : i32
    %sub3A_16 = arith.subi %div3A, %sub3A : i32
    %select_n3A = arith.select %and3A, %sub3A_16, %div3A : i32
    %mul3A_17 = arith.constant 8 : i32
    %mul3A_18 = arith.muli %select_n3A, %mul3A_17 : i32
    %sub3A_19 = arith.subi %add3A, %mul3A_18 : i32
    %mul3A_20 = arith.constant 48 : i32
    %mul3A_21 = arith.muli %sub3A_19, %mul3A_20 : i32
    %iota3A = tpu.iota {dimensions = array<i32: 0>} : vector<16xi32>
    %add3A_22 = arith.constant 0 : i32
    %add3A_23 = vector.broadcast %add3A_22 : i32 to vector<16xi32>
    %add3A_24 = arith.addi %add3A_23, %iota3A : vector<16xi32>
    %add3A_25 = arith.constant 16 : i32
    %add3A_26 = vector.broadcast %add3A_25 : i32 to vector<16xi32>
    %add3A_27 = arith.addi %add3A_26, %iota3A : vector<16xi32>
    %add3A_28 = arith.constant 32 : i32
    %add3A_29 = vector.broadcast %add3A_28 : i32 to vector<16xi32>
    %add3A_30 = arith.addi %add3A_29, %iota3A : vector<16xi32>
    %add3A_31 = arith.constant 48 : i32
    %add3A_32 = vector.broadcast %add3A_31 : i32 to vector<16xi32>
    %add3A_33 = arith.addi %add3A_32, %iota3A : vector<16xi32>
    %add3A_34 = arith.constant 0 : i32
    %add3A_35 = arith.addi %mul3A_21, %add3A_34 : i32
    %dma_start3A = arith.constant 0 : i32
    %dma_start3A_36 = arith.constant 0 : i32
    %dma_start3A_37 = tpu.memref_slice %arg6[%dma_start3A_36] : memref<2304xi32, #tpu.memory_space<vmem>> -> memref<384xi32, #tpu.memory_space<vmem>>
    %dma_start3A_38 = arith.constant 0 : i32
    %dma_start3A_39 = tpu.memref_slice %arg2[%select_n3A, %dma_start3A, %add3A_35, %dma_start3A_38] : memref<4x1x384x384xi32, #tpu.memory_space<hbm>> -> memref<1x1x1x384xi32, #tpu.memory_space<hbm>>
    %dma_start3A_40 = tpu.memref_squeeze %dma_start3A_39 : memref<1x1x1x384xi32, #tpu.memory_space<hbm>> -> memref<384xi32, #tpu.memory_space<hbm>>
    %dma_start3A_41 = arith.constant 0 : i32
    %dma_start3A_42 = tpu.memref_slice %arg6[%dma_start3A_41] : memref<2304xi32, #tpu.memory_space<vmem>> -> memref<384xi32, #tpu.memory_space<vmem>>
    %dma_start3A_43 = arith.constant 0 : i32
    %dma_start3A_44 = tpu.memref_slice %arg2[%select_n3A, %dma_start3A, %add3A_35, %dma_start3A_43] : memref<4x1x384x384xi32, #tpu.memory_space<hbm>> -> memref<1x1x1x384xi32, #tpu.memory_space<hbm>>
    %dma_start3A_45 = tpu.memref_squeeze %dma_start3A_44 : memref<1x1x1x384xi32, #tpu.memory_space<hbm>> -> memref<384xi32, #tpu.memory_space<hbm>>
    tpu.enqueue_dma source(%dma_start3A_45 : memref<384xi32, #tpu.memory_space<hbm>>) target(%dma_start3A_42 : memref<384xi32, #tpu.memory_space<vmem>>) target_semaphore(%arg18 : memref<!tpu.dma_semaphore, #tpu.memory_space<semaphore_mem>>)
    %add3A_46 = arith.constant 1 : i32
    %add3A_47 = arith.addi %mul3A_21, %add3A_46 : i32
    %dma_start3A_48 = arith.constant 0 : i32
    %dma_start3A_49 = arith.constant 384 : i32
    %dma_start3A_50 = tpu.memref_slice %arg6[%dma_start3A_49] : memref<2304xi32, #tpu.memory_space<vmem>> -> memref<384xi32, #tpu.memory_space<vmem>>
    %dma_start3A_51 = arith.constant 0 : i32
    %dma_start3A_52 = tpu.memref_slice %arg2[%select_n3A, %dma_start3A_48, %add3A_47, %dma_start3A_51] : memref<4x1x384x384xi32, #tpu.memory_space<hbm>> -> memref<1x1x1x384xi32, #tpu.memory_space<hbm>>
    %dma_start3A_53 = tpu.memref_squeeze %dma_start3A_52 : memref<1x1x1x384xi32, #tpu.memory_space<hbm>> -> memref<384xi32, #tpu.memory_space<hbm>>
    %dma_start3A_54 = arith.constant 384 : i32
    %dma_start3A_55 = tpu.memref_slice %arg6[%dma_start3A_54] : memref<2304xi32, #tpu.memory_space<vmem>> -> memref<384xi32, #tpu.memory_space<vmem>>
    %dma_start3A_56 = arith.constant 0 : i32
    %dma_start3A_57 = tpu.memref_slice %arg2[%select_n3A, %dma_start3A_48, %add3A_47, %dma_start3A_56] : memref<4x1x384x384xi32, #tpu.memory_space<hbm>> -> memref<1x1x1x384xi32, #tpu.memory_space<hbm>>
    %dma_start3A_58 = tpu.memref_squeeze %dma_start3A_57 : memref<1x1x1x384xi32, #tpu.memory_space<hbm>> -> memref<384xi32, #tpu.memory_space<hbm>>
    tpu.enqueue_dma source(%dma_start3A_58 : memref<384xi32, #tpu.memory_space<hbm>>) target(%dma_start3A_55 : memref<384xi32, #tpu.memory_space<vmem>>) target_semaphore(%arg19 : memref<!tpu.dma_semaphore, #tpu.memory_space<semaphore_mem>>)
    %add3A_59 = arith.constant 2 : i32
    %add3A_60 = arith.addi %mul3A_21, %add3A_59 : i32
    %dma_start3A_61 = arith.constant 0 : i32
    %dma_start3A_62 = arith.constant 768 : i32
    %dma_start3A_63 = tpu.memref_slice %arg6[%dma_start3A_62] : memref<2304xi32, #tpu.memory_space<vmem>> -> memref<384xi32, #tpu.memory_space<vmem>>
    %dma_start3A_64 = arith.constant 0 : i32
    %dma_start3A_65 = tpu.memref_slice %arg2[%select_n3A, %dma_start3A_61, %add3A_60, %dma_start3A_64] : memref<4x1x384x384xi32, #tpu.memory_space<hbm>> -> memref<1x1x1x384xi32, #tpu.memory_space<hbm>>
    %dma_start3A_66 = tpu.memref_squeeze %dma_start3A_65 : memref<1x1x1x384xi32, #tpu.memory_space<hbm>> -> memref<384xi32, #tpu.memory_space<hbm>>
    %dma_start3A_67 = arith.constant 768 : i32
    %dma_start3A_68 = tpu.memref_slice %arg6[%dma_start3A_67] : memref<2304xi32, #tpu.memory_space<vmem>> -> memref<384xi32, #tpu.memory_space<vmem>>
    %dma_start3A_69 = arith.constant 0 : i32
    %dma_start3A_70 = tpu.memref_slice %arg2[%select_n3A, %dma_start3A_61, %add3A_60, %dma_start3A_69] : memref<4x1x384x384xi32, #tpu.memory_space<hbm>> -> memref<1x1x1x384xi32, #tpu.memory_space<hbm>>
    %dma_start3A_71 = tpu.memref_squeeze %dma_start3A_70 : memref<1x1x1x384xi32, #tpu.memory_space<hbm>> -> memref<384xi32, #tpu.memory_space<hbm>>
    tpu.enqueue_dma source(%dma_start3A_71 : memref<384xi32, #tpu.memory_space<hbm>>) target(%dma_start3A_68 : memref<384xi32, #tpu.memory_space<vmem>>) target_semaphore(%arg20 : memref<!tpu.dma_semaphore, #tpu.memory_space<semaphore_mem>>)
    %add3A_72 = arith.constant 3 : i32
    %add3A_73 = arith.addi %mul3A_21, %add3A_72 : i32
    %dma_start3A_74 = arith.constant 0 : i32
    %dma_start3A_75 = arith.constant 1152 : i32
    %dma_start3A_76 = tpu.memref_slice %arg6[%dma_start3A_75] : memref<2304xi32, #tpu.memory_space<vmem>> -> memref<384xi32, #tpu.memory_space<vmem>>
    %dma_start3A_77 = arith.constant 0 : i32
    %dma_start3A_78 = tpu.memref_slice %arg2[%select_n3A, %dma_start3A_74, %add3A_73, %dma_start3A_77] : memref<4x1x384x384xi32, #tpu.memory_space<hbm>> -> memref<1x1x1x384xi32, #tpu.memory_space<hbm>>
    %dma_start3A_79 = tpu.memref_squeeze %dma_start3A_78 : memref<1x1x1x384xi32, #tpu.memory_space<hbm>> -> memref<384xi32, #tpu.memory_space<hbm>>
    %dma_start3A_80 = arith.constant 1152 : i32
    %dma_start3A_81 = tpu.memref_slice %arg6[%dma_start3A_80] : memref<2304xi32, #tpu.memory_space<vmem>> -> memref<384xi32, #tpu.memory_space<vmem>>
    %dma_start3A_82 = arith.constant 0 : i32
    %dma_start3A_83 = tpu.memref_slice %arg2[%select_n3A, %dma_start3A_74, %add3A_73, %dma_start3A_82] : memref<4x1x384x384xi32, #tpu.memory_space<hbm>> -> memref<1x1x1x384xi32, #tpu.memory_space<hbm>>
    %dma_start3A_84 = tpu.memref_squeeze %dma_start3A_83 : memref<1x1x1x384xi32, #tpu.memory_space<hbm>> -> memref<384xi32, #tpu.memory_space<hbm>>
    tpu.enqueue_dma source(%dma_start3A_84 : memref<384xi32, #tpu.memory_space<hbm>>) target(%dma_start3A_81 : memref<384xi32, #tpu.memory_space<vmem>>) target_semaphore(%arg21 : memref<!tpu.dma_semaphore, #tpu.memory_space<semaphore_mem>>)
    %add3A_85 = arith.constant 4 : i32
    %add3A_86 = arith.addi %mul3A_21, %add3A_85 : i32
    %dma_start3A_87 = arith.constant 0 : i32
    %dma_start3A_88 = arith.constant 1536 : i32
    %dma_start3A_89 = tpu.memref_slice %arg6[%dma_start3A_88] : memref<2304xi32, #tpu.memory_space<vmem>> -> memref<384xi32, #tpu.memory_space<vmem>>
    %dma_start3A_90 = arith.constant 0 : i32
    %dma_start3A_91 = tpu.memref_slice %arg2[%select_n3A, %dma_start3A_87, %add3A_86, %dma_start3A_90] : memref<4x1x384x384xi32, #tpu.memory_space<hbm>> -> memref<1x1x1x384xi32, #tpu.memory_space<hbm>>
    %dma_start3A_92 = tpu.memref_squeeze %dma_start3A_91 : memref<1x1x1x384xi32, #tpu.memory_space<hbm>> -> memref<384xi32, #tpu.memory_space<hbm>>
    %dma_start3A_93 = arith.constant 1536 : i32
    %dma_start3A_94 = tpu.memref_slice %arg6[%dma_start3A_93] : memref<2304xi32, #tpu.memory_space<vmem>> -> memref<384xi32, #tpu.memory_space<vmem>>
    %dma_start3A_95 = arith.constant 0 : i32
    %dma_start3A_96 = tpu.memref_slice %arg2[%select_n3A, %dma_start3A_87, %add3A_86, %dma_start3A_95] : memref<4x1x384x384xi32, #tpu.memory_space<hbm>> -> memref<1x1x1x384xi32, #tpu.memory_space<hbm>>
    %dma_start3A_97 = tpu.memref_squeeze %dma_start3A_96 : memref<1x1x1x384xi32, #tpu.memory_space<hbm>> -> memref<384xi32, #tpu.memory_space<hbm>>
    tpu.enqueue_dma source(%dma_start3A_97 : memref<384xi32, #tpu.memory_space<hbm>>) target(%dma_start3A_94 : memref<384xi32, #tpu.memory_space<vmem>>) target_semaphore(%arg22 : memref<!tpu.dma_semaphore, #tpu.memory_space<semaphore_mem>>)
    %add3A_98 = arith.constant 5 : i32
    %add3A_99 = arith.addi %mul3A_21, %add3A_98 : i32
    %dma_start3A_100 = arith.constant 0 : i32
    %dma_start3A_101 = arith.constant 1920 : i32
    %dma_start3A_102 = tpu.memref_slice %arg6[%dma_start3A_101] : memref<2304xi32, #tpu.memory_space<vmem>> -> memref<384xi32, #tpu.memory_space<vmem>>
    %dma_start3A_103 = arith.constant 0 : i32
    %dma_start3A_104 = tpu.memref_slice %arg2[%select_n3A, %dma_start3A_100, %add3A_99, %dma_start3A_103] : memref<4x1x384x384xi32, #tpu.memory_space<hbm>> -> memref<1x1x1x384xi32, #tpu.memory_space<hbm>>
    %dma_start3A_105 = tpu.memref_squeeze %dma_start3A_104 : memref<1x1x1x384xi32, #tpu.memory_space<hbm>> -> memref<384xi32, #tpu.memory_space<hbm>>
    %dma_start3A_106 = arith.constant 1920 : i32
    %dma_start3A_107 = tpu.memref_slice %arg6[%dma_start3A_106] : memref<2304xi32, #tpu.memory_space<vmem>> -> memref<384xi32, #tpu.memory_space<vmem>>
    %dma_start3A_108 = arith.constant 0 : i32
    %dma_start3A_109 = tpu.memref_slice %arg2[%select_n3A, %dma_start3A_100, %add3A_99, %dma_start3A_108] : memref<4x1x384x384xi32, #tpu.memory_space<hbm>> -> memref<1x1x1x384xi32, #tpu.memory_space<hbm>>
    %dma_start3A_110 = tpu.memref_squeeze %dma_start3A_109 : memref<1x1x1x384xi32, #tpu.memory_space<hbm>> -> memref<384xi32, #tpu.memory_space<hbm>>
    tpu.enqueue_dma source(%dma_start3A_110 : memref<384xi32, #tpu.memory_space<hbm>>) target(%dma_start3A_107 : memref<384xi32, #tpu.memory_space<vmem>>) target_semaphore(%arg23 : memref<!tpu.dma_semaphore, #tpu.memory_space<semaphore_mem>>)
    %add3A_111 = arith.constant 0 : i32
    %add3A_112 = arith.addi %mul3A_21, %add3A_111 : i32
    %dma_start3A_113 = arith.constant 0 : i32
    %dma_start3A_114 = arith.constant 0 : i32
    %dma_start3A_115 = tpu.memref_slice %arg7[%dma_start3A_114] : memref<768xf32, #tpu.memory_space<vmem>> -> memref<384xf32, #tpu.memory_space<vmem>>
    %dma_start3A_116 = arith.constant 0 : i32
    %dma_start3A_117 = tpu.memref_slice %arg3[%select_n3A, %dma_start3A_113, %add3A_112, %dma_start3A_116] : memref<4x1x384x384xf32, #tpu.memory_space<hbm>> -> memref<1x1x1x384xf32, #tpu.memory_space<hbm>>
    %dma_start3A_118 = tpu.memref_squeeze %dma_start3A_117 : memref<1x1x1x384xf32, #tpu.memory_space<hbm>> -> memref<384xf32, #tpu.memory_space<hbm>>
    %dma_start3A_119 = arith.constant 0 : i32
    %dma_start3A_120 = tpu.memref_slice %arg7[%dma_start3A_119] : memref<768xf32, #tpu.memory_space<vmem>> -> memref<384xf32, #tpu.memory_space<vmem>>
    %dma_start3A_121 = arith.constant 0 : i32
    %dma_start3A_122 = tpu.memref_slice %arg3[%select_n3A, %dma_start3A_113, %add3A_112, %dma_start3A_121] : memref<4x1x384x384xf32, #tpu.memory_space<hbm>> -> memref<1x1x1x384xf32, #tpu.memory_space<hbm>>
    %dma_start3A_123 = tpu.memref_squeeze %dma_start3A_122 : memref<1x1x1x384xf32, #tpu.memory_space<hbm>> -> memref<384xf32, #tpu.memory_space<hbm>>
    tpu.enqueue_dma source(%dma_start3A_123 : memref<384xf32, #tpu.memory_space<hbm>>) target(%dma_start3A_120 : memref<384xf32, #tpu.memory_space<vmem>>) target_semaphore(%arg24 : memref<!tpu.dma_semaphore, #tpu.memory_space<semaphore_mem>>)
    %add3A_124 = arith.constant 1 : i32
    %add3A_125 = arith.addi %mul3A_21, %add3A_124 : i32
    %dma_start3A_126 = arith.constant 0 : i32
    %dma_start3A_127 = arith.constant 384 : i32
    %dma_start3A_128 = tpu.memref_slice %arg7[%dma_start3A_127] : memref<768xf32, #tpu.memory_space<vmem>> -> memref<384xf32, #tpu.memory_space<vmem>>
    %dma_start3A_129 = arith.constant 0 : i32
    %dma_start3A_130 = tpu.memref_slice %arg3[%select_n3A, %dma_start3A_126, %add3A_125, %dma_start3A_129] : memref<4x1x384x384xf32, #tpu.memory_space<hbm>> -> memref<1x1x1x384xf32, #tpu.memory_space<hbm>>
    %dma_start3A_131 = tpu.memref_squeeze %dma_start3A_130 : memref<1x1x1x384xf32, #tpu.memory_space<hbm>> -> memref<384xf32, #tpu.memory_space<hbm>>
    %dma_start3A_132 = arith.constant 384 : i32
    %dma_start3A_133 = tpu.memref_slice %arg7[%dma_start3A_132] : memref<768xf32, #tpu.memory_space<vmem>> -> memref<384xf32, #tpu.memory_space<vmem>>
    %dma_start3A_134 = arith.constant 0 : i32
    %dma_start3A_135 = tpu.memref_slice %arg3[%select_n3A, %dma_start3A_126, %add3A_125, %dma_start3A_134] : memref<4x1x384x384xf32, #tpu.memory_space<hbm>> -> memref<1x1x1x384xf32, #tpu.memory_space<hbm>>
    %dma_start3A_136 = tpu.memref_squeeze %dma_start3A_135 : memref<1x1x1x384xf32, #tpu.memory_space<hbm>> -> memref<384xf32, #tpu.memory_space<hbm>>
    tpu.enqueue_dma source(%dma_start3A_136 : memref<384xf32, #tpu.memory_space<hbm>>) target(%dma_start3A_133 : memref<384xf32, #tpu.memory_space<vmem>>) target_semaphore(%arg25 : memref<!tpu.dma_semaphore, #tpu.memory_space<semaphore_mem>>)
    %add3A_137 = arith.constant 0 : i32
    %add3A_138 = arith.addi %mul3A_21, %add3A_137 : i32
    %dma_wait3A = arith.constant 0 : i32
    %dma_wait3A_139 = arith.constant 0 : i32
    %dma_wait3A_140 = tpu.memref_slice %arg6[%dma_wait3A_139] : memref<2304xi32, #tpu.memory_space<vmem>> -> memref<384xi32, #tpu.memory_space<vmem>>
    %dma_wait3A_141 = arith.constant 0 : i32
    %dma_wait3A_142 = tpu.memref_slice %arg2[%select_n3A, %dma_wait3A, %add3A_138, %dma_wait3A_141] : memref<4x1x384x384xi32, #tpu.memory_space<hbm>> -> memref<1x1x1x384xi32, #tpu.memory_space<hbm>>
    %dma_wait3A_143 = tpu.memref_squeeze %dma_wait3A_142 : memref<1x1x1x384xi32, #tpu.memory_space<hbm>> -> memref<384xi32, #tpu.memory_space<hbm>>
    %dma_wait3A_144 = arith.constant 0 : i32
    %dma_wait3A_145 = tpu.memref_slice %arg6[%dma_wait3A_144] : memref<2304xi32, #tpu.memory_space<vmem>> -> memref<384xi32, #tpu.memory_space<vmem>>
    %dma_wait3A_146 = arith.constant 0 : i32
    %dma_wait3A_147 = tpu.memref_slice %arg2[%select_n3A, %dma_wait3A, %add3A_138, %dma_wait3A_146] : memref<4x1x384x384xi32, #tpu.memory_space<hbm>> -> memref<1x1x1x384xi32, #tpu.memory_space<hbm>>
    %dma_wait3A_148 = tpu.memref_squeeze %dma_wait3A_147 : memref<1x1x1x384xi32, #tpu.memory_space<hbm>> -> memref<384xi32, #tpu.memory_space<hbm>>
    tpu.wait_dma2 semaphore(%arg18 : memref<!tpu.dma_semaphore, #tpu.memory_space<semaphore_mem>>) src(%dma_wait3A_148 : memref<384xi32, #tpu.memory_space<hbm>>) dst(%dma_wait3A_145 : memref<384xi32, #tpu.memory_space<vmem>>)
    %dma_start3A_149 = arith.constant 0 : i32
    %dma_start3A_150 = arith.constant 0 : i32
    %dma_start3A_151 = tpu.memref_slice %arg8[%dma_start3A_149, %dma_start3A_150] : memref<384x64xf32, #tpu.memory_space<vmem>> -> memref<128x64xf32, #tpu.memory_space<vmem>>
    %dma_start3A_152 = arith.constant 0 : i32
    %dma_start3A_153 = tpu.memref_slice %arg6[%dma_start3A_152] : memref<2304xi32, #tpu.memory_space<vmem>> -> memref<128xi32, #tpu.memory_space<vmem>>
    %dma_start3A_154 = arith.constant 0 : i32
    %dma_start3A_155 = arith.constant 0 : i32
    %dma_start3A_156 = tpu.memref_slice %arg4[%dma_start3A_154, %dma_start3A_155] : memref<100000x64xf32, #tpu.memory_space<hbm>> -> memref<100000x64xf32, #tpu.memory_space<hbm>>
    tpu.enqueue_indirect_dma source(%dma_start3A_156 : memref<100000x64xf32, #tpu.memory_space<hbm>>) target(%dma_start3A_151 : memref<128x64xf32, #tpu.memory_space<vmem>>) offsets(%dma_start3A_153 : memref<128xi32, #tpu.memory_space<vmem>>) semaphore(%arg13 : memref<!tpu.dma_semaphore, #tpu.memory_space<semaphore_mem>>)
    %dma_start3A_157 = arith.constant 128 : i32
    %dma_start3A_158 = arith.constant 0 : i32
    %dma_start3A_159 = tpu.memref_slice %arg8[%dma_start3A_157, %dma_start3A_158] : memref<384x64xf32, #tpu.memory_space<vmem>> -> memref<128x64xf32, #tpu.memory_space<vmem>>
    %dma_start3A_160 = arith.constant 128 : i32
    %dma_start3A_161 = tpu.memref_slice %arg6[%dma_start3A_160] : memref<2304xi32, #tpu.memory_space<vmem>> -> memref<128xi32, #tpu.memory_space<vmem>>
    %dma_start3A_162 = arith.constant 0 : i32
    %dma_start3A_163 = arith.constant 0 : i32
    %dma_start3A_164 = tpu.memref_slice %arg4[%dma_start3A_162, %dma_start3A_163] : memref<100000x64xf32, #tpu.memory_space<hbm>> -> memref<100000x64xf32, #tpu.memory_space<hbm>>
    tpu.enqueue_indirect_dma source(%dma_start3A_164 : memref<100000x64xf32, #tpu.memory_space<hbm>>) target(%dma_start3A_159 : memref<128x64xf32, #tpu.memory_space<vmem>>) offsets(%dma_start3A_161 : memref<128xi32, #tpu.memory_space<vmem>>) semaphore(%arg13 : memref<!tpu.dma_semaphore, #tpu.memory_space<semaphore_mem>>)
    %dma_start3A_165 = arith.constant 256 : i32
    %dma_start3A_166 = arith.constant 0 : i32
    %dma_start3A_167 = tpu.memref_slice %arg8[%dma_start3A_165, %dma_start3A_166] : memref<384x64xf32, #tpu.memory_space<vmem>> -> memref<128x64xf32, #tpu.memory_space<vmem>>
    %dma_start3A_168 = arith.constant 256 : i32
    %dma_start3A_169 = tpu.memref_slice %arg6[%dma_start3A_168] : memref<2304xi32, #tpu.memory_space<vmem>> -> memref<128xi32, #tpu.memory_space<vmem>>
    %dma_start3A_170 = arith.constant 0 : i32
    %dma_start3A_171 = arith.constant 0 : i32
    %dma_start3A_172 = tpu.memref_slice %arg4[%dma_start3A_170, %dma_start3A_171] : memref<100000x64xf32, #tpu.memory_space<hbm>> -> memref<100000x64xf32, #tpu.memory_space<hbm>>
    tpu.enqueue_indirect_dma source(%dma_start3A_172 : memref<100000x64xf32, #tpu.memory_space<hbm>>) target(%dma_start3A_167 : memref<128x64xf32, #tpu.memory_space<vmem>>) offsets(%dma_start3A_169 : memref<128xi32, #tpu.memory_space<vmem>>) semaphore(%arg13 : memref<!tpu.dma_semaphore, #tpu.memory_space<semaphore_mem>>)
    %add3A_173 = arith.constant 1 : i32
    %add3A_174 = arith.addi %mul3A_21, %add3A_173 : i32
    %dma_wait3A_175 = arith.constant 0 : i32
    %dma_wait3A_176 = arith.constant 384 : i32
    %dma_wait3A_177 = tpu.memref_slice %arg6[%dma_wait3A_176] : memref<2304xi32, #tpu.memory_space<vmem>> -> memref<384xi32, #tpu.memory_space<vmem>>
    %dma_wait3A_178 = arith.constant 0 : i32
    %dma_wait3A_179 = tpu.memref_slice %arg2[%select_n3A, %dma_wait3A_175, %add3A_174, %dma_wait3A_178] : memref<4x1x384x384xi32, #tpu.memory_space<hbm>> -> memref<1x1x1x384xi32, #tpu.memory_space<hbm>>
    %dma_wait3A_180 = tpu.memref_squeeze %dma_wait3A_179 : memref<1x1x1x384xi32, #tpu.memory_space<hbm>> -> memref<384xi32, #tpu.memory_space<hbm>>
    %dma_wait3A_181 = arith.constant 384 : i32
    %dma_wait3A_182 = tpu.memref_slice %arg6[%dma_wait3A_181] : memref<2304xi32, #tpu.memory_space<vmem>> -> memref<384xi32, #tpu.memory_space<vmem>>
    %dma_wait3A_183 = arith.constant 0 : i32
    %dma_wait3A_184 = tpu.memref_slice %arg2[%select_n3A, %dma_wait3A_175, %add3A_174, %dma_wait3A_183] : memref<4x1x384x384xi32, #tpu.memory_space<hbm>> -> memref<1x1x1x384xi32, #tpu.memory_space<hbm>>
    %dma_wait3A_185 = tpu.memref_squeeze %dma_wait3A_184 : memref<1x1x1x384xi32, #tpu.memory_space<hbm>> -> memref<384xi32, #tpu.memory_space<hbm>>
    tpu.wait_dma2 semaphore(%arg19 : memref<!tpu.dma_semaphore, #tpu.memory_space<semaphore_mem>>) src(%dma_wait3A_185 : memref<384xi32, #tpu.memory_space<hbm>>) dst(%dma_wait3A_182 : memref<384xi32, #tpu.memory_space<vmem>>)
    %dma_start3A_186 = arith.constant 0 : i32
    %dma_start3A_187 = arith.constant 0 : i32
    %dma_start3A_188 = tpu.memref_slice %arg9[%dma_start3A_186, %dma_start3A_187] : memref<384x64xf32, #tpu.memory_space<vmem>> -> memref<128x64xf32, #tpu.memory_space<vmem>>
    %dma_start3A_189 = arith.constant 384 : i32
    %dma_start3A_190 = tpu.memref_slice %arg6[%dma_start3A_189] : memref<2304xi32, #tpu.memory_space<vmem>> -> memref<128xi32, #tpu.memory_space<vmem>>
    %dma_start3A_191 = arith.constant 0 : i32
    %dma_start3A_192 = arith.constant 0 : i32
    %dma_start3A_193 = tpu.memref_slice %arg4[%dma_start3A_191, %dma_start3A_192] : memref<100000x64xf32, #tpu.memory_space<hbm>> -> memref<100000x64xf32, #tpu.memory_space<hbm>>
    tpu.enqueue_indirect_dma source(%dma_start3A_193 : memref<100000x64xf32, #tpu.memory_space<hbm>>) target(%dma_start3A_188 : memref<128x64xf32, #tpu.memory_space<vmem>>) offsets(%dma_start3A_190 : memref<128xi32, #tpu.memory_space<vmem>>) semaphore(%arg14 : memref<!tpu.dma_semaphore, #tpu.memory_space<semaphore_mem>>)
    %dma_start3A_194 = arith.constant 128 : i32
    %dma_start3A_195 = arith.constant 0 : i32
    %dma_start3A_196 = tpu.memref_slice %arg9[%dma_start3A_194, %dma_start3A_195] : memref<384x64xf32, #tpu.memory_space<vmem>> -> memref<128x64xf32, #tpu.memory_space<vmem>>
    %dma_start3A_197 = arith.constant 512 : i32
    %dma_start3A_198 = tpu.memref_slice %arg6[%dma_start3A_197] : memref<2304xi32, #tpu.memory_space<vmem>> -> memref<128xi32, #tpu.memory_space<vmem>>
    %dma_start3A_199 = arith.constant 0 : i32
    %dma_start3A_200 = arith.constant 0 : i32
    %dma_start3A_201 = tpu.memref_slice %arg4[%dma_start3A_199, %dma_start3A_200] : memref<100000x64xf32, #tpu.memory_space<hbm>> -> memref<100000x64xf32, #tpu.memory_space<hbm>>
    tpu.enqueue_indirect_dma source(%dma_start3A_201 : memref<100000x64xf32, #tpu.memory_space<hbm>>) target(%dma_start3A_196 : memref<128x64xf32, #tpu.memory_space<vmem>>) offsets(%dma_start3A_198 : memref<128xi32, #tpu.memory_space<vmem>>) semaphore(%arg14 : memref<!tpu.dma_semaphore, #tpu.memory_space<semaphore_mem>>)
    %dma_start3A_202 = arith.constant 256 : i32
    %dma_start3A_203 = arith.constant 0 : i32
    %dma_start3A_204 = tpu.memref_slice %arg9[%dma_start3A_202, %dma_start3A_203] : memref<384x64xf32, #tpu.memory_space<vmem>> -> memref<128x64xf32, #tpu.memory_space<vmem>>
    %dma_start3A_205 = arith.constant 640 : i32
    %dma_start3A_206 = tpu.memref_slice %arg6[%dma_start3A_205] : memref<2304xi32, #tpu.memory_space<vmem>> -> memref<128xi32, #tpu.memory_space<vmem>>
    %dma_start3A_207 = arith.constant 0 : i32
    %dma_start3A_208 = arith.constant 0 : i32
    %dma_start3A_209 = tpu.memref_slice %arg4[%dma_start3A_207, %dma_start3A_208] : memref<100000x64xf32, #tpu.memory_space<hbm>> -> memref<100000x64xf32, #tpu.memory_space<hbm>>
    tpu.enqueue_indirect_dma source(%dma_start3A_209 : memref<100000x64xf32, #tpu.memory_space<hbm>>) target(%dma_start3A_204 : memref<128x64xf32, #tpu.memory_space<vmem>>) offsets(%dma_start3A_206 : memref<128xi32, #tpu.memory_space<vmem>>) semaphore(%arg14 : memref<!tpu.dma_semaphore, #tpu.memory_space<semaphore_mem>>)
    %add3A_210 = arith.constant 2 : i32
    %add3A_211 = arith.addi %mul3A_21, %add3A_210 : i32
    %dma_wait3A_212 = arith.constant 0 : i32
    %dma_wait3A_213 = arith.constant 768 : i32
    %dma_wait3A_214 = tpu.memref_slice %arg6[%dma_wait3A_213] : memref<2304xi32, #tpu.memory_space<vmem>> -> memref<384xi32, #tpu.memory_space<vmem>>
    %dma_wait3A_215 = arith.constant 0 : i32
    %dma_wait3A_216 = tpu.memref_slice %arg2[%select_n3A, %dma_wait3A_212, %add3A_211, %dma_wait3A_215] : memref<4x1x384x384xi32, #tpu.memory_space<hbm>> -> memref<1x1x1x384xi32, #tpu.memory_space<hbm>>
    %dma_wait3A_217 = tpu.memref_squeeze %dma_wait3A_216 : memref<1x1x1x384xi32, #tpu.memory_space<hbm>> -> memref<384xi32, #tpu.memory_space<hbm>>
    %dma_wait3A_218 = arith.constant 768 : i32
    %dma_wait3A_219 = tpu.memref_slice %arg6[%dma_wait3A_218] : memref<2304xi32, #tpu.memory_space<vmem>> -> memref<384xi32, #tpu.memory_space<vmem>>
    %dma_wait3A_220 = arith.constant 0 : i32
    %dma_wait3A_221 = tpu.memref_slice %arg2[%select_n3A, %dma_wait3A_212, %add3A_211, %dma_wait3A_220] : memref<4x1x384x384xi32, #tpu.memory_space<hbm>> -> memref<1x1x1x384xi32, #tpu.memory_space<hbm>>
    %dma_wait3A_222 = tpu.memref_squeeze %dma_wait3A_221 : memref<1x1x1x384xi32, #tpu.memory_space<hbm>> -> memref<384xi32, #tpu.memory_space<hbm>>
    tpu.wait_dma2 semaphore(%arg20 : memref<!tpu.dma_semaphore, #tpu.memory_space<semaphore_mem>>) src(%dma_wait3A_222 : memref<384xi32, #tpu.memory_space<hbm>>) dst(%dma_wait3A_219 : memref<384xi32, #tpu.memory_space<vmem>>)
    %dma_start3A_223 = arith.constant 0 : i32
    %dma_start3A_224 = arith.constant 0 : i32
    %dma_start3A_225 = tpu.memref_slice %arg10[%dma_start3A_223, %dma_start3A_224] : memref<384x64xf32, #tpu.memory_space<vmem>> -> memref<128x64xf32, #tpu.memory_space<vmem>>
    %dma_start3A_226 = arith.constant 768 : i32
    %dma_start3A_227 = tpu.memref_slice %arg6[%dma_start3A_226] : memref<2304xi32, #tpu.memory_space<vmem>> -> memref<128xi32, #tpu.memory_space<vmem>>
    %dma_start3A_228 = arith.constant 0 : i32
    %dma_start3A_229 = arith.constant 0 : i32
    %dma_start3A_230 = tpu.memref_slice %arg4[%dma_start3A_228, %dma_start3A_229] : memref<100000x64xf32, #tpu.memory_space<hbm>> -> memref<100000x64xf32, #tpu.memory_space<hbm>>
    tpu.enqueue_indirect_dma source(%dma_start3A_230 : memref<100000x64xf32, #tpu.memory_space<hbm>>) target(%dma_start3A_225 : memref<128x64xf32, #tpu.memory_space<vmem>>) offsets(%dma_start3A_227 : memref<128xi32, #tpu.memory_space<vmem>>) semaphore(%arg15 : memref<!tpu.dma_semaphore, #tpu.memory_space<semaphore_mem>>)
    %dma_start3A_231 = arith.constant 128 : i32
    %dma_start3A_232 = arith.constant 0 : i32
    %dma_start3A_233 = tpu.memref_slice %arg10[%dma_start3A_231, %dma_start3A_232] : memref<384x64xf32, #tpu.memory_space<vmem>> -> memref<128x64xf32, #tpu.memory_space<vmem>>
    %dma_start3A_234 = arith.constant 896 : i32
    %dma_start3A_235 = tpu.memref_slice %arg6[%dma_start3A_234] : memref<2304xi32, #tpu.memory_space<vmem>> -> memref<128xi32, #tpu.memory_space<vmem>>
    %dma_start3A_236 = arith.constant 0 : i32
    %dma_start3A_237 = arith.constant 0 : i32
    %dma_start3A_238 = tpu.memref_slice %arg4[%dma_start3A_236, %dma_start3A_237] : memref<100000x64xf32, #tpu.memory_space<hbm>> -> memref<100000x64xf32, #tpu.memory_space<hbm>>
    tpu.enqueue_indirect_dma source(%dma_start3A_238 : memref<100000x64xf32, #tpu.memory_space<hbm>>) target(%dma_start3A_233 : memref<128x64xf32, #tpu.memory_space<vmem>>) offsets(%dma_start3A_235 : memref<128xi32, #tpu.memory_space<vmem>>) semaphore(%arg15 : memref<!tpu.dma_semaphore, #tpu.memory_space<semaphore_mem>>)
    %dma_start3A_239 = arith.constant 256 : i32
    %dma_start3A_240 = arith.constant 0 : i32
    %dma_start3A_241 = tpu.memref_slice %arg10[%dma_start3A_239, %dma_start3A_240] : memref<384x64xf32, #tpu.memory_space<vmem>> -> memref<128x64xf32, #tpu.memory_space<vmem>>
    %dma_start3A_242 = arith.constant 1024 : i32
    %dma_start3A_243 = tpu.memref_slice %arg6[%dma_start3A_242] : memref<2304xi32, #tpu.memory_space<vmem>> -> memref<128xi32, #tpu.memory_space<vmem>>
    %dma_start3A_244 = arith.constant 0 : i32
    %dma_start3A_245 = arith.constant 0 : i32
    %dma_start3A_246 = tpu.memref_slice %arg4[%dma_start3A_244, %dma_start3A_245] : memref<100000x64xf32, #tpu.memory_space<hbm>> -> memref<100000x64xf32, #tpu.memory_space<hbm>>
    tpu.enqueue_indirect_dma source(%dma_start3A_246 : memref<100000x64xf32, #tpu.memory_space<hbm>>) target(%dma_start3A_241 : memref<128x64xf32, #tpu.memory_space<vmem>>) offsets(%dma_start3A_243 : memref<128xi32, #tpu.memory_space<vmem>>) semaphore(%arg15 : memref<!tpu.dma_semaphore, #tpu.memory_space<semaphore_mem>>)
    %scan3A = arith.constant 0 : i32
    %scan3A_247 = arith.constant 0 : i32
    %scan3A_248 = arith.constant 8 : i32
    %scan3A_249 = arith.addi %scan3A_247, %scan3A_248 : i32
    %scan3A_250 = arith.constant 1 : i32
    scf.for %scan3A_284 = %scan3A_247 to %scan3A_249 step %scan3A_250  : i32 {
      %mul3A_285 = arith.constant 6 : i32
      %mul3A_286 = arith.muli %scan3A_284, %mul3A_285 : i32
      %add3A_287 = arith.constant 0 : i32
      %add3A_288 = arith.addi %mul3A_286, %add3A_287 : i32
      %dma_wait3A_289 = arith.constant 0 : i32
      %dma_wait3A_290 = arith.constant 0 : i32
      %dma_wait3A_291 = tpu.memref_slice %arg8[%dma_wait3A_289, %dma_wait3A_290] : memref<384x64xf32, #tpu.memory_space<vmem>> -> memref<128x64xf32, #tpu.memory_space<vmem>>
      %dma_wait3A_292 = arith.constant 0 : i32
      %dma_wait3A_293 = tpu.memref_slice %arg6[%dma_wait3A_292] : memref<2304xi32, #tpu.memory_space<vmem>> -> memref<128xi32, #tpu.memory_space<vmem>>
      %dma_wait3A_294 = arith.constant 0 : i32
      %dma_wait3A_295 = arith.constant 0 : i32
      %dma_wait3A_296 = tpu.memref_slice %arg4[%dma_wait3A_294, %dma_wait3A_295] : memref<100000x64xf32, #tpu.memory_space<hbm>> -> memref<100000x64xf32, #tpu.memory_space<hbm>>
      tpu.wait_indirect_dma semaphore(%arg13 : memref<!tpu.dma_semaphore, #tpu.memory_space<semaphore_mem>>) src(%dma_wait3A_296 : memref<100000x64xf32, #tpu.memory_space<hbm>>) dst(%dma_wait3A_291 : memref<128x64xf32, #tpu.memory_space<vmem>>)
      %dma_wait3A_297 = arith.constant 128 : i32
      %dma_wait3A_298 = arith.constant 0 : i32
      %dma_wait3A_299 = tpu.memref_slice %arg8[%dma_wait3A_297, %dma_wait3A_298] : memref<384x64xf32, #tpu.memory_space<vmem>> -> memref<128x64xf32, #tpu.memory_space<vmem>>
      %dma_wait3A_300 = arith.constant 128 : i32
      %dma_wait3A_301 = tpu.memref_slice %arg6[%dma_wait3A_300] : memref<2304xi32, #tpu.memory_space<vmem>> -> memref<128xi32, #tpu.memory_space<vmem>>
      %dma_wait3A_302 = arith.constant 0 : i32
      %dma_wait3A_303 = arith.constant 0 : i32
      %dma_wait3A_304 = tpu.memref_slice %arg4[%dma_wait3A_302, %dma_wait3A_303] : memref<100000x64xf32, #tpu.memory_space<hbm>> -> memref<100000x64xf32, #tpu.memory_space<hbm>>
      tpu.wait_indirect_dma semaphore(%arg13 : memref<!tpu.dma_semaphore, #tpu.memory_space<semaphore_mem>>) src(%dma_wait3A_304 : memref<100000x64xf32, #tpu.memory_space<hbm>>) dst(%dma_wait3A_299 : memref<128x64xf32, #tpu.memory_space<vmem>>)
      %dma_wait3A_305 = arith.constant 256 : i32
      %dma_wait3A_306 = arith.constant 0 : i32
      %dma_wait3A_307 = tpu.memref_slice %arg8[%dma_wait3A_305, %dma_wait3A_306] : memref<384x64xf32, #tpu.memory_space<vmem>> -> memref<128x64xf32, #tpu.memory_space<vmem>>
      %dma_wait3A_308 = arith.constant 256 : i32
      %dma_wait3A_309 = tpu.memref_slice %arg6[%dma_wait3A_308] : memref<2304xi32, #tpu.memory_space<vmem>> -> memref<128xi32, #tpu.memory_space<vmem>>
      %dma_wait3A_310 = arith.constant 0 : i32
      %dma_wait3A_311 = arith.constant 0 : i32
      %dma_wait3A_312 = tpu.memref_slice %arg4[%dma_wait3A_310, %dma_wait3A_311] : memref<100000x64xf32, #tpu.memory_space<hbm>> -> memref<100000x64xf32, #tpu.memory_space<hbm>>
      tpu.wait_indirect_dma semaphore(%arg13 : memref<!tpu.dma_semaphore, #tpu.memory_space<semaphore_mem>>) src(%dma_wait3A_312 : memref<100000x64xf32, #tpu.memory_space<hbm>>) dst(%dma_wait3A_307 : memref<128x64xf32, #tpu.memory_space<vmem>>)
      %add3A_313 = arith.addi %mul3A_21, %add3A_288 : i32
      %dma_wait3A_314 = arith.constant 0 : i32
      %dma_wait3A_315 = arith.constant 0 : i32
      %dma_wait3A_316 = tpu.memref_slice %arg7[%dma_wait3A_315] : memref<768xf32, #tpu.memory_space<vmem>> -> memref<384xf32, #tpu.memory_space<vmem>>
      %dma_wait3A_317 = arith.constant 0 : i32
      %dma_wait3A_318 = tpu.memref_slice %arg3[%select_n3A, %dma_wait3A_314, %add3A_313, %dma_wait3A_317] : memref<4x1x384x384xf32, #tpu.memory_space<hbm>> -> memref<1x1x1x384xf32, #tpu.memory_space<hbm>>
      %dma_wait3A_319 = tpu.memref_squeeze %dma_wait3A_318 : memref<1x1x1x384xf32, #tpu.memory_space<hbm>> -> memref<384xf32, #tpu.memory_space<hbm>>
      %dma_wait3A_320 = arith.constant 0 : i32
      %dma_wait3A_321 = tpu.memref_slice %arg7[%dma_wait3A_320] : memref<768xf32, #tpu.memory_space<vmem>> -> memref<384xf32, #tpu.memory_space<vmem>>
      %dma_wait3A_322 = arith.constant 0 : i32
      %dma_wait3A_323 = tpu.memref_slice %arg3[%select_n3A, %dma_wait3A_314, %add3A_313, %dma_wait3A_322] : memref<4x1x384x384xf32, #tpu.memory_space<hbm>> -> memref<1x1x1x384xf32, #tpu.memory_space<hbm>>
      %dma_wait3A_324 = tpu.memref_squeeze %dma_wait3A_323 : memref<1x1x1x384xf32, #tpu.memory_space<hbm>> -> memref<384xf32, #tpu.memory_space<hbm>>
      tpu.wait_dma2 semaphore(%arg24 : memref<!tpu.dma_semaphore, #tpu.memory_space<semaphore_mem>>) src(%dma_wait3A_324 : memref<384xf32, #tpu.memory_space<hbm>>) dst(%dma_wait3A_321 : memref<384xf32, #tpu.memory_space<vmem>>)
      %add3A_325 = arith.constant 6 : i32
      %add3A_326 = arith.addi %add3A_288, %add3A_325 : i32
      %lt3A = arith.constant 48 : i32
      %lt3A_327 = arith.cmpi slt, %add3A_326, %lt3A : i32
      %convert_element_type3A = arith.extui %lt3A_327 : i1 to i32
      %cond3A = arith.constant 0 : i32
      %cond3A_328 = arith.cmpi ne, %convert_element_type3A, %cond3A : i32
      scf.if %cond3A_328 {
        %add3A_2929 = arith.constant 6 : i32
        %add3A_2930 = arith.addi %add3A_288, %add3A_2929 : i32
        %add3A_2931 = arith.addi %mul3A_21, %add3A_2930 : i32
        %dma_start3A_2932 = arith.constant 0 : i32
        %dma_start3A_2933 = arith.constant 0 : i32
        %dma_start3A_2934 = tpu.memref_slice %arg6[%dma_start3A_2933] : memref<2304xi32, #tpu.memory_space<vmem>> -> memref<384xi32, #tpu.memory_space<vmem>>
        %dma_start3A_2935 = arith.constant 0 : i32
        %dma_start3A_2936 = tpu.memref_slice %arg2[%select_n3A, %dma_start3A_2932, %add3A_2931, %dma_start3A_2935] : memref<4x1x384x384xi32, #tpu.memory_space<hbm>> -> memref<1x1x1x384xi32, #tpu.memory_space<hbm>>
        %dma_start3A_2937 = tpu.memref_squeeze %dma_start3A_2936 : memref<1x1x1x384xi32, #tpu.memory_space<hbm>> -> memref<384xi32, #tpu.memory_space<hbm>>
        %dma_start3A_2938 = arith.constant 0 : i32
        %dma_start3A_2939 = tpu.memref_slice %arg6[%dma_start3A_2938] : memref<2304xi32, #tpu.memory_space<vmem>> -> memref<384xi32, #tpu.memory_space<vmem>>
        %dma_start3A_2940 = arith.constant 0 : i32
        %dma_start3A_2941 = tpu.memref_slice %arg2[%select_n3A, %dma_start3A_2932, %add3A_2931, %dma_start3A_2940] : memref<4x1x384x384xi32, #tpu.memory_space<hbm>> -> memref<1x1x1x384xi32, #tpu.memory_space<hbm>>
        %dma_start3A_2942 = tpu.memref_squeeze %dma_start3A_2941 : memref<1x1x1x384xi32, #tpu.memory_space<hbm>> -> memref<384xi32, #tpu.memory_space<hbm>>
        tpu.enqueue_dma source(%dma_start3A_2942 : memref<384xi32, #tpu.memory_space<hbm>>) target(%dma_start3A_2939 : memref<384xi32, #tpu.memory_space<vmem>>) target_semaphore(%arg18 : memref<!tpu.dma_semaphore, #tpu.memory_space<semaphore_mem>>)
      } else {
      }
      %ge3A = arith.constant 2 : i32
      %ge3A_329 = arith.cmpi sge, %add3A_288, %ge3A : i32
      %convert_element_type3A_330 = arith.extui %ge3A_329 : i1 to i32
      %cond3A_331 = arith.constant 0 : i32
      %cond3A_332 = arith.cmpi ne, %convert_element_type3A_330, %cond3A_331 : i32
      scf.if %cond3A_332 {
        %sub3A_2929 = arith.constant 2 : i32
        %sub3A_2930 = arith.subi %add3A_288, %sub3A_2929 : i32
        %add3A_2931 = arith.addi %mul3A_21, %sub3A_2930 : i32
        %dma_wait3A_2932 = arith.constant 0 : i32
        %dma_wait3A_2933 = arith.constant 0 : i32
        %dma_wait3A_2934 = tpu.memref_slice %arg11[%dma_wait3A_2932, %dma_wait3A_2933] : memref<64x385xf32, #tpu.memory_space<vmem>> -> memref<64x384xf32, #tpu.memory_space<vmem>>
        %dma_wait3A_2935 = arith.constant 0 : i32
        %dma_wait3A_2936 = arith.constant 0 : i32
        %dma_wait3A_2937 = tpu.memref_slice %arg5[%select_n3A, %dma_wait3A_2935, %add3A_2931, %dma_wait3A_2936] : memref<4x64x384x384xf32, #tpu.memory_space<hbm>> -> memref<1x64x1x384xf32, #tpu.memory_space<hbm>>
        %dma_wait3A_2938 = tpu.memref_squeeze %dma_wait3A_2937 : memref<1x64x1x384xf32, #tpu.memory_space<hbm>> -> memref<64x384xf32, #tpu.memory_space<hbm>>
        %dma_wait3A_2939 = arith.constant 0 : i32
        %dma_wait3A_2940 = arith.constant 0 : i32
        %dma_wait3A_2941 = tpu.memref_slice %arg5[%select_n3A, %dma_wait3A_2939, %add3A_2931, %dma_wait3A_2940] : memref<4x64x384x384xf32, #tpu.memory_space<hbm>> -> memref<1x64x1x384xf32, #tpu.memory_space<hbm>>
        %dma_wait3A_2942 = tpu.memref_squeeze %dma_wait3A_2941 : memref<1x64x1x384xf32, #tpu.memory_space<hbm>> -> memref<64x384xf32, #tpu.memory_space<hbm>>
        %dma_wait3A_2943 = arith.constant 0 : i32
        %dma_wait3A_2944 = arith.constant 0 : i32
        %dma_wait3A_2945 = tpu.memref_slice %arg11[%dma_wait3A_2943, %dma_wait3A_2944] : memref<64x385xf32, #tpu.memory_space<vmem>> -> memref<64x384xf32, #tpu.memory_space<vmem>>
        tpu.wait_dma2 semaphore(%arg16 : memref<!tpu.dma_semaphore, #tpu.memory_space<semaphore_mem>>) src(%dma_wait3A_2945 : memref<64x384xf32, #tpu.memory_space<vmem>>) dst(%dma_wait3A_2942 : memref<64x384xf32, #tpu.memory_space<hbm>>)
      } else {
      }
      %scan3A_333 = arith.constant 0 : i32
      %scan3A_334 = arith.constant 0 : i32
      %mul3A_335 = arith.constant 16 : i32
      %mul3A_336 = arith.muli %scan3A_334, %mul3A_335 : i32
      %add3A_337 = arith.constant 0 : i32
      %add3A_338 = arith.addi %add3A_337, %mul3A_336 : i32
      %get3A = arith.index_cast %add3A_338 : i32 to index
      %get3A_339 = tpu.vector_load %arg7[%get3A] {strides = array<i32>} : memref<768xf32, #tpu.memory_space<vmem>>, vector<16xf32>,
      %add3A_340 = arith.constant 0 : i32
      %add3A_341 = arith.addi %mul3A_336, %add3A_340 : i32
      %slice3A = vector.extract_strided_slice %get3A_339 {offsets = [0], sizes = [1], strides = [1]} : vector<16xf32> to vector<1xf32>
      %squeeze3A = vector.extract %slice3A[0] : f32 from vector<1xf32>
      %broadcast_in_dim3A = vector.broadcast %squeeze3A : f32 to vector<16xf32>
      %broadcast_in_dim3A_342 = vector.broadcast %add3A_341 : i32 to vector<16xi32>
      %get3A_343 = arith.index_cast %add3A_341 : i32 to index
      %get3A_344 = arith.constant 0 : index
      %get3A_345 = tpu.vector_load %arg8[%get3A_343, %get3A_344] {strides = array<i32>} : memref<384x64xf32, #tpu.memory_space<vmem>>, vector<16xf32>,
      %mul3A_346 = arith.mulf %get3A_345, %broadcast_in_dim3A : vector<16xf32>
      tpu.vector_store_idx %arg11[%add3A_24, %broadcast_in_dim3A_342], %mul3A_346 : memref<64x385xf32, #tpu.memory_space<vmem>>[vector<16xi32>, vector<16xi32>], vector<16xf32>,
      %get3A_347 = arith.index_cast %add3A_341 : i32 to index
      %get3A_348 = arith.constant 16 : index
      %get3A_349 = tpu.vector_load %arg8[%get3A_347, %get3A_348] {strides = array<i32>} : memref<384x64xf32, #tpu.memory_space<vmem>>, vector<16xf32>,
      %mul3A_350 = arith.mulf %get3A_349, %broadcast_in_dim3A : vector<16xf32>
      tpu.vector_store_idx %arg11[%add3A_27, %broadcast_in_dim3A_342], %mul3A_350 : memref<64x385xf32, #tpu.memory_space<vmem>>[vector<16xi32>, vector<16xi32>], vector<16xf32>,
      %get3A_351 = arith.index_cast %add3A_341 : i32 to index
      %get3A_352 = arith.constant 32 : index
      %get3A_353 = tpu.vector_load %arg8[%get3A_351, %get3A_352] {strides = array<i32>} : memref<384x64xf32, #tpu.memory_space<vmem>>, vector<16xf32>,
      %mul3A_354 = arith.mulf %get3A_353, %broadcast_in_dim3A : vector<16xf32>
      tpu.vector_store_idx %arg11[%add3A_30, %broadcast_in_dim3A_342], %mul3A_354 : memref<64x385xf32, #tpu.memory_space<vmem>>[vector<16xi32>, vector<16xi32>], vector<16xf32>,
      %get3A_355 = arith.index_cast %add3A_341 : i32 to index
      %get3A_356 = arith.constant 48 : index
      %get3A_357 = tpu.vector_load %arg8[%get3A_355, %get3A_356] {strides = array<i32>} : memref<384x64xf32, #tpu.memory_space<vmem>>, vector<16xf32>,
      %mul3A_358 = arith.mulf %get3A_357, %broadcast_in_dim3A : vector<16xf32>
      tpu.vector_store_idx %arg11[%add3A_33, %broadcast_in_dim3A_342], %mul3A_358 : memref<64x385xf32, #tpu.memory_space<vmem>>[vector<16xi32>, vector<16xi32>], vector<16xf32>,
      %add3A_359 = arith.constant 1 : i32
      %add3A_360 = arith.addi %mul3A_336, %add3A_359 : i32
      %slice3A_361 = vector.extract_strided_slice %get3A_339 {offsets = [1], sizes = [1], strides = [1]} : vector<16xf32> to vector<1xf32>
      %squeeze3A_362 = vector.extract %slice3A_361[0] : f32 from vector<1xf32>
      %broadcast_in_dim3A_363 = vector.broadcast %squeeze3A_362 : f32 to vector<16xf32>
      %broadcast_in_dim3A_364 = vector.broadcast %add3A_360 : i32 to vector<16xi32>
      %get3A_365 = arith.index_cast %add3A_360 : i32 to index
      %get3A_366 = arith.constant 0 : index
      %get3A_367 = tpu.vector_load %arg8[%get3A_365, %get3A_366] {strides = array<i32>} : memref<384x64xf32, #tpu.memory_space<vmem>>, vector<16xf32>,
      %mul3A_368 = arith.mulf %get3A_367, %broadcast_in_dim3A_363 : vector<16xf32>
      tpu.vector_store_idx %arg11[%add3A_24, %broadcast_in_dim3A_364], %mul3A_368 : memref<64x385xf32, #tpu.memory_space<vmem>>[vector<16xi32>, vector<16xi32>], vector<16xf32>,
      %get3A_369 = arith.index_cast %add3A_360 : i32 to index
      %get3A_370 = arith.constant 16 : index
      %get3A_371 = tpu.vector_load %arg8[%get3A_369, %get3A_370] {strides = array<i32>} : memref<384x64xf32, #tpu.memory_space<vmem>>, vector<16xf32>,
      %mul3A_372 = arith.mulf %get3A_371, %broadcast_in_dim3A_363 : vector<16xf32>
      tpu.vector_store_idx %arg11[%add3A_27, %broadcast_in_dim3A_364], %mul3A_372 : memref<64x385xf32, #tpu.memory_space<vmem>>[vector<16xi32>, vector<16xi32>], vector<16xf32>,
      %get3A_373 = arith.index_cast %add3A_360 : i32 to index
      %get3A_374 = arith.constant 32 : index
      %get3A_375 = tpu.vector_load %arg8[%get3A_373, %get3A_374] {strides = array<i32>} : memref<384x64xf32, #tpu.memory_space<vmem>>, vector<16xf32>,
      %mul3A_376 = arith.mulf %get3A_375, %broadcast_in_dim3A_363 : vector<16xf32>
      tpu.vector_store_idx %arg11[%add3A_30, %broadcast_in_dim3A_364], %mul3A_376 : memref<64x385xf32, #tpu.memory_space<vmem>>[vector<16xi32>, vector<16xi32>], vector<16xf32>,
      %get3A_377 = arith.index_cast %add3A_360 : i32 to index
      %get3A_378 = arith.constant 48 : index
      %get3A_379 = tpu.vector_load %arg8[%get3A_377, %get3A_378] {strides = array<i32>} : memref<384x64xf32, #tpu.memory_space<vmem>>, vector<16xf32>,
      %mul3A_380 = arith.mulf %get3A_379, %broadcast_in_dim3A_363 : vector<16xf32>
      tpu.vector_store_idx %arg11[%add3A_33, %broadcast_in_dim3A_364], %mul3A_380 : memref<64x385xf32, #tpu.memory_space<vmem>>[vector<16xi32>, vector<16xi32>], vector<16xf32>,
      %add3A_381 = arith.constant 2 : i32
      %add3A_382 = arith.addi %mul3A_336, %add3A_381 : i32
      %slice3A_383 = vector.extract_strided_slice %get3A_339 {offsets = [2], sizes = [1], strides = [1]} : vector<16xf32> to vector<1xf32>
      %squeeze3A_384 = vector.extract %slice3A_383[0] : f32 from vector<1xf32>
      %broadcast_in_dim3A_385 = vector.broadcast %squeeze3A_384 : f32 to vector<16xf32>
      %broadcast_in_dim3A_386 = vector.broadcast %add3A_382 : i32 to vector<16xi32>
      %get3A_387 = arith.index_cast %add3A_382 : i32 to index
      %get3A_388 = arith.constant 0 : index
      %get3A_389 = tpu.vector_load %arg8[%get3A_387, %get3A_388] {strides = array<i32>} : memref<384x64xf32, #tpu.memory_space<vmem>>, vector<16xf32>,
      %mul3A_390 = arith.mulf %get3A_389, %broadcast_in_dim3A_385 : vector<16xf32>
      tpu.vector_store_idx %arg11[%add3A_24, %broadcast_in_dim3A_386], %mul3A_390 : memref<64x385xf32, #tpu.memory_space<vmem>>[vector<16xi32>, vector<16xi32>], vector<16xf32>,
      %get3A_391 = arith.index_cast %add3A_382 : i32 to index
      %get3A_392 = arith.constant 16 : index
      %get3A_393 = tpu.vector_load %arg8[%get3A_391, %get3A_392] {strides = array<i32>} : memref<384x64xf32, #tpu.memory_space<vmem>>, vector<16xf32>,
      %mul3A_394 = arith.mulf %get3A_393, %broadcast_in_dim3A_385 : vector<16xf32>
      tpu.vector_store_idx %arg11[%add3A_27, %broadcast_in_dim3A_386], %mul3A_394 : memref<64x385xf32, #tpu.memory_space<vmem>>[vector<16xi32>, vector<16xi32>], vector<16xf32>,
      %get3A_395 = arith.index_cast %add3A_382 : i32 to index
      %get3A_396 = arith.constant 32 : index
      %get3A_397 = tpu.vector_load %arg8[%get3A_395, %get3A_396] {strides = array<i32>} : memref<384x64xf32, #tpu.memory_space<vmem>>, vector<16xf32>,
      %mul3A_398 = arith.mulf %get3A_397, %broadcast_in_dim3A_385 : vector<16xf32>
      tpu.vector_store_idx %arg11[%add3A_30, %broadcast_in_dim3A_386], %mul3A_398 : memref<64x385xf32, #tpu.memory_space<vmem>>[vector<16xi32>, vector<16xi32>], vector<16xf32>,
      %get3A_399 = arith.index_cast %add3A_382 : i32 to index
      %get3A_400 = arith.constant 48 : index
      %get3A_401 = tpu.vector_load %arg8[%get3A_399, %get3A_400] {strides = array<i32>} : memref<384x64xf32, #tpu.memory_space<vmem>>, vector<16xf32>,
      %mul3A_402 = arith.mulf %get3A_401, %broadcast_in_dim3A_385 : vector<16xf32>
      tpu.vector_store_idx %arg11[%add3A_33, %broadcast_in_dim3A_386], %mul3A_402 : memref<64x385xf32, #tpu.memory_space<vmem>>[vector<16xi32>, vector<16xi32>], vector<16xf32>,
      %add3A_403 = arith.constant 3 : i32
      %add3A_404 = arith.addi %mul3A_336, %add3A_403 : i32
      %slice3A_405 = vector.extract_strided_slice %get3A_339 {offsets = [3], sizes = [1], strides = [1]} : vector<16xf32> to vector<1xf32>
      %squeeze3A_406 = vector.extract %slice3A_405[0] : f32 from vector<1xf32>
      %broadcast_in_dim3A_407 = vector.broadcast %squeeze3A_406 : f32 to vector<16xf32>
      %broadcast_in_dim3A_408 = vector.broadcast %add3A_404 : i32 to vector<16xi32>
      %get3A_409 = arith.index_cast %add3A_404 : i32 to index
      %get3A_410 = arith.constant 0 : index
      %get3A_411 = tpu.vector_load %arg8[%get3A_409, %get3A_410] {strides = array<i32>} : memref<384x64xf32, #tpu.memory_space<vmem>>, vector<16xf32>,
      %mul3A_412 = arith.mulf %get3A_411, %broadcast_in_dim3A_407 : vector<16xf32>
      tpu.vector_store_idx %arg11[%add3A_24, %broadcast_in_dim3A_408], %mul3A_412 : memref<64x385xf32, #tpu.memory_space<vmem>>[vector<16xi32>, vector<16xi32>], vector<16xf32>,
      %get3A_413 = arith.index_cast %add3A_404 : i32 to index
      %get3A_414 = arith.constant 16 : index
      %get3A_415 = tpu.vector_load %arg8[%get3A_413, %get3A_414] {strides = array<i32>} : memref<384x64xf32, #tpu.memory_space<vmem>>, vector<16xf32>,
      %mul3A_416 = arith.mulf %get3A_415, %broadcast_in_dim3A_407 : vector<16xf32>
      tpu.vector_store_idx %arg11[%add3A_27, %broadcast_in_dim3A_408], %mul3A_416 : memref<64x385xf32, #tpu.memory_space<vmem>>[vector<16xi32>, vector<16xi32>], vector<16xf32>,
      %get3A_417 = arith.index_cast %add3A_404 : i32 to index
      %get3A_418 = arith.constant 32 : index
      %get3A_419 = tpu.vector_load %arg8[%get3A_417, %get3A_418] {strides = array<i32>} : memref<384x64xf32, #tpu.memory_space<vmem>>, vector<16xf32>,
      %mul3A_420 = arith.mulf %get3A_419, %broadcast_in_dim3A_407 : vector<16xf32>
      tpu.vector_store_idx %arg11[%add3A_30, %broadcast_in_dim3A_408], %mul3A_420 : memref<64x385xf32, #tpu.memory_space<vmem>>[vector<16xi32>, vector<16xi32>], vector<16xf32>,
      %get3A_421 = arith.index_cast %add3A_404 : i32 to index
      %get3A_422 = arith.constant 48 : index
      %get3A_423 = tpu.vector_load %arg8[%get3A_421, %get3A_422] {strides = array<i32>} : memref<384x64xf32, #tpu.memory_space<vmem>>, vector<16xf32>,
      %mul3A_424 = arith.mulf %get3A_423, %broadcast_in_dim3A_407 : vector<16xf32>
      tpu.vector_store_idx %arg11[%add3A_33, %broadcast_in_dim3A_408], %mul3A_424 : memref<64x385xf32, #tpu.memory_space<vmem>>[vector<16xi32>, vector<16xi32>], vector<16xf32>,
      %add3A_425 = arith.constant 4 : i32
      %add3A_426 = arith.addi %mul3A_336, %add3A_425 : i32
      %slice3A_427 = vector.extract_strided_slice %get3A_339 {offsets = [4], sizes = [1], strides = [1]} : vector<16xf32> to vector<1xf32>
      %squeeze3A_428 = vector.extract %slice3A_427[0] : f32 from vector<1xf32>
      %broadcast_in_dim3A_429 = vector.broadcast %squeeze3A_428 : f32 to vector<16xf32>
      %broadcast_in_dim3A_430 = vector.broadcast %add3A_426 : i32 to vector<16xi32>
      %get3A_431 = arith.index_cast %add3A_426 : i32 to index
      %get3A_432 = arith.constant 0 : index
      %get3A_433 = tpu.vector_load %arg8[%get3A_431, %get3A_432] {strides = array<i32>} : memref<384x64xf32, #tpu.memory_space<vmem>>, vector<16xf32>,
      %mul3A_434 = arith.mulf %get3A_433, %broadcast_in_dim3A_429 : vector<16xf32>
      tpu.vector_store_idx %arg11[%add3A_24, %broadcast_in_dim3A_430], %mul3A_434 : memref<64x385xf32, #tpu.memory_space<vmem>>[vector<16xi32>, vector<16xi32>], vector<16xf32>,
      %get3A_435 = arith.index_cast %add3A_426 : i32 to index
      %get3A_436 = arith.constant 16 : index
      %get3A_437 = tpu.vector_load %arg8[%get3A_435, %get3A_436] {strides = array<i32>} : memref<384x64xf32, #tpu.memory_space<vmem>>, vector<16xf32>,
      %mul3A_438 = arith.mulf %get3A_437, %broadcast_in_dim3A_429 : vector<16xf32>
      tpu.vector_store_idx %arg11[%add3A_27, %broadcast_in_dim3A_430], %mul3A_438 : memref<64x385xf32, #tpu.memory_space<vmem>>[vector<16xi32>, vector<16xi32>], vector<16xf32>,
      %get3A_439 = arith.index_cast %add3A_426 : i32 to index
      %get3A_440 = arith.constant 32 : index
      %get3A_441 = tpu.vector_load %arg8[%get3A_439, %get3A_440] {strides = array<i32>} : memref<384x64xf32, #tpu.memory_space<vmem>>, vector<16xf32>,
      %mul3A_442 = arith.mulf %get3A_441, %broadcast_in_dim3A_429 : vector<16xf32>
      tpu.vector_store_idx %arg11[%add3A_30, %broadcast_in_dim3A_430], %mul3A_442 : memref<64x385xf32, #tpu.memory_space<vmem>>[vector<16xi32>, vector<16xi32>], vector<16xf32>,
      %get3A_443 = arith.index_cast %add3A_426 : i32 to index
      %get3A_444 = arith.constant 48 : index
      %get3A_445 = tpu.vector_load %arg8[%get3A_443, %get3A_444] {strides = array<i32>} : memref<384x64xf32, #tpu.memory_space<vmem>>, vector<16xf32>,
      %mul3A_446 = arith.mulf %get3A_445, %broadcast_in_dim3A_429 : vector<16xf32>
      tpu.vector_store_idx %arg11[%add3A_33, %broadcast_in_dim3A_430], %mul3A_446 : memref<64x385xf32, #tpu.memory_space<vmem>>[vector<16xi32>, vector<16xi32>], vector<16xf32>,
      %add3A_447 = arith.constant 5 : i32
      %add3A_448 = arith.addi %mul3A_336, %add3A_447 : i32
      %slice3A_449 = vector.extract_strided_slice %get3A_339 {offsets = [5], sizes = [1], strides = [1]} : vector<16xf32> to vector<1xf32>
      %squeeze3A_450 = vector.extract %slice3A_449[0] : f32 from vector<1xf32>
      %broadcast_in_dim3A_451 = vector.broadcast %squeeze3A_450 : f32 to vector<16xf32>
      %broadcast_in_dim3A_452 = vector.broadcast %add3A_448 : i32 to vector<16xi32>
      %get3A_453 = arith.index_cast %add3A_448 : i32 to index
      %get3A_454 = arith.constant 0 : index
      %get3A_455 = tpu.vector_load %arg8[%get3A_453, %get3A_454] {strides = array<i32>} : memref<384x64xf32, #tpu.memory_space<vmem>>, vector<16xf32>,
      %mul3A_456 = arith.mulf %get3A_455, %broadcast_in_dim3A_451 : vector<16xf32>
      tpu.vector_store_idx %arg11[%add3A_24, %broadcast_in_dim3A_452], %mul3A_456 : memref<64x385xf32, #tpu.memory_space<vmem>>[vector<16xi32>, vector<16xi32>], vector<16xf32>,
      %get3A_457 = arith.index_cast %add3A_448 : i32 to index
      %get3A_458 = arith.constant 16 : index
      %get3A_459 = tpu.vector_load %arg8[%get3A_457, %get3A_458] {strides = array<i32>} : memref<384x64xf32, #tpu.memory_space<vmem>>, vector<16xf32>,
      %mul3A_460 = arith.mulf %get3A_459, %broadcast_in_dim3A_451 : vector<16xf32>
      tpu.vector_store_idx %arg11[%add3A_27, %broadcast_in_dim3A_452], %mul3A_460 : memref<64x385xf32, #tpu.memory_space<vmem>>[vector<16xi32>, vector<16xi32>], vector<16xf32>,
      %get3A_461 = arith.index_cast %add3A_448 : i32 to index
      %get3A_462 = arith.constant 32 : index
      %get3A_463 = tpu.vector_load %arg8[%get3A_461, %get3A_462] {strides = array<i32>} : memref<384x64xf32, #tpu.memory_space<vmem>>, vector<16xf32>,
      %mul3A_464 = arith.mulf %get3A_463, %broadcast_in_dim3A_451 : vector<16xf32>
      tpu.vector_store_idx %arg11[%add3A_30, %broadcast_in_dim3A_452], %mul3A_464 : memref<64x385xf32, #tpu.memory_space<vmem>>[vector<16xi32>, vector<16xi32>], vector<16xf32>,
      %get3A_465 = arith.index_cast %add3A_448 : i32 to index
      %get3A_466 = arith.constant 48 : index
      %get3A_467 = tpu.vector_load %arg8[%get3A_465, %get3A_466] {strides = array<i32>} : memref<384x64xf32, #tpu.memory_space<vmem>>, vector<16xf32>,
      %mul3A_468 = arith.mulf %get3A_467, %broadcast_in_dim3A_451 : vector<16xf32>
      tpu.vector_store_idx %arg11[%add3A_33, %broadcast_in_dim3A_452], %mul3A_468 : memref<64x385xf32, #tpu.memory_space<vmem>>[vector<16xi32>, vector<16xi32>], vector<16xf32>,
      %add3A_469 = arith.constant 6 : i32
      %add3A_470 = arith.addi %mul3A_336, %add3A_469 : i32
      %slice3A_471 = vector.extract_strided_slice %get3A_339 {offsets = [6], sizes = [1], strides = [1]} : vector<16xf32> to vector<1xf32>
      %squeeze3A_472 = vector.extract %slice3A_471[0] : f32 from vector<1xf32>
      %broadcast_in_dim3A_473 = vector.broadcast %squeeze3A_472 : f32 to vector<16xf32>
      %broadcast_in_dim3A_474 = vector.broadcast %add3A_470 : i32 to vector<16xi32>
      %get3A_475 = arith.index_cast %add3A_470 : i32 to index
      %get3A_476 = arith.constant 0 : index
      %get3A_477 = tpu.vector_load %arg8[%get3A_475, %get3A_476] {strides = array<i32>} : memref<384x64xf32, #tpu.memory_space<vmem>>, vector<16xf32>,
      %mul3A_478 = arith.mulf %get3A_477, %broadcast_in_dim3A_473 : vector<16xf32>
      tpu.vector_store_idx %arg11[%add3A_24, %broadcast_in_dim3A_474], %mul3A_478 : memref<64x385xf32, #tpu.memory_space<vmem>>[vector<16xi32>, vector<16xi32>], vector<16xf32>,
      %get3A_479 = arith.index_cast %add3A_470 : i32 to index
      %get3A_480 = arith.constant 16 : index
      %get3A_481 = tpu.vector_load %arg8[%get3A_479, %get3A_480] {strides = array<i32>} : memref<384x64xf32, #tpu.memory_space<vmem>>, vector<16xf32>,
      %mul3A_482 = arith.mulf %get3A_481, %broadcast_in_dim3A_473 : vector<16xf32>
      tpu.vector_store_idx %arg11[%add3A_27, %broadcast_in_dim3A_474], %mul3A_482 : memref<64x385xf32, #tpu.memory_space<vmem>>[vector<16xi32>, vector<16xi32>], vector<16xf32>,
      %get3A_483 = arith.index_cast %add3A_470 : i32 to index
      %get3A_484 = arith.constant 32 : index
      %get3A_485 = tpu.vector_load %arg8[%get3A_483, %get3A_484] {strides = array<i32>} : memref<384x64xf32, #tpu.memory_space<vmem>>, vector<16xf32>,
      %mul3A_486 = arith.mulf %get3A_485, %broadcast_in_dim3A_473 : vector<16xf32>
      tpu.vector_store_idx %arg11[%add3A_30, %broadcast_in_dim3A_474], %mul3A_486 : memref<64x385xf32, #tpu.memory_space<vmem>>[vector<16xi32>, vector<16xi32>], vector<16xf32>,
      %get3A_487 = arith.index_cast %add3A_470 : i32 to index
      %get3A_488 = arith.constant 48 : index
      %get3A_489 = tpu.vector_load %arg8[%get3A_487, %get3A_488] {strides = array<i32>} : memref<384x64xf32, #tpu.memory_space<vmem>>, vector<16xf32>,
      %mul3A_490 = arith.mulf %get3A_489, %broadcast_in_dim3A_473 : vector<16xf32>
      tpu.vector_store_idx %arg11[%add3A_33, %broadcast_in_dim3A_474], %mul3A_490 : memref<64x385xf32, #tpu.memory_space<vmem>>[vector<16xi32>, vector<16xi32>], vector<16xf32>,
      %add3A_491 = arith.constant 7 : i32
      %add3A_492 = arith.addi %mul3A_336, %add3A_491 : i32
      %slice3A_493 = vector.extract_strided_slice %get3A_339 {offsets = [7], sizes = [1], strides = [1]} : vector<16xf32> to vector<1xf32>
      %squeeze3A_494 = vector.extract %slice3A_493[0] : f32 from vector<1xf32>
      %broadcast_in_dim3A_495 = vector.broadcast %squeeze3A_494 : f32 to vector<16xf32>
      %broadcast_in_dim3A_496 = vector.broadcast %add3A_492 : i32 to vector<16xi32>
      %get3A_497 = arith.index_cast %add3A_492 : i32 to index
      %get3A_498 = arith.constant 0 : index
      %get3A_499 = tpu.vector_load %arg8[%get3A_497, %get3A_498] {strides = array<i32>} : memref<384x64xf32, #tpu.memory_space<vmem>>, vector<16xf32>,
      %mul3A_500 = arith.mulf %get3A_499, %broadcast_in_dim3A_495 : vector<16xf32>
      tpu.vector_store_idx %arg11[%add3A_24, %broadcast_in_dim3A_496], %mul3A_500 : memref<64x385xf32, #tpu.memory_space<vmem>>[vector<16xi32>, vector<16xi32>], vector<16xf32>,
      %get3A_501 = arith.index_cast %add3A_492 : i32 to index
      %get3A_502 = arith.constant 16 : index
      %get3A_503 = tpu.vector_load %arg8[%get3A_501, %get3A_502] {strides = array<i32>} : memref<384x64xf32, #tpu.memory_space<vmem>>, vector<16xf32>,
      %mul3A_504 = arith.mulf %get3A_503, %broadcast_in_dim3A_495 : vector<16xf32>
      tpu.vector_store_idx %arg11[%add3A_27, %broadcast_in_dim3A_496], %mul3A_504 : memref<64x385xf32, #tpu.memory_space<vmem>>[vector<16xi32>, vector<16xi32>], vector<16xf32>,
      %get3A_505 = arith.index_cast %add3A_492 : i32 to index
      %get3A_506 = arith.constant 32 : index
      %get3A_507 = tpu.vector_load %arg8[%get3A_505, %get3A_506] {strides = array<i32>} : memref<384x64xf32, #tpu.memory_space<vmem>>, vector<16xf32>,
      %mul3A_508 = arith.mulf %get3A_507, %broadcast_in_dim3A_495 : vector<16xf32>
      tpu.vector_store_idx %arg11[%add3A_30, %broadcast_in_dim3A_496], %mul3A_508 : memref<64x385xf32, #tpu.memory_space<vmem>>[vector<16xi32>, vector<16xi32>], vector<16xf32>,
      %get3A_509 = arith.index_cast %add3A_492 : i32 to index
      %get3A_510 = arith.constant 48 : index
      %get3A_511 = tpu.vector_load %arg8[%get3A_509, %get3A_510] {strides = array<i32>} : memref<384x64xf32, #tpu.memory_space<vmem>>, vector<16xf32>,
      %mul3A_512 = arith.mulf %get3A_511, %broadcast_in_dim3A_495 : vector<16xf32>
      tpu.vector_store_idx %arg11[%add3A_33, %broadcast_in_dim3A_496], %mul3A_512 : memref<64x385xf32, #tpu.memory_space<vmem>>[vector<16xi32>, vector<16xi32>], vector<16xf32>,
      %add3A_513 = arith.constant 8 : i32
      %add3A_514 = arith.addi %mul3A_336, %add3A_513 : i32
      %slice3A_515 = vector.extract_strided_slice %get3A_339 {offsets = [8], sizes = [1], strides = [1]} : vector<16xf32> to vector<1xf32>
      %squeeze3A_516 = vector.extract %slice3A_515[0] : f32 from vector<1xf32>
      %broadcast_in_dim3A_517 = vector.broadcast %squeeze3A_516 : f32 to vector<16xf32>
      %broadcast_in_dim3A_518 = vector.broadcast %add3A_514 : i32 to vector<16xi32>
      %get3A_519 = arith.index_cast %add3A_514 : i32 to index
      %get3A_520 = arith.constant 0 : index
      %get3A_521 = tpu.vector_load %arg8[%get3A_519, %get3A_520] {strides = array<i32>} : memref<384x64xf32, #tpu.memory_space<vmem>>, vector<16xf32>,
      %mul3A_522 = arith.mulf %get3A_521, %broadcast_in_dim3A_517 : vector<16xf32>
      tpu.vector_store_idx %arg11[%add3A_24, %broadcast_in_dim3A_518], %mul3A_522 : memref<64x385xf32, #tpu.memory_space<vmem>>[vector<16xi32>, vector<16xi32>], vector<16xf32>,
      %get3A_523 = arith.index_cast %add3A_514 : i32 to index
      %get3A_524 = arith.constant 16 : index
      %get3A_525 = tpu.vector_load %arg8[%get3A_523, %get3A_524] {strides = array<i32>} : memref<384x64xf32, #tpu.memory_space<vmem>>, vector<16xf32>,
      %mul3A_526 = arith.mulf %get3A_525, %broadcast_in_dim3A_517 : vector<16xf32>
      tpu.vector_store_idx %arg11[%add3A_27, %broadcast_in_dim3A_518], %mul3A_526 : memref<64x385xf32, #tpu.memory_space<vmem>>[vector<16xi32>, vector<16xi32>], vector<16xf32>,
      %get3A_527 = arith.index_cast %add3A_514 : i32 to index
      %get3A_528 = arith.constant 32 : index
      %get3A_529 = tpu.vector_load %arg8[%get3A_527, %get3A_528] {strides = array<i32>} : memref<384x64xf32, #tpu.memory_space<vmem>>, vector<16xf32>,
      %mul3A_530 = arith.mulf %get3A_529, %broadcast_in_dim3A_517 : vector<16xf32>
      tpu.vector_store_idx %arg11[%add3A_30, %broadcast_in_dim3A_518], %mul3A_530 : memref<64x385xf32, #tpu.memory_space<vmem>>[vector<16xi32>, vector<16xi32>], vector<16xf32>,
      %get3A_531 = arith.index_cast %add3A_514 : i32 to index
      %get3A_532 = arith.constant 48 : index
      %get3A_533 = tpu.vector_load %arg8[%get3A_531, %get3A_532] {strides = array<i32>} : memref<384x64xf32, #tpu.memory_space<vmem>>, vector<16xf32>,
      %mul3A_534 = arith.mulf %get3A_533, %broadcast_in_dim3A_517 : vector<16xf32>
      tpu.vector_store_idx %arg11[%add3A_33, %broadcast_in_dim3A_518], %mul3A_534 : memref<64x385xf32, #tpu.memory_space<vmem>>[vector<16xi32>, vector<16xi32>], vector<16xf32>,
      %add3A_535 = arith.constant 9 : i32
      %add3A_536 = arith.addi %mul3A_336, %add3A_535 : i32
      %slice3A_537 = vector.extract_strided_slice %get3A_339 {offsets = [9], sizes = [1], strides = [1]} : vector<16xf32> to vector<1xf32>
      %squeeze3A_538 = vector.extract %slice3A_537[0] : f32 from vector<1xf32>
      %broadcast_in_dim3A_539 = vector.broadcast %squeeze3A_538 : f32 to vector<16xf32>
      %broadcast_in_dim3A_540 = vector.broadcast %add3A_536 : i32 to vector<16xi32>
      %get3A_541 = arith.index_cast %add3A_536 : i32 to index
      %get3A_542 = arith.constant 0 : index
      %get3A_543 = tpu.vector_load %arg8[%get3A_541, %get3A_542] {strides = array<i32>} : memref<384x64xf32, #tpu.memory_space<vmem>>, vector<16xf32>,
      %mul3A_544 = arith.mulf %get3A_543, %broadcast_in_dim3A_539 : vector<16xf32>
      tpu.vector_store_idx %arg11[%add3A_24, %broadcast_in_dim3A_540], %mul3A_544 : memref<64x385xf32, #tpu.memory_space<vmem>>[vector<16xi32>, vector<16xi32>], vector<16xf32>,
      %get3A_545 = arith.index_cast %add3A_536 : i32 to index
      %get3A_546 = arith.constant 16 : index
      %get3A_547 = tpu.vector_load %arg8[%get3A_545, %get3A_546] {strides = array<i32>} : memref<384x64xf32, #tpu.memory_space<vmem>>, vector<16xf32>,
      %mul3A_548 = arith.mulf %get3A_547, %broadcast_in_dim3A_539 : vector<16xf32>
      tpu.vector_store_idx %arg11[%add3A_27, %broadcast_in_dim3A_540], %mul3A_548 : memref<64x385xf32, #tpu.memory_space<vmem>>[vector<16xi32>, vector<16xi32>], vector<16xf32>,
      %get3A_549 = arith.index_cast %add3A_536 : i32 to index
      %get3A_550 = arith.constant 32 : index
      %get3A_551 = tpu.vector_load %arg8[%get3A_549, %get3A_550] {strides = array<i32>} : memref<384x64xf32, #tpu.memory_space<vmem>>, vector<16xf32>,
      %mul3A_552 = arith.mulf %get3A_551, %broadcast_in_dim3A_539 : vector<16xf32>
      tpu.vector_store_idx %arg11[%add3A_30, %broadcast_in_dim3A_540], %mul3A_552 : memref<64x385xf32, #tpu.memory_space<vmem>>[vector<16xi32>, vector<16xi32>], vector<16xf32>,
      %get3A_553 = arith.index_cast %add3A_536 : i32 to index
      %get3A_554 = arith.constant 48 : index
      %get3A_555 = tpu.vector_load %arg8[%get3A_553, %get3A_554] {strides = array<i32>} : memref<384x64xf32, #tpu.memory_space<vmem>>, vector<16xf32>,
      %mul3A_556 = arith.mulf %get3A_555, %broadcast_in_dim3A_539 : vector<16xf32>
      tpu.vector_store_idx %arg11[%add3A_33, %broadcast_in_dim3A_540], %mul3A_556 : memref<64x385xf32, #tpu.memory_space<vmem>>[vector<16xi32>, vector<16xi32>], vector<16xf32>,
      %add3A_557 = arith.constant 10 : i32
      %add3A_558 = arith.addi %mul3A_336, %add3A_557 : i32
      %slice3A_559 = vector.extract_strided_slice %get3A_339 {offsets = [10], sizes = [1], strides = [1]} : vector<16xf32> to vector<1xf32>
      %squeeze3A_560 = vector.extract %slice3A_559[0] : f32 from vector<1xf32>
      %broadcast_in_dim3A_561 = vector.broadcast %squeeze3A_560 : f32 to vector<16xf32>
      %broadcast_in_dim3A_562 = vector.broadcast %add3A_558 : i32 to vector<16xi32>
      %get3A_563 = arith.index_cast %add3A_558 : i32 to index
      %get3A_564 = arith.constant 0 : index
      %get3A_565 = tpu.vector_load %arg8[%get3A_563, %get3A_564] {strides = array<i32>} : memref<384x64xf32, #tpu.memory_space<vmem>>, vector<16xf32>,
      %mul3A_566 = arith.mulf %get3A_565, %broadcast_in_dim3A_561 : vector<16xf32>
      tpu.vector_store_idx %arg11[%add3A_24, %broadcast_in_dim3A_562], %mul3A_566 : memref<64x385xf32, #tpu.memory_space<vmem>>[vector<16xi32>, vector<16xi32>], vector<16xf32>,
      %get3A_567 = arith.index_cast %add3A_558 : i32 to index
      %get3A_568 = arith.constant 16 : index
      %get3A_569 = tpu.vector_load %arg8[%get3A_567, %get3A_568] {strides = array<i32>} : memref<384x64xf32, #tpu.memory_space<vmem>>, vector<16xf32>,
      %mul3A_570 = arith.mulf %get3A_569, %broadcast_in_dim3A_561 : vector<16xf32>
      tpu.vector_store_idx %arg11[%add3A_27, %broadcast_in_dim3A_562], %mul3A_570 : memref<64x385xf32, #tpu.memory_space<vmem>>[vector<16xi32>, vector<16xi32>], vector<16xf32>,
      %get3A_571 = arith.index_cast %add3A_558 : i32 to index
      %get3A_572 = arith.constant 32 : index
      %get3A_573 = tpu.vector_load %arg8[%get3A_571, %get3A_572] {strides = array<i32>} : memref<384x64xf32, #tpu.memory_space<vmem>>, vector<16xf32>,
      %mul3A_574 = arith.mulf %get3A_573, %broadcast_in_dim3A_561 : vector<16xf32>
      tpu.vector_store_idx %arg11[%add3A_30, %broadcast_in_dim3A_562], %mul3A_574 : memref<64x385xf32, #tpu.memory_space<vmem>>[vector<16xi32>, vector<16xi32>], vector<16xf32>,
      %get3A_575 = arith.index_cast %add3A_558 : i32 to index
      %get3A_576 = arith.constant 48 : index
      %get3A_577 = tpu.vector_load %arg8[%get3A_575, %get3A_576] {strides = array<i32>} : memref<384x64xf32, #tpu.memory_space<vmem>>, vector<16xf32>,
      %mul3A_578 = arith.mulf %get3A_577, %broadcast_in_dim3A_561 : vector<16xf32>
      tpu.vector_store_idx %arg11[%add3A_33, %broadcast_in_dim3A_562], %mul3A_578 : memref<64x385xf32, #tpu.memory_space<vmem>>[vector<16xi32>, vector<16xi32>], vector<16xf32>,
      %add3A_579 = arith.constant 11 : i32
      %add3A_580 = arith.addi %mul3A_336, %add3A_579 : i32
      %slice3A_581 = vector.extract_strided_slice %get3A_339 {offsets = [11], sizes = [1], strides = [1]} : vector<16xf32> to vector<1xf32>
      %squeeze3A_582 = vector.extract %slice3A_581[0] : f32 from vector<1xf32>
      %broadcast_in_dim3A_583 = vector.broadcast %squeeze3A_582 : f32 to vector<16xf32>
      %broadcast_in_dim3A_584 = vector.broadcast %add3A_580 : i32 to vector<16xi32>
      %get3A_585 = arith.index_cast %add3A_580 : i32 to index
      %get3A_586 = arith.constant 0 : index
      %get3A_587 = tpu.vector_load %arg8[%get3A_585, %get3A_586] {strides = array<i32>} : memref<384x64xf32, #tpu.memory_space<vmem>>, vector<16xf32>,
      %mul3A_588 = arith.mulf %get3A_587, %broadcast_in_dim3A_583 : vector<16xf32>
      tpu.vector_store_idx %arg11[%add3A_24, %broadcast_in_dim3A_584], %mul3A_588 : memref<64x385xf32, #tpu.memory_space<vmem>>[vector<16xi32>, vector<16xi32>], vector<16xf32>,
      %get3A_589 = arith.index_cast %add3A_580 : i32 to index
      %get3A_590 = arith.constant 16 : index
      %get3A_591 = tpu.vector_load %arg8[%get3A_589, %get3A_590] {strides = array<i32>} : memref<384x64xf32, #tpu.memory_space<vmem>>, vector<16xf32>,
      %mul3A_592 = arith.mulf %get3A_591, %broadcast_in_dim3A_583 : vector<16xf32>
      tpu.vector_store_idx %arg11[%add3A_27, %broadcast_in_dim3A_584], %mul3A_592 : memref<64x385xf32, #tpu.memory_space<vmem>>[vector<16xi32>, vector<16xi32>], vector<16xf32>,
      %get3A_593 = arith.index_cast %add3A_580 : i32 to index
      %get3A_594 = arith.constant 32 : index
      %get3A_595 = tpu.vector_load %arg8[%get3A_593, %get3A_594] {strides = array<i32>} : memref<384x64xf32, #tpu.memory_space<vmem>>, vector<16xf32>,
      %mul3A_596 = arith.mulf %get3A_595, %broadcast_in_dim3A_583 : vector<16xf32>
      tpu.vector_store_idx %arg11[%add3A_30, %broadcast_in_dim3A_584], %mul3A_596 : memref<64x385xf32, #tpu.memory_space<vmem>>[vector<16xi32>, vector<16xi32>], vector<16xf32>,
      %get3A_597 = arith.index_cast %add3A_580 : i32 to index
      %get3A_598 = arith.constant 48 : index
      %get3A_599 = tpu.vector_load %arg8[%get3A_597, %get3A_598] {strides = array<i32>} : memref<384x64xf32, #tpu.memory_space<vmem>>, vector<16xf32>,
      %mul3A_600 = arith.mulf %get3A_599, %broadcast_in_dim3A_583 : vector<16xf32>
      tpu.vector_store_idx %arg11[%add3A_33, %broadcast_in_dim3A_584], %mul3A_600 : memref<64x385xf32, #tpu.memory_space<vmem>>[vector<16xi32>, vector<16xi32>], vector<16xf32>,
      %add3A_601 = arith.constant 12 : i32
      %add3A_602 = arith.addi %mul3A_336, %add3A_601 : i32
      %slice3A_603 = vector.extract_strided_slice %get3A_339 {offsets = [12], sizes = [1], strides = [1]} : vector<16xf32> to vector<1xf32>
      %squeeze3A_604 = vector.extract %slice3A_603[0] : f32 from vector<1xf32>
      %broadcast_in_dim3A_605 = vector.broadcast %squeeze3A_604 : f32 to vector<16xf32>
      %broadcast_in_dim3A_606 = vector.broadcast %add3A_602 : i32 to vector<16xi32>
      %get3A_607 = arith.index_cast %add3A_602 : i32 to index
      %get3A_608 = arith.constant 0 : index
      %get3A_609 = tpu.vector_load %arg8[%get3A_607, %get3A_608] {strides = array<i32>} : memref<384x64xf32, #tpu.memory_space<vmem>>, vector<16xf32>,
      %mul3A_610 = arith.mulf %get3A_609, %broadcast_in_dim3A_605 : vector<16xf32>
      tpu.vector_store_idx %arg11[%add3A_24, %broadcast_in_dim3A_606], %mul3A_610 : memref<64x385xf32, #tpu.memory_space<vmem>>[vector<16xi32>, vector<16xi32>], vector<16xf32>,
      %get3A_611 = arith.index_cast %add3A_602 : i32 to index
      %get3A_612 = arith.constant 16 : index
      %get3A_613 = tpu.vector_load %arg8[%get3A_611, %get3A_612] {strides = array<i32>} : memref<384x64xf32, #tpu.memory_space<vmem>>, vector<16xf32>,
      %mul3A_614 = arith.mulf %get3A_613, %broadcast_in_dim3A_605 : vector<16xf32>
      tpu.vector_store_idx %arg11[%add3A_27, %broadcast_in_dim3A_606], %mul3A_614 : memref<64x385xf32, #tpu.memory_space<vmem>>[vector<16xi32>, vector<16xi32>], vector<16xf32>,
      %get3A_615 = arith.index_cast %add3A_602 : i32 to index
      %get3A_616 = arith.constant 32 : index
      %get3A_617 = tpu.vector_load %arg8[%get3A_615, %get3A_616] {strides = array<i32>} : memref<384x64xf32, #tpu.memory_space<vmem>>, vector<16xf32>,
      %mul3A_618 = arith.mulf %get3A_617, %broadcast_in_dim3A_605 : vector<16xf32>
      tpu.vector_store_idx %arg11[%add3A_30, %broadcast_in_dim3A_606], %mul3A_618 : memref<64x385xf32, #tpu.memory_space<vmem>>[vector<16xi32>, vector<16xi32>], vector<16xf32>,
      %get3A_619 = arith.index_cast %add3A_602 : i32 to index
      %get3A_620 = arith.constant 48 : index
      %get3A_621 = tpu.vector_load %arg8[%get3A_619, %get3A_620] {strides = array<i32>} : memref<384x64xf32, #tpu.memory_space<vmem>>, vector<16xf32>,
      %mul3A_622 = arith.mulf %get3A_621, %broadcast_in_dim3A_605 : vector<16xf32>
      tpu.vector_store_idx %arg11[%add3A_33, %broadcast_in_dim3A_606], %mul3A_622 : memref<64x385xf32, #tpu.memory_space<vmem>>[vector<16xi32>, vector<16xi32>], vector<16xf32>,
      %add3A_623 = arith.constant 13 : i32
      %add3A_624 = arith.addi %mul3A_336, %add3A_623 : i32
      %slice3A_625 = vector.extract_strided_slice %get3A_339 {offsets = [13], sizes = [1], strides = [1]} : vector<16xf32> to vector<1xf32>
      %squeeze3A_626 = vector.extract %slice3A_625[0] : f32 from vector<1xf32>
      %broadcast_in_dim3A_627 = vector.broadcast %squeeze3A_626 : f32 to vector<16xf32>
      %broadcast_in_dim3A_628 = vector.broadcast %add3A_624 : i32 to vector<16xi32>
      %get3A_629 = arith.index_cast %add3A_624 : i32 to index
      %get3A_630 = arith.constant 0 : index
      %get3A_631 = tpu.vector_load %arg8[%get3A_629, %get3A_630] {strides = array<i32>} : memref<384x64xf32, #tpu.memory_space<vmem>>, vector<16xf32>,
      %mul3A_632 = arith.mulf %get3A_631, %broadcast_in_dim3A_627 : vector<16xf32>
      tpu.vector_store_idx %arg11[%add3A_24, %broadcast_in_dim3A_628], %mul3A_632 : memref<64x385xf32, #tpu.memory_space<vmem>>[vector<16xi32>, vector<16xi32>], vector<16xf32>,
      %get3A_633 = arith.index_cast %add3A_624 : i32 to index
      %get3A_634 = arith.constant 16 : index
      %get3A_635 = tpu.vector_load %arg8[%get3A_633, %get3A_634] {strides = array<i32>} : memref<384x64xf32, #tpu.memory_space<vmem>>, vector<16xf32>,
      %mul3A_636 = arith.mulf %get3A_635, %broadcast_in_dim3A_627 : vector<16xf32>
      tpu.vector_store_idx %arg11[%add3A_27, %broadcast_in_dim3A_628], %mul3A_636 : memref<64x385xf32, #tpu.memory_space<vmem>>[vector<16xi32>, vector<16xi32>], vector<16xf32>,
      %get3A_637 = arith.index_cast %add3A_624 : i32 to index
      %get3A_638 = arith.constant 32 : index
      %get3A_639 = tpu.vector_load %arg8[%get3A_637, %get3A_638] {strides = array<i32>} : memref<384x64xf32, #tpu.memory_space<vmem>>, vector<16xf32>,
      %mul3A_640 = arith.mulf %get3A_639, %broadcast_in_dim3A_627 : vector<16xf32>
      tpu.vector_store_idx %arg11[%add3A_30, %broadcast_in_dim3A_628], %mul3A_640 : memref<64x385xf32, #tpu.memory_space<vmem>>[vector<16xi32>, vector<16xi32>], vector<16xf32>,
      %get3A_641 = arith.index_cast %add3A_624 : i32 to index
      %get3A_642 = arith.constant 48 : index
      %get3A_643 = tpu.vector_load %arg8[%get3A_641, %get3A_642] {strides = array<i32>} : memref<384x64xf32, #tpu.memory_space<vmem>>, vector<16xf32>,
      %mul3A_644 = arith.mulf %get3A_643, %broadcast_in_dim3A_627 : vector<16xf32>
      tpu.vector_store_idx %arg11[%add3A_33, %broadcast_in_dim3A_628], %mul3A_644 : memref<64x385xf32, #tpu.memory_space<vmem>>[vector<16xi32>, vector<16xi32>], vector<16xf32>,
      %add3A_645 = arith.constant 14 : i32
      %add3A_646 = arith.addi %mul3A_336, %add3A_645 : i32
      %slice3A_647 = vector.extract_strided_slice %get3A_339 {offsets = [14], sizes = [1], strides = [1]} : vector<16xf32> to vector<1xf32>
      %squeeze3A_648 = vector.extract %slice3A_647[0] : f32 from vector<1xf32>
      %broadcast_in_dim3A_649 = vector.broadcast %squeeze3A_648 : f32 to vector<16xf32>
      %broadcast_in_dim3A_650 = vector.broadcast %add3A_646 : i32 to vector<16xi32>
      %get3A_651 = arith.index_cast %add3A_646 : i32 to index
      %get3A_652 = arith.constant 0 : index
      %get3A_653 = tpu.vector_load %arg8[%get3A_651, %get3A_652] {strides = array<i32>} : memref<384x64xf32, #tpu.memory_space<vmem>>, vector<16xf32>,
      %mul3A_654 = arith.mulf %get3A_653, %broadcast_in_dim3A_649 : vector<16xf32>
      tpu.vector_store_idx %arg11[%add3A_24, %broadcast_in_dim3A_650], %mul3A_654 : memref<64x385xf32, #tpu.memory_space<vmem>>[vector<16xi32>, vector<16xi32>], vector<16xf32>,
      %get3A_655 = arith.index_cast %add3A_646 : i32 to index
      %get3A_656 = arith.constant 16 : index
      %get3A_657 = tpu.vector_load %arg8[%get3A_655, %get3A_656] {strides = array<i32>} : memref<384x64xf32, #tpu.memory_space<vmem>>, vector<16xf32>,
      %mul3A_658 = arith.mulf %get3A_657, %broadcast_in_dim3A_649 : vector<16xf32>
      tpu.vector_store_idx %arg11[%add3A_27, %broadcast_in_dim3A_650], %mul3A_658 : memref<64x385xf32, #tpu.memory_space<vmem>>[vector<16xi32>, vector<16xi32>], vector<16xf32>,
      %get3A_659 = arith.index_cast %add3A_646 : i32 to index
      %get3A_660 = arith.constant 32 : index
      %get3A_661 = tpu.vector_load %arg8[%get3A_659, %get3A_660] {strides = array<i32>} : memref<384x64xf32, #tpu.memory_space<vmem>>, vector<16xf32>,
      %mul3A_662 = arith.mulf %get3A_661, %broadcast_in_dim3A_649 : vector<16xf32>
      tpu.vector_store_idx %arg11[%add3A_30, %broadcast_in_dim3A_650], %mul3A_662 : memref<64x385xf32, #tpu.memory_space<vmem>>[vector<16xi32>, vector<16xi32>], vector<16xf32>,
      %get3A_663 = arith.index_cast %add3A_646 : i32 to index
      %get3A_664 = arith.constant 48 : index
      %get3A_665 = tpu.vector_load %arg8[%get3A_663, %get3A_664] {strides = array<i32>} : memref<384x64xf32, #tpu.memory_space<vmem>>, vector<16xf32>,
      %mul3A_666 = arith.mulf %get3A_665, %broadcast_in_dim3A_649 : vector<16xf32>
      tpu.vector_store_idx %arg11[%add3A_33, %broadcast_in_dim3A_650], %mul3A_666 : memref<64x385xf32, #tpu.memory_space<vmem>>[vector<16xi32>, vector<16xi32>], vector<16xf32>,
      %add3A_667 = arith.constant 15 : i32
      %add3A_668 = arith.addi %mul3A_336, %add3A_667 : i32
      %slice3A_669 = vector.extract_strided_slice %get3A_339 {offsets = [15], sizes = [1], strides = [1]} : vector<16xf32> to vector<1xf32>
      %squeeze3A_670 = vector.extract %slice3A_669[0] : f32 from vector<1xf32>
      %broadcast_in_dim3A_671 = vector.broadcast %squeeze3A_670 : f32 to vector<16xf32>
      %broadcast_in_dim3A_672 = vector.broadcast %add3A_668 : i32 to vector<16xi32>
      %get3A_673 = arith.index_cast %add3A_668 : i32 to index
      %get3A_674 = arith.constant 0 : index
      %get3A_675 = tpu.vector_load %arg8[%get3A_673, %get3A_674] {strides = array<i32>} : memref<384x64xf32, #tpu.memory_space<vmem>>, vector<16xf32>,
      %mul3A_676 = arith.mulf %get3A_675, %broadcast_in_dim3A_671 : vector<16xf32>
      tpu.vector_store_idx %arg11[%add3A_24, %broadcast_in_dim3A_672], %mul3A_676 : memref<64x385xf32, #tpu.memory_space<vmem>>[vector<16xi32>, vector<16xi32>], vector<16xf32>,
      %get3A_677 = arith.index_cast %add3A_668 : i32 to index
      %get3A_678 = arith.constant 16 : index
      %get3A_679 = tpu.vector_load %arg8[%get3A_677, %get3A_678] {strides = array<i32>} : memref<384x64xf32, #tpu.memory_space<vmem>>, vector<16xf32>,
      %mul3A_680 = arith.mulf %get3A_679, %broadcast_in_dim3A_671 : vector<16xf32>
      tpu.vector_store_idx %arg11[%add3A_27, %broadcast_in_dim3A_672], %mul3A_680 : memref<64x385xf32, #tpu.memory_space<vmem>>[vector<16xi32>, vector<16xi32>], vector<16xf32>,
      %get3A_681 = arith.index_cast %add3A_668 : i32 to index
      %get3A_682 = arith.constant 32 : index
      %get3A_683 = tpu.vector_load %arg8[%get3A_681, %get3A_682] {strides = array<i32>} : memref<384x64xf32, #tpu.memory_space<vmem>>, vector<16xf32>,
      %mul3A_684 = arith.mulf %get3A_683, %broadcast_in_dim3A_671 : vector<16xf32>
      tpu.vector_store_idx %arg11[%add3A_30, %broadcast_in_dim3A_672], %mul3A_684 : memref<64x385xf32, #tpu.memory_space<vmem>>[vector<16xi32>, vector<16xi32>], vector<16xf32>,
      %get3A_685 = arith.index_cast %add3A_668 : i32 to index
      %get3A_686 = arith.constant 48 : index
      %get3A_687 = tpu.vector_load %arg8[%get3A_685, %get3A_686] {strides = array<i32>} : memref<384x64xf32, #tpu.memory_space<vmem>>, vector<16xf32>,
      %mul3A_688 = arith.mulf %get3A_687, %broadcast_in_dim3A_671 : vector<16xf32>
      tpu.vector_store_idx %arg11[%add3A_33, %broadcast_in_dim3A_672], %mul3A_688 : memref<64x385xf32, #tpu.memory_space<vmem>>[vector<16xi32>, vector<16xi32>], vector<16xf32>,
      %scan3A_689 = arith.constant 1 : i32
      %add3A_690 = arith.constant 3 : i32
      %add3A_691 = arith.addi %add3A_288, %add3A_690 : i32
      %lt3A_692 = arith.constant 48 : i32
      %lt3A_693 = arith.cmpi slt, %add3A_691, %lt3A_692 : i32
      %convert_element_type3A_694 = arith.extui %lt3A_693 : i1 to i32
      %cond3A_695 = arith.constant 0 : i32
      %cond3A_696 = arith.cmpi ne, %convert_element_type3A_694, %cond3A_695 : i32
      scf.if %cond3A_696 {
        %add3A_2929 = arith.constant 3 : i32
        %add3A_2930 = arith.addi %add3A_288, %add3A_2929 : i32
        %add3A_2931 = arith.addi %mul3A_21, %add3A_2930 : i32
        %dma_wait3A_2932 = arith.constant 0 : i32
        %dma_wait3A_2933 = arith.constant 1152 : i32
        %dma_wait3A_2934 = tpu.memref_slice %arg6[%dma_wait3A_2933] : memref<2304xi32, #tpu.memory_space<vmem>> -> memref<384xi32, #tpu.memory_space<vmem>>
        %dma_wait3A_2935 = arith.constant 0 : i32
        %dma_wait3A_2936 = tpu.memref_slice %arg2[%select_n3A, %dma_wait3A_2932, %add3A_2931, %dma_wait3A_2935] : memref<4x1x384x384xi32, #tpu.memory_space<hbm>> -> memref<1x1x1x384xi32, #tpu.memory_space<hbm>>
        %dma_wait3A_2937 = tpu.memref_squeeze %dma_wait3A_2936 : memref<1x1x1x384xi32, #tpu.memory_space<hbm>> -> memref<384xi32, #tpu.memory_space<hbm>>
        %dma_wait3A_2938 = arith.constant 1152 : i32
        %dma_wait3A_2939 = tpu.memref_slice %arg6[%dma_wait3A_2938] : memref<2304xi32, #tpu.memory_space<vmem>> -> memref<384xi32, #tpu.memory_space<vmem>>
        %dma_wait3A_2940 = arith.constant 0 : i32
        %dma_wait3A_2941 = tpu.memref_slice %arg2[%select_n3A, %dma_wait3A_2932, %add3A_2931, %dma_wait3A_2940] : memref<4x1x384x384xi32, #tpu.memory_space<hbm>> -> memref<1x1x1x384xi32, #tpu.memory_space<hbm>>
        %dma_wait3A_2942 = tpu.memref_squeeze %dma_wait3A_2941 : memref<1x1x1x384xi32, #tpu.memory_space<hbm>> -> memref<384xi32, #tpu.memory_space<hbm>>
        tpu.wait_dma2 semaphore(%arg21 : memref<!tpu.dma_semaphore, #tpu.memory_space<semaphore_mem>>) src(%dma_wait3A_2942 : memref<384xi32, #tpu.memory_space<hbm>>) dst(%dma_wait3A_2939 : memref<384xi32, #tpu.memory_space<vmem>>)
        %dma_start3A_2943 = arith.constant 0 : i32
        %dma_start3A_2944 = arith.constant 0 : i32
        %dma_start3A_2945 = tpu.memref_slice %arg8[%dma_start3A_2943, %dma_start3A_2944] : memref<384x64xf32, #tpu.memory_space<vmem>> -> memref<128x64xf32, #tpu.memory_space<vmem>>
        %dma_start3A_2946 = arith.constant 1152 : i32
        %dma_start3A_2947 = tpu.memref_slice %arg6[%dma_start3A_2946] : memref<2304xi32, #tpu.memory_space<vmem>> -> memref<128xi32, #tpu.memory_space<vmem>>
        %dma_start3A_2948 = arith.constant 0 : i32
        %dma_start3A_2949 = arith.constant 0 : i32
        %dma_start3A_2950 = tpu.memref_slice %arg4[%dma_start3A_2948, %dma_start3A_2949] : memref<100000x64xf32, #tpu.memory_space<hbm>> -> memref<100000x64xf32, #tpu.memory_space<hbm>>
        tpu.enqueue_indirect_dma source(%dma_start3A_2950 : memref<100000x64xf32, #tpu.memory_space<hbm>>) target(%dma_start3A_2945 : memref<128x64xf32, #tpu.memory_space<vmem>>) offsets(%dma_start3A_2947 : memref<128xi32, #tpu.memory_space<vmem>>) semaphore(%arg13 : memref<!tpu.dma_semaphore, #tpu.memory_space<semaphore_mem>>)
        %dma_start3A_2951 = arith.constant 128 : i32
        %dma_start3A_2952 = arith.constant 0 : i32
        %dma_start3A_2953 = tpu.memref_slice %arg8[%dma_start3A_2951, %dma_start3A_2952] : memref<384x64xf32, #tpu.memory_space<vmem>> -> memref<128x64xf32, #tpu.memory_space<vmem>>
        %dma_start3A_2954 = arith.constant 1280 : i32
        %dma_start3A_2955 = tpu.memref_slice %arg6[%dma_start3A_2954] : memref<2304xi32, #tpu.memory_space<vmem>> -> memref<128xi32, #tpu.memory_space<vmem>>
        %dma_start3A_2956 = arith.constant 0 : i32
        %dma_start3A_2957 = arith.constant 0 : i32
        %dma_start3A_2958 = tpu.memref_slice %arg4[%dma_start3A_2956, %dma_start3A_2957] : memref<100000x64xf32, #tpu.memory_space<hbm>> -> memref<100000x64xf32, #tpu.memory_space<hbm>>
        tpu.enqueue_indirect_dma source(%dma_start3A_2958 : memref<100000x64xf32, #tpu.memory_space<hbm>>) target(%dma_start3A_2953 : memref<128x64xf32, #tpu.memory_space<vmem>>) offsets(%dma_start3A_2955 : memref<128xi32, #tpu.memory_space<vmem>>) semaphore(%arg13 : memref<!tpu.dma_semaphore, #tpu.memory_space<semaphore_mem>>)
        %dma_start3A_2959 = arith.constant 256 : i32
        %dma_start3A_2960 = arith.constant 0 : i32
        %dma_start3A_2961 = tpu.memref_slice %arg8[%dma_start3A_2959, %dma_start3A_2960] : memref<384x64xf32, #tpu.memory_space<vmem>> -> memref<128x64xf32, #tpu.memory_space<vmem>>
        %dma_start3A_2962 = arith.constant 1408 : i32
        %dma_start3A_2963 = tpu.memref_slice %arg6[%dma_start3A_2962] : memref<2304xi32, #tpu.memory_space<vmem>> -> memref<128xi32, #tpu.memory_space<vmem>>
        %dma_start3A_2964 = arith.constant 0 : i32
        %dma_start3A_2965 = arith.constant 0 : i32
        %dma_start3A_2966 = tpu.memref_slice %arg4[%dma_start3A_2964, %dma_start3A_2965] : memref<100000x64xf32, #tpu.memory_space<hbm>> -> memref<100000x64xf32, #tpu.memory_space<hbm>>
        tpu.enqueue_indirect_dma source(%dma_start3A_2966 : memref<100000x64xf32, #tpu.memory_space<hbm>>) target(%dma_start3A_2961 : memref<128x64xf32, #tpu.memory_space<vmem>>) offsets(%dma_start3A_2963 : memref<128xi32, #tpu.memory_space<vmem>>) semaphore(%arg13 : memref<!tpu.dma_semaphore, #tpu.memory_space<semaphore_mem>>)
      } else {
      }
      %add3A_697 = arith.constant 2 : i32
      %add3A_698 = arith.addi %add3A_288, %add3A_697 : i32
      %lt3A_699 = arith.constant 48 : i32
      %lt3A_700 = arith.cmpi slt, %add3A_698, %lt3A_699 : i32
      %convert_element_type3A_701 = arith.extui %lt3A_700 : i1 to i32
      %cond3A_702 = arith.constant 0 : i32
      %cond3A_703 = arith.cmpi ne, %convert_element_type3A_701, %cond3A_702 : i32
      scf.if %cond3A_703 {
        %add3A_2929 = arith.constant 2 : i32
        %add3A_2930 = arith.addi %add3A_288, %add3A_2929 : i32
        %add3A_2931 = arith.addi %mul3A_21, %add3A_2930 : i32
        %dma_start3A_2932 = arith.constant 0 : i32
        %dma_start3A_2933 = arith.constant 0 : i32
        %dma_start3A_2934 = tpu.memref_slice %arg7[%dma_start3A_2933] : memref<768xf32, #tpu.memory_space<vmem>> -> memref<384xf32, #tpu.memory_space<vmem>>
        %dma_start3A_2935 = arith.constant 0 : i32
        %dma_start3A_2936 = tpu.memref_slice %arg3[%select_n3A, %dma_start3A_2932, %add3A_2931, %dma_start3A_2935] : memref<4x1x384x384xf32, #tpu.memory_space<hbm>> -> memref<1x1x1x384xf32, #tpu.memory_space<hbm>>
        %dma_start3A_2937 = tpu.memref_squeeze %dma_start3A_2936 : memref<1x1x1x384xf32, #tpu.memory_space<hbm>> -> memref<384xf32, #tpu.memory_space<hbm>>
        %dma_start3A_2938 = arith.constant 0 : i32
        %dma_start3A_2939 = tpu.memref_slice %arg7[%dma_start3A_2938] : memref<768xf32, #tpu.memory_space<vmem>> -> memref<384xf32, #tpu.memory_space<vmem>>
        %dma_start3A_2940 = arith.constant 0 : i32
        %dma_start3A_2941 = tpu.memref_slice %arg3[%select_n3A, %dma_start3A_2932, %add3A_2931, %dma_start3A_2940] : memref<4x1x384x384xf32, #tpu.memory_space<hbm>> -> memref<1x1x1x384xf32, #tpu.memory_space<hbm>>
        %dma_start3A_2942 = tpu.memref_squeeze %dma_start3A_2941 : memref<1x1x1x384xf32, #tpu.memory_space<hbm>> -> memref<384xf32, #tpu.memory_space<hbm>>
        tpu.enqueue_dma source(%dma_start3A_2942 : memref<384xf32, #tpu.memory_space<hbm>>) target(%dma_start3A_2939 : memref<384xf32, #tpu.memory_space<vmem>>) target_semaphore(%arg24 : memref<!tpu.dma_semaphore, #tpu.memory_space<semaphore_mem>>)
      } else {
      }
      %add3A_704 = arith.addi %mul3A_21, %add3A_288 : i32
      %dma_start3A_705 = arith.constant 0 : i32
      %dma_start3A_706 = arith.constant 0 : i32
      %dma_start3A_707 = tpu.memref_slice %arg11[%dma_start3A_705, %dma_start3A_706] : memref<64x385xf32, #tpu.memory_space<vmem>> -> memref<64x384xf32, #tpu.memory_space<vmem>>
      %dma_start3A_708 = arith.constant 0 : i32
      %dma_start3A_709 = arith.constant 0 : i32
      %dma_start3A_710 = tpu.memref_slice %arg5[%select_n3A, %dma_start3A_708, %add3A_704, %dma_start3A_709] : memref<4x64x384x384xf32, #tpu.memory_space<hbm>> -> memref<1x64x1x384xf32, #tpu.memory_space<hbm>>
      %dma_start3A_711 = tpu.memref_squeeze %dma_start3A_710 : memref<1x64x1x384xf32, #tpu.memory_space<hbm>> -> memref<64x384xf32, #tpu.memory_space<hbm>>
      %dma_start3A_712 = arith.constant 0 : i32
      %dma_start3A_713 = arith.constant 0 : i32
      %dma_start3A_714 = tpu.memref_slice %arg5[%select_n3A, %dma_start3A_712, %add3A_704, %dma_start3A_713] : memref<4x64x384x384xf32, #tpu.memory_space<hbm>> -> memref<1x64x1x384xf32, #tpu.memory_space<hbm>>
      %dma_start3A_715 = tpu.memref_squeeze %dma_start3A_714 : memref<1x64x1x384xf32, #tpu.memory_space<hbm>> -> memref<64x384xf32, #tpu.memory_space<hbm>>
      %dma_start3A_716 = arith.constant 0 : i32
      %dma_start3A_717 = arith.constant 0 : i32
      %dma_start3A_718 = tpu.memref_slice %arg11[%dma_start3A_716, %dma_start3A_717] : memref<64x385xf32, #tpu.memory_space<vmem>> -> memref<64x384xf32, #tpu.memory_space<vmem>>
      tpu.enqueue_dma source(%dma_start3A_718 : memref<64x384xf32, #tpu.memory_space<vmem>>) target(%dma_start3A_715 : memref<64x384xf32, #tpu.memory_space<hbm>>) target_semaphore(%arg16 : memref<!tpu.dma_semaphore, #tpu.memory_space<semaphore_mem>>)
      %mul3A_719 = arith.constant 6 : i32
      %mul3A_720 = arith.muli %scan3A_284, %mul3A_719 : i32
      %add3A_721 = arith.constant 1 : i32
      %add3A_722 = arith.addi %mul3A_720, %add3A_721 : i32
      %dma_wait3A_723 = arith.constant 0 : i32
      %dma_wait3A_724 = arith.constant 0 : i32
      %dma_wait3A_725 = tpu.memref_slice %arg9[%dma_wait3A_723, %dma_wait3A_724] : memref<384x64xf32, #tpu.memory_space<vmem>> -> memref<128x64xf32, #tpu.memory_space<vmem>>
      %dma_wait3A_726 = arith.constant 384 : i32
      %dma_wait3A_727 = tpu.memref_slice %arg6[%dma_wait3A_726] : memref<2304xi32, #tpu.memory_space<vmem>> -> memref<128xi32, #tpu.memory_space<vmem>>
      %dma_wait3A_728 = arith.constant 0 : i32
      %dma_wait3A_729 = arith.constant 0 : i32
      %dma_wait3A_730 = tpu.memref_slice %arg4[%dma_wait3A_728, %dma_wait3A_729] : memref<100000x64xf32, #tpu.memory_space<hbm>> -> memref<100000x64xf32, #tpu.memory_space<hbm>>
      tpu.wait_indirect_dma semaphore(%arg14 : memref<!tpu.dma_semaphore, #tpu.memory_space<semaphore_mem>>) src(%dma_wait3A_730 : memref<100000x64xf32, #tpu.memory_space<hbm>>) dst(%dma_wait3A_725 : memref<128x64xf32, #tpu.memory_space<vmem>>)
      %dma_wait3A_731 = arith.constant 128 : i32
      %dma_wait3A_732 = arith.constant 0 : i32
      %dma_wait3A_733 = tpu.memref_slice %arg9[%dma_wait3A_731, %dma_wait3A_732] : memref<384x64xf32, #tpu.memory_space<vmem>> -> memref<128x64xf32, #tpu.memory_space<vmem>>
      %dma_wait3A_734 = arith.constant 512 : i32
      %dma_wait3A_735 = tpu.memref_slice %arg6[%dma_wait3A_734] : memref<2304xi32, #tpu.memory_space<vmem>> -> memref<128xi32, #tpu.memory_space<vmem>>
      %dma_wait3A_736 = arith.constant 0 : i32
      %dma_wait3A_737 = arith.constant 0 : i32
      %dma_wait3A_738 = tpu.memref_slice %arg4[%dma_wait3A_736, %dma_wait3A_737] : memref<100000x64xf32, #tpu.memory_space<hbm>> -> memref<100000x64xf32, #tpu.memory_space<hbm>>
      tpu.wait_indirect_dma semaphore(%arg14 : memref<!tpu.dma_semaphore, #tpu.memory_space<semaphore_mem>>) src(%dma_wait3A_738 : memref<100000x64xf32, #tpu.memory_space<hbm>>) dst(%dma_wait3A_733 : memref<128x64xf32, #tpu.memory_space<vmem>>)
      %dma_wait3A_739 = arith.constant 256 : i32
      %dma_wait3A_740 = arith.constant 0 : i32
      %dma_wait3A_741 = tpu.memref_slice %arg9[%dma_wait3A_739, %dma_wait3A_740] : memref<384x64xf32, #tpu.memory_space<vmem>> -> memref<128x64xf32, #tpu.memory_space<vmem>>
      %dma_wait3A_742 = arith.constant 640 : i32
      %dma_wait3A_743 = tpu.memref_slice %arg6[%dma_wait3A_742] : memref<2304xi32, #tpu.memory_space<vmem>> -> memref<128xi32, #tpu.memory_space<vmem>>
      %dma_wait3A_744 = arith.constant 0 : i32
      %dma_wait3A_745 = arith.constant 0 : i32
      %dma_wait3A_746 = tpu.memref_slice %arg4[%dma_wait3A_744, %dma_wait3A_745] : memref<100000x64xf32, #tpu.memory_space<hbm>> -> memref<100000x64xf32, #tpu.memory_space<hbm>>
      tpu.wait_indirect_dma semaphore(%arg14 : memref<!tpu.dma_semaphore, #tpu.memory_space<semaphore_mem>>) src(%dma_wait3A_746 : memref<100000x64xf32, #tpu.memory_space<hbm>>) dst(%dma_wait3A_741 : memref<128x64xf32, #tpu.memory_space<vmem>>)
      %add3A_747 = arith.addi %mul3A_21, %add3A_722 : i32
      %dma_wait3A_748 = arith.constant 0 : i32
      %dma_wait3A_749 = arith.constant 384 : i32
      %dma_wait3A_750 = tpu.memref_slice %arg7[%dma_wait3A_749] : memref<768xf32, #tpu.memory_space<vmem>> -> memref<384xf32, #tpu.memory_space<vmem>>
      %dma_wait3A_751 = arith.constant 0 : i32
      %dma_wait3A_752 = tpu.memref_slice %arg3[%select_n3A, %dma_wait3A_748, %add3A_747, %dma_wait3A_751] : memref<4x1x384x384xf32, #tpu.memory_space<hbm>> -> memref<1x1x1x384xf32, #tpu.memory_space<hbm>>
      %dma_wait3A_753 = tpu.memref_squeeze %dma_wait3A_752 : memref<1x1x1x384xf32, #tpu.memory_space<hbm>> -> memref<384xf32, #tpu.memory_space<hbm>>
      %dma_wait3A_754 = arith.constant 384 : i32
      %dma_wait3A_755 = tpu.memref_slice %arg7[%dma_wait3A_754] : memref<768xf32, #tpu.memory_space<vmem>> -> memref<384xf32, #tpu.memory_space<vmem>>
      %dma_wait3A_756 = arith.constant 0 : i32
      %dma_wait3A_757 = tpu.memref_slice %arg3[%select_n3A, %dma_wait3A_748, %add3A_747, %dma_wait3A_756] : memref<4x1x384x384xf32, #tpu.memory_space<hbm>> -> memref<1x1x1x384xf32, #tpu.memory_space<hbm>>
      %dma_wait3A_758 = tpu.memref_squeeze %dma_wait3A_757 : memref<1x1x1x384xf32, #tpu.memory_space<hbm>> -> memref<384xf32, #tpu.memory_space<hbm>>
      tpu.wait_dma2 semaphore(%arg25 : memref<!tpu.dma_semaphore, #tpu.memory_space<semaphore_mem>>) src(%dma_wait3A_758 : memref<384xf32, #tpu.memory_space<hbm>>) dst(%dma_wait3A_755 : memref<384xf32, #tpu.memory_space<vmem>>)
      %add3A_759 = arith.constant 6 : i32
      %add3A_760 = arith.addi %add3A_722, %add3A_759 : i32
      %lt3A_761 = arith.constant 48 : i32
      %lt3A_762 = arith.cmpi slt, %add3A_760, %lt3A_761 : i32
      %convert_element_type3A_763 = arith.extui %lt3A_762 : i1 to i32
      %cond3A_764 = arith.constant 0 : i32
      %cond3A_765 = arith.cmpi ne, %convert_element_type3A_763, %cond3A_764 : i32
      scf.if %cond3A_765 {
        %add3A_2929 = arith.constant 6 : i32
        %add3A_2930 = arith.addi %add3A_722, %add3A_2929 : i32
        %add3A_2931 = arith.addi %mul3A_21, %add3A_2930 : i32
        %dma_start3A_2932 = arith.constant 0 : i32
        %dma_start3A_2933 = arith.constant 384 : i32
        %dma_start3A_2934 = tpu.memref_slice %arg6[%dma_start3A_2933] : memref<2304xi32, #tpu.memory_space<vmem>> -> memref<384xi32, #tpu.memory_space<vmem>>
        %dma_start3A_2935 = arith.constant 0 : i32
        %dma_start3A_2936 = tpu.memref_slice %arg2[%select_n3A, %dma_start3A_2932, %add3A_2931, %dma_start3A_2935] : memref<4x1x384x384xi32, #tpu.memory_space<hbm>> -> memref<1x1x1x384xi32, #tpu.memory_space<hbm>>
        %dma_start3A_2937 = tpu.memref_squeeze %dma_start3A_2936 : memref<1x1x1x384xi32, #tpu.memory_space<hbm>> -> memref<384xi32, #tpu.memory_space<hbm>>
        %dma_start3A_2938 = arith.constant 384 : i32
        %dma_start3A_2939 = tpu.memref_slice %arg6[%dma_start3A_2938] : memref<2304xi32, #tpu.memory_space<vmem>> -> memref<384xi32, #tpu.memory_space<vmem>>
        %dma_start3A_2940 = arith.constant 0 : i32
        %dma_start3A_2941 = tpu.memref_slice %arg2[%select_n3A, %dma_start3A_2932, %add3A_2931, %dma_start3A_2940] : memref<4x1x384x384xi32, #tpu.memory_space<hbm>> -> memref<1x1x1x384xi32, #tpu.memory_space<hbm>>
        %dma_start3A_2942 = tpu.memref_squeeze %dma_start3A_2941 : memref<1x1x1x384xi32, #tpu.memory_space<hbm>> -> memref<384xi32, #tpu.memory_space<hbm>>
        tpu.enqueue_dma source(%dma_start3A_2942 : memref<384xi32, #tpu.memory_space<hbm>>) target(%dma_start3A_2939 : memref<384xi32, #tpu.memory_space<vmem>>) target_semaphore(%arg19 : memref<!tpu.dma_semaphore, #tpu.memory_space<semaphore_mem>>)
      } else {
      }
      %ge3A_766 = arith.constant 2 : i32
      %ge3A_767 = arith.cmpi sge, %add3A_722, %ge3A_766 : i32
      %convert_element_type3A_768 = arith.extui %ge3A_767 : i1 to i32
      %cond3A_769 = arith.constant 0 : i32
      %cond3A_770 = arith.cmpi ne, %convert_element_type3A_768, %cond3A_769 : i32
      scf.if %cond3A_770 {
        %sub3A_2929 = arith.constant 2 : i32
        %sub3A_2930 = arith.subi %add3A_722, %sub3A_2929 : i32
        %add3A_2931 = arith.addi %mul3A_21, %sub3A_2930 : i32
        %dma_wait3A_2932 = arith.constant 0 : i32
        %dma_wait3A_2933 = arith.constant 0 : i32
        %dma_wait3A_2934 = tpu.memref_slice %arg12[%dma_wait3A_2932, %dma_wait3A_2933] : memref<64x385xf32, #tpu.memory_space<vmem>> -> memref<64x384xf32, #tpu.memory_space<vmem>>
        %dma_wait3A_2935 = arith.constant 0 : i32
        %dma_wait3A_2936 = arith.constant 0 : i32
        %dma_wait3A_2937 = tpu.memref_slice %arg5[%select_n3A, %dma_wait3A_2935, %add3A_2931, %dma_wait3A_2936] : memref<4x64x384x384xf32, #tpu.memory_space<hbm>> -> memref<1x64x1x384xf32, #tpu.memory_space<hbm>>
        %dma_wait3A_2938 = tpu.memref_squeeze %dma_wait3A_2937 : memref<1x64x1x384xf32, #tpu.memory_space<hbm>> -> memref<64x384xf32, #tpu.memory_space<hbm>>
        %dma_wait3A_2939 = arith.constant 0 : i32
        %dma_wait3A_2940 = arith.constant 0 : i32
        %dma_wait3A_2941 = tpu.memref_slice %arg5[%select_n3A, %dma_wait3A_2939, %add3A_2931, %dma_wait3A_2940] : memref<4x64x384x384xf32, #tpu.memory_space<hbm>> -> memref<1x64x1x384xf32, #tpu.memory_space<hbm>>
        %dma_wait3A_2942 = tpu.memref_squeeze %dma_wait3A_2941 : memref<1x64x1x384xf32, #tpu.memory_space<hbm>> -> memref<64x384xf32, #tpu.memory_space<hbm>>
        %dma_wait3A_2943 = arith.constant 0 : i32
        %dma_wait3A_2944 = arith.constant 0 : i32
        %dma_wait3A_2945 = tpu.memref_slice %arg12[%dma_wait3A_2943, %dma_wait3A_2944] : memref<64x385xf32, #tpu.memory_space<vmem>> -> memref<64x384xf32, #tpu.memory_space<vmem>>
        tpu.wait_dma2 semaphore(%arg17 : memref<!tpu.dma_semaphore, #tpu.memory_space<semaphore_mem>>) src(%dma_wait3A_2945 : memref<64x384xf32, #tpu.memory_space<vmem>>) dst(%dma_wait3A_2942 : memref<64x384xf32, #tpu.memory_space<hbm>>)
      } else {
      }
      %scan3A_771 = arith.constant 0 : i32
      %scan3A_772 = arith.constant 0 : i32
      %mul3A_773 = arith.constant 16 : i32
      %mul3A_774 = arith.muli %scan3A_772, %mul3A_773 : i32
      %add3A_775 = arith.constant 384 : i32
      %add3A_776 = arith.addi %add3A_775, %mul3A_774 : i32
      %get3A_777 = arith.index_cast %add3A_776 : i32 to index
      %get3A_778 = tpu.vector_load %arg7[%get3A_777] {strides = array<i32>} : memref<768xf32, #tpu.memory_space<vmem>>, vector<16xf32>,
      %add3A_779 = arith.constant 0 : i32
      %add3A_780 = arith.addi %mul3A_774, %add3A_779 : i32
      %slice3A_781 = vector.extract_strided_slice %get3A_778 {offsets = [0], sizes = [1], strides = [1]} : vector<16xf32> to vector<1xf32>
      %squeeze3A_782 = vector.extract %slice3A_781[0] : f32 from vector<1xf32>
      %broadcast_in_dim3A_783 = vector.broadcast %squeeze3A_782 : f32 to vector<16xf32>
      %broadcast_in_dim3A_784 = vector.broadcast %add3A_780 : i32 to vector<16xi32>
      %get3A_785 = arith.index_cast %add3A_780 : i32 to index
      %get3A_786 = arith.constant 0 : index
      %get3A_787 = tpu.vector_load %arg9[%get3A_785, %get3A_786] {strides = array<i32>} : memref<384x64xf32, #tpu.memory_space<vmem>>, vector<16xf32>,
      %mul3A_788 = arith.mulf %get3A_787, %broadcast_in_dim3A_783 : vector<16xf32>
      tpu.vector_store_idx %arg12[%add3A_24, %broadcast_in_dim3A_784], %mul3A_788 : memref<64x385xf32, #tpu.memory_space<vmem>>[vector<16xi32>, vector<16xi32>], vector<16xf32>,
      %get3A_789 = arith.index_cast %add3A_780 : i32 to index
      %get3A_790 = arith.constant 16 : index
      %get3A_791 = tpu.vector_load %arg9[%get3A_789, %get3A_790] {strides = array<i32>} : memref<384x64xf32, #tpu.memory_space<vmem>>, vector<16xf32>,
      %mul3A_792 = arith.mulf %get3A_791, %broadcast_in_dim3A_783 : vector<16xf32>
      tpu.vector_store_idx %arg12[%add3A_27, %broadcast_in_dim3A_784], %mul3A_792 : memref<64x385xf32, #tpu.memory_space<vmem>>[vector<16xi32>, vector<16xi32>], vector<16xf32>,
      %get3A_793 = arith.index_cast %add3A_780 : i32 to index
      %get3A_794 = arith.constant 32 : index
      %get3A_795 = tpu.vector_load %arg9[%get3A_793, %get3A_794] {strides = array<i32>} : memref<384x64xf32, #tpu.memory_space<vmem>>, vector<16xf32>,
      %mul3A_796 = arith.mulf %get3A_795, %broadcast_in_dim3A_783 : vector<16xf32>
      tpu.vector_store_idx %arg12[%add3A_30, %broadcast_in_dim3A_784], %mul3A_796 : memref<64x385xf32, #tpu.memory_space<vmem>>[vector<16xi32>, vector<16xi32>], vector<16xf32>,
      %get3A_797 = arith.index_cast %add3A_780 : i32 to index
      %get3A_798 = arith.constant 48 : index
      %get3A_799 = tpu.vector_load %arg9[%get3A_797, %get3A_798] {strides = array<i32>} : memref<384x64xf32, #tpu.memory_space<vmem>>, vector<16xf32>,
      %mul3A_800 = arith.mulf %get3A_799, %broadcast_in_dim3A_783 : vector<16xf32>
      tpu.vector_store_idx %arg12[%add3A_33, %broadcast_in_dim3A_784], %mul3A_800 : memref<64x385xf32, #tpu.memory_space<vmem>>[vector<16xi32>, vector<16xi32>], vector<16xf32>,
      %add3A_801 = arith.constant 1 : i32
      %add3A_802 = arith.addi %mul3A_774, %add3A_801 : i32
      %slice3A_803 = vector.extract_strided_slice %get3A_778 {offsets = [1], sizes = [1], strides = [1]} : vector<16xf32> to vector<1xf32>
      %squeeze3A_804 = vector.extract %slice3A_803[0] : f32 from vector<1xf32>
      %broadcast_in_dim3A_805 = vector.broadcast %squeeze3A_804 : f32 to vector<16xf32>
      %broadcast_in_dim3A_806 = vector.broadcast %add3A_802 : i32 to vector<16xi32>
      %get3A_807 = arith.index_cast %add3A_802 : i32 to index
      %get3A_808 = arith.constant 0 : index
      %get3A_809 = tpu.vector_load %arg9[%get3A_807, %get3A_808] {strides = array<i32>} : memref<384x64xf32, #tpu.memory_space<vmem>>, vector<16xf32>,
      %mul3A_810 = arith.mulf %get3A_809, %broadcast_in_dim3A_805 : vector<16xf32>
      tpu.vector_store_idx %arg12[%add3A_24, %broadcast_in_dim3A_806], %mul3A_810 : memref<64x385xf32, #tpu.memory_space<vmem>>[vector<16xi32>, vector<16xi32>], vector<16xf32>,
      %get3A_811 = arith.index_cast %add3A_802 : i32 to index
      %get3A_812 = arith.constant 16 : index
      %get3A_813 = tpu.vector_load %arg9[%get3A_811, %get3A_812] {strides = array<i32>} : memref<384x64xf32, #tpu.memory_space<vmem>>, vector<16xf32>,
      %mul3A_814 = arith.mulf %get3A_813, %broadcast_in_dim3A_805 : vector<16xf32>
      tpu.vector_store_idx %arg12[%add3A_27, %broadcast_in_dim3A_806], %mul3A_814 : memref<64x385xf32, #tpu.memory_space<vmem>>[vector<16xi32>, vector<16xi32>], vector<16xf32>,
      %get3A_815 = arith.index_cast %add3A_802 : i32 to index
      %get3A_816 = arith.constant 32 : index
      %get3A_817 = tpu.vector_load %arg9[%get3A_815, %get3A_816] {strides = array<i32>} : memref<384x64xf32, #tpu.memory_space<vmem>>, vector<16xf32>,
      %mul3A_818 = arith.mulf %get3A_817, %broadcast_in_dim3A_805 : vector<16xf32>
      tpu.vector_store_idx %arg12[%add3A_30, %broadcast_in_dim3A_806], %mul3A_818 : memref<64x385xf32, #tpu.memory_space<vmem>>[vector<16xi32>, vector<16xi32>], vector<16xf32>,
      %get3A_819 = arith.index_cast %add3A_802 : i32 to index
      %get3A_820 = arith.constant 48 : index
      %get3A_821 = tpu.vector_load %arg9[%get3A_819, %get3A_820] {strides = array<i32>} : memref<384x64xf32, #tpu.memory_space<vmem>>, vector<16xf32>,
      %mul3A_822 = arith.mulf %get3A_821, %broadcast_in_dim3A_805 : vector<16xf32>
      tpu.vector_store_idx %arg12[%add3A_33, %broadcast_in_dim3A_806], %mul3A_822 : memref<64x385xf32, #tpu.memory_space<vmem>>[vector<16xi32>, vector<16xi32>], vector<16xf32>,
      %add3A_823 = arith.constant 2 : i32
      %add3A_824 = arith.addi %mul3A_774, %add3A_823 : i32
      %slice3A_825 = vector.extract_strided_slice %get3A_778 {offsets = [2], sizes = [1], strides = [1]} : vector<16xf32> to vector<1xf32>
      %squeeze3A_826 = vector.extract %slice3A_825[0] : f32 from vector<1xf32>
      %broadcast_in_dim3A_827 = vector.broadcast %squeeze3A_826 : f32 to vector<16xf32>
      %broadcast_in_dim3A_828 = vector.broadcast %add3A_824 : i32 to vector<16xi32>
      %get3A_829 = arith.index_cast %add3A_824 : i32 to index
      %get3A_830 = arith.constant 0 : index
      %get3A_831 = tpu.vector_load %arg9[%get3A_829, %get3A_830] {strides = array<i32>} : memref<384x64xf32, #tpu.memory_space<vmem>>, vector<16xf32>,
      %mul3A_832 = arith.mulf %get3A_831, %broadcast_in_dim3A_827 : vector<16xf32>
      tpu.vector_store_idx %arg12[%add3A_24, %broadcast_in_dim3A_828], %mul3A_832 : memref<64x385xf32, #tpu.memory_space<vmem>>[vector<16xi32>, vector<16xi32>], vector<16xf32>,
      %get3A_833 = arith.index_cast %add3A_824 : i32 to index
      %get3A_834 = arith.constant 16 : index
      %get3A_835 = tpu.vector_load %arg9[%get3A_833, %get3A_834] {strides = array<i32>} : memref<384x64xf32, #tpu.memory_space<vmem>>, vector<16xf32>,
      %mul3A_836 = arith.mulf %get3A_835, %broadcast_in_dim3A_827 : vector<16xf32>
      tpu.vector_store_idx %arg12[%add3A_27, %broadcast_in_dim3A_828], %mul3A_836 : memref<64x385xf32, #tpu.memory_space<vmem>>[vector<16xi32>, vector<16xi32>], vector<16xf32>,
      %get3A_837 = arith.index_cast %add3A_824 : i32 to index
      %get3A_838 = arith.constant 32 : index
      %get3A_839 = tpu.vector_load %arg9[%get3A_837, %get3A_838] {strides = array<i32>} : memref<384x64xf32, #tpu.memory_space<vmem>>, vector<16xf32>,
      %mul3A_840 = arith.mulf %get3A_839, %broadcast_in_dim3A_827 : vector<16xf32>
      tpu.vector_store_idx %arg12[%add3A_30, %broadcast_in_dim3A_828], %mul3A_840 : memref<64x385xf32, #tpu.memory_space<vmem>>[vector<16xi32>, vector<16xi32>], vector<16xf32>,
      %get3A_841 = arith.index_cast %add3A_824 : i32 to index
      %get3A_842 = arith.constant 48 : index
      %get3A_843 = tpu.vector_load %arg9[%get3A_841, %get3A_842] {strides = array<i32>} : memref<384x64xf32, #tpu.memory_space<vmem>>, vector<16xf32>,
      %mul3A_844 = arith.mulf %get3A_843, %broadcast_in_dim3A_827 : vector<16xf32>
      tpu.vector_store_idx %arg12[%add3A_33, %broadcast_in_dim3A_828], %mul3A_844 : memref<64x385xf32, #tpu.memory_space<vmem>>[vector<16xi32>, vector<16xi32>], vector<16xf32>,
      %add3A_845 = arith.constant 3 : i32
      %add3A_846 = arith.addi %mul3A_774, %add3A_845 : i32
      %slice3A_847 = vector.extract_strided_slice %get3A_778 {offsets = [3], sizes = [1], strides = [1]} : vector<16xf32> to vector<1xf32>
      %squeeze3A_848 = vector.extract %slice3A_847[0] : f32 from vector<1xf32>
      %broadcast_in_dim3A_849 = vector.broadcast %squeeze3A_848 : f32 to vector<16xf32>
      %broadcast_in_dim3A_850 = vector.broadcast %add3A_846 : i32 to vector<16xi32>
      %get3A_851 = arith.index_cast %add3A_846 : i32 to index
      %get3A_852 = arith.constant 0 : index
      %get3A_853 = tpu.vector_load %arg9[%get3A_851, %get3A_852] {strides = array<i32>} : memref<384x64xf32, #tpu.memory_space<vmem>>, vector<16xf32>,
      %mul3A_854 = arith.mulf %get3A_853, %broadcast_in_dim3A_849 : vector<16xf32>
      tpu.vector_store_idx %arg12[%add3A_24, %broadcast_in_dim3A_850], %mul3A_854 : memref<64x385xf32, #tpu.memory_space<vmem>>[vector<16xi32>, vector<16xi32>], vector<16xf32>,
      %get3A_855 = arith.index_cast %add3A_846 : i32 to index
      %get3A_856 = arith.constant 16 : index
      %get3A_857 = tpu.vector_load %arg9[%get3A_855, %get3A_856] {strides = array<i32>} : memref<384x64xf32, #tpu.memory_space<vmem>>, vector<16xf32>,
      %mul3A_858 = arith.mulf %get3A_857, %broadcast_in_dim3A_849 : vector<16xf32>
      tpu.vector_store_idx %arg12[%add3A_27, %broadcast_in_dim3A_850], %mul3A_858 : memref<64x385xf32, #tpu.memory_space<vmem>>[vector<16xi32>, vector<16xi32>], vector<16xf32>,
      %get3A_859 = arith.index_cast %add3A_846 : i32 to index
      %get3A_860 = arith.constant 32 : index
      %get3A_861 = tpu.vector_load %arg9[%get3A_859, %get3A_860] {strides = array<i32>} : memref<384x64xf32, #tpu.memory_space<vmem>>, vector<16xf32>,
      %mul3A_862 = arith.mulf %get3A_861, %broadcast_in_dim3A_849 : vector<16xf32>
      tpu.vector_store_idx %arg12[%add3A_30, %broadcast_in_dim3A_850], %mul3A_862 : memref<64x385xf32, #tpu.memory_space<vmem>>[vector<16xi32>, vector<16xi32>], vector<16xf32>,
      %get3A_863 = arith.index_cast %add3A_846 : i32 to index
      %get3A_864 = arith.constant 48 : index
      %get3A_865 = tpu.vector_load %arg9[%get3A_863, %get3A_864] {strides = array<i32>} : memref<384x64xf32, #tpu.memory_space<vmem>>, vector<16xf32>,
      %mul3A_866 = arith.mulf %get3A_865, %broadcast_in_dim3A_849 : vector<16xf32>
      tpu.vector_store_idx %arg12[%add3A_33, %broadcast_in_dim3A_850], %mul3A_866 : memref<64x385xf32, #tpu.memory_space<vmem>>[vector<16xi32>, vector<16xi32>], vector<16xf32>,
      %add3A_867 = arith.constant 4 : i32
      %add3A_868 = arith.addi %mul3A_774, %add3A_867 : i32
      %slice3A_869 = vector.extract_strided_slice %get3A_778 {offsets = [4], sizes = [1], strides = [1]} : vector<16xf32> to vector<1xf32>
      %squeeze3A_870 = vector.extract %slice3A_869[0] : f32 from vector<1xf32>
      %broadcast_in_dim3A_871 = vector.broadcast %squeeze3A_870 : f32 to vector<16xf32>
      %broadcast_in_dim3A_872 = vector.broadcast %add3A_868 : i32 to vector<16xi32>
      %get3A_873 = arith.index_cast %add3A_868 : i32 to index
      %get3A_874 = arith.constant 0 : index
      %get3A_875 = tpu.vector_load %arg9[%get3A_873, %get3A_874] {strides = array<i32>} : memref<384x64xf32, #tpu.memory_space<vmem>>, vector<16xf32>,
      %mul3A_876 = arith.mulf %get3A_875, %broadcast_in_dim3A_871 : vector<16xf32>
      tpu.vector_store_idx %arg12[%add3A_24, %broadcast_in_dim3A_872], %mul3A_876 : memref<64x385xf32, #tpu.memory_space<vmem>>[vector<16xi32>, vector<16xi32>], vector<16xf32>,
      %get3A_877 = arith.index_cast %add3A_868 : i32 to index
      %get3A_878 = arith.constant 16 : index
      %get3A_879 = tpu.vector_load %arg9[%get3A_877, %get3A_878] {strides = array<i32>} : memref<384x64xf32, #tpu.memory_space<vmem>>, vector<16xf32>,
      %mul3A_880 = arith.mulf %get3A_879, %broadcast_in_dim3A_871 : vector<16xf32>
      tpu.vector_store_idx %arg12[%add3A_27, %broadcast_in_dim3A_872], %mul3A_880 : memref<64x385xf32, #tpu.memory_space<vmem>>[vector<16xi32>, vector<16xi32>], vector<16xf32>,
      %get3A_881 = arith.index_cast %add3A_868 : i32 to index
      %get3A_882 = arith.constant 32 : index
      %get3A_883 = tpu.vector_load %arg9[%get3A_881, %get3A_882] {strides = array<i32>} : memref<384x64xf32, #tpu.memory_space<vmem>>, vector<16xf32>,
      %mul3A_884 = arith.mulf %get3A_883, %broadcast_in_dim3A_871 : vector<16xf32>
      tpu.vector_store_idx %arg12[%add3A_30, %broadcast_in_dim3A_872], %mul3A_884 : memref<64x385xf32, #tpu.memory_space<vmem>>[vector<16xi32>, vector<16xi32>], vector<16xf32>,
      %get3A_885 = arith.index_cast %add3A_868 : i32 to index
      %get3A_886 = arith.constant 48 : index
      %get3A_887 = tpu.vector_load %arg9[%get3A_885, %get3A_886] {strides = array<i32>} : memref<384x64xf32, #tpu.memory_space<vmem>>, vector<16xf32>,
      %mul3A_888 = arith.mulf %get3A_887, %broadcast_in_dim3A_871 : vector<16xf32>
      tpu.vector_store_idx %arg12[%add3A_33, %broadcast_in_dim3A_872], %mul3A_888 : memref<64x385xf32, #tpu.memory_space<vmem>>[vector<16xi32>, vector<16xi32>], vector<16xf32>,
      %add3A_889 = arith.constant 5 : i32
      %add3A_890 = arith.addi %mul3A_774, %add3A_889 : i32
      %slice3A_891 = vector.extract_strided_slice %get3A_778 {offsets = [5], sizes = [1], strides = [1]} : vector<16xf32> to vector<1xf32>
      %squeeze3A_892 = vector.extract %slice3A_891[0] : f32 from vector<1xf32>
      %broadcast_in_dim3A_893 = vector.broadcast %squeeze3A_892 : f32 to vector<16xf32>
      %broadcast_in_dim3A_894 = vector.broadcast %add3A_890 : i32 to vector<16xi32>
      %get3A_895 = arith.index_cast %add3A_890 : i32 to index
      %get3A_896 = arith.constant 0 : index
      %get3A_897 = tpu.vector_load %arg9[%get3A_895, %get3A_896] {strides = array<i32>} : memref<384x64xf32, #tpu.memory_space<vmem>>, vector<16xf32>,
      %mul3A_898 = arith.mulf %get3A_897, %broadcast_in_dim3A_893 : vector<16xf32>
      tpu.vector_store_idx %arg12[%add3A_24, %broadcast_in_dim3A_894], %mul3A_898 : memref<64x385xf32, #tpu.memory_space<vmem>>[vector<16xi32>, vector<16xi32>], vector<16xf32>,
      %get3A_899 = arith.index_cast %add3A_890 : i32 to index
      %get3A_900 = arith.constant 16 : index
      %get3A_901 = tpu.vector_load %arg9[%get3A_899, %get3A_900] {strides = array<i32>} : memref<384x64xf32, #tpu.memory_space<vmem>>, vector<16xf32>,
      %mul3A_902 = arith.mulf %get3A_901, %broadcast_in_dim3A_893 : vector<16xf32>
      tpu.vector_store_idx %arg12[%add3A_27, %broadcast_in_dim3A_894], %mul3A_902 : memref<64x385xf32, #tpu.memory_space<vmem>>[vector<16xi32>, vector<16xi32>], vector<16xf32>,
      %get3A_903 = arith.index_cast %add3A_890 : i32 to index
      %get3A_904 = arith.constant 32 : index
      %get3A_905 = tpu.vector_load %arg9[%get3A_903, %get3A_904] {strides = array<i32>} : memref<384x64xf32, #tpu.memory_space<vmem>>, vector<16xf32>,
      %mul3A_906 = arith.mulf %get3A_905, %broadcast_in_dim3A_893 : vector<16xf32>
      tpu.vector_store_idx %arg12[%add3A_30, %broadcast_in_dim3A_894], %mul3A_906 : memref<64x385xf32, #tpu.memory_space<vmem>>[vector<16xi32>, vector<16xi32>], vector<16xf32>,
      %get3A_907 = arith.index_cast %add3A_890 : i32 to index
      %get3A_908 = arith.constant 48 : index
      %get3A_909 = tpu.vector_load %arg9[%get3A_907, %get3A_908] {strides = array<i32>} : memref<384x64xf32, #tpu.memory_space<vmem>>, vector<16xf32>,
      %mul3A_910 = arith.mulf %get3A_909, %broadcast_in_dim3A_893 : vector<16xf32>
      tpu.vector_store_idx %arg12[%add3A_33, %broadcast_in_dim3A_894], %mul3A_910 : memref<64x385xf32, #tpu.memory_space<vmem>>[vector<16xi32>, vector<16xi32>], vector<16xf32>,
      %add3A_911 = arith.constant 6 : i32
      %add3A_912 = arith.addi %mul3A_774, %add3A_911 : i32
      %slice3A_913 = vector.extract_strided_slice %get3A_778 {offsets = [6], sizes = [1], strides = [1]} : vector<16xf32> to vector<1xf32>
      %squeeze3A_914 = vector.extract %slice3A_913[0] : f32 from vector<1xf32>
      %broadcast_in_dim3A_915 = vector.broadcast %squeeze3A_914 : f32 to vector<16xf32>
      %broadcast_in_dim3A_916 = vector.broadcast %add3A_912 : i32 to vector<16xi32>
      %get3A_917 = arith.index_cast %add3A_912 : i32 to index
      %get3A_918 = arith.constant 0 : index
      %get3A_919 = tpu.vector_load %arg9[%get3A_917, %get3A_918] {strides = array<i32>} : memref<384x64xf32, #tpu.memory_space<vmem>>, vector<16xf32>,
      %mul3A_920 = arith.mulf %get3A_919, %broadcast_in_dim3A_915 : vector<16xf32>
      tpu.vector_store_idx %arg12[%add3A_24, %broadcast_in_dim3A_916], %mul3A_920 : memref<64x385xf32, #tpu.memory_space<vmem>>[vector<16xi32>, vector<16xi32>], vector<16xf32>,
      %get3A_921 = arith.index_cast %add3A_912 : i32 to index
      %get3A_922 = arith.constant 16 : index
      %get3A_923 = tpu.vector_load %arg9[%get3A_921, %get3A_922] {strides = array<i32>} : memref<384x64xf32, #tpu.memory_space<vmem>>, vector<16xf32>,
      %mul3A_924 = arith.mulf %get3A_923, %broadcast_in_dim3A_915 : vector<16xf32>
      tpu.vector_store_idx %arg12[%add3A_27, %broadcast_in_dim3A_916], %mul3A_924 : memref<64x385xf32, #tpu.memory_space<vmem>>[vector<16xi32>, vector<16xi32>], vector<16xf32>,
      %get3A_925 = arith.index_cast %add3A_912 : i32 to index
      %get3A_926 = arith.constant 32 : index
      %get3A_927 = tpu.vector_load %arg9[%get3A_925, %get3A_926] {strides = array<i32>} : memref<384x64xf32, #tpu.memory_space<vmem>>, vector<16xf32>,
      %mul3A_928 = arith.mulf %get3A_927, %broadcast_in_dim3A_915 : vector<16xf32>
      tpu.vector_store_idx %arg12[%add3A_30, %broadcast_in_dim3A_916], %mul3A_928 : memref<64x385xf32, #tpu.memory_space<vmem>>[vector<16xi32>, vector<16xi32>], vector<16xf32>,
      %get3A_929 = arith.index_cast %add3A_912 : i32 to index
      %get3A_930 = arith.constant 48 : index
      %get3A_931 = tpu.vector_load %arg9[%get3A_929, %get3A_930] {strides = array<i32>} : memref<384x64xf32, #tpu.memory_space<vmem>>, vector<16xf32>,
      %mul3A_932 = arith.mulf %get3A_931, %broadcast_in_dim3A_915 : vector<16xf32>
      tpu.vector_store_idx %arg12[%add3A_33, %broadcast_in_dim3A_916], %mul3A_932 : memref<64x385xf32, #tpu.memory_space<vmem>>[vector<16xi32>, vector<16xi32>], vector<16xf32>,
      %add3A_933 = arith.constant 7 : i32
      %add3A_934 = arith.addi %mul3A_774, %add3A_933 : i32
      %slice3A_935 = vector.extract_strided_slice %get3A_778 {offsets = [7], sizes = [1], strides = [1]} : vector<16xf32> to vector<1xf32>
      %squeeze3A_936 = vector.extract %slice3A_935[0] : f32 from vector<1xf32>
      %broadcast_in_dim3A_937 = vector.broadcast %squeeze3A_936 : f32 to vector<16xf32>
      %broadcast_in_dim3A_938 = vector.broadcast %add3A_934 : i32 to vector<16xi32>
      %get3A_939 = arith.index_cast %add3A_934 : i32 to index
      %get3A_940 = arith.constant 0 : index
      %get3A_941 = tpu.vector_load %arg9[%get3A_939, %get3A_940] {strides = array<i32>} : memref<384x64xf32, #tpu.memory_space<vmem>>, vector<16xf32>,
      %mul3A_942 = arith.mulf %get3A_941, %broadcast_in_dim3A_937 : vector<16xf32>
      tpu.vector_store_idx %arg12[%add3A_24, %broadcast_in_dim3A_938], %mul3A_942 : memref<64x385xf32, #tpu.memory_space<vmem>>[vector<16xi32>, vector<16xi32>], vector<16xf32>,
      %get3A_943 = arith.index_cast %add3A_934 : i32 to index
      %get3A_944 = arith.constant 16 : index
      %get3A_945 = tpu.vector_load %arg9[%get3A_943, %get3A_944] {strides = array<i32>} : memref<384x64xf32, #tpu.memory_space<vmem>>, vector<16xf32>,
      %mul3A_946 = arith.mulf %get3A_945, %broadcast_in_dim3A_937 : vector<16xf32>
      tpu.vector_store_idx %arg12[%add3A_27, %broadcast_in_dim3A_938], %mul3A_946 : memref<64x385xf32, #tpu.memory_space<vmem>>[vector<16xi32>, vector<16xi32>], vector<16xf32>,
      %get3A_947 = arith.index_cast %add3A_934 : i32 to index
      %get3A_948 = arith.constant 32 : index
      %get3A_949 = tpu.vector_load %arg9[%get3A_947, %get3A_948] {strides = array<i32>} : memref<384x64xf32, #tpu.memory_space<vmem>>, vector<16xf32>,
      %mul3A_950 = arith.mulf %get3A_949, %broadcast_in_dim3A_937 : vector<16xf32>
      tpu.vector_store_idx %arg12[%add3A_30, %broadcast_in_dim3A_938], %mul3A_950 : memref<64x385xf32, #tpu.memory_space<vmem>>[vector<16xi32>, vector<16xi32>], vector<16xf32>,
      %get3A_951 = arith.index_cast %add3A_934 : i32 to index
      %get3A_952 = arith.constant 48 : index
      %get3A_953 = tpu.vector_load %arg9[%get3A_951, %get3A_952] {strides = array<i32>} : memref<384x64xf32, #tpu.memory_space<vmem>>, vector<16xf32>,
      %mul3A_954 = arith.mulf %get3A_953, %broadcast_in_dim3A_937 : vector<16xf32>
      tpu.vector_store_idx %arg12[%add3A_33, %broadcast_in_dim3A_938], %mul3A_954 : memref<64x385xf32, #tpu.memory_space<vmem>>[vector<16xi32>, vector<16xi32>], vector<16xf32>,
      %add3A_955 = arith.constant 8 : i32
      %add3A_956 = arith.addi %mul3A_774, %add3A_955 : i32
      %slice3A_957 = vector.extract_strided_slice %get3A_778 {offsets = [8], sizes = [1], strides = [1]} : vector<16xf32> to vector<1xf32>
      %squeeze3A_958 = vector.extract %slice3A_957[0] : f32 from vector<1xf32>
      %broadcast_in_dim3A_959 = vector.broadcast %squeeze3A_958 : f32 to vector<16xf32>
      %broadcast_in_dim3A_960 = vector.broadcast %add3A_956 : i32 to vector<16xi32>
      %get3A_961 = arith.index_cast %add3A_956 : i32 to index
      %get3A_962 = arith.constant 0 : index
      %get3A_963 = tpu.vector_load %arg9[%get3A_961, %get3A_962] {strides = array<i32>} : memref<384x64xf32, #tpu.memory_space<vmem>>, vector<16xf32>,
      %mul3A_964 = arith.mulf %get3A_963, %broadcast_in_dim3A_959 : vector<16xf32>
      tpu.vector_store_idx %arg12[%add3A_24, %broadcast_in_dim3A_960], %mul3A_964 : memref<64x385xf32, #tpu.memory_space<vmem>>[vector<16xi32>, vector<16xi32>], vector<16xf32>,
      %get3A_965 = arith.index_cast %add3A_956 : i32 to index
      %get3A_966 = arith.constant 16 : index
      %get3A_967 = tpu.vector_load %arg9[%get3A_965, %get3A_966] {strides = array<i32>} : memref<384x64xf32, #tpu.memory_space<vmem>>, vector<16xf32>,
      %mul3A_968 = arith.mulf %get3A_967, %broadcast_in_dim3A_959 : vector<16xf32>
      tpu.vector_store_idx %arg12[%add3A_27, %broadcast_in_dim3A_960], %mul3A_968 : memref<64x385xf32, #tpu.memory_space<vmem>>[vector<16xi32>, vector<16xi32>], vector<16xf32>,
      %get3A_969 = arith.index_cast %add3A_956 : i32 to index
      %get3A_970 = arith.constant 32 : index
      %get3A_971 = tpu.vector_load %arg9[%get3A_969, %get3A_970] {strides = array<i32>} : memref<384x64xf32, #tpu.memory_space<vmem>>, vector<16xf32>,
      %mul3A_972 = arith.mulf %get3A_971, %broadcast_in_dim3A_959 : vector<16xf32>
      tpu.vector_store_idx %arg12[%add3A_30, %broadcast_in_dim3A_960], %mul3A_972 : memref<64x385xf32, #tpu.memory_space<vmem>>[vector<16xi32>, vector<16xi32>], vector<16xf32>,
      %get3A_973 = arith.index_cast %add3A_956 : i32 to index
      %get3A_974 = arith.constant 48 : index
      %get3A_975 = tpu.vector_load %arg9[%get3A_973, %get3A_974] {strides = array<i32>} : memref<384x64xf32, #tpu.memory_space<vmem>>, vector<16xf32>,
      %mul3A_976 = arith.mulf %get3A_975, %broadcast_in_dim3A_959 : vector<16xf32>
      tpu.vector_store_idx %arg12[%add3A_33, %broadcast_in_dim3A_960], %mul3A_976 : memref<64x385xf32, #tpu.memory_space<vmem>>[vector<16xi32>, vector<16xi32>], vector<16xf32>,
      %add3A_977 = arith.constant 9 : i32
      %add3A_978 = arith.addi %mul3A_774, %add3A_977 : i32
      %slice3A_979 = vector.extract_strided_slice %get3A_778 {offsets = [9], sizes = [1], strides = [1]} : vector<16xf32> to vector<1xf32>
      %squeeze3A_980 = vector.extract %slice3A_979[0] : f32 from vector<1xf32>
      %broadcast_in_dim3A_981 = vector.broadcast %squeeze3A_980 : f32 to vector<16xf32>
      %broadcast_in_dim3A_982 = vector.broadcast %add3A_978 : i32 to vector<16xi32>
      %get3A_983 = arith.index_cast %add3A_978 : i32 to index
      %get3A_984 = arith.constant 0 : index
      %get3A_985 = tpu.vector_load %arg9[%get3A_983, %get3A_984] {strides = array<i32>} : memref<384x64xf32, #tpu.memory_space<vmem>>, vector<16xf32>,
      %mul3A_986 = arith.mulf %get3A_985, %broadcast_in_dim3A_981 : vector<16xf32>
      tpu.vector_store_idx %arg12[%add3A_24, %broadcast_in_dim3A_982], %mul3A_986 : memref<64x385xf32, #tpu.memory_space<vmem>>[vector<16xi32>, vector<16xi32>], vector<16xf32>,
      %get3A_987 = arith.index_cast %add3A_978 : i32 to index
      %get3A_988 = arith.constant 16 : index
      %get3A_989 = tpu.vector_load %arg9[%get3A_987, %get3A_988] {strides = array<i32>} : memref<384x64xf32, #tpu.memory_space<vmem>>, vector<16xf32>,
      %mul3A_990 = arith.mulf %get3A_989, %broadcast_in_dim3A_981 : vector<16xf32>
      tpu.vector_store_idx %arg12[%add3A_27, %broadcast_in_dim3A_982], %mul3A_990 : memref<64x385xf32, #tpu.memory_space<vmem>>[vector<16xi32>, vector<16xi32>], vector<16xf32>,
      %get3A_991 = arith.index_cast %add3A_978 : i32 to index
      %get3A_992 = arith.constant 32 : index
      %get3A_993 = tpu.vector_load %arg9[%get3A_991, %get3A_992] {strides = array<i32>} : memref<384x64xf32, #tpu.memory_space<vmem>>, vector<16xf32>,
      %mul3A_994 = arith.mulf %get3A_993, %broadcast_in_dim3A_981 : vector<16xf32>
      tpu.vector_store_idx %arg12[%add3A_30, %broadcast_in_dim3A_982], %mul3A_994 : memref<64x385xf32, #tpu.memory_space<vmem>>[vector<16xi32>, vector<16xi32>], vector<16xf32>,
      %get3A_995 = arith.index_cast %add3A_978 : i32 to index
      %get3A_996 = arith.constant 48 : index
      %get3A_997 = tpu.vector_load %arg9[%get3A_995, %get3A_996] {strides = array<i32>} : memref<384x64xf32, #tpu.memory_space<vmem>>, vector<16xf32>,
      %mul3A_998 = arith.mulf %get3A_997, %broadcast_in_dim3A_981 : vector<16xf32>
      tpu.vector_store_idx %arg12[%add3A_33, %broadcast_in_dim3A_982], %mul3A_998 : memref<64x385xf32, #tpu.memory_space<vmem>>[vector<16xi32>, vector<16xi32>], vector<16xf32>,
      %add3A_999 = arith.constant 10 : i32
      %add3A_1000 = arith.addi %mul3A_774, %add3A_999 : i32
      %slice3A_1001 = vector.extract_strided_slice %get3A_778 {offsets = [10], sizes = [1], strides = [1]} : vector<16xf32> to vector<1xf32>
      %squeeze3A_1002 = vector.extract %slice3A_1001[0] : f32 from vector<1xf32>
      %broadcast_in_dim3A_1003 = vector.broadcast %squeeze3A_1002 : f32 to vector<16xf32>
      %broadcast_in_dim3A_1004 = vector.broadcast %add3A_1000 : i32 to vector<16xi32>
      %get3A_1005 = arith.index_cast %add3A_1000 : i32 to index
      %get3A_1006 = arith.constant 0 : index
      %get3A_1007 = tpu.vector_load %arg9[%get3A_1005, %get3A_1006] {strides = array<i32>} : memref<384x64xf32, #tpu.memory_space<vmem>>, vector<16xf32>,
      %mul3A_1008 = arith.mulf %get3A_1007, %broadcast_in_dim3A_1003 : vector<16xf32>
      tpu.vector_store_idx %arg12[%add3A_24, %broadcast_in_dim3A_1004], %mul3A_1008 : memref<64x385xf32, #tpu.memory_space<vmem>>[vector<16xi32>, vector<16xi32>], vector<16xf32>,
      %get3A_1009 = arith.index_cast %add3A_1000 : i32 to index
      %get3A_1010 = arith.constant 16 : index
      %get3A_1011 = tpu.vector_load %arg9[%get3A_1009, %get3A_1010] {strides = array<i32>} : memref<384x64xf32, #tpu.memory_space<vmem>>, vector<16xf32>,
      %mul3A_1012 = arith.mulf %get3A_1011, %broadcast_in_dim3A_1003 : vector<16xf32>
      tpu.vector_store_idx %arg12[%add3A_27, %broadcast_in_dim3A_1004], %mul3A_1012 : memref<64x385xf32, #tpu.memory_space<vmem>>[vector<16xi32>, vector<16xi32>], vector<16xf32>,
      %get3A_1013 = arith.index_cast %add3A_1000 : i32 to index
      %get3A_1014 = arith.constant 32 : index
      %get3A_1015 = tpu.vector_load %arg9[%get3A_1013, %get3A_1014] {strides = array<i32>} : memref<384x64xf32, #tpu.memory_space<vmem>>, vector<16xf32>,
      %mul3A_1016 = arith.mulf %get3A_1015, %broadcast_in_dim3A_1003 : vector<16xf32>
      tpu.vector_store_idx %arg12[%add3A_30, %broadcast_in_dim3A_1004], %mul3A_1016 : memref<64x385xf32, #tpu.memory_space<vmem>>[vector<16xi32>, vector<16xi32>], vector<16xf32>,
      %get3A_1017 = arith.index_cast %add3A_1000 : i32 to index
      %get3A_1018 = arith.constant 48 : index
      %get3A_1019 = tpu.vector_load %arg9[%get3A_1017, %get3A_1018] {strides = array<i32>} : memref<384x64xf32, #tpu.memory_space<vmem>>, vector<16xf32>,
      %mul3A_1020 = arith.mulf %get3A_1019, %broadcast_in_dim3A_1003 : vector<16xf32>
      tpu.vector_store_idx %arg12[%add3A_33, %broadcast_in_dim3A_1004], %mul3A_1020 : memref<64x385xf32, #tpu.memory_space<vmem>>[vector<16xi32>, vector<16xi32>], vector<16xf32>,
      %add3A_1021 = arith.constant 11 : i32
      %add3A_1022 = arith.addi %mul3A_774, %add3A_1021 : i32
      %slice3A_1023 = vector.extract_strided_slice %get3A_778 {offsets = [11], sizes = [1], strides = [1]} : vector<16xf32> to vector<1xf32>
      %squeeze3A_1024 = vector.extract %slice3A_1023[0] : f32 from vector<1xf32>
      %broadcast_in_dim3A_1025 = vector.broadcast %squeeze3A_1024 : f32 to vector<16xf32>
      %broadcast_in_dim3A_1026 = vector.broadcast %add3A_1022 : i32 to vector<16xi32>
      %get3A_1027 = arith.index_cast %add3A_1022 : i32 to index
      %get3A_1028 = arith.constant 0 : index
      %get3A_1029 = tpu.vector_load %arg9[%get3A_1027, %get3A_1028] {strides = array<i32>} : memref<384x64xf32, #tpu.memory_space<vmem>>, vector<16xf32>,
      %mul3A_1030 = arith.mulf %get3A_1029, %broadcast_in_dim3A_1025 : vector<16xf32>
      tpu.vector_store_idx %arg12[%add3A_24, %broadcast_in_dim3A_1026], %mul3A_1030 : memref<64x385xf32, #tpu.memory_space<vmem>>[vector<16xi32>, vector<16xi32>], vector<16xf32>,
      %get3A_1031 = arith.index_cast %add3A_1022 : i32 to index
      %get3A_1032 = arith.constant 16 : index
      %get3A_1033 = tpu.vector_load %arg9[%get3A_1031, %get3A_1032] {strides = array<i32>} : memref<384x64xf32, #tpu.memory_space<vmem>>, vector<16xf32>,
      %mul3A_1034 = arith.mulf %get3A_1033, %broadcast_in_dim3A_1025 : vector<16xf32>
      tpu.vector_store_idx %arg12[%add3A_27, %broadcast_in_dim3A_1026], %mul3A_1034 : memref<64x385xf32, #tpu.memory_space<vmem>>[vector<16xi32>, vector<16xi32>], vector<16xf32>,
      %get3A_1035 = arith.index_cast %add3A_1022 : i32 to index
      %get3A_1036 = arith.constant 32 : index
      %get3A_1037 = tpu.vector_load %arg9[%get3A_1035, %get3A_1036] {strides = array<i32>} : memref<384x64xf32, #tpu.memory_space<vmem>>, vector<16xf32>,
      %mul3A_1038 = arith.mulf %get3A_1037, %broadcast_in_dim3A_1025 : vector<16xf32>
      tpu.vector_store_idx %arg12[%add3A_30, %broadcast_in_dim3A_1026], %mul3A_1038 : memref<64x385xf32, #tpu.memory_space<vmem>>[vector<16xi32>, vector<16xi32>], vector<16xf32>,
      %get3A_1039 = arith.index_cast %add3A_1022 : i32 to index
      %get3A_1040 = arith.constant 48 : index
      %get3A_1041 = tpu.vector_load %arg9[%get3A_1039, %get3A_1040] {strides = array<i32>} : memref<384x64xf32, #tpu.memory_space<vmem>>, vector<16xf32>,
      %mul3A_1042 = arith.mulf %get3A_1041, %broadcast_in_dim3A_1025 : vector<16xf32>
      tpu.vector_store_idx %arg12[%add3A_33, %broadcast_in_dim3A_1026], %mul3A_1042 : memref<64x385xf32, #tpu.memory_space<vmem>>[vector<16xi32>, vector<16xi32>], vector<16xf32>,
      %add3A_1043 = arith.constant 12 : i32
      %add3A_1044 = arith.addi %mul3A_774, %add3A_1043 : i32
      %slice3A_1045 = vector.extract_strided_slice %get3A_778 {offsets = [12], sizes = [1], strides = [1]} : vector<16xf32> to vector<1xf32>
      %squeeze3A_1046 = vector.extract %slice3A_1045[0] : f32 from vector<1xf32>
      %broadcast_in_dim3A_1047 = vector.broadcast %squeeze3A_1046 : f32 to vector<16xf32>
      %broadcast_in_dim3A_1048 = vector.broadcast %add3A_1044 : i32 to vector<16xi32>
      %get3A_1049 = arith.index_cast %add3A_1044 : i32 to index
      %get3A_1050 = arith.constant 0 : index
      %get3A_1051 = tpu.vector_load %arg9[%get3A_1049, %get3A_1050] {strides = array<i32>} : memref<384x64xf32, #tpu.memory_space<vmem>>, vector<16xf32>,
      %mul3A_1052 = arith.mulf %get3A_1051, %broadcast_in_dim3A_1047 : vector<16xf32>
      tpu.vector_store_idx %arg12[%add3A_24, %broadcast_in_dim3A_1048], %mul3A_1052 : memref<64x385xf32, #tpu.memory_space<vmem>>[vector<16xi32>, vector<16xi32>], vector<16xf32>,
      %get3A_1053 = arith.index_cast %add3A_1044 : i32 to index
      %get3A_1054 = arith.constant 16 : index
      %get3A_1055 = tpu.vector_load %arg9[%get3A_1053, %get3A_1054] {strides = array<i32>} : memref<384x64xf32, #tpu.memory_space<vmem>>, vector<16xf32>,
      %mul3A_1056 = arith.mulf %get3A_1055, %broadcast_in_dim3A_1047 : vector<16xf32>
      tpu.vector_store_idx %arg12[%add3A_27, %broadcast_in_dim3A_1048], %mul3A_1056 : memref<64x385xf32, #tpu.memory_space<vmem>>[vector<16xi32>, vector<16xi32>], vector<16xf32>,
      %get3A_1057 = arith.index_cast %add3A_1044 : i32 to index
      %get3A_1058 = arith.constant 32 : index
      %get3A_1059 = tpu.vector_load %arg9[%get3A_1057, %get3A_1058] {strides = array<i32>} : memref<384x64xf32, #tpu.memory_space<vmem>>, vector<16xf32>,
      %mul3A_1060 = arith.mulf %get3A_1059, %broadcast_in_dim3A_1047 : vector<16xf32>
      tpu.vector_store_idx %arg12[%add3A_30, %broadcast_in_dim3A_1048], %mul3A_1060 : memref<64x385xf32, #tpu.memory_space<vmem>>[vector<16xi32>, vector<16xi32>], vector<16xf32>,
      %get3A_1061 = arith.index_cast %add3A_1044 : i32 to index
      %get3A_1062 = arith.constant 48 : index
      %get3A_1063 = tpu.vector_load %arg9[%get3A_1061, %get3A_1062] {strides = array<i32>} : memref<384x64xf32, #tpu.memory_space<vmem>>, vector<16xf32>,
      %mul3A_1064 = arith.mulf %get3A_1063, %broadcast_in_dim3A_1047 : vector<16xf32>
      tpu.vector_store_idx %arg12[%add3A_33, %broadcast_in_dim3A_1048], %mul3A_1064 : memref<64x385xf32, #tpu.memory_space<vmem>>[vector<16xi32>, vector<16xi32>], vector<16xf32>,
      %add3A_1065 = arith.constant 13 : i32
      %add3A_1066 = arith.addi %mul3A_774, %add3A_1065 : i32
      %slice3A_1067 = vector.extract_strided_slice %get3A_778 {offsets = [13], sizes = [1], strides = [1]} : vector<16xf32> to vector<1xf32>
      %squeeze3A_1068 = vector.extract %slice3A_1067[0] : f32 from vector<1xf32>
      %broadcast_in_dim3A_1069 = vector.broadcast %squeeze3A_1068 : f32 to vector<16xf32>
      %broadcast_in_dim3A_1070 = vector.broadcast %add3A_1066 : i32 to vector<16xi32>
      %get3A_1071 = arith.index_cast %add3A_1066 : i32 to index
      %get3A_1072 = arith.constant 0 : index
      %get3A_1073 = tpu.vector_load %arg9[%get3A_1071, %get3A_1072] {strides = array<i32>} : memref<384x64xf32, #tpu.memory_space<vmem>>, vector<16xf32>,
      %mul3A_1074 = arith.mulf %get3A_1073, %broadcast_in_dim3A_1069 : vector<16xf32>
      tpu.vector_store_idx %arg12[%add3A_24, %broadcast_in_dim3A_1070], %mul3A_1074 : memref<64x385xf32, #tpu.memory_space<vmem>>[vector<16xi32>, vector<16xi32>], vector<16xf32>,
      %get3A_1075 = arith.index_cast %add3A_1066 : i32 to index
      %get3A_1076 = arith.constant 16 : index
      %get3A_1077 = tpu.vector_load %arg9[%get3A_1075, %get3A_1076] {strides = array<i32>} : memref<384x64xf32, #tpu.memory_space<vmem>>, vector<16xf32>,
      %mul3A_1078 = arith.mulf %get3A_1077, %broadcast_in_dim3A_1069 : vector<16xf32>
      tpu.vector_store_idx %arg12[%add3A_27, %broadcast_in_dim3A_1070], %mul3A_1078 : memref<64x385xf32, #tpu.memory_space<vmem>>[vector<16xi32>, vector<16xi32>], vector<16xf32>,
      %get3A_1079 = arith.index_cast %add3A_1066 : i32 to index
      %get3A_1080 = arith.constant 32 : index
      %get3A_1081 = tpu.vector_load %arg9[%get3A_1079, %get3A_1080] {strides = array<i32>} : memref<384x64xf32, #tpu.memory_space<vmem>>, vector<16xf32>,
      %mul3A_1082 = arith.mulf %get3A_1081, %broadcast_in_dim3A_1069 : vector<16xf32>
      tpu.vector_store_idx %arg12[%add3A_30, %broadcast_in_dim3A_1070], %mul3A_1082 : memref<64x385xf32, #tpu.memory_space<vmem>>[vector<16xi32>, vector<16xi32>], vector<16xf32>,
      %get3A_1083 = arith.index_cast %add3A_1066 : i32 to index
      %get3A_1084 = arith.constant 48 : index
      %get3A_1085 = tpu.vector_load %arg9[%get3A_1083, %get3A_1084] {strides = array<i32>} : memref<384x64xf32, #tpu.memory_space<vmem>>, vector<16xf32>,
      %mul3A_1086 = arith.mulf %get3A_1085, %broadcast_in_dim3A_1069 : vector<16xf32>
      tpu.vector_store_idx %arg12[%add3A_33, %broadcast_in_dim3A_1070], %mul3A_1086 : memref<64x385xf32, #tpu.memory_space<vmem>>[vector<16xi32>, vector<16xi32>], vector<16xf32>,
      %add3A_1087 = arith.constant 14 : i32
      %add3A_1088 = arith.addi %mul3A_774, %add3A_1087 : i32
      %slice3A_1089 = vector.extract_strided_slice %get3A_778 {offsets = [14], sizes = [1], strides = [1]} : vector<16xf32> to vector<1xf32>
      %squeeze3A_1090 = vector.extract %slice3A_1089[0] : f32 from vector<1xf32>
      %broadcast_in_dim3A_1091 = vector.broadcast %squeeze3A_1090 : f32 to vector<16xf32>
      %broadcast_in_dim3A_1092 = vector.broadcast %add3A_1088 : i32 to vector<16xi32>
      %get3A_1093 = arith.index_cast %add3A_1088 : i32 to index
      %get3A_1094 = arith.constant 0 : index
      %get3A_1095 = tpu.vector_load %arg9[%get3A_1093, %get3A_1094] {strides = array<i32>} : memref<384x64xf32, #tpu.memory_space<vmem>>, vector<16xf32>,
      %mul3A_1096 = arith.mulf %get3A_1095, %broadcast_in_dim3A_1091 : vector<16xf32>
      tpu.vector_store_idx %arg12[%add3A_24, %broadcast_in_dim3A_1092], %mul3A_1096 : memref<64x385xf32, #tpu.memory_space<vmem>>[vector<16xi32>, vector<16xi32>], vector<16xf32>,
      %get3A_1097 = arith.index_cast %add3A_1088 : i32 to index
      %get3A_1098 = arith.constant 16 : index
      %get3A_1099 = tpu.vector_load %arg9[%get3A_1097, %get3A_1098] {strides = array<i32>} : memref<384x64xf32, #tpu.memory_space<vmem>>, vector<16xf32>,
      %mul3A_1100 = arith.mulf %get3A_1099, %broadcast_in_dim3A_1091 : vector<16xf32>
      tpu.vector_store_idx %arg12[%add3A_27, %broadcast_in_dim3A_1092], %mul3A_1100 : memref<64x385xf32, #tpu.memory_space<vmem>>[vector<16xi32>, vector<16xi32>], vector<16xf32>,
      %get3A_1101 = arith.index_cast %add3A_1088 : i32 to index
      %get3A_1102 = arith.constant 32 : index
      %get3A_1103 = tpu.vector_load %arg9[%get3A_1101, %get3A_1102] {strides = array<i32>} : memref<384x64xf32, #tpu.memory_space<vmem>>, vector<16xf32>,
      %mul3A_1104 = arith.mulf %get3A_1103, %broadcast_in_dim3A_1091 : vector<16xf32>
      tpu.vector_store_idx %arg12[%add3A_30, %broadcast_in_dim3A_1092], %mul3A_1104 : memref<64x385xf32, #tpu.memory_space<vmem>>[vector<16xi32>, vector<16xi32>], vector<16xf32>,
      %get3A_1105 = arith.index_cast %add3A_1088 : i32 to index
      %get3A_1106 = arith.constant 48 : index
      %get3A_1107 = tpu.vector_load %arg9[%get3A_1105, %get3A_1106] {strides = array<i32>} : memref<384x64xf32, #tpu.memory_space<vmem>>, vector<16xf32>,
      %mul3A_1108 = arith.mulf %get3A_1107, %broadcast_in_dim3A_1091 : vector<16xf32>
      tpu.vector_store_idx %arg12[%add3A_33, %broadcast_in_dim3A_1092], %mul3A_1108 : memref<64x385xf32, #tpu.memory_space<vmem>>[vector<16xi32>, vector<16xi32>], vector<16xf32>,
      %add3A_1109 = arith.constant 15 : i32
      %add3A_1110 = arith.addi %mul3A_774, %add3A_1109 : i32
      %slice3A_1111 = vector.extract_strided_slice %get3A_778 {offsets = [15], sizes = [1], strides = [1]} : vector<16xf32> to vector<1xf32>
      %squeeze3A_1112 = vector.extract %slice3A_1111[0] : f32 from vector<1xf32>
      %broadcast_in_dim3A_1113 = vector.broadcast %squeeze3A_1112 : f32 to vector<16xf32>
      %broadcast_in_dim3A_1114 = vector.broadcast %add3A_1110 : i32 to vector<16xi32>
      %get3A_1115 = arith.index_cast %add3A_1110 : i32 to index
      %get3A_1116 = arith.constant 0 : index
      %get3A_1117 = tpu.vector_load %arg9[%get3A_1115, %get3A_1116] {strides = array<i32>} : memref<384x64xf32, #tpu.memory_space<vmem>>, vector<16xf32>,
      %mul3A_1118 = arith.mulf %get3A_1117, %broadcast_in_dim3A_1113 : vector<16xf32>
      tpu.vector_store_idx %arg12[%add3A_24, %broadcast_in_dim3A_1114], %mul3A_1118 : memref<64x385xf32, #tpu.memory_space<vmem>>[vector<16xi32>, vector<16xi32>], vector<16xf32>,
      %get3A_1119 = arith.index_cast %add3A_1110 : i32 to index
      %get3A_1120 = arith.constant 16 : index
      %get3A_1121 = tpu.vector_load %arg9[%get3A_1119, %get3A_1120] {strides = array<i32>} : memref<384x64xf32, #tpu.memory_space<vmem>>, vector<16xf32>,
      %mul3A_1122 = arith.mulf %get3A_1121, %broadcast_in_dim3A_1113 : vector<16xf32>
      tpu.vector_store_idx %arg12[%add3A_27, %broadcast_in_dim3A_1114], %mul3A_1122 : memref<64x385xf32, #tpu.memory_space<vmem>>[vector<16xi32>, vector<16xi32>], vector<16xf32>,
      %get3A_1123 = arith.index_cast %add3A_1110 : i32 to index
      %get3A_1124 = arith.constant 32 : index
      %get3A_1125 = tpu.vector_load %arg9[%get3A_1123, %get3A_1124] {strides = array<i32>} : memref<384x64xf32, #tpu.memory_space<vmem>>, vector<16xf32>,
      %mul3A_1126 = arith.mulf %get3A_1125, %broadcast_in_dim3A_1113 : vector<16xf32>
      tpu.vector_store_idx %arg12[%add3A_30, %broadcast_in_dim3A_1114], %mul3A_1126 : memref<64x385xf32, #tpu.memory_space<vmem>>[vector<16xi32>, vector<16xi32>], vector<16xf32>,
      %get3A_1127 = arith.index_cast %add3A_1110 : i32 to index
      %get3A_1128 = arith.constant 48 : index
      %get3A_1129 = tpu.vector_load %arg9[%get3A_1127, %get3A_1128] {strides = array<i32>} : memref<384x64xf32, #tpu.memory_space<vmem>>, vector<16xf32>,
      %mul3A_1130 = arith.mulf %get3A_1129, %broadcast_in_dim3A_1113 : vector<16xf32>
      tpu.vector_store_idx %arg12[%add3A_33, %broadcast_in_dim3A_1114], %mul3A_1130 : memref<64x385xf32, #tpu.memory_space<vmem>>[vector<16xi32>, vector<16xi32>], vector<16xf32>,
      %scan3A_1131 = arith.constant 1 : i32
      %add3A_1132 = arith.constant 3 : i32
      %add3A_1133 = arith.addi %add3A_722, %add3A_1132 : i32
      %lt3A_1134 = arith.constant 48 : i32
      %lt3A_1135 = arith.cmpi slt, %add3A_1133, %lt3A_1134 : i32
      %convert_element_type3A_1136 = arith.extui %lt3A_1135 : i1 to i32
      %cond3A_1137 = arith.constant 0 : i32
      %cond3A_1138 = arith.cmpi ne, %convert_element_type3A_1136, %cond3A_1137 : i32
      scf.if %cond3A_1138 {
        %add3A_2929 = arith.constant 3 : i32
        %add3A_2930 = arith.addi %add3A_722, %add3A_2929 : i32
        %add3A_2931 = arith.addi %mul3A_21, %add3A_2930 : i32
        %dma_wait3A_2932 = arith.constant 0 : i32
        %dma_wait3A_2933 = arith.constant 1536 : i32
        %dma_wait3A_2934 = tpu.memref_slice %arg6[%dma_wait3A_2933] : memref<2304xi32, #tpu.memory_space<vmem>> -> memref<384xi32, #tpu.memory_space<vmem>>
        %dma_wait3A_2935 = arith.constant 0 : i32
        %dma_wait3A_2936 = tpu.memref_slice %arg2[%select_n3A, %dma_wait3A_2932, %add3A_2931, %dma_wait3A_2935] : memref<4x1x384x384xi32, #tpu.memory_space<hbm>> -> memref<1x1x1x384xi32, #tpu.memory_space<hbm>>
        %dma_wait3A_2937 = tpu.memref_squeeze %dma_wait3A_2936 : memref<1x1x1x384xi32, #tpu.memory_space<hbm>> -> memref<384xi32, #tpu.memory_space<hbm>>
        %dma_wait3A_2938 = arith.constant 1536 : i32
        %dma_wait3A_2939 = tpu.memref_slice %arg6[%dma_wait3A_2938] : memref<2304xi32, #tpu.memory_space<vmem>> -> memref<384xi32, #tpu.memory_space<vmem>>
        %dma_wait3A_2940 = arith.constant 0 : i32
        %dma_wait3A_2941 = tpu.memref_slice %arg2[%select_n3A, %dma_wait3A_2932, %add3A_2931, %dma_wait3A_2940] : memref<4x1x384x384xi32, #tpu.memory_space<hbm>> -> memref<1x1x1x384xi32, #tpu.memory_space<hbm>>
        %dma_wait3A_2942 = tpu.memref_squeeze %dma_wait3A_2941 : memref<1x1x1x384xi32, #tpu.memory_space<hbm>> -> memref<384xi32, #tpu.memory_space<hbm>>
        tpu.wait_dma2 semaphore(%arg22 : memref<!tpu.dma_semaphore, #tpu.memory_space<semaphore_mem>>) src(%dma_wait3A_2942 : memref<384xi32, #tpu.memory_space<hbm>>) dst(%dma_wait3A_2939 : memref<384xi32, #tpu.memory_space<vmem>>)
        %dma_start3A_2943 = arith.constant 0 : i32
        %dma_start3A_2944 = arith.constant 0 : i32
        %dma_start3A_2945 = tpu.memref_slice %arg9[%dma_start3A_2943, %dma_start3A_2944] : memref<384x64xf32, #tpu.memory_space<vmem>> -> memref<128x64xf32, #tpu.memory_space<vmem>>
        %dma_start3A_2946 = arith.constant 1536 : i32
        %dma_start3A_2947 = tpu.memref_slice %arg6[%dma_start3A_2946] : memref<2304xi32, #tpu.memory_space<vmem>> -> memref<128xi32, #tpu.memory_space<vmem>>
        %dma_start3A_2948 = arith.constant 0 : i32
        %dma_start3A_2949 = arith.constant 0 : i32
        %dma_start3A_2950 = tpu.memref_slice %arg4[%dma_start3A_2948, %dma_start3A_2949] : memref<100000x64xf32, #tpu.memory_space<hbm>> -> memref<100000x64xf32, #tpu.memory_space<hbm>>
        tpu.enqueue_indirect_dma source(%dma_start3A_2950 : memref<100000x64xf32, #tpu.memory_space<hbm>>) target(%dma_start3A_2945 : memref<128x64xf32, #tpu.memory_space<vmem>>) offsets(%dma_start3A_2947 : memref<128xi32, #tpu.memory_space<vmem>>) semaphore(%arg14 : memref<!tpu.dma_semaphore, #tpu.memory_space<semaphore_mem>>)
        %dma_start3A_2951 = arith.constant 128 : i32
        %dma_start3A_2952 = arith.constant 0 : i32
        %dma_start3A_2953 = tpu.memref_slice %arg9[%dma_start3A_2951, %dma_start3A_2952] : memref<384x64xf32, #tpu.memory_space<vmem>> -> memref<128x64xf32, #tpu.memory_space<vmem>>
        %dma_start3A_2954 = arith.constant 1664 : i32
        %dma_start3A_2955 = tpu.memref_slice %arg6[%dma_start3A_2954] : memref<2304xi32, #tpu.memory_space<vmem>> -> memref<128xi32, #tpu.memory_space<vmem>>
        %dma_start3A_2956 = arith.constant 0 : i32
        %dma_start3A_2957 = arith.constant 0 : i32
        %dma_start3A_2958 = tpu.memref_slice %arg4[%dma_start3A_2956, %dma_start3A_2957] : memref<100000x64xf32, #tpu.memory_space<hbm>> -> memref<100000x64xf32, #tpu.memory_space<hbm>>
        tpu.enqueue_indirect_dma source(%dma_start3A_2958 : memref<100000x64xf32, #tpu.memory_space<hbm>>) target(%dma_start3A_2953 : memref<128x64xf32, #tpu.memory_space<vmem>>) offsets(%dma_start3A_2955 : memref<128xi32, #tpu.memory_space<vmem>>) semaphore(%arg14 : memref<!tpu.dma_semaphore, #tpu.memory_space<semaphore_mem>>)
        %dma_start3A_2959 = arith.constant 256 : i32
        %dma_start3A_2960 = arith.constant 0 : i32
        %dma_start3A_2961 = tpu.memref_slice %arg9[%dma_start3A_2959, %dma_start3A_2960] : memref<384x64xf32, #tpu.memory_space<vmem>> -> memref<128x64xf32, #tpu.memory_space<vmem>>
        %dma_start3A_2962 = arith.constant 1792 : i32
        %dma_start3A_2963 = tpu.memref_slice %arg6[%dma_start3A_2962] : memref<2304xi32, #tpu.memory_space<vmem>> -> memref<128xi32, #tpu.memory_space<vmem>>
        %dma_start3A_2964 = arith.constant 0 : i32
        %dma_start3A_2965 = arith.constant 0 : i32
        %dma_start3A_2966 = tpu.memref_slice %arg4[%dma_start3A_2964, %dma_start3A_2965] : memref<100000x64xf32, #tpu.memory_space<hbm>> -> memref<100000x64xf32, #tpu.memory_space<hbm>>
        tpu.enqueue_indirect_dma source(%dma_start3A_2966 : memref<100000x64xf32, #tpu.memory_space<hbm>>) target(%dma_start3A_2961 : memref<128x64xf32, #tpu.memory_space<vmem>>) offsets(%dma_start3A_2963 : memref<128xi32, #tpu.memory_space<vmem>>) semaphore(%arg14 : memref<!tpu.dma_semaphore, #tpu.memory_space<semaphore_mem>>)
      } else {
      }
      %add3A_1139 = arith.constant 2 : i32
      %add3A_1140 = arith.addi %add3A_722, %add3A_1139 : i32
      %lt3A_1141 = arith.constant 48 : i32
      %lt3A_1142 = arith.cmpi slt, %add3A_1140, %lt3A_1141 : i32
      %convert_element_type3A_1143 = arith.extui %lt3A_1142 : i1 to i32
      %cond3A_1144 = arith.constant 0 : i32
      %cond3A_1145 = arith.cmpi ne, %convert_element_type3A_1143, %cond3A_1144 : i32
      scf.if %cond3A_1145 {
        %add3A_2929 = arith.constant 2 : i32
        %add3A_2930 = arith.addi %add3A_722, %add3A_2929 : i32
        %add3A_2931 = arith.addi %mul3A_21, %add3A_2930 : i32
        %dma_start3A_2932 = arith.constant 0 : i32
        %dma_start3A_2933 = arith.constant 384 : i32
        %dma_start3A_2934 = tpu.memref_slice %arg7[%dma_start3A_2933] : memref<768xf32, #tpu.memory_space<vmem>> -> memref<384xf32, #tpu.memory_space<vmem>>
        %dma_start3A_2935 = arith.constant 0 : i32
        %dma_start3A_2936 = tpu.memref_slice %arg3[%select_n3A, %dma_start3A_2932, %add3A_2931, %dma_start3A_2935] : memref<4x1x384x384xf32, #tpu.memory_space<hbm>> -> memref<1x1x1x384xf32, #tpu.memory_space<hbm>>
        %dma_start3A_2937 = tpu.memref_squeeze %dma_start3A_2936 : memref<1x1x1x384xf32, #tpu.memory_space<hbm>> -> memref<384xf32, #tpu.memory_space<hbm>>
        %dma_start3A_2938 = arith.constant 384 : i32
        %dma_start3A_2939 = tpu.memref_slice %arg7[%dma_start3A_2938] : memref<768xf32, #tpu.memory_space<vmem>> -> memref<384xf32, #tpu.memory_space<vmem>>
        %dma_start3A_2940 = arith.constant 0 : i32
        %dma_start3A_2941 = tpu.memref_slice %arg3[%select_n3A, %dma_start3A_2932, %add3A_2931, %dma_start3A_2940] : memref<4x1x384x384xf32, #tpu.memory_space<hbm>> -> memref<1x1x1x384xf32, #tpu.memory_space<hbm>>
        %dma_start3A_2942 = tpu.memref_squeeze %dma_start3A_2941 : memref<1x1x1x384xf32, #tpu.memory_space<hbm>> -> memref<384xf32, #tpu.memory_space<hbm>>
        tpu.enqueue_dma source(%dma_start3A_2942 : memref<384xf32, #tpu.memory_space<hbm>>) target(%dma_start3A_2939 : memref<384xf32, #tpu.memory_space<vmem>>) target_semaphore(%arg25 : memref<!tpu.dma_semaphore, #tpu.memory_space<semaphore_mem>>)
      } else {
      }
      %add3A_1146 = arith.addi %mul3A_21, %add3A_722 : i32
      %dma_start3A_1147 = arith.constant 0 : i32
      %dma_start3A_1148 = arith.constant 0 : i32
      %dma_start3A_1149 = tpu.memref_slice %arg12[%dma_start3A_1147, %dma_start3A_1148] : memref<64x385xf32, #tpu.memory_space<vmem>> -> memref<64x384xf32, #tpu.memory_space<vmem>>
      %dma_start3A_1150 = arith.constant 0 : i32
      %dma_start3A_1151 = arith.constant 0 : i32
      %dma_start3A_1152 = tpu.memref_slice %arg5[%select_n3A, %dma_start3A_1150, %add3A_1146, %dma_start3A_1151] : memref<4x64x384x384xf32, #tpu.memory_space<hbm>> -> memref<1x64x1x384xf32, #tpu.memory_space<hbm>>
      %dma_start3A_1153 = tpu.memref_squeeze %dma_start3A_1152 : memref<1x64x1x384xf32, #tpu.memory_space<hbm>> -> memref<64x384xf32, #tpu.memory_space<hbm>>
      %dma_start3A_1154 = arith.constant 0 : i32
      %dma_start3A_1155 = arith.constant 0 : i32
      %dma_start3A_1156 = tpu.memref_slice %arg5[%select_n3A, %dma_start3A_1154, %add3A_1146, %dma_start3A_1155] : memref<4x64x384x384xf32, #tpu.memory_space<hbm>> -> memref<1x64x1x384xf32, #tpu.memory_space<hbm>>
      %dma_start3A_1157 = tpu.memref_squeeze %dma_start3A_1156 : memref<1x64x1x384xf32, #tpu.memory_space<hbm>> -> memref<64x384xf32, #tpu.memory_space<hbm>>
      %dma_start3A_1158 = arith.constant 0 : i32
      %dma_start3A_1159 = arith.constant 0 : i32
      %dma_start3A_1160 = tpu.memref_slice %arg12[%dma_start3A_1158, %dma_start3A_1159] : memref<64x385xf32, #tpu.memory_space<vmem>> -> memref<64x384xf32, #tpu.memory_space<vmem>>
      tpu.enqueue_dma source(%dma_start3A_1160 : memref<64x384xf32, #tpu.memory_space<vmem>>) target(%dma_start3A_1157 : memref<64x384xf32, #tpu.memory_space<hbm>>) target_semaphore(%arg17 : memref<!tpu.dma_semaphore, #tpu.memory_space<semaphore_mem>>)
      %mul3A_1161 = arith.constant 6 : i32
      %mul3A_1162 = arith.muli %scan3A_284, %mul3A_1161 : i32
      %add3A_1163 = arith.constant 2 : i32
      %add3A_1164 = arith.addi %mul3A_1162, %add3A_1163 : i32
      %dma_wait3A_1165 = arith.constant 0 : i32
      %dma_wait3A_1166 = arith.constant 0 : i32
      %dma_wait3A_1167 = tpu.memref_slice %arg10[%dma_wait3A_1165, %dma_wait3A_1166] : memref<384x64xf32, #tpu.memory_space<vmem>> -> memref<128x64xf32, #tpu.memory_space<vmem>>
      %dma_wait3A_1168 = arith.constant 768 : i32
      %dma_wait3A_1169 = tpu.memref_slice %arg6[%dma_wait3A_1168] : memref<2304xi32, #tpu.memory_space<vmem>> -> memref<128xi32, #tpu.memory_space<vmem>>
      %dma_wait3A_1170 = arith.constant 0 : i32
      %dma_wait3A_1171 = arith.constant 0 : i32
      %dma_wait3A_1172 = tpu.memref_slice %arg4[%dma_wait3A_1170, %dma_wait3A_1171] : memref<100000x64xf32, #tpu.memory_space<hbm>> -> memref<100000x64xf32, #tpu.memory_space<hbm>>
      tpu.wait_indirect_dma semaphore(%arg15 : memref<!tpu.dma_semaphore, #tpu.memory_space<semaphore_mem>>) src(%dma_wait3A_1172 : memref<100000x64xf32, #tpu.memory_space<hbm>>) dst(%dma_wait3A_1167 : memref<128x64xf32, #tpu.memory_space<vmem>>)
      %dma_wait3A_1173 = arith.constant 128 : i32
      %dma_wait3A_1174 = arith.constant 0 : i32
      %dma_wait3A_1175 = tpu.memref_slice %arg10[%dma_wait3A_1173, %dma_wait3A_1174] : memref<384x64xf32, #tpu.memory_space<vmem>> -> memref<128x64xf32, #tpu.memory_space<vmem>>
      %dma_wait3A_1176 = arith.constant 896 : i32
      %dma_wait3A_1177 = tpu.memref_slice %arg6[%dma_wait3A_1176] : memref<2304xi32, #tpu.memory_space<vmem>> -> memref<128xi32, #tpu.memory_space<vmem>>
      %dma_wait3A_1178 = arith.constant 0 : i32
      %dma_wait3A_1179 = arith.constant 0 : i32
      %dma_wait3A_1180 = tpu.memref_slice %arg4[%dma_wait3A_1178, %dma_wait3A_1179] : memref<100000x64xf32, #tpu.memory_space<hbm>> -> memref<100000x64xf32, #tpu.memory_space<hbm>>
      tpu.wait_indirect_dma semaphore(%arg15 : memref<!tpu.dma_semaphore, #tpu.memory_space<semaphore_mem>>) src(%dma_wait3A_1180 : memref<100000x64xf32, #tpu.memory_space<hbm>>) dst(%dma_wait3A_1175 : memref<128x64xf32, #tpu.memory_space<vmem>>)
      %dma_wait3A_1181 = arith.constant 256 : i32
      %dma_wait3A_1182 = arith.constant 0 : i32
      %dma_wait3A_1183 = tpu.memref_slice %arg10[%dma_wait3A_1181, %dma_wait3A_1182] : memref<384x64xf32, #tpu.memory_space<vmem>> -> memref<128x64xf32, #tpu.memory_space<vmem>>
      %dma_wait3A_1184 = arith.constant 1024 : i32
      %dma_wait3A_1185 = tpu.memref_slice %arg6[%dma_wait3A_1184] : memref<2304xi32, #tpu.memory_space<vmem>> -> memref<128xi32, #tpu.memory_space<vmem>>
      %dma_wait3A_1186 = arith.constant 0 : i32
      %dma_wait3A_1187 = arith.constant 0 : i32
      %dma_wait3A_1188 = tpu.memref_slice %arg4[%dma_wait3A_1186, %dma_wait3A_1187] : memref<100000x64xf32, #tpu.memory_space<hbm>> -> memref<100000x64xf32, #tpu.memory_space<hbm>>
      tpu.wait_indirect_dma semaphore(%arg15 : memref<!tpu.dma_semaphore, #tpu.memory_space<semaphore_mem>>) src(%dma_wait3A_1188 : memref<100000x64xf32, #tpu.memory_space<hbm>>) dst(%dma_wait3A_1183 : memref<128x64xf32, #tpu.memory_space<vmem>>)
      %add3A_1189 = arith.addi %mul3A_21, %add3A_1164 : i32
      %dma_wait3A_1190 = arith.constant 0 : i32
      %dma_wait3A_1191 = arith.constant 0 : i32
      %dma_wait3A_1192 = tpu.memref_slice %arg7[%dma_wait3A_1191] : memref<768xf32, #tpu.memory_space<vmem>> -> memref<384xf32, #tpu.memory_space<vmem>>
      %dma_wait3A_1193 = arith.constant 0 : i32
      %dma_wait3A_1194 = tpu.memref_slice %arg3[%select_n3A, %dma_wait3A_1190, %add3A_1189, %dma_wait3A_1193] : memref<4x1x384x384xf32, #tpu.memory_space<hbm>> -> memref<1x1x1x384xf32, #tpu.memory_space<hbm>>
      %dma_wait3A_1195 = tpu.memref_squeeze %dma_wait3A_1194 : memref<1x1x1x384xf32, #tpu.memory_space<hbm>> -> memref<384xf32, #tpu.memory_space<hbm>>
      %dma_wait3A_1196 = arith.constant 0 : i32
      %dma_wait3A_1197 = tpu.memref_slice %arg7[%dma_wait3A_1196] : memref<768xf32, #tpu.memory_space<vmem>> -> memref<384xf32, #tpu.memory_space<vmem>>
      %dma_wait3A_1198 = arith.constant 0 : i32
      %dma_wait3A_1199 = tpu.memref_slice %arg3[%select_n3A, %dma_wait3A_1190, %add3A_1189, %dma_wait3A_1198] : memref<4x1x384x384xf32, #tpu.memory_space<hbm>> -> memref<1x1x1x384xf32, #tpu.memory_space<hbm>>
      %dma_wait3A_1200 = tpu.memref_squeeze %dma_wait3A_1199 : memref<1x1x1x384xf32, #tpu.memory_space<hbm>> -> memref<384xf32, #tpu.memory_space<hbm>>
      tpu.wait_dma2 semaphore(%arg24 : memref<!tpu.dma_semaphore, #tpu.memory_space<semaphore_mem>>) src(%dma_wait3A_1200 : memref<384xf32, #tpu.memory_space<hbm>>) dst(%dma_wait3A_1197 : memref<384xf32, #tpu.memory_space<vmem>>)
      %add3A_1201 = arith.constant 6 : i32
      %add3A_1202 = arith.addi %add3A_1164, %add3A_1201 : i32
      %lt3A_1203 = arith.constant 48 : i32
      %lt3A_1204 = arith.cmpi slt, %add3A_1202, %lt3A_1203 : i32
      %convert_element_type3A_1205 = arith.extui %lt3A_1204 : i1 to i32
      %cond3A_1206 = arith.constant 0 : i32
      %cond3A_1207 = arith.cmpi ne, %convert_element_type3A_1205, %cond3A_1206 : i32
      scf.if %cond3A_1207 {
        %add3A_2929 = arith.constant 6 : i32
        %add3A_2930 = arith.addi %add3A_1164, %add3A_2929 : i32
        %add3A_2931 = arith.addi %mul3A_21, %add3A_2930 : i32
        %dma_start3A_2932 = arith.constant 0 : i32
        %dma_start3A_2933 = arith.constant 768 : i32
        %dma_start3A_2934 = tpu.memref_slice %arg6[%dma_start3A_2933] : memref<2304xi32, #tpu.memory_space<vmem>> -> memref<384xi32, #tpu.memory_space<vmem>>
        %dma_start3A_2935 = arith.constant 0 : i32
        %dma_start3A_2936 = tpu.memref_slice %arg2[%select_n3A, %dma_start3A_2932, %add3A_2931, %dma_start3A_2935] : memref<4x1x384x384xi32, #tpu.memory_space<hbm>> -> memref<1x1x1x384xi32, #tpu.memory_space<hbm>>
        %dma_start3A_2937 = tpu.memref_squeeze %dma_start3A_2936 : memref<1x1x1x384xi32, #tpu.memory_space<hbm>> -> memref<384xi32, #tpu.memory_space<hbm>>
        %dma_start3A_2938 = arith.constant 768 : i32
        %dma_start3A_2939 = tpu.memref_slice %arg6[%dma_start3A_2938] : memref<2304xi32, #tpu.memory_space<vmem>> -> memref<384xi32, #tpu.memory_space<vmem>>
        %dma_start3A_2940 = arith.constant 0 : i32
        %dma_start3A_2941 = tpu.memref_slice %arg2[%select_n3A, %dma_start3A_2932, %add3A_2931, %dma_start3A_2940] : memref<4x1x384x384xi32, #tpu.memory_space<hbm>> -> memref<1x1x1x384xi32, #tpu.memory_space<hbm>>
        %dma_start3A_2942 = tpu.memref_squeeze %dma_start3A_2941 : memref<1x1x1x384xi32, #tpu.memory_space<hbm>> -> memref<384xi32, #tpu.memory_space<hbm>>
        tpu.enqueue_dma source(%dma_start3A_2942 : memref<384xi32, #tpu.memory_space<hbm>>) target(%dma_start3A_2939 : memref<384xi32, #tpu.memory_space<vmem>>) target_semaphore(%arg20 : memref<!tpu.dma_semaphore, #tpu.memory_space<semaphore_mem>>)
      } else {
      }
      %ge3A_1208 = arith.constant 2 : i32
      %ge3A_1209 = arith.cmpi sge, %add3A_1164, %ge3A_1208 : i32
      %convert_element_type3A_1210 = arith.extui %ge3A_1209 : i1 to i32
      %cond3A_1211 = arith.constant 0 : i32
      %cond3A_1212 = arith.cmpi ne, %convert_element_type3A_1210, %cond3A_1211 : i32
      scf.if %cond3A_1212 {
        %sub3A_2929 = arith.constant 2 : i32
        %sub3A_2930 = arith.subi %add3A_1164, %sub3A_2929 : i32
        %add3A_2931 = arith.addi %mul3A_21, %sub3A_2930 : i32
        %dma_wait3A_2932 = arith.constant 0 : i32
        %dma_wait3A_2933 = arith.constant 0 : i32
        %dma_wait3A_2934 = tpu.memref_slice %arg11[%dma_wait3A_2932, %dma_wait3A_2933] : memref<64x385xf32, #tpu.memory_space<vmem>> -> memref<64x384xf32, #tpu.memory_space<vmem>>
        %dma_wait3A_2935 = arith.constant 0 : i32
        %dma_wait3A_2936 = arith.constant 0 : i32
        %dma_wait3A_2937 = tpu.memref_slice %arg5[%select_n3A, %dma_wait3A_2935, %add3A_2931, %dma_wait3A_2936] : memref<4x64x384x384xf32, #tpu.memory_space<hbm>> -> memref<1x64x1x384xf32, #tpu.memory_space<hbm>>
        %dma_wait3A_2938 = tpu.memref_squeeze %dma_wait3A_2937 : memref<1x64x1x384xf32, #tpu.memory_space<hbm>> -> memref<64x384xf32, #tpu.memory_space<hbm>>
        %dma_wait3A_2939 = arith.constant 0 : i32
        %dma_wait3A_2940 = arith.constant 0 : i32
        %dma_wait3A_2941 = tpu.memref_slice %arg5[%select_n3A, %dma_wait3A_2939, %add3A_2931, %dma_wait3A_2940] : memref<4x64x384x384xf32, #tpu.memory_space<hbm>> -> memref<1x64x1x384xf32, #tpu.memory_space<hbm>>
        %dma_wait3A_2942 = tpu.memref_squeeze %dma_wait3A_2941 : memref<1x64x1x384xf32, #tpu.memory_space<hbm>> -> memref<64x384xf32, #tpu.memory_space<hbm>>
        %dma_wait3A_2943 = arith.constant 0 : i32
        %dma_wait3A_2944 = arith.constant 0 : i32
        %dma_wait3A_2945 = tpu.memref_slice %arg11[%dma_wait3A_2943, %dma_wait3A_2944] : memref<64x385xf32, #tpu.memory_space<vmem>> -> memref<64x384xf32, #tpu.memory_space<vmem>>
        tpu.wait_dma2 semaphore(%arg16 : memref<!tpu.dma_semaphore, #tpu.memory_space<semaphore_mem>>) src(%dma_wait3A_2945 : memref<64x384xf32, #tpu.memory_space<vmem>>) dst(%dma_wait3A_2942 : memref<64x384xf32, #tpu.memory_space<hbm>>)
      } else {
      }
      %scan3A_1213 = arith.constant 0 : i32
      %scan3A_1214 = arith.constant 0 : i32
      %mul3A_1215 = arith.constant 16 : i32
      %mul3A_1216 = arith.muli %scan3A_1214, %mul3A_1215 : i32
      %add3A_1217 = arith.constant 0 : i32
      %add3A_1218 = arith.addi %add3A_1217, %mul3A_1216 : i32
      %get3A_1219 = arith.index_cast %add3A_1218 : i32 to index
      %get3A_1220 = tpu.vector_load %arg7[%get3A_1219] {strides = array<i32>} : memref<768xf32, #tpu.memory_space<vmem>>, vector<16xf32>,
      %add3A_1221 = arith.constant 0 : i32
      %add3A_1222 = arith.addi %mul3A_1216, %add3A_1221 : i32
      %slice3A_1223 = vector.extract_strided_slice %get3A_1220 {offsets = [0], sizes = [1], strides = [1]} : vector<16xf32> to vector<1xf32>
      %squeeze3A_1224 = vector.extract %slice3A_1223[0] : f32 from vector<1xf32>
      %broadcast_in_dim3A_1225 = vector.broadcast %squeeze3A_1224 : f32 to vector<16xf32>
      %broadcast_in_dim3A_1226 = vector.broadcast %add3A_1222 : i32 to vector<16xi32>
      %get3A_1227 = arith.index_cast %add3A_1222 : i32 to index
      %get3A_1228 = arith.constant 0 : index
      %get3A_1229 = tpu.vector_load %arg10[%get3A_1227, %get3A_1228] {strides = array<i32>} : memref<384x64xf32, #tpu.memory_space<vmem>>, vector<16xf32>,
      %mul3A_1230 = arith.mulf %get3A_1229, %broadcast_in_dim3A_1225 : vector<16xf32>
      tpu.vector_store_idx %arg11[%add3A_24, %broadcast_in_dim3A_1226], %mul3A_1230 : memref<64x385xf32, #tpu.memory_space<vmem>>[vector<16xi32>, vector<16xi32>], vector<16xf32>,
      %get3A_1231 = arith.index_cast %add3A_1222 : i32 to index
      %get3A_1232 = arith.constant 16 : index
      %get3A_1233 = tpu.vector_load %arg10[%get3A_1231, %get3A_1232] {strides = array<i32>} : memref<384x64xf32, #tpu.memory_space<vmem>>, vector<16xf32>,
      %mul3A_1234 = arith.mulf %get3A_1233, %broadcast_in_dim3A_1225 : vector<16xf32>
      tpu.vector_store_idx %arg11[%add3A_27, %broadcast_in_dim3A_1226], %mul3A_1234 : memref<64x385xf32, #tpu.memory_space<vmem>>[vector<16xi32>, vector<16xi32>], vector<16xf32>,
      %get3A_1235 = arith.index_cast %add3A_1222 : i32 to index
      %get3A_1236 = arith.constant 32 : index
      %get3A_1237 = tpu.vector_load %arg10[%get3A_1235, %get3A_1236] {strides = array<i32>} : memref<384x64xf32, #tpu.memory_space<vmem>>, vector<16xf32>,
      %mul3A_1238 = arith.mulf %get3A_1237, %broadcast_in_dim3A_1225 : vector<16xf32>
      tpu.vector_store_idx %arg11[%add3A_30, %broadcast_in_dim3A_1226], %mul3A_1238 : memref<64x385xf32, #tpu.memory_space<vmem>>[vector<16xi32>, vector<16xi32>], vector<16xf32>,
      %get3A_1239 = arith.index_cast %add3A_1222 : i32 to index
      %get3A_1240 = arith.constant 48 : index
      %get3A_1241 = tpu.vector_load %arg10[%get3A_1239, %get3A_1240] {strides = array<i32>} : memref<384x64xf32, #tpu.memory_space<vmem>>, vector<16xf32>,
      %mul3A_1242 = arith.mulf %get3A_1241, %broadcast_in_dim3A_1225 : vector<16xf32>
      tpu.vector_store_idx %arg11[%add3A_33, %broadcast_in_dim3A_1226], %mul3A_1242 : memref<64x385xf32, #tpu.memory_space<vmem>>[vector<16xi32>, vector<16xi32>], vector<16xf32>,
      %add3A_1243 = arith.constant 1 : i32
      %add3A_1244 = arith.addi %mul3A_1216, %add3A_1243 : i32
      %slice3A_1245 = vector.extract_strided_slice %get3A_1220 {offsets = [1], sizes = [1], strides = [1]} : vector<16xf32> to vector<1xf32>
      %squeeze3A_1246 = vector.extract %slice3A_1245[0] : f32 from vector<1xf32>
      %broadcast_in_dim3A_1247 = vector.broadcast %squeeze3A_1246 : f32 to vector<16xf32>
      %broadcast_in_dim3A_1248 = vector.broadcast %add3A_1244 : i32 to vector<16xi32>
      %get3A_1249 = arith.index_cast %add3A_1244 : i32 to index
      %get3A_1250 = arith.constant 0 : index
      %get3A_1251 = tpu.vector_load %arg10[%get3A_1249, %get3A_1250] {strides = array<i32>} : memref<384x64xf32, #tpu.memory_space<vmem>>, vector<16xf32>,
      %mul3A_1252 = arith.mulf %get3A_1251, %broadcast_in_dim3A_1247 : vector<16xf32>
      tpu.vector_store_idx %arg11[%add3A_24, %broadcast_in_dim3A_1248], %mul3A_1252 : memref<64x385xf32, #tpu.memory_space<vmem>>[vector<16xi32>, vector<16xi32>], vector<16xf32>,
      %get3A_1253 = arith.index_cast %add3A_1244 : i32 to index
      %get3A_1254 = arith.constant 16 : index
      %get3A_1255 = tpu.vector_load %arg10[%get3A_1253, %get3A_1254] {strides = array<i32>} : memref<384x64xf32, #tpu.memory_space<vmem>>, vector<16xf32>,
      %mul3A_1256 = arith.mulf %get3A_1255, %broadcast_in_dim3A_1247 : vector<16xf32>
      tpu.vector_store_idx %arg11[%add3A_27, %broadcast_in_dim3A_1248], %mul3A_1256 : memref<64x385xf32, #tpu.memory_space<vmem>>[vector<16xi32>, vector<16xi32>], vector<16xf32>,
      %get3A_1257 = arith.index_cast %add3A_1244 : i32 to index
      %get3A_1258 = arith.constant 32 : index
      %get3A_1259 = tpu.vector_load %arg10[%get3A_1257, %get3A_1258] {strides = array<i32>} : memref<384x64xf32, #tpu.memory_space<vmem>>, vector<16xf32>,
      %mul3A_1260 = arith.mulf %get3A_1259, %broadcast_in_dim3A_1247 : vector<16xf32>
      tpu.vector_store_idx %arg11[%add3A_30, %broadcast_in_dim3A_1248], %mul3A_1260 : memref<64x385xf32, #tpu.memory_space<vmem>>[vector<16xi32>, vector<16xi32>], vector<16xf32>,
      %get3A_1261 = arith.index_cast %add3A_1244 : i32 to index
      %get3A_1262 = arith.constant 48 : index
      %get3A_1263 = tpu.vector_load %arg10[%get3A_1261, %get3A_1262] {strides = array<i32>} : memref<384x64xf32, #tpu.memory_space<vmem>>, vector<16xf32>,
      %mul3A_1264 = arith.mulf %get3A_1263, %broadcast_in_dim3A_1247 : vector<16xf32>
      tpu.vector_store_idx %arg11[%add3A_33, %broadcast_in_dim3A_1248], %mul3A_1264 : memref<64x385xf32, #tpu.memory_space<vmem>>[vector<16xi32>, vector<16xi32>], vector<16xf32>,
      %add3A_1265 = arith.constant 2 : i32
      %add3A_1266 = arith.addi %mul3A_1216, %add3A_1265 : i32
      %slice3A_1267 = vector.extract_strided_slice %get3A_1220 {offsets = [2], sizes = [1], strides = [1]} : vector<16xf32> to vector<1xf32>
      %squeeze3A_1268 = vector.extract %slice3A_1267[0] : f32 from vector<1xf32>
      %broadcast_in_dim3A_1269 = vector.broadcast %squeeze3A_1268 : f32 to vector<16xf32>
      %broadcast_in_dim3A_1270 = vector.broadcast %add3A_1266 : i32 to vector<16xi32>
      %get3A_1271 = arith.index_cast %add3A_1266 : i32 to index
      %get3A_1272 = arith.constant 0 : index
      %get3A_1273 = tpu.vector_load %arg10[%get3A_1271, %get3A_1272] {strides = array<i32>} : memref<384x64xf32, #tpu.memory_space<vmem>>, vector<16xf32>,
      %mul3A_1274 = arith.mulf %get3A_1273, %broadcast_in_dim3A_1269 : vector<16xf32>
      tpu.vector_store_idx %arg11[%add3A_24, %broadcast_in_dim3A_1270], %mul3A_1274 : memref<64x385xf32, #tpu.memory_space<vmem>>[vector<16xi32>, vector<16xi32>], vector<16xf32>,
      %get3A_1275 = arith.index_cast %add3A_1266 : i32 to index
      %get3A_1276 = arith.constant 16 : index
      %get3A_1277 = tpu.vector_load %arg10[%get3A_1275, %get3A_1276] {strides = array<i32>} : memref<384x64xf32, #tpu.memory_space<vmem>>, vector<16xf32>,
      %mul3A_1278 = arith.mulf %get3A_1277, %broadcast_in_dim3A_1269 : vector<16xf32>
      tpu.vector_store_idx %arg11[%add3A_27, %broadcast_in_dim3A_1270], %mul3A_1278 : memref<64x385xf32, #tpu.memory_space<vmem>>[vector<16xi32>, vector<16xi32>], vector<16xf32>,
      %get3A_1279 = arith.index_cast %add3A_1266 : i32 to index
      %get3A_1280 = arith.constant 32 : index
      %get3A_1281 = tpu.vector_load %arg10[%get3A_1279, %get3A_1280] {strides = array<i32>} : memref<384x64xf32, #tpu.memory_space<vmem>>, vector<16xf32>,
      %mul3A_1282 = arith.mulf %get3A_1281, %broadcast_in_dim3A_1269 : vector<16xf32>
      tpu.vector_store_idx %arg11[%add3A_30, %broadcast_in_dim3A_1270], %mul3A_1282 : memref<64x385xf32, #tpu.memory_space<vmem>>[vector<16xi32>, vector<16xi32>], vector<16xf32>,
      %get3A_1283 = arith.index_cast %add3A_1266 : i32 to index
      %get3A_1284 = arith.constant 48 : index
      %get3A_1285 = tpu.vector_load %arg10[%get3A_1283, %get3A_1284] {strides = array<i32>} : memref<384x64xf32, #tpu.memory_space<vmem>>, vector<16xf32>,
      %mul3A_1286 = arith.mulf %get3A_1285, %broadcast_in_dim3A_1269 : vector<16xf32>
      tpu.vector_store_idx %arg11[%add3A_33, %broadcast_in_dim3A_1270], %mul3A_1286 : memref<64x385xf32, #tpu.memory_space<vmem>>[vector<16xi32>, vector<16xi32>], vector<16xf32>,
      %add3A_1287 = arith.constant 3 : i32
      %add3A_1288 = arith.addi %mul3A_1216, %add3A_1287 : i32
      %slice3A_1289 = vector.extract_strided_slice %get3A_1220 {offsets = [3], sizes = [1], strides = [1]} : vector<16xf32> to vector<1xf32>
      %squeeze3A_1290 = vector.extract %slice3A_1289[0] : f32 from vector<1xf32>
      %broadcast_in_dim3A_1291 = vector.broadcast %squeeze3A_1290 : f32 to vector<16xf32>
      %broadcast_in_dim3A_1292 = vector.broadcast %add3A_1288 : i32 to vector<16xi32>
      %get3A_1293 = arith.index_cast %add3A_1288 : i32 to index
      %get3A_1294 = arith.constant 0 : index
      %get3A_1295 = tpu.vector_load %arg10[%get3A_1293, %get3A_1294] {strides = array<i32>} : memref<384x64xf32, #tpu.memory_space<vmem>>, vector<16xf32>,
      %mul3A_1296 = arith.mulf %get3A_1295, %broadcast_in_dim3A_1291 : vector<16xf32>
      tpu.vector_store_idx %arg11[%add3A_24, %broadcast_in_dim3A_1292], %mul3A_1296 : memref<64x385xf32, #tpu.memory_space<vmem>>[vector<16xi32>, vector<16xi32>], vector<16xf32>,
      %get3A_1297 = arith.index_cast %add3A_1288 : i32 to index
      %get3A_1298 = arith.constant 16 : index
      %get3A_1299 = tpu.vector_load %arg10[%get3A_1297, %get3A_1298] {strides = array<i32>} : memref<384x64xf32, #tpu.memory_space<vmem>>, vector<16xf32>,
      %mul3A_1300 = arith.mulf %get3A_1299, %broadcast_in_dim3A_1291 : vector<16xf32>
      tpu.vector_store_idx %arg11[%add3A_27, %broadcast_in_dim3A_1292], %mul3A_1300 : memref<64x385xf32, #tpu.memory_space<vmem>>[vector<16xi32>, vector<16xi32>], vector<16xf32>,
      %get3A_1301 = arith.index_cast %add3A_1288 : i32 to index
      %get3A_1302 = arith.constant 32 : index
      %get3A_1303 = tpu.vector_load %arg10[%get3A_1301, %get3A_1302] {strides = array<i32>} : memref<384x64xf32, #tpu.memory_space<vmem>>, vector<16xf32>,
      %mul3A_1304 = arith.mulf %get3A_1303, %broadcast_in_dim3A_1291 : vector<16xf32>
      tpu.vector_store_idx %arg11[%add3A_30, %broadcast_in_dim3A_1292], %mul3A_1304 : memref<64x385xf32, #tpu.memory_space<vmem>>[vector<16xi32>, vector<16xi32>], vector<16xf32>,
      %get3A_1305 = arith.index_cast %add3A_1288 : i32 to index
      %get3A_1306 = arith.constant 48 : index
      %get3A_1307 = tpu.vector_load %arg10[%get3A_1305, %get3A_1306] {strides = array<i32>} : memref<384x64xf32, #tpu.memory_space<vmem>>, vector<16xf32>,
      %mul3A_1308 = arith.mulf %get3A_1307, %broadcast_in_dim3A_1291 : vector<16xf32>
      tpu.vector_store_idx %arg11[%add3A_33, %broadcast_in_dim3A_1292], %mul3A_1308 : memref<64x385xf32, #tpu.memory_space<vmem>>[vector<16xi32>, vector<16xi32>], vector<16xf32>,
      %add3A_1309 = arith.constant 4 : i32
      %add3A_1310 = arith.addi %mul3A_1216, %add3A_1309 : i32
      %slice3A_1311 = vector.extract_strided_slice %get3A_1220 {offsets = [4], sizes = [1], strides = [1]} : vector<16xf32> to vector<1xf32>
      %squeeze3A_1312 = vector.extract %slice3A_1311[0] : f32 from vector<1xf32>
      %broadcast_in_dim3A_1313 = vector.broadcast %squeeze3A_1312 : f32 to vector<16xf32>
      %broadcast_in_dim3A_1314 = vector.broadcast %add3A_1310 : i32 to vector<16xi32>
      %get3A_1315 = arith.index_cast %add3A_1310 : i32 to index
      %get3A_1316 = arith.constant 0 : index
      %get3A_1317 = tpu.vector_load %arg10[%get3A_1315, %get3A_1316] {strides = array<i32>} : memref<384x64xf32, #tpu.memory_space<vmem>>, vector<16xf32>,
      %mul3A_1318 = arith.mulf %get3A_1317, %broadcast_in_dim3A_1313 : vector<16xf32>
      tpu.vector_store_idx %arg11[%add3A_24, %broadcast_in_dim3A_1314], %mul3A_1318 : memref<64x385xf32, #tpu.memory_space<vmem>>[vector<16xi32>, vector<16xi32>], vector<16xf32>,
      %get3A_1319 = arith.index_cast %add3A_1310 : i32 to index
      %get3A_1320 = arith.constant 16 : index
      %get3A_1321 = tpu.vector_load %arg10[%get3A_1319, %get3A_1320] {strides = array<i32>} : memref<384x64xf32, #tpu.memory_space<vmem>>, vector<16xf32>,
      %mul3A_1322 = arith.mulf %get3A_1321, %broadcast_in_dim3A_1313 : vector<16xf32>
      tpu.vector_store_idx %arg11[%add3A_27, %broadcast_in_dim3A_1314], %mul3A_1322 : memref<64x385xf32, #tpu.memory_space<vmem>>[vector<16xi32>, vector<16xi32>], vector<16xf32>,
      %get3A_1323 = arith.index_cast %add3A_1310 : i32 to index
      %get3A_1324 = arith.constant 32 : index
      %get3A_1325 = tpu.vector_load %arg10[%get3A_1323, %get3A_1324] {strides = array<i32>} : memref<384x64xf32, #tpu.memory_space<vmem>>, vector<16xf32>,
      %mul3A_1326 = arith.mulf %get3A_1325, %broadcast_in_dim3A_1313 : vector<16xf32>
      tpu.vector_store_idx %arg11[%add3A_30, %broadcast_in_dim3A_1314], %mul3A_1326 : memref<64x385xf32, #tpu.memory_space<vmem>>[vector<16xi32>, vector<16xi32>], vector<16xf32>,
      %get3A_1327 = arith.index_cast %add3A_1310 : i32 to index
      %get3A_1328 = arith.constant 48 : index
      %get3A_1329 = tpu.vector_load %arg10[%get3A_1327, %get3A_1328] {strides = array<i32>} : memref<384x64xf32, #tpu.memory_space<vmem>>, vector<16xf32>,
      %mul3A_1330 = arith.mulf %get3A_1329, %broadcast_in_dim3A_1313 : vector<16xf32>
      tpu.vector_store_idx %arg11[%add3A_33, %broadcast_in_dim3A_1314], %mul3A_1330 : memref<64x385xf32, #tpu.memory_space<vmem>>[vector<16xi32>, vector<16xi32>], vector<16xf32>,
      %add3A_1331 = arith.constant 5 : i32
      %add3A_1332 = arith.addi %mul3A_1216, %add3A_1331 : i32
      %slice3A_1333 = vector.extract_strided_slice %get3A_1220 {offsets = [5], sizes = [1], strides = [1]} : vector<16xf32> to vector<1xf32>
      %squeeze3A_1334 = vector.extract %slice3A_1333[0] : f32 from vector<1xf32>
      %broadcast_in_dim3A_1335 = vector.broadcast %squeeze3A_1334 : f32 to vector<16xf32>
      %broadcast_in_dim3A_1336 = vector.broadcast %add3A_1332 : i32 to vector<16xi32>
      %get3A_1337 = arith.index_cast %add3A_1332 : i32 to index
      %get3A_1338 = arith.constant 0 : index
      %get3A_1339 = tpu.vector_load %arg10[%get3A_1337, %get3A_1338] {strides = array<i32>} : memref<384x64xf32, #tpu.memory_space<vmem>>, vector<16xf32>,
      %mul3A_1340 = arith.mulf %get3A_1339, %broadcast_in_dim3A_1335 : vector<16xf32>
      tpu.vector_store_idx %arg11[%add3A_24, %broadcast_in_dim3A_1336], %mul3A_1340 : memref<64x385xf32, #tpu.memory_space<vmem>>[vector<16xi32>, vector<16xi32>], vector<16xf32>,
      %get3A_1341 = arith.index_cast %add3A_1332 : i32 to index
      %get3A_1342 = arith.constant 16 : index
      %get3A_1343 = tpu.vector_load %arg10[%get3A_1341, %get3A_1342] {strides = array<i32>} : memref<384x64xf32, #tpu.memory_space<vmem>>, vector<16xf32>,
      %mul3A_1344 = arith.mulf %get3A_1343, %broadcast_in_dim3A_1335 : vector<16xf32>
      tpu.vector_store_idx %arg11[%add3A_27, %broadcast_in_dim3A_1336], %mul3A_1344 : memref<64x385xf32, #tpu.memory_space<vmem>>[vector<16xi32>, vector<16xi32>], vector<16xf32>,
      %get3A_1345 = arith.index_cast %add3A_1332 : i32 to index
      %get3A_1346 = arith.constant 32 : index
      %get3A_1347 = tpu.vector_load %arg10[%get3A_1345, %get3A_1346] {strides = array<i32>} : memref<384x64xf32, #tpu.memory_space<vmem>>, vector<16xf32>,
      %mul3A_1348 = arith.mulf %get3A_1347, %broadcast_in_dim3A_1335 : vector<16xf32>
      tpu.vector_store_idx %arg11[%add3A_30, %broadcast_in_dim3A_1336], %mul3A_1348 : memref<64x385xf32, #tpu.memory_space<vmem>>[vector<16xi32>, vector<16xi32>], vector<16xf32>,
      %get3A_1349 = arith.index_cast %add3A_1332 : i32 to index
      %get3A_1350 = arith.constant 48 : index
      %get3A_1351 = tpu.vector_load %arg10[%get3A_1349, %get3A_1350] {strides = array<i32>} : memref<384x64xf32, #tpu.memory_space<vmem>>, vector<16xf32>,
      %mul3A_1352 = arith.mulf %get3A_1351, %broadcast_in_dim3A_1335 : vector<16xf32>
      tpu.vector_store_idx %arg11[%add3A_33, %broadcast_in_dim3A_1336], %mul3A_1352 : memref<64x385xf32, #tpu.memory_space<vmem>>[vector<16xi32>, vector<16xi32>], vector<16xf32>,
      %add3A_1353 = arith.constant 6 : i32
      %add3A_1354 = arith.addi %mul3A_1216, %add3A_1353 : i32
      %slice3A_1355 = vector.extract_strided_slice %get3A_1220 {offsets = [6], sizes = [1], strides = [1]} : vector<16xf32> to vector<1xf32>
      %squeeze3A_1356 = vector.extract %slice3A_1355[0] : f32 from vector<1xf32>
      %broadcast_in_dim3A_1357 = vector.broadcast %squeeze3A_1356 : f32 to vector<16xf32>
      %broadcast_in_dim3A_1358 = vector.broadcast %add3A_1354 : i32 to vector<16xi32>
      %get3A_1359 = arith.index_cast %add3A_1354 : i32 to index
      %get3A_1360 = arith.constant 0 : index
      %get3A_1361 = tpu.vector_load %arg10[%get3A_1359, %get3A_1360] {strides = array<i32>} : memref<384x64xf32, #tpu.memory_space<vmem>>, vector<16xf32>,
      %mul3A_1362 = arith.mulf %get3A_1361, %broadcast_in_dim3A_1357 : vector<16xf32>
      tpu.vector_store_idx %arg11[%add3A_24, %broadcast_in_dim3A_1358], %mul3A_1362 : memref<64x385xf32, #tpu.memory_space<vmem>>[vector<16xi32>, vector<16xi32>], vector<16xf32>,
      %get3A_1363 = arith.index_cast %add3A_1354 : i32 to index
      %get3A_1364 = arith.constant 16 : index
      %get3A_1365 = tpu.vector_load %arg10[%get3A_1363, %get3A_1364] {strides = array<i32>} : memref<384x64xf32, #tpu.memory_space<vmem>>, vector<16xf32>,
      %mul3A_1366 = arith.mulf %get3A_1365, %broadcast_in_dim3A_1357 : vector<16xf32>
      tpu.vector_store_idx %arg11[%add3A_27, %broadcast_in_dim3A_1358], %mul3A_1366 : memref<64x385xf32, #tpu.memory_space<vmem>>[vector<16xi32>, vector<16xi32>], vector<16xf32>,
      %get3A_1367 = arith.index_cast %add3A_1354 : i32 to index
      %get3A_1368 = arith.constant 32 : index
      %get3A_1369 = tpu.vector_load %arg10[%get3A_1367, %get3A_1368] {strides = array<i32>} : memref<384x64xf32, #tpu.memory_space<vmem>>, vector<16xf32>,
      %mul3A_1370 = arith.mulf %get3A_1369, %broadcast_in_dim3A_1357 : vector<16xf32>
      tpu.vector_store_idx %arg11[%add3A_30, %broadcast_in_dim3A_1358], %mul3A_1370 : memref<64x385xf32, #tpu.memory_space<vmem>>[vector<16xi32>, vector<16xi32>], vector<16xf32>,
      %get3A_1371 = arith.index_cast %add3A_1354 : i32 to index
      %get3A_1372 = arith.constant 48 : index
      %get3A_1373 = tpu.vector_load %arg10[%get3A_1371, %get3A_1372] {strides = array<i32>} : memref<384x64xf32, #tpu.memory_space<vmem>>, vector<16xf32>,
      %mul3A_1374 = arith.mulf %get3A_1373, %broadcast_in_dim3A_1357 : vector<16xf32>
      tpu.vector_store_idx %arg11[%add3A_33, %broadcast_in_dim3A_1358], %mul3A_1374 : memref<64x385xf32, #tpu.memory_space<vmem>>[vector<16xi32>, vector<16xi32>], vector<16xf32>,
      %add3A_1375 = arith.constant 7 : i32
      %add3A_1376 = arith.addi %mul3A_1216, %add3A_1375 : i32
      %slice3A_1377 = vector.extract_strided_slice %get3A_1220 {offsets = [7], sizes = [1], strides = [1]} : vector<16xf32> to vector<1xf32>
      %squeeze3A_1378 = vector.extract %slice3A_1377[0] : f32 from vector<1xf32>
      %broadcast_in_dim3A_1379 = vector.broadcast %squeeze3A_1378 : f32 to vector<16xf32>
      %broadcast_in_dim3A_1380 = vector.broadcast %add3A_1376 : i32 to vector<16xi32>
      %get3A_1381 = arith.index_cast %add3A_1376 : i32 to index
      %get3A_1382 = arith.constant 0 : index
      %get3A_1383 = tpu.vector_load %arg10[%get3A_1381, %get3A_1382] {strides = array<i32>} : memref<384x64xf32, #tpu.memory_space<vmem>>, vector<16xf32>,
      %mul3A_1384 = arith.mulf %get3A_1383, %broadcast_in_dim3A_1379 : vector<16xf32>
      tpu.vector_store_idx %arg11[%add3A_24, %broadcast_in_dim3A_1380], %mul3A_1384 : memref<64x385xf32, #tpu.memory_space<vmem>>[vector<16xi32>, vector<16xi32>], vector<16xf32>,
      %get3A_1385 = arith.index_cast %add3A_1376 : i32 to index
      %get3A_1386 = arith.constant 16 : index
      %get3A_1387 = tpu.vector_load %arg10[%get3A_1385, %get3A_1386] {strides = array<i32>} : memref<384x64xf32, #tpu.memory_space<vmem>>, vector<16xf32>,
      %mul3A_1388 = arith.mulf %get3A_1387, %broadcast_in_dim3A_1379 : vector<16xf32>
      tpu.vector_store_idx %arg11[%add3A_27, %broadcast_in_dim3A_1380], %mul3A_1388 : memref<64x385xf32, #tpu.memory_space<vmem>>[vector<16xi32>, vector<16xi32>], vector<16xf32>,
      %get3A_1389 = arith.index_cast %add3A_1376 : i32 to index
      %get3A_1390 = arith.constant 32 : index
      %get3A_1391 = tpu.vector_load %arg10[%get3A_1389, %get3A_1390] {strides = array<i32>} : memref<384x64xf32, #tpu.memory_space<vmem>>, vector<16xf32>,
      %mul3A_1392 = arith.mulf %get3A_1391, %broadcast_in_dim3A_1379 : vector<16xf32>
      tpu.vector_store_idx %arg11[%add3A_30, %broadcast_in_dim3A_1380], %mul3A_1392 : memref<64x385xf32, #tpu.memory_space<vmem>>[vector<16xi32>, vector<16xi32>], vector<16xf32>,
      %get3A_1393 = arith.index_cast %add3A_1376 : i32 to index
      %get3A_1394 = arith.constant 48 : index
      %get3A_1395 = tpu.vector_load %arg10[%get3A_1393, %get3A_1394] {strides = array<i32>} : memref<384x64xf32, #tpu.memory_space<vmem>>, vector<16xf32>,
      %mul3A_1396 = arith.mulf %get3A_1395, %broadcast_in_dim3A_1379 : vector<16xf32>
      tpu.vector_store_idx %arg11[%add3A_33, %broadcast_in_dim3A_1380], %mul3A_1396 : memref<64x385xf32, #tpu.memory_space<vmem>>[vector<16xi32>, vector<16xi32>], vector<16xf32>,
      %add3A_1397 = arith.constant 8 : i32
      %add3A_1398 = arith.addi %mul3A_1216, %add3A_1397 : i32
      %slice3A_1399 = vector.extract_strided_slice %get3A_1220 {offsets = [8], sizes = [1], strides = [1]} : vector<16xf32> to vector<1xf32>
      %squeeze3A_1400 = vector.extract %slice3A_1399[0] : f32 from vector<1xf32>
      %broadcast_in_dim3A_1401 = vector.broadcast %squeeze3A_1400 : f32 to vector<16xf32>
      %broadcast_in_dim3A_1402 = vector.broadcast %add3A_1398 : i32 to vector<16xi32>
      %get3A_1403 = arith.index_cast %add3A_1398 : i32 to index
      %get3A_1404 = arith.constant 0 : index
      %get3A_1405 = tpu.vector_load %arg10[%get3A_1403, %get3A_1404] {strides = array<i32>} : memref<384x64xf32, #tpu.memory_space<vmem>>, vector<16xf32>,
      %mul3A_1406 = arith.mulf %get3A_1405, %broadcast_in_dim3A_1401 : vector<16xf32>
      tpu.vector_store_idx %arg11[%add3A_24, %broadcast_in_dim3A_1402], %mul3A_1406 : memref<64x385xf32, #tpu.memory_space<vmem>>[vector<16xi32>, vector<16xi32>], vector<16xf32>,
      %get3A_1407 = arith.index_cast %add3A_1398 : i32 to index
      %get3A_1408 = arith.constant 16 : index
      %get3A_1409 = tpu.vector_load %arg10[%get3A_1407, %get3A_1408] {strides = array<i32>} : memref<384x64xf32, #tpu.memory_space<vmem>>, vector<16xf32>,
      %mul3A_1410 = arith.mulf %get3A_1409, %broadcast_in_dim3A_1401 : vector<16xf32>
      tpu.vector_store_idx %arg11[%add3A_27, %broadcast_in_dim3A_1402], %mul3A_1410 : memref<64x385xf32, #tpu.memory_space<vmem>>[vector<16xi32>, vector<16xi32>], vector<16xf32>,
      %get3A_1411 = arith.index_cast %add3A_1398 : i32 to index
      %get3A_1412 = arith.constant 32 : index
      %get3A_1413 = tpu.vector_load %arg10[%get3A_1411, %get3A_1412] {strides = array<i32>} : memref<384x64xf32, #tpu.memory_space<vmem>>, vector<16xf32>,
      %mul3A_1414 = arith.mulf %get3A_1413, %broadcast_in_dim3A_1401 : vector<16xf32>
      tpu.vector_store_idx %arg11[%add3A_30, %broadcast_in_dim3A_1402], %mul3A_1414 : memref<64x385xf32, #tpu.memory_space<vmem>>[vector<16xi32>, vector<16xi32>], vector<16xf32>,
      %get3A_1415 = arith.index_cast %add3A_1398 : i32 to index
      %get3A_1416 = arith.constant 48 : index
      %get3A_1417 = tpu.vector_load %arg10[%get3A_1415, %get3A_1416] {strides = array<i32>} : memref<384x64xf32, #tpu.memory_space<vmem>>, vector<16xf32>,
      %mul3A_1418 = arith.mulf %get3A_1417, %broadcast_in_dim3A_1401 : vector<16xf32>
      tpu.vector_store_idx %arg11[%add3A_33, %broadcast_in_dim3A_1402], %mul3A_1418 : memref<64x385xf32, #tpu.memory_space<vmem>>[vector<16xi32>, vector<16xi32>], vector<16xf32>,
      %add3A_1419 = arith.constant 9 : i32
      %add3A_1420 = arith.addi %mul3A_1216, %add3A_1419 : i32
      %slice3A_1421 = vector.extract_strided_slice %get3A_1220 {offsets = [9], sizes = [1], strides = [1]} : vector<16xf32> to vector<1xf32>
      %squeeze3A_1422 = vector.extract %slice3A_1421[0] : f32 from vector<1xf32>
      %broadcast_in_dim3A_1423 = vector.broadcast %squeeze3A_1422 : f32 to vector<16xf32>
      %broadcast_in_dim3A_1424 = vector.broadcast %add3A_1420 : i32 to vector<16xi32>
      %get3A_1425 = arith.index_cast %add3A_1420 : i32 to index
      %get3A_1426 = arith.constant 0 : index
      %get3A_1427 = tpu.vector_load %arg10[%get3A_1425, %get3A_1426] {strides = array<i32>} : memref<384x64xf32, #tpu.memory_space<vmem>>, vector<16xf32>,
      %mul3A_1428 = arith.mulf %get3A_1427, %broadcast_in_dim3A_1423 : vector<16xf32>
      tpu.vector_store_idx %arg11[%add3A_24, %broadcast_in_dim3A_1424], %mul3A_1428 : memref<64x385xf32, #tpu.memory_space<vmem>>[vector<16xi32>, vector<16xi32>], vector<16xf32>,
      %get3A_1429 = arith.index_cast %add3A_1420 : i32 to index
      %get3A_1430 = arith.constant 16 : index
      %get3A_1431 = tpu.vector_load %arg10[%get3A_1429, %get3A_1430] {strides = array<i32>} : memref<384x64xf32, #tpu.memory_space<vmem>>, vector<16xf32>,
      %mul3A_1432 = arith.mulf %get3A_1431, %broadcast_in_dim3A_1423 : vector<16xf32>
      tpu.vector_store_idx %arg11[%add3A_27, %broadcast_in_dim3A_1424], %mul3A_1432 : memref<64x385xf32, #tpu.memory_space<vmem>>[vector<16xi32>, vector<16xi32>], vector<16xf32>,
      %get3A_1433 = arith.index_cast %add3A_1420 : i32 to index
      %get3A_1434 = arith.constant 32 : index
      %get3A_1435 = tpu.vector_load %arg10[%get3A_1433, %get3A_1434] {strides = array<i32>} : memref<384x64xf32, #tpu.memory_space<vmem>>, vector<16xf32>,
      %mul3A_1436 = arith.mulf %get3A_1435, %broadcast_in_dim3A_1423 : vector<16xf32>
      tpu.vector_store_idx %arg11[%add3A_30, %broadcast_in_dim3A_1424], %mul3A_1436 : memref<64x385xf32, #tpu.memory_space<vmem>>[vector<16xi32>, vector<16xi32>], vector<16xf32>,
      %get3A_1437 = arith.index_cast %add3A_1420 : i32 to index
      %get3A_1438 = arith.constant 48 : index
      %get3A_1439 = tpu.vector_load %arg10[%get3A_1437, %get3A_1438] {strides = array<i32>} : memref<384x64xf32, #tpu.memory_space<vmem>>, vector<16xf32>,
      %mul3A_1440 = arith.mulf %get3A_1439, %broadcast_in_dim3A_1423 : vector<16xf32>
      tpu.vector_store_idx %arg11[%add3A_33, %broadcast_in_dim3A_1424], %mul3A_1440 : memref<64x385xf32, #tpu.memory_space<vmem>>[vector<16xi32>, vector<16xi32>], vector<16xf32>,
      %add3A_1441 = arith.constant 10 : i32
      %add3A_1442 = arith.addi %mul3A_1216, %add3A_1441 : i32
      %slice3A_1443 = vector.extract_strided_slice %get3A_1220 {offsets = [10], sizes = [1], strides = [1]} : vector<16xf32> to vector<1xf32>
      %squeeze3A_1444 = vector.extract %slice3A_1443[0] : f32 from vector<1xf32>
      %broadcast_in_dim3A_1445 = vector.broadcast %squeeze3A_1444 : f32 to vector<16xf32>
      %broadcast_in_dim3A_1446 = vector.broadcast %add3A_1442 : i32 to vector<16xi32>
      %get3A_1447 = arith.index_cast %add3A_1442 : i32 to index
      %get3A_1448 = arith.constant 0 : index
      %get3A_1449 = tpu.vector_load %arg10[%get3A_1447, %get3A_1448] {strides = array<i32>} : memref<384x64xf32, #tpu.memory_space<vmem>>, vector<16xf32>,
      %mul3A_1450 = arith.mulf %get3A_1449, %broadcast_in_dim3A_1445 : vector<16xf32>
      tpu.vector_store_idx %arg11[%add3A_24, %broadcast_in_dim3A_1446], %mul3A_1450 : memref<64x385xf32, #tpu.memory_space<vmem>>[vector<16xi32>, vector<16xi32>], vector<16xf32>,
      %get3A_1451 = arith.index_cast %add3A_1442 : i32 to index
      %get3A_1452 = arith.constant 16 : index
      %get3A_1453 = tpu.vector_load %arg10[%get3A_1451, %get3A_1452] {strides = array<i32>} : memref<384x64xf32, #tpu.memory_space<vmem>>, vector<16xf32>,
      %mul3A_1454 = arith.mulf %get3A_1453, %broadcast_in_dim3A_1445 : vector<16xf32>
      tpu.vector_store_idx %arg11[%add3A_27, %broadcast_in_dim3A_1446], %mul3A_1454 : memref<64x385xf32, #tpu.memory_space<vmem>>[vector<16xi32>, vector<16xi32>], vector<16xf32>,
      %get3A_1455 = arith.index_cast %add3A_1442 : i32 to index
      %get3A_1456 = arith.constant 32 : index
      %get3A_1457 = tpu.vector_load %arg10[%get3A_1455, %get3A_1456] {strides = array<i32>} : memref<384x64xf32, #tpu.memory_space<vmem>>, vector<16xf32>,
      %mul3A_1458 = arith.mulf %get3A_1457, %broadcast_in_dim3A_1445 : vector<16xf32>
      tpu.vector_store_idx %arg11[%add3A_30, %broadcast_in_dim3A_1446], %mul3A_1458 : memref<64x385xf32, #tpu.memory_space<vmem>>[vector<16xi32>, vector<16xi32>], vector<16xf32>,
      %get3A_1459 = arith.index_cast %add3A_1442 : i32 to index
      %get3A_1460 = arith.constant 48 : index
      %get3A_1461 = tpu.vector_load %arg10[%get3A_1459, %get3A_1460] {strides = array<i32>} : memref<384x64xf32, #tpu.memory_space<vmem>>, vector<16xf32>,
      %mul3A_1462 = arith.mulf %get3A_1461, %broadcast_in_dim3A_1445 : vector<16xf32>
      tpu.vector_store_idx %arg11[%add3A_33, %broadcast_in_dim3A_1446], %mul3A_1462 : memref<64x385xf32, #tpu.memory_space<vmem>>[vector<16xi32>, vector<16xi32>], vector<16xf32>,
      %add3A_1463 = arith.constant 11 : i32
      %add3A_1464 = arith.addi %mul3A_1216, %add3A_1463 : i32
      %slice3A_1465 = vector.extract_strided_slice %get3A_1220 {offsets = [11], sizes = [1], strides = [1]} : vector<16xf32> to vector<1xf32>
      %squeeze3A_1466 = vector.extract %slice3A_1465[0] : f32 from vector<1xf32>
      %broadcast_in_dim3A_1467 = vector.broadcast %squeeze3A_1466 : f32 to vector<16xf32>
      %broadcast_in_dim3A_1468 = vector.broadcast %add3A_1464 : i32 to vector<16xi32>
      %get3A_1469 = arith.index_cast %add3A_1464 : i32 to index
      %get3A_1470 = arith.constant 0 : index
      %get3A_1471 = tpu.vector_load %arg10[%get3A_1469, %get3A_1470] {strides = array<i32>} : memref<384x64xf32, #tpu.memory_space<vmem>>, vector<16xf32>,
      %mul3A_1472 = arith.mulf %get3A_1471, %broadcast_in_dim3A_1467 : vector<16xf32>
      tpu.vector_store_idx %arg11[%add3A_24, %broadcast_in_dim3A_1468], %mul3A_1472 : memref<64x385xf32, #tpu.memory_space<vmem>>[vector<16xi32>, vector<16xi32>], vector<16xf32>,
      %get3A_1473 = arith.index_cast %add3A_1464 : i32 to index
      %get3A_1474 = arith.constant 16 : index
      %get3A_1475 = tpu.vector_load %arg10[%get3A_1473, %get3A_1474] {strides = array<i32>} : memref<384x64xf32, #tpu.memory_space<vmem>>, vector<16xf32>,
      %mul3A_1476 = arith.mulf %get3A_1475, %broadcast_in_dim3A_1467 : vector<16xf32>
      tpu.vector_store_idx %arg11[%add3A_27, %broadcast_in_dim3A_1468], %mul3A_1476 : memref<64x385xf32, #tpu.memory_space<vmem>>[vector<16xi32>, vector<16xi32>], vector<16xf32>,
      %get3A_1477 = arith.index_cast %add3A_1464 : i32 to index
      %get3A_1478 = arith.constant 32 : index
      %get3A_1479 = tpu.vector_load %arg10[%get3A_1477, %get3A_1478] {strides = array<i32>} : memref<384x64xf32, #tpu.memory_space<vmem>>, vector<16xf32>,
      %mul3A_1480 = arith.mulf %get3A_1479, %broadcast_in_dim3A_1467 : vector<16xf32>
      tpu.vector_store_idx %arg11[%add3A_30, %broadcast_in_dim3A_1468], %mul3A_1480 : memref<64x385xf32, #tpu.memory_space<vmem>>[vector<16xi32>, vector<16xi32>], vector<16xf32>,
      %get3A_1481 = arith.index_cast %add3A_1464 : i32 to index
      %get3A_1482 = arith.constant 48 : index
      %get3A_1483 = tpu.vector_load %arg10[%get3A_1481, %get3A_1482] {strides = array<i32>} : memref<384x64xf32, #tpu.memory_space<vmem>>, vector<16xf32>,
      %mul3A_1484 = arith.mulf %get3A_1483, %broadcast_in_dim3A_1467 : vector<16xf32>
      tpu.vector_store_idx %arg11[%add3A_33, %broadcast_in_dim3A_1468], %mul3A_1484 : memref<64x385xf32, #tpu.memory_space<vmem>>[vector<16xi32>, vector<16xi32>], vector<16xf32>,
      %add3A_1485 = arith.constant 12 : i32
      %add3A_1486 = arith.addi %mul3A_1216, %add3A_1485 : i32
      %slice3A_1487 = vector.extract_strided_slice %get3A_1220 {offsets = [12], sizes = [1], strides = [1]} : vector<16xf32> to vector<1xf32>
      %squeeze3A_1488 = vector.extract %slice3A_1487[0] : f32 from vector<1xf32>
      %broadcast_in_dim3A_1489 = vector.broadcast %squeeze3A_1488 : f32 to vector<16xf32>
      %broadcast_in_dim3A_1490 = vector.broadcast %add3A_1486 : i32 to vector<16xi32>
      %get3A_1491 = arith.index_cast %add3A_1486 : i32 to index
      %get3A_1492 = arith.constant 0 : index
      %get3A_1493 = tpu.vector_load %arg10[%get3A_1491, %get3A_1492] {strides = array<i32>} : memref<384x64xf32, #tpu.memory_space<vmem>>, vector<16xf32>,
      %mul3A_1494 = arith.mulf %get3A_1493, %broadcast_in_dim3A_1489 : vector<16xf32>
      tpu.vector_store_idx %arg11[%add3A_24, %broadcast_in_dim3A_1490], %mul3A_1494 : memref<64x385xf32, #tpu.memory_space<vmem>>[vector<16xi32>, vector<16xi32>], vector<16xf32>,
      %get3A_1495 = arith.index_cast %add3A_1486 : i32 to index
      %get3A_1496 = arith.constant 16 : index
      %get3A_1497 = tpu.vector_load %arg10[%get3A_1495, %get3A_1496] {strides = array<i32>} : memref<384x64xf32, #tpu.memory_space<vmem>>, vector<16xf32>,
      %mul3A_1498 = arith.mulf %get3A_1497, %broadcast_in_dim3A_1489 : vector<16xf32>
      tpu.vector_store_idx %arg11[%add3A_27, %broadcast_in_dim3A_1490], %mul3A_1498 : memref<64x385xf32, #tpu.memory_space<vmem>>[vector<16xi32>, vector<16xi32>], vector<16xf32>,
      %get3A_1499 = arith.index_cast %add3A_1486 : i32 to index
      %get3A_1500 = arith.constant 32 : index
      %get3A_1501 = tpu.vector_load %arg10[%get3A_1499, %get3A_1500] {strides = array<i32>} : memref<384x64xf32, #tpu.memory_space<vmem>>, vector<16xf32>,
      %mul3A_1502 = arith.mulf %get3A_1501, %broadcast_in_dim3A_1489 : vector<16xf32>
      tpu.vector_store_idx %arg11[%add3A_30, %broadcast_in_dim3A_1490], %mul3A_1502 : memref<64x385xf32, #tpu.memory_space<vmem>>[vector<16xi32>, vector<16xi32>], vector<16xf32>,
      %get3A_1503 = arith.index_cast %add3A_1486 : i32 to index
      %get3A_1504 = arith.constant 48 : index
      %get3A_1505 = tpu.vector_load %arg10[%get3A_1503, %get3A_1504] {strides = array<i32>} : memref<384x64xf32, #tpu.memory_space<vmem>>, vector<16xf32>,
      %mul3A_1506 = arith.mulf %get3A_1505, %broadcast_in_dim3A_1489 : vector<16xf32>
      tpu.vector_store_idx %arg11[%add3A_33, %broadcast_in_dim3A_1490], %mul3A_1506 : memref<64x385xf32, #tpu.memory_space<vmem>>[vector<16xi32>, vector<16xi32>], vector<16xf32>,
      %add3A_1507 = arith.constant 13 : i32
      %add3A_1508 = arith.addi %mul3A_1216, %add3A_1507 : i32
      %slice3A_1509 = vector.extract_strided_slice %get3A_1220 {offsets = [13], sizes = [1], strides = [1]} : vector<16xf32> to vector<1xf32>
      %squeeze3A_1510 = vector.extract %slice3A_1509[0] : f32 from vector<1xf32>
      %broadcast_in_dim3A_1511 = vector.broadcast %squeeze3A_1510 : f32 to vector<16xf32>
      %broadcast_in_dim3A_1512 = vector.broadcast %add3A_1508 : i32 to vector<16xi32>
      %get3A_1513 = arith.index_cast %add3A_1508 : i32 to index
      %get3A_1514 = arith.constant 0 : index
      %get3A_1515 = tpu.vector_load %arg10[%get3A_1513, %get3A_1514] {strides = array<i32>} : memref<384x64xf32, #tpu.memory_space<vmem>>, vector<16xf32>,
      %mul3A_1516 = arith.mulf %get3A_1515, %broadcast_in_dim3A_1511 : vector<16xf32>
      tpu.vector_store_idx %arg11[%add3A_24, %broadcast_in_dim3A_1512], %mul3A_1516 : memref<64x385xf32, #tpu.memory_space<vmem>>[vector<16xi32>, vector<16xi32>], vector<16xf32>,
      %get3A_1517 = arith.index_cast %add3A_1508 : i32 to index
      %get3A_1518 = arith.constant 16 : index
      %get3A_1519 = tpu.vector_load %arg10[%get3A_1517, %get3A_1518] {strides = array<i32>} : memref<384x64xf32, #tpu.memory_space<vmem>>, vector<16xf32>,
      %mul3A_1520 = arith.mulf %get3A_1519, %broadcast_in_dim3A_1511 : vector<16xf32>
      tpu.vector_store_idx %arg11[%add3A_27, %broadcast_in_dim3A_1512], %mul3A_1520 : memref<64x385xf32, #tpu.memory_space<vmem>>[vector<16xi32>, vector<16xi32>], vector<16xf32>,
      %get3A_1521 = arith.index_cast %add3A_1508 : i32 to index
      %get3A_1522 = arith.constant 32 : index
      %get3A_1523 = tpu.vector_load %arg10[%get3A_1521, %get3A_1522] {strides = array<i32>} : memref<384x64xf32, #tpu.memory_space<vmem>>, vector<16xf32>,
      %mul3A_1524 = arith.mulf %get3A_1523, %broadcast_in_dim3A_1511 : vector<16xf32>
      tpu.vector_store_idx %arg11[%add3A_30, %broadcast_in_dim3A_1512], %mul3A_1524 : memref<64x385xf32, #tpu.memory_space<vmem>>[vector<16xi32>, vector<16xi32>], vector<16xf32>,
      %get3A_1525 = arith.index_cast %add3A_1508 : i32 to index
      %get3A_1526 = arith.constant 48 : index
      %get3A_1527 = tpu.vector_load %arg10[%get3A_1525, %get3A_1526] {strides = array<i32>} : memref<384x64xf32, #tpu.memory_space<vmem>>, vector<16xf32>,
      %mul3A_1528 = arith.mulf %get3A_1527, %broadcast_in_dim3A_1511 : vector<16xf32>
      tpu.vector_store_idx %arg11[%add3A_33, %broadcast_in_dim3A_1512], %mul3A_1528 : memref<64x385xf32, #tpu.memory_space<vmem>>[vector<16xi32>, vector<16xi32>], vector<16xf32>,
      %add3A_1529 = arith.constant 14 : i32
      %add3A_1530 = arith.addi %mul3A_1216, %add3A_1529 : i32
      %slice3A_1531 = vector.extract_strided_slice %get3A_1220 {offsets = [14], sizes = [1], strides = [1]} : vector<16xf32> to vector<1xf32>
      %squeeze3A_1532 = vector.extract %slice3A_1531[0] : f32 from vector<1xf32>
      %broadcast_in_dim3A_1533 = vector.broadcast %squeeze3A_1532 : f32 to vector<16xf32>
      %broadcast_in_dim3A_1534 = vector.broadcast %add3A_1530 : i32 to vector<16xi32>
      %get3A_1535 = arith.index_cast %add3A_1530 : i32 to index
      %get3A_1536 = arith.constant 0 : index
      %get3A_1537 = tpu.vector_load %arg10[%get3A_1535, %get3A_1536] {strides = array<i32>} : memref<384x64xf32, #tpu.memory_space<vmem>>, vector<16xf32>,
      %mul3A_1538 = arith.mulf %get3A_1537, %broadcast_in_dim3A_1533 : vector<16xf32>
      tpu.vector_store_idx %arg11[%add3A_24, %broadcast_in_dim3A_1534], %mul3A_1538 : memref<64x385xf32, #tpu.memory_space<vmem>>[vector<16xi32>, vector<16xi32>], vector<16xf32>,
      %get3A_1539 = arith.index_cast %add3A_1530 : i32 to index
      %get3A_1540 = arith.constant 16 : index
      %get3A_1541 = tpu.vector_load %arg10[%get3A_1539, %get3A_1540] {strides = array<i32>} : memref<384x64xf32, #tpu.memory_space<vmem>>, vector<16xf32>,
      %mul3A_1542 = arith.mulf %get3A_1541, %broadcast_in_dim3A_1533 : vector<16xf32>
      tpu.vector_store_idx %arg11[%add3A_27, %broadcast_in_dim3A_1534], %mul3A_1542 : memref<64x385xf32, #tpu.memory_space<vmem>>[vector<16xi32>, vector<16xi32>], vector<16xf32>,
      %get3A_1543 = arith.index_cast %add3A_1530 : i32 to index
      %get3A_1544 = arith.constant 32 : index
      %get3A_1545 = tpu.vector_load %arg10[%get3A_1543, %get3A_1544] {strides = array<i32>} : memref<384x64xf32, #tpu.memory_space<vmem>>, vector<16xf32>,
      %mul3A_1546 = arith.mulf %get3A_1545, %broadcast_in_dim3A_1533 : vector<16xf32>
      tpu.vector_store_idx %arg11[%add3A_30, %broadcast_in_dim3A_1534], %mul3A_1546 : memref<64x385xf32, #tpu.memory_space<vmem>>[vector<16xi32>, vector<16xi32>], vector<16xf32>,
      %get3A_1547 = arith.index_cast %add3A_1530 : i32 to index
      %get3A_1548 = arith.constant 48 : index
      %get3A_1549 = tpu.vector_load %arg10[%get3A_1547, %get3A_1548] {strides = array<i32>} : memref<384x64xf32, #tpu.memory_space<vmem>>, vector<16xf32>,
      %mul3A_1550 = arith.mulf %get3A_1549, %broadcast_in_dim3A_1533 : vector<16xf32>
      tpu.vector_store_idx %arg11[%add3A_33, %broadcast_in_dim3A_1534], %mul3A_1550 : memref<64x385xf32, #tpu.memory_space<vmem>>[vector<16xi32>, vector<16xi32>], vector<16xf32>,
      %add3A_1551 = arith.constant 15 : i32
      %add3A_1552 = arith.addi %mul3A_1216, %add3A_1551 : i32
      %slice3A_1553 = vector.extract_strided_slice %get3A_1220 {offsets = [15], sizes = [1], strides = [1]} : vector<16xf32> to vector<1xf32>
      %squeeze3A_1554 = vector.extract %slice3A_1553[0] : f32 from vector<1xf32>
      %broadcast_in_dim3A_1555 = vector.broadcast %squeeze3A_1554 : f32 to vector<16xf32>
      %broadcast_in_dim3A_1556 = vector.broadcast %add3A_1552 : i32 to vector<16xi32>
      %get3A_1557 = arith.index_cast %add3A_1552 : i32 to index
      %get3A_1558 = arith.constant 0 : index
      %get3A_1559 = tpu.vector_load %arg10[%get3A_1557, %get3A_1558] {strides = array<i32>} : memref<384x64xf32, #tpu.memory_space<vmem>>, vector<16xf32>,
      %mul3A_1560 = arith.mulf %get3A_1559, %broadcast_in_dim3A_1555 : vector<16xf32>
      tpu.vector_store_idx %arg11[%add3A_24, %broadcast_in_dim3A_1556], %mul3A_1560 : memref<64x385xf32, #tpu.memory_space<vmem>>[vector<16xi32>, vector<16xi32>], vector<16xf32>,
      %get3A_1561 = arith.index_cast %add3A_1552 : i32 to index
      %get3A_1562 = arith.constant 16 : index
      %get3A_1563 = tpu.vector_load %arg10[%get3A_1561, %get3A_1562] {strides = array<i32>} : memref<384x64xf32, #tpu.memory_space<vmem>>, vector<16xf32>,
      %mul3A_1564 = arith.mulf %get3A_1563, %broadcast_in_dim3A_1555 : vector<16xf32>
      tpu.vector_store_idx %arg11[%add3A_27, %broadcast_in_dim3A_1556], %mul3A_1564 : memref<64x385xf32, #tpu.memory_space<vmem>>[vector<16xi32>, vector<16xi32>], vector<16xf32>,
      %get3A_1565 = arith.index_cast %add3A_1552 : i32 to index
      %get3A_1566 = arith.constant 32 : index
      %get3A_1567 = tpu.vector_load %arg10[%get3A_1565, %get3A_1566] {strides = array<i32>} : memref<384x64xf32, #tpu.memory_space<vmem>>, vector<16xf32>,
      %mul3A_1568 = arith.mulf %get3A_1567, %broadcast_in_dim3A_1555 : vector<16xf32>
      tpu.vector_store_idx %arg11[%add3A_30, %broadcast_in_dim3A_1556], %mul3A_1568 : memref<64x385xf32, #tpu.memory_space<vmem>>[vector<16xi32>, vector<16xi32>], vector<16xf32>,
      %get3A_1569 = arith.index_cast %add3A_1552 : i32 to index
      %get3A_1570 = arith.constant 48 : index
      %get3A_1571 = tpu.vector_load %arg10[%get3A_1569, %get3A_1570] {strides = array<i32>} : memref<384x64xf32, #tpu.memory_space<vmem>>, vector<16xf32>,
      %mul3A_1572 = arith.mulf %get3A_1571, %broadcast_in_dim3A_1555 : vector<16xf32>
      tpu.vector_store_idx %arg11[%add3A_33, %broadcast_in_dim3A_1556], %mul3A_1572 : memref<64x385xf32, #tpu.memory_space<vmem>>[vector<16xi32>, vector<16xi32>], vector<16xf32>,
      %scan3A_1573 = arith.constant 1 : i32
      %add3A_1574 = arith.constant 3 : i32
      %add3A_1575 = arith.addi %add3A_1164, %add3A_1574 : i32
      %lt3A_1576 = arith.constant 48 : i32
      %lt3A_1577 = arith.cmpi slt, %add3A_1575, %lt3A_1576 : i32
      %convert_element_type3A_1578 = arith.extui %lt3A_1577 : i1 to i32
      %cond3A_1579 = arith.constant 0 : i32
      %cond3A_1580 = arith.cmpi ne, %convert_element_type3A_1578, %cond3A_1579 : i32
      scf.if %cond3A_1580 {
        %add3A_2929 = arith.constant 3 : i32
        %add3A_2930 = arith.addi %add3A_1164, %add3A_2929 : i32
        %add3A_2931 = arith.addi %mul3A_21, %add3A_2930 : i32
        %dma_wait3A_2932 = arith.constant 0 : i32
        %dma_wait3A_2933 = arith.constant 1920 : i32
        %dma_wait3A_2934 = tpu.memref_slice %arg6[%dma_wait3A_2933] : memref<2304xi32, #tpu.memory_space<vmem>> -> memref<384xi32, #tpu.memory_space<vmem>>
        %dma_wait3A_2935 = arith.constant 0 : i32
        %dma_wait3A_2936 = tpu.memref_slice %arg2[%select_n3A, %dma_wait3A_2932, %add3A_2931, %dma_wait3A_2935] : memref<4x1x384x384xi32, #tpu.memory_space<hbm>> -> memref<1x1x1x384xi32, #tpu.memory_space<hbm>>
        %dma_wait3A_2937 = tpu.memref_squeeze %dma_wait3A_2936 : memref<1x1x1x384xi32, #tpu.memory_space<hbm>> -> memref<384xi32, #tpu.memory_space<hbm>>
        %dma_wait3A_2938 = arith.constant 1920 : i32
        %dma_wait3A_2939 = tpu.memref_slice %arg6[%dma_wait3A_2938] : memref<2304xi32, #tpu.memory_space<vmem>> -> memref<384xi32, #tpu.memory_space<vmem>>
        %dma_wait3A_2940 = arith.constant 0 : i32
        %dma_wait3A_2941 = tpu.memref_slice %arg2[%select_n3A, %dma_wait3A_2932, %add3A_2931, %dma_wait3A_2940] : memref<4x1x384x384xi32, #tpu.memory_space<hbm>> -> memref<1x1x1x384xi32, #tpu.memory_space<hbm>>
        %dma_wait3A_2942 = tpu.memref_squeeze %dma_wait3A_2941 : memref<1x1x1x384xi32, #tpu.memory_space<hbm>> -> memref<384xi32, #tpu.memory_space<hbm>>
        tpu.wait_dma2 semaphore(%arg23 : memref<!tpu.dma_semaphore, #tpu.memory_space<semaphore_mem>>) src(%dma_wait3A_2942 : memref<384xi32, #tpu.memory_space<hbm>>) dst(%dma_wait3A_2939 : memref<384xi32, #tpu.memory_space<vmem>>)
        %dma_start3A_2943 = arith.constant 0 : i32
        %dma_start3A_2944 = arith.constant 0 : i32
        %dma_start3A_2945 = tpu.memref_slice %arg10[%dma_start3A_2943, %dma_start3A_2944] : memref<384x64xf32, #tpu.memory_space<vmem>> -> memref<128x64xf32, #tpu.memory_space<vmem>>
        %dma_start3A_2946 = arith.constant 1920 : i32
        %dma_start3A_2947 = tpu.memref_slice %arg6[%dma_start3A_2946] : memref<2304xi32, #tpu.memory_space<vmem>> -> memref<128xi32, #tpu.memory_space<vmem>>
        %dma_start3A_2948 = arith.constant 0 : i32
        %dma_start3A_2949 = arith.constant 0 : i32
        %dma_start3A_2950 = tpu.memref_slice %arg4[%dma_start3A_2948, %dma_start3A_2949] : memref<100000x64xf32, #tpu.memory_space<hbm>> -> memref<100000x64xf32, #tpu.memory_space<hbm>>
        tpu.enqueue_indirect_dma source(%dma_start3A_2950 : memref<100000x64xf32, #tpu.memory_space<hbm>>) target(%dma_start3A_2945 : memref<128x64xf32, #tpu.memory_space<vmem>>) offsets(%dma_start3A_2947 : memref<128xi32, #tpu.memory_space<vmem>>) semaphore(%arg15 : memref<!tpu.dma_semaphore, #tpu.memory_space<semaphore_mem>>)
        %dma_start3A_2951 = arith.constant 128 : i32
        %dma_start3A_2952 = arith.constant 0 : i32
        %dma_start3A_2953 = tpu.memref_slice %arg10[%dma_start3A_2951, %dma_start3A_2952] : memref<384x64xf32, #tpu.memory_space<vmem>> -> memref<128x64xf32, #tpu.memory_space<vmem>>
        %dma_start3A_2954 = arith.constant 2048 : i32
        %dma_start3A_2955 = tpu.memref_slice %arg6[%dma_start3A_2954] : memref<2304xi32, #tpu.memory_space<vmem>> -> memref<128xi32, #tpu.memory_space<vmem>>
        %dma_start3A_2956 = arith.constant 0 : i32
        %dma_start3A_2957 = arith.constant 0 : i32
        %dma_start3A_2958 = tpu.memref_slice %arg4[%dma_start3A_2956, %dma_start3A_2957] : memref<100000x64xf32, #tpu.memory_space<hbm>> -> memref<100000x64xf32, #tpu.memory_space<hbm>>
        tpu.enqueue_indirect_dma source(%dma_start3A_2958 : memref<100000x64xf32, #tpu.memory_space<hbm>>) target(%dma_start3A_2953 : memref<128x64xf32, #tpu.memory_space<vmem>>) offsets(%dma_start3A_2955 : memref<128xi32, #tpu.memory_space<vmem>>) semaphore(%arg15 : memref<!tpu.dma_semaphore, #tpu.memory_space<semaphore_mem>>)
        %dma_start3A_2959 = arith.constant 256 : i32
        %dma_start3A_2960 = arith.constant 0 : i32
        %dma_start3A_2961 = tpu.memref_slice %arg10[%dma_start3A_2959, %dma_start3A_2960] : memref<384x64xf32, #tpu.memory_space<vmem>> -> memref<128x64xf32, #tpu.memory_space<vmem>>
        %dma_start3A_2962 = arith.constant 2176 : i32
        %dma_start3A_2963 = tpu.memref_slice %arg6[%dma_start3A_2962] : memref<2304xi32, #tpu.memory_space<vmem>> -> memref<128xi32, #tpu.memory_space<vmem>>
        %dma_start3A_2964 = arith.constant 0 : i32
        %dma_start3A_2965 = arith.constant 0 : i32
        %dma_start3A_2966 = tpu.memref_slice %arg4[%dma_start3A_2964, %dma_start3A_2965] : memref<100000x64xf32, #tpu.memory_space<hbm>> -> memref<100000x64xf32, #tpu.memory_space<hbm>>
        tpu.enqueue_indirect_dma source(%dma_start3A_2966 : memref<100000x64xf32, #tpu.memory_space<hbm>>) target(%dma_start3A_2961 : memref<128x64xf32, #tpu.memory_space<vmem>>) offsets(%dma_start3A_2963 : memref<128xi32, #tpu.memory_space<vmem>>) semaphore(%arg15 : memref<!tpu.dma_semaphore, #tpu.memory_space<semaphore_mem>>)
      } else {
      }
      %add3A_1581 = arith.constant 2 : i32
      %add3A_1582 = arith.addi %add3A_1164, %add3A_1581 : i32
      %lt3A_1583 = arith.constant 48 : i32
      %lt3A_1584 = arith.cmpi slt, %add3A_1582, %lt3A_1583 : i32
      %convert_element_type3A_1585 = arith.extui %lt3A_1584 : i1 to i32
      %cond3A_1586 = arith.constant 0 : i32
      %cond3A_1587 = arith.cmpi ne, %convert_element_type3A_1585, %cond3A_1586 : i32
      scf.if %cond3A_1587 {
        %add3A_2929 = arith.constant 2 : i32
        %add3A_2930 = arith.addi %add3A_1164, %add3A_2929 : i32
        %add3A_2931 = arith.addi %mul3A_21, %add3A_2930 : i32
        %dma_start3A_2932 = arith.constant 0 : i32
        %dma_start3A_2933 = arith.constant 0 : i32
        %dma_start3A_2934 = tpu.memref_slice %arg7[%dma_start3A_2933] : memref<768xf32, #tpu.memory_space<vmem>> -> memref<384xf32, #tpu.memory_space<vmem>>
        %dma_start3A_2935 = arith.constant 0 : i32
        %dma_start3A_2936 = tpu.memref_slice %arg3[%select_n3A, %dma_start3A_2932, %add3A_2931, %dma_start3A_2935] : memref<4x1x384x384xf32, #tpu.memory_space<hbm>> -> memref<1x1x1x384xf32, #tpu.memory_space<hbm>>
        %dma_start3A_2937 = tpu.memref_squeeze %dma_start3A_2936 : memref<1x1x1x384xf32, #tpu.memory_space<hbm>> -> memref<384xf32, #tpu.memory_space<hbm>>
        %dma_start3A_2938 = arith.constant 0 : i32
        %dma_start3A_2939 = tpu.memref_slice %arg7[%dma_start3A_2938] : memref<768xf32, #tpu.memory_space<vmem>> -> memref<384xf32, #tpu.memory_space<vmem>>
        %dma_start3A_2940 = arith.constant 0 : i32
        %dma_start3A_2941 = tpu.memref_slice %arg3[%select_n3A, %dma_start3A_2932, %add3A_2931, %dma_start3A_2940] : memref<4x1x384x384xf32, #tpu.memory_space<hbm>> -> memref<1x1x1x384xf32, #tpu.memory_space<hbm>>
        %dma_start3A_2942 = tpu.memref_squeeze %dma_start3A_2941 : memref<1x1x1x384xf32, #tpu.memory_space<hbm>> -> memref<384xf32, #tpu.memory_space<hbm>>
        tpu.enqueue_dma source(%dma_start3A_2942 : memref<384xf32, #tpu.memory_space<hbm>>) target(%dma_start3A_2939 : memref<384xf32, #tpu.memory_space<vmem>>) target_semaphore(%arg24 : memref<!tpu.dma_semaphore, #tpu.memory_space<semaphore_mem>>)
      } else {
      }
      %add3A_1588 = arith.addi %mul3A_21, %add3A_1164 : i32
      %dma_start3A_1589 = arith.constant 0 : i32
      %dma_start3A_1590 = arith.constant 0 : i32
      %dma_start3A_1591 = tpu.memref_slice %arg11[%dma_start3A_1589, %dma_start3A_1590] : memref<64x385xf32, #tpu.memory_space<vmem>> -> memref<64x384xf32, #tpu.memory_space<vmem>>
      %dma_start3A_1592 = arith.constant 0 : i32
      %dma_start3A_1593 = arith.constant 0 : i32
      %dma_start3A_1594 = tpu.memref_slice %arg5[%select_n3A, %dma_start3A_1592, %add3A_1588, %dma_start3A_1593] : memref<4x64x384x384xf32, #tpu.memory_space<hbm>> -> memref<1x64x1x384xf32, #tpu.memory_space<hbm>>
      %dma_start3A_1595 = tpu.memref_squeeze %dma_start3A_1594 : memref<1x64x1x384xf32, #tpu.memory_space<hbm>> -> memref<64x384xf32, #tpu.memory_space<hbm>>
      %dma_start3A_1596 = arith.constant 0 : i32
      %dma_start3A_1597 = arith.constant 0 : i32
      %dma_start3A_1598 = tpu.memref_slice %arg5[%select_n3A, %dma_start3A_1596, %add3A_1588, %dma_start3A_1597] : memref<4x64x384x384xf32, #tpu.memory_space<hbm>> -> memref<1x64x1x384xf32, #tpu.memory_space<hbm>>
      %dma_start3A_1599 = tpu.memref_squeeze %dma_start3A_1598 : memref<1x64x1x384xf32, #tpu.memory_space<hbm>> -> memref<64x384xf32, #tpu.memory_space<hbm>>
      %dma_start3A_1600 = arith.constant 0 : i32
      %dma_start3A_1601 = arith.constant 0 : i32
      %dma_start3A_1602 = tpu.memref_slice %arg11[%dma_start3A_1600, %dma_start3A_1601] : memref<64x385xf32, #tpu.memory_space<vmem>> -> memref<64x384xf32, #tpu.memory_space<vmem>>
      tpu.enqueue_dma source(%dma_start3A_1602 : memref<64x384xf32, #tpu.memory_space<vmem>>) target(%dma_start3A_1599 : memref<64x384xf32, #tpu.memory_space<hbm>>) target_semaphore(%arg16 : memref<!tpu.dma_semaphore, #tpu.memory_space<semaphore_mem>>)
      %mul3A_1603 = arith.constant 6 : i32
      %mul3A_1604 = arith.muli %scan3A_284, %mul3A_1603 : i32
      %add3A_1605 = arith.constant 3 : i32
      %add3A_1606 = arith.addi %mul3A_1604, %add3A_1605 : i32
      %dma_wait3A_1607 = arith.constant 0 : i32
      %dma_wait3A_1608 = arith.constant 0 : i32
      %dma_wait3A_1609 = tpu.memref_slice %arg8[%dma_wait3A_1607, %dma_wait3A_1608] : memref<384x64xf32, #tpu.memory_space<vmem>> -> memref<128x64xf32, #tpu.memory_space<vmem>>
      %dma_wait3A_1610 = arith.constant 1152 : i32
      %dma_wait3A_1611 = tpu.memref_slice %arg6[%dma_wait3A_1610] : memref<2304xi32, #tpu.memory_space<vmem>> -> memref<128xi32, #tpu.memory_space<vmem>>
      %dma_wait3A_1612 = arith.constant 0 : i32
      %dma_wait3A_1613 = arith.constant 0 : i32
      %dma_wait3A_1614 = tpu.memref_slice %arg4[%dma_wait3A_1612, %dma_wait3A_1613] : memref<100000x64xf32, #tpu.memory_space<hbm>> -> memref<100000x64xf32, #tpu.memory_space<hbm>>
      tpu.wait_indirect_dma semaphore(%arg13 : memref<!tpu.dma_semaphore, #tpu.memory_space<semaphore_mem>>) src(%dma_wait3A_1614 : memref<100000x64xf32, #tpu.memory_space<hbm>>) dst(%dma_wait3A_1609 : memref<128x64xf32, #tpu.memory_space<vmem>>)
      %dma_wait3A_1615 = arith.constant 128 : i32
      %dma_wait3A_1616 = arith.constant 0 : i32
      %dma_wait3A_1617 = tpu.memref_slice %arg8[%dma_wait3A_1615, %dma_wait3A_1616] : memref<384x64xf32, #tpu.memory_space<vmem>> -> memref<128x64xf32, #tpu.memory_space<vmem>>
      %dma_wait3A_1618 = arith.constant 1280 : i32
      %dma_wait3A_1619 = tpu.memref_slice %arg6[%dma_wait3A_1618] : memref<2304xi32, #tpu.memory_space<vmem>> -> memref<128xi32, #tpu.memory_space<vmem>>
      %dma_wait3A_1620 = arith.constant 0 : i32
      %dma_wait3A_1621 = arith.constant 0 : i32
      %dma_wait3A_1622 = tpu.memref_slice %arg4[%dma_wait3A_1620, %dma_wait3A_1621] : memref<100000x64xf32, #tpu.memory_space<hbm>> -> memref<100000x64xf32, #tpu.memory_space<hbm>>
      tpu.wait_indirect_dma semaphore(%arg13 : memref<!tpu.dma_semaphore, #tpu.memory_space<semaphore_mem>>) src(%dma_wait3A_1622 : memref<100000x64xf32, #tpu.memory_space<hbm>>) dst(%dma_wait3A_1617 : memref<128x64xf32, #tpu.memory_space<vmem>>)
      %dma_wait3A_1623 = arith.constant 256 : i32
      %dma_wait3A_1624 = arith.constant 0 : i32
      %dma_wait3A_1625 = tpu.memref_slice %arg8[%dma_wait3A_1623, %dma_wait3A_1624] : memref<384x64xf32, #tpu.memory_space<vmem>> -> memref<128x64xf32, #tpu.memory_space<vmem>>
      %dma_wait3A_1626 = arith.constant 1408 : i32
      %dma_wait3A_1627 = tpu.memref_slice %arg6[%dma_wait3A_1626] : memref<2304xi32, #tpu.memory_space<vmem>> -> memref<128xi32, #tpu.memory_space<vmem>>
      %dma_wait3A_1628 = arith.constant 0 : i32
      %dma_wait3A_1629 = arith.constant 0 : i32
      %dma_wait3A_1630 = tpu.memref_slice %arg4[%dma_wait3A_1628, %dma_wait3A_1629] : memref<100000x64xf32, #tpu.memory_space<hbm>> -> memref<100000x64xf32, #tpu.memory_space<hbm>>
      tpu.wait_indirect_dma semaphore(%arg13 : memref<!tpu.dma_semaphore, #tpu.memory_space<semaphore_mem>>) src(%dma_wait3A_1630 : memref<100000x64xf32, #tpu.memory_space<hbm>>) dst(%dma_wait3A_1625 : memref<128x64xf32, #tpu.memory_space<vmem>>)
      %add3A_1631 = arith.addi %mul3A_21, %add3A_1606 : i32
      %dma_wait3A_1632 = arith.constant 0 : i32
      %dma_wait3A_1633 = arith.constant 384 : i32
      %dma_wait3A_1634 = tpu.memref_slice %arg7[%dma_wait3A_1633] : memref<768xf32, #tpu.memory_space<vmem>> -> memref<384xf32, #tpu.memory_space<vmem>>
      %dma_wait3A_1635 = arith.constant 0 : i32
      %dma_wait3A_1636 = tpu.memref_slice %arg3[%select_n3A, %dma_wait3A_1632, %add3A_1631, %dma_wait3A_1635] : memref<4x1x384x384xf32, #tpu.memory_space<hbm>> -> memref<1x1x1x384xf32, #tpu.memory_space<hbm>>
      %dma_wait3A_1637 = tpu.memref_squeeze %dma_wait3A_1636 : memref<1x1x1x384xf32, #tpu.memory_space<hbm>> -> memref<384xf32, #tpu.memory_space<hbm>>
      %dma_wait3A_1638 = arith.constant 384 : i32
      %dma_wait3A_1639 = tpu.memref_slice %arg7[%dma_wait3A_1638] : memref<768xf32, #tpu.memory_space<vmem>> -> memref<384xf32, #tpu.memory_space<vmem>>
      %dma_wait3A_1640 = arith.constant 0 : i32
      %dma_wait3A_1641 = tpu.memref_slice %arg3[%select_n3A, %dma_wait3A_1632, %add3A_1631, %dma_wait3A_1640] : memref<4x1x384x384xf32, #tpu.memory_space<hbm>> -> memref<1x1x1x384xf32, #tpu.memory_space<hbm>>
      %dma_wait3A_1642 = tpu.memref_squeeze %dma_wait3A_1641 : memref<1x1x1x384xf32, #tpu.memory_space<hbm>> -> memref<384xf32, #tpu.memory_space<hbm>>
      tpu.wait_dma2 semaphore(%arg25 : memref<!tpu.dma_semaphore, #tpu.memory_space<semaphore_mem>>) src(%dma_wait3A_1642 : memref<384xf32, #tpu.memory_space<hbm>>) dst(%dma_wait3A_1639 : memref<384xf32, #tpu.memory_space<vmem>>)
      %add3A_1643 = arith.constant 6 : i32
      %add3A_1644 = arith.addi %add3A_1606, %add3A_1643 : i32
      %lt3A_1645 = arith.constant 48 : i32
      %lt3A_1646 = arith.cmpi slt, %add3A_1644, %lt3A_1645 : i32
      %convert_element_type3A_1647 = arith.extui %lt3A_1646 : i1 to i32
      %cond3A_1648 = arith.constant 0 : i32
      %cond3A_1649 = arith.cmpi ne, %convert_element_type3A_1647, %cond3A_1648 : i32
      scf.if %cond3A_1649 {
        %add3A_2929 = arith.constant 6 : i32
        %add3A_2930 = arith.addi %add3A_1606, %add3A_2929 : i32
        %add3A_2931 = arith.addi %mul3A_21, %add3A_2930 : i32
        %dma_start3A_2932 = arith.constant 0 : i32
        %dma_start3A_2933 = arith.constant 1152 : i32
        %dma_start3A_2934 = tpu.memref_slice %arg6[%dma_start3A_2933] : memref<2304xi32, #tpu.memory_space<vmem>> -> memref<384xi32, #tpu.memory_space<vmem>>
        %dma_start3A_2935 = arith.constant 0 : i32
        %dma_start3A_2936 = tpu.memref_slice %arg2[%select_n3A, %dma_start3A_2932, %add3A_2931, %dma_start3A_2935] : memref<4x1x384x384xi32, #tpu.memory_space<hbm>> -> memref<1x1x1x384xi32, #tpu.memory_space<hbm>>
        %dma_start3A_2937 = tpu.memref_squeeze %dma_start3A_2936 : memref<1x1x1x384xi32, #tpu.memory_space<hbm>> -> memref<384xi32, #tpu.memory_space<hbm>>
        %dma_start3A_2938 = arith.constant 1152 : i32
        %dma_start3A_2939 = tpu.memref_slice %arg6[%dma_start3A_2938] : memref<2304xi32, #tpu.memory_space<vmem>> -> memref<384xi32, #tpu.memory_space<vmem>>
        %dma_start3A_2940 = arith.constant 0 : i32
        %dma_start3A_2941 = tpu.memref_slice %arg2[%select_n3A, %dma_start3A_2932, %add3A_2931, %dma_start3A_2940] : memref<4x1x384x384xi32, #tpu.memory_space<hbm>> -> memref<1x1x1x384xi32, #tpu.memory_space<hbm>>
        %dma_start3A_2942 = tpu.memref_squeeze %dma_start3A_2941 : memref<1x1x1x384xi32, #tpu.memory_space<hbm>> -> memref<384xi32, #tpu.memory_space<hbm>>
        tpu.enqueue_dma source(%dma_start3A_2942 : memref<384xi32, #tpu.memory_space<hbm>>) target(%dma_start3A_2939 : memref<384xi32, #tpu.memory_space<vmem>>) target_semaphore(%arg21 : memref<!tpu.dma_semaphore, #tpu.memory_space<semaphore_mem>>)
      } else {
      }
      %ge3A_1650 = arith.constant 2 : i32
      %ge3A_1651 = arith.cmpi sge, %add3A_1606, %ge3A_1650 : i32
      %convert_element_type3A_1652 = arith.extui %ge3A_1651 : i1 to i32
      %cond3A_1653 = arith.constant 0 : i32
      %cond3A_1654 = arith.cmpi ne, %convert_element_type3A_1652, %cond3A_1653 : i32
      scf.if %cond3A_1654 {
        %sub3A_2929 = arith.constant 2 : i32
        %sub3A_2930 = arith.subi %add3A_1606, %sub3A_2929 : i32
        %add3A_2931 = arith.addi %mul3A_21, %sub3A_2930 : i32
        %dma_wait3A_2932 = arith.constant 0 : i32
        %dma_wait3A_2933 = arith.constant 0 : i32
        %dma_wait3A_2934 = tpu.memref_slice %arg12[%dma_wait3A_2932, %dma_wait3A_2933] : memref<64x385xf32, #tpu.memory_space<vmem>> -> memref<64x384xf32, #tpu.memory_space<vmem>>
        %dma_wait3A_2935 = arith.constant 0 : i32
        %dma_wait3A_2936 = arith.constant 0 : i32
        %dma_wait3A_2937 = tpu.memref_slice %arg5[%select_n3A, %dma_wait3A_2935, %add3A_2931, %dma_wait3A_2936] : memref<4x64x384x384xf32, #tpu.memory_space<hbm>> -> memref<1x64x1x384xf32, #tpu.memory_space<hbm>>
        %dma_wait3A_2938 = tpu.memref_squeeze %dma_wait3A_2937 : memref<1x64x1x384xf32, #tpu.memory_space<hbm>> -> memref<64x384xf32, #tpu.memory_space<hbm>>
        %dma_wait3A_2939 = arith.constant 0 : i32
        %dma_wait3A_2940 = arith.constant 0 : i32
        %dma_wait3A_2941 = tpu.memref_slice %arg5[%select_n3A, %dma_wait3A_2939, %add3A_2931, %dma_wait3A_2940] : memref<4x64x384x384xf32, #tpu.memory_space<hbm>> -> memref<1x64x1x384xf32, #tpu.memory_space<hbm>>
        %dma_wait3A_2942 = tpu.memref_squeeze %dma_wait3A_2941 : memref<1x64x1x384xf32, #tpu.memory_space<hbm>> -> memref<64x384xf32, #tpu.memory_space<hbm>>
        %dma_wait3A_2943 = arith.constant 0 : i32
        %dma_wait3A_2944 = arith.constant 0 : i32
        %dma_wait3A_2945 = tpu.memref_slice %arg12[%dma_wait3A_2943, %dma_wait3A_2944] : memref<64x385xf32, #tpu.memory_space<vmem>> -> memref<64x384xf32, #tpu.memory_space<vmem>>
        tpu.wait_dma2 semaphore(%arg17 : memref<!tpu.dma_semaphore, #tpu.memory_space<semaphore_mem>>) src(%dma_wait3A_2945 : memref<64x384xf32, #tpu.memory_space<vmem>>) dst(%dma_wait3A_2942 : memref<64x384xf32, #tpu.memory_space<hbm>>)
      } else {
      }
      %scan3A_1655 = arith.constant 0 : i32
      %scan3A_1656 = arith.constant 0 : i32
      %mul3A_1657 = arith.constant 16 : i32
      %mul3A_1658 = arith.muli %scan3A_1656, %mul3A_1657 : i32
      %add3A_1659 = arith.constant 384 : i32
      %add3A_1660 = arith.addi %add3A_1659, %mul3A_1658 : i32
      %get3A_1661 = arith.index_cast %add3A_1660 : i32 to index
      %get3A_1662 = tpu.vector_load %arg7[%get3A_1661] {strides = array<i32>} : memref<768xf32, #tpu.memory_space<vmem>>, vector<16xf32>,
      %add3A_1663 = arith.constant 0 : i32
      %add3A_1664 = arith.addi %mul3A_1658, %add3A_1663 : i32
      %slice3A_1665 = vector.extract_strided_slice %get3A_1662 {offsets = [0], sizes = [1], strides = [1]} : vector<16xf32> to vector<1xf32>
      %squeeze3A_1666 = vector.extract %slice3A_1665[0] : f32 from vector<1xf32>
      %broadcast_in_dim3A_1667 = vector.broadcast %squeeze3A_1666 : f32 to vector<16xf32>
      %broadcast_in_dim3A_1668 = vector.broadcast %add3A_1664 : i32 to vector<16xi32>
      %get3A_1669 = arith.index_cast %add3A_1664 : i32 to index
      %get3A_1670 = arith.constant 0 : index
      %get3A_1671 = tpu.vector_load %arg8[%get3A_1669, %get3A_1670] {strides = array<i32>} : memref<384x64xf32, #tpu.memory_space<vmem>>, vector<16xf32>,
      %mul3A_1672 = arith.mulf %get3A_1671, %broadcast_in_dim3A_1667 : vector<16xf32>
      tpu.vector_store_idx %arg12[%add3A_24, %broadcast_in_dim3A_1668], %mul3A_1672 : memref<64x385xf32, #tpu.memory_space<vmem>>[vector<16xi32>, vector<16xi32>], vector<16xf32>,
      %get3A_1673 = arith.index_cast %add3A_1664 : i32 to index
      %get3A_1674 = arith.constant 16 : index
      %get3A_1675 = tpu.vector_load %arg8[%get3A_1673, %get3A_1674] {strides = array<i32>} : memref<384x64xf32, #tpu.memory_space<vmem>>, vector<16xf32>,
      %mul3A_1676 = arith.mulf %get3A_1675, %broadcast_in_dim3A_1667 : vector<16xf32>
      tpu.vector_store_idx %arg12[%add3A_27, %broadcast_in_dim3A_1668], %mul3A_1676 : memref<64x385xf32, #tpu.memory_space<vmem>>[vector<16xi32>, vector<16xi32>], vector<16xf32>,
      %get3A_1677 = arith.index_cast %add3A_1664 : i32 to index
      %get3A_1678 = arith.constant 32 : index
      %get3A_1679 = tpu.vector_load %arg8[%get3A_1677, %get3A_1678] {strides = array<i32>} : memref<384x64xf32, #tpu.memory_space<vmem>>, vector<16xf32>,
      %mul3A_1680 = arith.mulf %get3A_1679, %broadcast_in_dim3A_1667 : vector<16xf32>
      tpu.vector_store_idx %arg12[%add3A_30, %broadcast_in_dim3A_1668], %mul3A_1680 : memref<64x385xf32, #tpu.memory_space<vmem>>[vector<16xi32>, vector<16xi32>], vector<16xf32>,
      %get3A_1681 = arith.index_cast %add3A_1664 : i32 to index
      %get3A_1682 = arith.constant 48 : index
      %get3A_1683 = tpu.vector_load %arg8[%get3A_1681, %get3A_1682] {strides = array<i32>} : memref<384x64xf32, #tpu.memory_space<vmem>>, vector<16xf32>,
      %mul3A_1684 = arith.mulf %get3A_1683, %broadcast_in_dim3A_1667 : vector<16xf32>
      tpu.vector_store_idx %arg12[%add3A_33, %broadcast_in_dim3A_1668], %mul3A_1684 : memref<64x385xf32, #tpu.memory_space<vmem>>[vector<16xi32>, vector<16xi32>], vector<16xf32>,
      %add3A_1685 = arith.constant 1 : i32
      %add3A_1686 = arith.addi %mul3A_1658, %add3A_1685 : i32
      %slice3A_1687 = vector.extract_strided_slice %get3A_1662 {offsets = [1], sizes = [1], strides = [1]} : vector<16xf32> to vector<1xf32>
      %squeeze3A_1688 = vector.extract %slice3A_1687[0] : f32 from vector<1xf32>
      %broadcast_in_dim3A_1689 = vector.broadcast %squeeze3A_1688 : f32 to vector<16xf32>
      %broadcast_in_dim3A_1690 = vector.broadcast %add3A_1686 : i32 to vector<16xi32>
      %get3A_1691 = arith.index_cast %add3A_1686 : i32 to index
      %get3A_1692 = arith.constant 0 : index
      %get3A_1693 = tpu.vector_load %arg8[%get3A_1691, %get3A_1692] {strides = array<i32>} : memref<384x64xf32, #tpu.memory_space<vmem>>, vector<16xf32>,
      %mul3A_1694 = arith.mulf %get3A_1693, %broadcast_in_dim3A_1689 : vector<16xf32>
      tpu.vector_store_idx %arg12[%add3A_24, %broadcast_in_dim3A_1690], %mul3A_1694 : memref<64x385xf32, #tpu.memory_space<vmem>>[vector<16xi32>, vector<16xi32>], vector<16xf32>,
      %get3A_1695 = arith.index_cast %add3A_1686 : i32 to index
      %get3A_1696 = arith.constant 16 : index
      %get3A_1697 = tpu.vector_load %arg8[%get3A_1695, %get3A_1696] {strides = array<i32>} : memref<384x64xf32, #tpu.memory_space<vmem>>, vector<16xf32>,
      %mul3A_1698 = arith.mulf %get3A_1697, %broadcast_in_dim3A_1689 : vector<16xf32>
      tpu.vector_store_idx %arg12[%add3A_27, %broadcast_in_dim3A_1690], %mul3A_1698 : memref<64x385xf32, #tpu.memory_space<vmem>>[vector<16xi32>, vector<16xi32>], vector<16xf32>,
      %get3A_1699 = arith.index_cast %add3A_1686 : i32 to index
      %get3A_1700 = arith.constant 32 : index
      %get3A_1701 = tpu.vector_load %arg8[%get3A_1699, %get3A_1700] {strides = array<i32>} : memref<384x64xf32, #tpu.memory_space<vmem>>, vector<16xf32>,
      %mul3A_1702 = arith.mulf %get3A_1701, %broadcast_in_dim3A_1689 : vector<16xf32>
      tpu.vector_store_idx %arg12[%add3A_30, %broadcast_in_dim3A_1690], %mul3A_1702 : memref<64x385xf32, #tpu.memory_space<vmem>>[vector<16xi32>, vector<16xi32>], vector<16xf32>,
      %get3A_1703 = arith.index_cast %add3A_1686 : i32 to index
      %get3A_1704 = arith.constant 48 : index
      %get3A_1705 = tpu.vector_load %arg8[%get3A_1703, %get3A_1704] {strides = array<i32>} : memref<384x64xf32, #tpu.memory_space<vmem>>, vector<16xf32>,
      %mul3A_1706 = arith.mulf %get3A_1705, %broadcast_in_dim3A_1689 : vector<16xf32>
      tpu.vector_store_idx %arg12[%add3A_33, %broadcast_in_dim3A_1690], %mul3A_1706 : memref<64x385xf32, #tpu.memory_space<vmem>>[vector<16xi32>, vector<16xi32>], vector<16xf32>,
      %add3A_1707 = arith.constant 2 : i32
      %add3A_1708 = arith.addi %mul3A_1658, %add3A_1707 : i32
      %slice3A_1709 = vector.extract_strided_slice %get3A_1662 {offsets = [2], sizes = [1], strides = [1]} : vector<16xf32> to vector<1xf32>
      %squeeze3A_1710 = vector.extract %slice3A_1709[0] : f32 from vector<1xf32>
      %broadcast_in_dim3A_1711 = vector.broadcast %squeeze3A_1710 : f32 to vector<16xf32>
      %broadcast_in_dim3A_1712 = vector.broadcast %add3A_1708 : i32 to vector<16xi32>
      %get3A_1713 = arith.index_cast %add3A_1708 : i32 to index
      %get3A_1714 = arith.constant 0 : index
      %get3A_1715 = tpu.vector_load %arg8[%get3A_1713, %get3A_1714] {strides = array<i32>} : memref<384x64xf32, #tpu.memory_space<vmem>>, vector<16xf32>,
      %mul3A_1716 = arith.mulf %get3A_1715, %broadcast_in_dim3A_1711 : vector<16xf32>
      tpu.vector_store_idx %arg12[%add3A_24, %broadcast_in_dim3A_1712], %mul3A_1716 : memref<64x385xf32, #tpu.memory_space<vmem>>[vector<16xi32>, vector<16xi32>], vector<16xf32>,
      %get3A_1717 = arith.index_cast %add3A_1708 : i32 to index
      %get3A_1718 = arith.constant 16 : index
      %get3A_1719 = tpu.vector_load %arg8[%get3A_1717, %get3A_1718] {strides = array<i32>} : memref<384x64xf32, #tpu.memory_space<vmem>>, vector<16xf32>,
      %mul3A_1720 = arith.mulf %get3A_1719, %broadcast_in_dim3A_1711 : vector<16xf32>
      tpu.vector_store_idx %arg12[%add3A_27, %broadcast_in_dim3A_1712], %mul3A_1720 : memref<64x385xf32, #tpu.memory_space<vmem>>[vector<16xi32>, vector<16xi32>], vector<16xf32>,
      %get3A_1721 = arith.index_cast %add3A_1708 : i32 to index
      %get3A_1722 = arith.constant 32 : index
      %get3A_1723 = tpu.vector_load %arg8[%get3A_1721, %get3A_1722] {strides = array<i32>} : memref<384x64xf32, #tpu.memory_space<vmem>>, vector<16xf32>,
      %mul3A_1724 = arith.mulf %get3A_1723, %broadcast_in_dim3A_1711 : vector<16xf32>
      tpu.vector_store_idx %arg12[%add3A_30, %broadcast_in_dim3A_1712], %mul3A_1724 : memref<64x385xf32, #tpu.memory_space<vmem>>[vector<16xi32>, vector<16xi32>], vector<16xf32>,
      %get3A_1725 = arith.index_cast %add3A_1708 : i32 to index
      %get3A_1726 = arith.constant 48 : index
      %get3A_1727 = tpu.vector_load %arg8[%get3A_1725, %get3A_1726] {strides = array<i32>} : memref<384x64xf32, #tpu.memory_space<vmem>>, vector<16xf32>,
      %mul3A_1728 = arith.mulf %get3A_1727, %broadcast_in_dim3A_1711 : vector<16xf32>
      tpu.vector_store_idx %arg12[%add3A_33, %broadcast_in_dim3A_1712], %mul3A_1728 : memref<64x385xf32, #tpu.memory_space<vmem>>[vector<16xi32>, vector<16xi32>], vector<16xf32>,
      %add3A_1729 = arith.constant 3 : i32
      %add3A_1730 = arith.addi %mul3A_1658, %add3A_1729 : i32
      %slice3A_1731 = vector.extract_strided_slice %get3A_1662 {offsets = [3], sizes = [1], strides = [1]} : vector<16xf32> to vector<1xf32>
      %squeeze3A_1732 = vector.extract %slice3A_1731[0] : f32 from vector<1xf32>
      %broadcast_in_dim3A_1733 = vector.broadcast %squeeze3A_1732 : f32 to vector<16xf32>
      %broadcast_in_dim3A_1734 = vector.broadcast %add3A_1730 : i32 to vector<16xi32>
      %get3A_1735 = arith.index_cast %add3A_1730 : i32 to index
      %get3A_1736 = arith.constant 0 : index
      %get3A_1737 = tpu.vector_load %arg8[%get3A_1735, %get3A_1736] {strides = array<i32>} : memref<384x64xf32, #tpu.memory_space<vmem>>, vector<16xf32>,
      %mul3A_1738 = arith.mulf %get3A_1737, %broadcast_in_dim3A_1733 : vector<16xf32>
      tpu.vector_store_idx %arg12[%add3A_24, %broadcast_in_dim3A_1734], %mul3A_1738 : memref<64x385xf32, #tpu.memory_space<vmem>>[vector<16xi32>, vector<16xi32>], vector<16xf32>,
      %get3A_1739 = arith.index_cast %add3A_1730 : i32 to index
      %get3A_1740 = arith.constant 16 : index
      %get3A_1741 = tpu.vector_load %arg8[%get3A_1739, %get3A_1740] {strides = array<i32>} : memref<384x64xf32, #tpu.memory_space<vmem>>, vector<16xf32>,
      %mul3A_1742 = arith.mulf %get3A_1741, %broadcast_in_dim3A_1733 : vector<16xf32>
      tpu.vector_store_idx %arg12[%add3A_27, %broadcast_in_dim3A_1734], %mul3A_1742 : memref<64x385xf32, #tpu.memory_space<vmem>>[vector<16xi32>, vector<16xi32>], vector<16xf32>,
      %get3A_1743 = arith.index_cast %add3A_1730 : i32 to index
      %get3A_1744 = arith.constant 32 : index
      %get3A_1745 = tpu.vector_load %arg8[%get3A_1743, %get3A_1744] {strides = array<i32>} : memref<384x64xf32, #tpu.memory_space<vmem>>, vector<16xf32>,
      %mul3A_1746 = arith.mulf %get3A_1745, %broadcast_in_dim3A_1733 : vector<16xf32>
      tpu.vector_store_idx %arg12[%add3A_30, %broadcast_in_dim3A_1734], %mul3A_1746 : memref<64x385xf32, #tpu.memory_space<vmem>>[vector<16xi32>, vector<16xi32>], vector<16xf32>,
      %get3A_1747 = arith.index_cast %add3A_1730 : i32 to index
      %get3A_1748 = arith.constant 48 : index
      %get3A_1749 = tpu.vector_load %arg8[%get3A_1747, %get3A_1748] {strides = array<i32>} : memref<384x64xf32, #tpu.memory_space<vmem>>, vector<16xf32>,
      %mul3A_1750 = arith.mulf %get3A_1749, %broadcast_in_dim3A_1733 : vector<16xf32>
      tpu.vector_store_idx %arg12[%add3A_33, %broadcast_in_dim3A_1734], %mul3A_1750 : memref<64x385xf32, #tpu.memory_space<vmem>>[vector<16xi32>, vector<16xi32>], vector<16xf32>,
      %add3A_1751 = arith.constant 4 : i32
      %add3A_1752 = arith.addi %mul3A_1658, %add3A_1751 : i32
      %slice3A_1753 = vector.extract_strided_slice %get3A_1662 {offsets = [4], sizes = [1], strides = [1]} : vector<16xf32> to vector<1xf32>
      %squeeze3A_1754 = vector.extract %slice3A_1753[0] : f32 from vector<1xf32>
      %broadcast_in_dim3A_1755 = vector.broadcast %squeeze3A_1754 : f32 to vector<16xf32>
      %broadcast_in_dim3A_1756 = vector.broadcast %add3A_1752 : i32 to vector<16xi32>
      %get3A_1757 = arith.index_cast %add3A_1752 : i32 to index
      %get3A_1758 = arith.constant 0 : index
      %get3A_1759 = tpu.vector_load %arg8[%get3A_1757, %get3A_1758] {strides = array<i32>} : memref<384x64xf32, #tpu.memory_space<vmem>>, vector<16xf32>,
      %mul3A_1760 = arith.mulf %get3A_1759, %broadcast_in_dim3A_1755 : vector<16xf32>
      tpu.vector_store_idx %arg12[%add3A_24, %broadcast_in_dim3A_1756], %mul3A_1760 : memref<64x385xf32, #tpu.memory_space<vmem>>[vector<16xi32>, vector<16xi32>], vector<16xf32>,
      %get3A_1761 = arith.index_cast %add3A_1752 : i32 to index
      %get3A_1762 = arith.constant 16 : index
      %get3A_1763 = tpu.vector_load %arg8[%get3A_1761, %get3A_1762] {strides = array<i32>} : memref<384x64xf32, #tpu.memory_space<vmem>>, vector<16xf32>,
      %mul3A_1764 = arith.mulf %get3A_1763, %broadcast_in_dim3A_1755 : vector<16xf32>
      tpu.vector_store_idx %arg12[%add3A_27, %broadcast_in_dim3A_1756], %mul3A_1764 : memref<64x385xf32, #tpu.memory_space<vmem>>[vector<16xi32>, vector<16xi32>], vector<16xf32>,
      %get3A_1765 = arith.index_cast %add3A_1752 : i32 to index
      %get3A_1766 = arith.constant 32 : index
      %get3A_1767 = tpu.vector_load %arg8[%get3A_1765, %get3A_1766] {strides = array<i32>} : memref<384x64xf32, #tpu.memory_space<vmem>>, vector<16xf32>,
      %mul3A_1768 = arith.mulf %get3A_1767, %broadcast_in_dim3A_1755 : vector<16xf32>
      tpu.vector_store_idx %arg12[%add3A_30, %broadcast_in_dim3A_1756], %mul3A_1768 : memref<64x385xf32, #tpu.memory_space<vmem>>[vector<16xi32>, vector<16xi32>], vector<16xf32>,
      %get3A_1769 = arith.index_cast %add3A_1752 : i32 to index
      %get3A_1770 = arith.constant 48 : index
      %get3A_1771 = tpu.vector_load %arg8[%get3A_1769, %get3A_1770] {strides = array<i32>} : memref<384x64xf32, #tpu.memory_space<vmem>>, vector<16xf32>,
      %mul3A_1772 = arith.mulf %get3A_1771, %broadcast_in_dim3A_1755 : vector<16xf32>
      tpu.vector_store_idx %arg12[%add3A_33, %broadcast_in_dim3A_1756], %mul3A_1772 : memref<64x385xf32, #tpu.memory_space<vmem>>[vector<16xi32>, vector<16xi32>], vector<16xf32>,
      %add3A_1773 = arith.constant 5 : i32
      %add3A_1774 = arith.addi %mul3A_1658, %add3A_1773 : i32
      %slice3A_1775 = vector.extract_strided_slice %get3A_1662 {offsets = [5], sizes = [1], strides = [1]} : vector<16xf32> to vector<1xf32>
      %squeeze3A_1776 = vector.extract %slice3A_1775[0] : f32 from vector<1xf32>
      %broadcast_in_dim3A_1777 = vector.broadcast %squeeze3A_1776 : f32 to vector<16xf32>
      %broadcast_in_dim3A_1778 = vector.broadcast %add3A_1774 : i32 to vector<16xi32>
      %get3A_1779 = arith.index_cast %add3A_1774 : i32 to index
      %get3A_1780 = arith.constant 0 : index
      %get3A_1781 = tpu.vector_load %arg8[%get3A_1779, %get3A_1780] {strides = array<i32>} : memref<384x64xf32, #tpu.memory_space<vmem>>, vector<16xf32>,
      %mul3A_1782 = arith.mulf %get3A_1781, %broadcast_in_dim3A_1777 : vector<16xf32>
      tpu.vector_store_idx %arg12[%add3A_24, %broadcast_in_dim3A_1778], %mul3A_1782 : memref<64x385xf32, #tpu.memory_space<vmem>>[vector<16xi32>, vector<16xi32>], vector<16xf32>,
      %get3A_1783 = arith.index_cast %add3A_1774 : i32 to index
      %get3A_1784 = arith.constant 16 : index
      %get3A_1785 = tpu.vector_load %arg8[%get3A_1783, %get3A_1784] {strides = array<i32>} : memref<384x64xf32, #tpu.memory_space<vmem>>, vector<16xf32>,
      %mul3A_1786 = arith.mulf %get3A_1785, %broadcast_in_dim3A_1777 : vector<16xf32>
      tpu.vector_store_idx %arg12[%add3A_27, %broadcast_in_dim3A_1778], %mul3A_1786 : memref<64x385xf32, #tpu.memory_space<vmem>>[vector<16xi32>, vector<16xi32>], vector<16xf32>,
      %get3A_1787 = arith.index_cast %add3A_1774 : i32 to index
      %get3A_1788 = arith.constant 32 : index
      %get3A_1789 = tpu.vector_load %arg8[%get3A_1787, %get3A_1788] {strides = array<i32>} : memref<384x64xf32, #tpu.memory_space<vmem>>, vector<16xf32>,
      %mul3A_1790 = arith.mulf %get3A_1789, %broadcast_in_dim3A_1777 : vector<16xf32>
      tpu.vector_store_idx %arg12[%add3A_30, %broadcast_in_dim3A_1778], %mul3A_1790 : memref<64x385xf32, #tpu.memory_space<vmem>>[vector<16xi32>, vector<16xi32>], vector<16xf32>,
      %get3A_1791 = arith.index_cast %add3A_1774 : i32 to index
      %get3A_1792 = arith.constant 48 : index
      %get3A_1793 = tpu.vector_load %arg8[%get3A_1791, %get3A_1792] {strides = array<i32>} : memref<384x64xf32, #tpu.memory_space<vmem>>, vector<16xf32>,
      %mul3A_1794 = arith.mulf %get3A_1793, %broadcast_in_dim3A_1777 : vector<16xf32>
      tpu.vector_store_idx %arg12[%add3A_33, %broadcast_in_dim3A_1778], %mul3A_1794 : memref<64x385xf32, #tpu.memory_space<vmem>>[vector<16xi32>, vector<16xi32>], vector<16xf32>,
      %add3A_1795 = arith.constant 6 : i32
      %add3A_1796 = arith.addi %mul3A_1658, %add3A_1795 : i32
      %slice3A_1797 = vector.extract_strided_slice %get3A_1662 {offsets = [6], sizes = [1], strides = [1]} : vector<16xf32> to vector<1xf32>
      %squeeze3A_1798 = vector.extract %slice3A_1797[0] : f32 from vector<1xf32>
      %broadcast_in_dim3A_1799 = vector.broadcast %squeeze3A_1798 : f32 to vector<16xf32>
      %broadcast_in_dim3A_1800 = vector.broadcast %add3A_1796 : i32 to vector<16xi32>
      %get3A_1801 = arith.index_cast %add3A_1796 : i32 to index
      %get3A_1802 = arith.constant 0 : index
      %get3A_1803 = tpu.vector_load %arg8[%get3A_1801, %get3A_1802] {strides = array<i32>} : memref<384x64xf32, #tpu.memory_space<vmem>>, vector<16xf32>,
      %mul3A_1804 = arith.mulf %get3A_1803, %broadcast_in_dim3A_1799 : vector<16xf32>
      tpu.vector_store_idx %arg12[%add3A_24, %broadcast_in_dim3A_1800], %mul3A_1804 : memref<64x385xf32, #tpu.memory_space<vmem>>[vector<16xi32>, vector<16xi32>], vector<16xf32>,
      %get3A_1805 = arith.index_cast %add3A_1796 : i32 to index
      %get3A_1806 = arith.constant 16 : index
      %get3A_1807 = tpu.vector_load %arg8[%get3A_1805, %get3A_1806] {strides = array<i32>} : memref<384x64xf32, #tpu.memory_space<vmem>>, vector<16xf32>,
      %mul3A_1808 = arith.mulf %get3A_1807, %broadcast_in_dim3A_1799 : vector<16xf32>
      tpu.vector_store_idx %arg12[%add3A_27, %broadcast_in_dim3A_1800], %mul3A_1808 : memref<64x385xf32, #tpu.memory_space<vmem>>[vector<16xi32>, vector<16xi32>], vector<16xf32>,
      %get3A_1809 = arith.index_cast %add3A_1796 : i32 to index
      %get3A_1810 = arith.constant 32 : index
      %get3A_1811 = tpu.vector_load %arg8[%get3A_1809, %get3A_1810] {strides = array<i32>} : memref<384x64xf32, #tpu.memory_space<vmem>>, vector<16xf32>,
      %mul3A_1812 = arith.mulf %get3A_1811, %broadcast_in_dim3A_1799 : vector<16xf32>
      tpu.vector_store_idx %arg12[%add3A_30, %broadcast_in_dim3A_1800], %mul3A_1812 : memref<64x385xf32, #tpu.memory_space<vmem>>[vector<16xi32>, vector<16xi32>], vector<16xf32>,
      %get3A_1813 = arith.index_cast %add3A_1796 : i32 to index
      %get3A_1814 = arith.constant 48 : index
      %get3A_1815 = tpu.vector_load %arg8[%get3A_1813, %get3A_1814] {strides = array<i32>} : memref<384x64xf32, #tpu.memory_space<vmem>>, vector<16xf32>,
      %mul3A_1816 = arith.mulf %get3A_1815, %broadcast_in_dim3A_1799 : vector<16xf32>
      tpu.vector_store_idx %arg12[%add3A_33, %broadcast_in_dim3A_1800], %mul3A_1816 : memref<64x385xf32, #tpu.memory_space<vmem>>[vector<16xi32>, vector<16xi32>], vector<16xf32>,
      %add3A_1817 = arith.constant 7 : i32
      %add3A_1818 = arith.addi %mul3A_1658, %add3A_1817 : i32
      %slice3A_1819 = vector.extract_strided_slice %get3A_1662 {offsets = [7], sizes = [1], strides = [1]} : vector<16xf32> to vector<1xf32>
      %squeeze3A_1820 = vector.extract %slice3A_1819[0] : f32 from vector<1xf32>
      %broadcast_in_dim3A_1821 = vector.broadcast %squeeze3A_1820 : f32 to vector<16xf32>
      %broadcast_in_dim3A_1822 = vector.broadcast %add3A_1818 : i32 to vector<16xi32>
      %get3A_1823 = arith.index_cast %add3A_1818 : i32 to index
      %get3A_1824 = arith.constant 0 : index
      %get3A_1825 = tpu.vector_load %arg8[%get3A_1823, %get3A_1824] {strides = array<i32>} : memref<384x64xf32, #tpu.memory_space<vmem>>, vector<16xf32>,
      %mul3A_1826 = arith.mulf %get3A_1825, %broadcast_in_dim3A_1821 : vector<16xf32>
      tpu.vector_store_idx %arg12[%add3A_24, %broadcast_in_dim3A_1822], %mul3A_1826 : memref<64x385xf32, #tpu.memory_space<vmem>>[vector<16xi32>, vector<16xi32>], vector<16xf32>,
      %get3A_1827 = arith.index_cast %add3A_1818 : i32 to index
      %get3A_1828 = arith.constant 16 : index
      %get3A_1829 = tpu.vector_load %arg8[%get3A_1827, %get3A_1828] {strides = array<i32>} : memref<384x64xf32, #tpu.memory_space<vmem>>, vector<16xf32>,
      %mul3A_1830 = arith.mulf %get3A_1829, %broadcast_in_dim3A_1821 : vector<16xf32>
      tpu.vector_store_idx %arg12[%add3A_27, %broadcast_in_dim3A_1822], %mul3A_1830 : memref<64x385xf32, #tpu.memory_space<vmem>>[vector<16xi32>, vector<16xi32>], vector<16xf32>,
      %get3A_1831 = arith.index_cast %add3A_1818 : i32 to index
      %get3A_1832 = arith.constant 32 : index
      %get3A_1833 = tpu.vector_load %arg8[%get3A_1831, %get3A_1832] {strides = array<i32>} : memref<384x64xf32, #tpu.memory_space<vmem>>, vector<16xf32>,
      %mul3A_1834 = arith.mulf %get3A_1833, %broadcast_in_dim3A_1821 : vector<16xf32>
      tpu.vector_store_idx %arg12[%add3A_30, %broadcast_in_dim3A_1822], %mul3A_1834 : memref<64x385xf32, #tpu.memory_space<vmem>>[vector<16xi32>, vector<16xi32>], vector<16xf32>,
      %get3A_1835 = arith.index_cast %add3A_1818 : i32 to index
      %get3A_1836 = arith.constant 48 : index
      %get3A_1837 = tpu.vector_load %arg8[%get3A_1835, %get3A_1836] {strides = array<i32>} : memref<384x64xf32, #tpu.memory_space<vmem>>, vector<16xf32>,
      %mul3A_1838 = arith.mulf %get3A_1837, %broadcast_in_dim3A_1821 : vector<16xf32>
      tpu.vector_store_idx %arg12[%add3A_33, %broadcast_in_dim3A_1822], %mul3A_1838 : memref<64x385xf32, #tpu.memory_space<vmem>>[vector<16xi32>, vector<16xi32>], vector<16xf32>,
      %add3A_1839 = arith.constant 8 : i32
      %add3A_1840 = arith.addi %mul3A_1658, %add3A_1839 : i32
      %slice3A_1841 = vector.extract_strided_slice %get3A_1662 {offsets = [8], sizes = [1], strides = [1]} : vector<16xf32> to vector<1xf32>
      %squeeze3A_1842 = vector.extract %slice3A_1841[0] : f32 from vector<1xf32>
      %broadcast_in_dim3A_1843 = vector.broadcast %squeeze3A_1842 : f32 to vector<16xf32>
      %broadcast_in_dim3A_1844 = vector.broadcast %add3A_1840 : i32 to vector<16xi32>
      %get3A_1845 = arith.index_cast %add3A_1840 : i32 to index
      %get3A_1846 = arith.constant 0 : index
      %get3A_1847 = tpu.vector_load %arg8[%get3A_1845, %get3A_1846] {strides = array<i32>} : memref<384x64xf32, #tpu.memory_space<vmem>>, vector<16xf32>,
      %mul3A_1848 = arith.mulf %get3A_1847, %broadcast_in_dim3A_1843 : vector<16xf32>
      tpu.vector_store_idx %arg12[%add3A_24, %broadcast_in_dim3A_1844], %mul3A_1848 : memref<64x385xf32, #tpu.memory_space<vmem>>[vector<16xi32>, vector<16xi32>], vector<16xf32>,
      %get3A_1849 = arith.index_cast %add3A_1840 : i32 to index
      %get3A_1850 = arith.constant 16 : index
      %get3A_1851 = tpu.vector_load %arg8[%get3A_1849, %get3A_1850] {strides = array<i32>} : memref<384x64xf32, #tpu.memory_space<vmem>>, vector<16xf32>,
      %mul3A_1852 = arith.mulf %get3A_1851, %broadcast_in_dim3A_1843 : vector<16xf32>
      tpu.vector_store_idx %arg12[%add3A_27, %broadcast_in_dim3A_1844], %mul3A_1852 : memref<64x385xf32, #tpu.memory_space<vmem>>[vector<16xi32>, vector<16xi32>], vector<16xf32>,
      %get3A_1853 = arith.index_cast %add3A_1840 : i32 to index
      %get3A_1854 = arith.constant 32 : index
      %get3A_1855 = tpu.vector_load %arg8[%get3A_1853, %get3A_1854] {strides = array<i32>} : memref<384x64xf32, #tpu.memory_space<vmem>>, vector<16xf32>,
      %mul3A_1856 = arith.mulf %get3A_1855, %broadcast_in_dim3A_1843 : vector<16xf32>
      tpu.vector_store_idx %arg12[%add3A_30, %broadcast_in_dim3A_1844], %mul3A_1856 : memref<64x385xf32, #tpu.memory_space<vmem>>[vector<16xi32>, vector<16xi32>], vector<16xf32>,
      %get3A_1857 = arith.index_cast %add3A_1840 : i32 to index
      %get3A_1858 = arith.constant 48 : index
      %get3A_1859 = tpu.vector_load %arg8[%get3A_1857, %get3A_1858] {strides = array<i32>} : memref<384x64xf32, #tpu.memory_space<vmem>>, vector<16xf32>,
      %mul3A_1860 = arith.mulf %get3A_1859, %broadcast_in_dim3A_1843 : vector<16xf32>
      tpu.vector_store_idx %arg12[%add3A_33, %broadcast_in_dim3A_1844], %mul3A_1860 : memref<64x385xf32, #tpu.memory_space<vmem>>[vector<16xi32>, vector<16xi32>], vector<16xf32>,
      %add3A_1861 = arith.constant 9 : i32
      %add3A_1862 = arith.addi %mul3A_1658, %add3A_1861 : i32
      %slice3A_1863 = vector.extract_strided_slice %get3A_1662 {offsets = [9], sizes = [1], strides = [1]} : vector<16xf32> to vector<1xf32>
      %squeeze3A_1864 = vector.extract %slice3A_1863[0] : f32 from vector<1xf32>
      %broadcast_in_dim3A_1865 = vector.broadcast %squeeze3A_1864 : f32 to vector<16xf32>
      %broadcast_in_dim3A_1866 = vector.broadcast %add3A_1862 : i32 to vector<16xi32>
      %get3A_1867 = arith.index_cast %add3A_1862 : i32 to index
      %get3A_1868 = arith.constant 0 : index
      %get3A_1869 = tpu.vector_load %arg8[%get3A_1867, %get3A_1868] {strides = array<i32>} : memref<384x64xf32, #tpu.memory_space<vmem>>, vector<16xf32>,
      %mul3A_1870 = arith.mulf %get3A_1869, %broadcast_in_dim3A_1865 : vector<16xf32>
      tpu.vector_store_idx %arg12[%add3A_24, %broadcast_in_dim3A_1866], %mul3A_1870 : memref<64x385xf32, #tpu.memory_space<vmem>>[vector<16xi32>, vector<16xi32>], vector<16xf32>,
      %get3A_1871 = arith.index_cast %add3A_1862 : i32 to index
      %get3A_1872 = arith.constant 16 : index
      %get3A_1873 = tpu.vector_load %arg8[%get3A_1871, %get3A_1872] {strides = array<i32>} : memref<384x64xf32, #tpu.memory_space<vmem>>, vector<16xf32>,
      %mul3A_1874 = arith.mulf %get3A_1873, %broadcast_in_dim3A_1865 : vector<16xf32>
      tpu.vector_store_idx %arg12[%add3A_27, %broadcast_in_dim3A_1866], %mul3A_1874 : memref<64x385xf32, #tpu.memory_space<vmem>>[vector<16xi32>, vector<16xi32>], vector<16xf32>,
      %get3A_1875 = arith.index_cast %add3A_1862 : i32 to index
      %get3A_1876 = arith.constant 32 : index
      %get3A_1877 = tpu.vector_load %arg8[%get3A_1875, %get3A_1876] {strides = array<i32>} : memref<384x64xf32, #tpu.memory_space<vmem>>, vector<16xf32>,
      %mul3A_1878 = arith.mulf %get3A_1877, %broadcast_in_dim3A_1865 : vector<16xf32>
      tpu.vector_store_idx %arg12[%add3A_30, %broadcast_in_dim3A_1866], %mul3A_1878 : memref<64x385xf32, #tpu.memory_space<vmem>>[vector<16xi32>, vector<16xi32>], vector<16xf32>,
      %get3A_1879 = arith.index_cast %add3A_1862 : i32 to index
      %get3A_1880 = arith.constant 48 : index
      %get3A_1881 = tpu.vector_load %arg8[%get3A_1879, %get3A_1880] {strides = array<i32>} : memref<384x64xf32, #tpu.memory_space<vmem>>, vector<16xf32>,
      %mul3A_1882 = arith.mulf %get3A_1881, %broadcast_in_dim3A_1865 : vector<16xf32>
      tpu.vector_store_idx %arg12[%add3A_33, %broadcast_in_dim3A_1866], %mul3A_1882 : memref<64x385xf32, #tpu.memory_space<vmem>>[vector<16xi32>, vector<16xi32>], vector<16xf32>,
      %add3A_1883 = arith.constant 10 : i32
      %add3A_1884 = arith.addi %mul3A_1658, %add3A_1883 : i32
      %slice3A_1885 = vector.extract_strided_slice %get3A_1662 {offsets = [10], sizes = [1], strides = [1]} : vector<16xf32> to vector<1xf32>
      %squeeze3A_1886 = vector.extract %slice3A_1885[0] : f32 from vector<1xf32>
      %broadcast_in_dim3A_1887 = vector.broadcast %squeeze3A_1886 : f32 to vector<16xf32>
      %broadcast_in_dim3A_1888 = vector.broadcast %add3A_1884 : i32 to vector<16xi32>
      %get3A_1889 = arith.index_cast %add3A_1884 : i32 to index
      %get3A_1890 = arith.constant 0 : index
      %get3A_1891 = tpu.vector_load %arg8[%get3A_1889, %get3A_1890] {strides = array<i32>} : memref<384x64xf32, #tpu.memory_space<vmem>>, vector<16xf32>,
      %mul3A_1892 = arith.mulf %get3A_1891, %broadcast_in_dim3A_1887 : vector<16xf32>
      tpu.vector_store_idx %arg12[%add3A_24, %broadcast_in_dim3A_1888], %mul3A_1892 : memref<64x385xf32, #tpu.memory_space<vmem>>[vector<16xi32>, vector<16xi32>], vector<16xf32>,
      %get3A_1893 = arith.index_cast %add3A_1884 : i32 to index
      %get3A_1894 = arith.constant 16 : index
      %get3A_1895 = tpu.vector_load %arg8[%get3A_1893, %get3A_1894] {strides = array<i32>} : memref<384x64xf32, #tpu.memory_space<vmem>>, vector<16xf32>,
      %mul3A_1896 = arith.mulf %get3A_1895, %broadcast_in_dim3A_1887 : vector<16xf32>
      tpu.vector_store_idx %arg12[%add3A_27, %broadcast_in_dim3A_1888], %mul3A_1896 : memref<64x385xf32, #tpu.memory_space<vmem>>[vector<16xi32>, vector<16xi32>], vector<16xf32>,
      %get3A_1897 = arith.index_cast %add3A_1884 : i32 to index
      %get3A_1898 = arith.constant 32 : index
      %get3A_1899 = tpu.vector_load %arg8[%get3A_1897, %get3A_1898] {strides = array<i32>} : memref<384x64xf32, #tpu.memory_space<vmem>>, vector<16xf32>,
      %mul3A_1900 = arith.mulf %get3A_1899, %broadcast_in_dim3A_1887 : vector<16xf32>
      tpu.vector_store_idx %arg12[%add3A_30, %broadcast_in_dim3A_1888], %mul3A_1900 : memref<64x385xf32, #tpu.memory_space<vmem>>[vector<16xi32>, vector<16xi32>], vector<16xf32>,
      %get3A_1901 = arith.index_cast %add3A_1884 : i32 to index
      %get3A_1902 = arith.constant 48 : index
      %get3A_1903 = tpu.vector_load %arg8[%get3A_1901, %get3A_1902] {strides = array<i32>} : memref<384x64xf32, #tpu.memory_space<vmem>>, vector<16xf32>,
      %mul3A_1904 = arith.mulf %get3A_1903, %broadcast_in_dim3A_1887 : vector<16xf32>
      tpu.vector_store_idx %arg12[%add3A_33, %broadcast_in_dim3A_1888], %mul3A_1904 : memref<64x385xf32, #tpu.memory_space<vmem>>[vector<16xi32>, vector<16xi32>], vector<16xf32>,
      %add3A_1905 = arith.constant 11 : i32
      %add3A_1906 = arith.addi %mul3A_1658, %add3A_1905 : i32
      %slice3A_1907 = vector.extract_strided_slice %get3A_1662 {offsets = [11], sizes = [1], strides = [1]} : vector<16xf32> to vector<1xf32>
      %squeeze3A_1908 = vector.extract %slice3A_1907[0] : f32 from vector<1xf32>
      %broadcast_in_dim3A_1909 = vector.broadcast %squeeze3A_1908 : f32 to vector<16xf32>
      %broadcast_in_dim3A_1910 = vector.broadcast %add3A_1906 : i32 to vector<16xi32>
      %get3A_1911 = arith.index_cast %add3A_1906 : i32 to index
      %get3A_1912 = arith.constant 0 : index
      %get3A_1913 = tpu.vector_load %arg8[%get3A_1911, %get3A_1912] {strides = array<i32>} : memref<384x64xf32, #tpu.memory_space<vmem>>, vector<16xf32>,
      %mul3A_1914 = arith.mulf %get3A_1913, %broadcast_in_dim3A_1909 : vector<16xf32>
      tpu.vector_store_idx %arg12[%add3A_24, %broadcast_in_dim3A_1910], %mul3A_1914 : memref<64x385xf32, #tpu.memory_space<vmem>>[vector<16xi32>, vector<16xi32>], vector<16xf32>,
      %get3A_1915 = arith.index_cast %add3A_1906 : i32 to index
      %get3A_1916 = arith.constant 16 : index
      %get3A_1917 = tpu.vector_load %arg8[%get3A_1915, %get3A_1916] {strides = array<i32>} : memref<384x64xf32, #tpu.memory_space<vmem>>, vector<16xf32>,
      %mul3A_1918 = arith.mulf %get3A_1917, %broadcast_in_dim3A_1909 : vector<16xf32>
      tpu.vector_store_idx %arg12[%add3A_27, %broadcast_in_dim3A_1910], %mul3A_1918 : memref<64x385xf32, #tpu.memory_space<vmem>>[vector<16xi32>, vector<16xi32>], vector<16xf32>,
      %get3A_1919 = arith.index_cast %add3A_1906 : i32 to index
      %get3A_1920 = arith.constant 32 : index
      %get3A_1921 = tpu.vector_load %arg8[%get3A_1919, %get3A_1920] {strides = array<i32>} : memref<384x64xf32, #tpu.memory_space<vmem>>, vector<16xf32>,
      %mul3A_1922 = arith.mulf %get3A_1921, %broadcast_in_dim3A_1909 : vector<16xf32>
      tpu.vector_store_idx %arg12[%add3A_30, %broadcast_in_dim3A_1910], %mul3A_1922 : memref<64x385xf32, #tpu.memory_space<vmem>>[vector<16xi32>, vector<16xi32>], vector<16xf32>,
      %get3A_1923 = arith.index_cast %add3A_1906 : i32 to index
      %get3A_1924 = arith.constant 48 : index
      %get3A_1925 = tpu.vector_load %arg8[%get3A_1923, %get3A_1924] {strides = array<i32>} : memref<384x64xf32, #tpu.memory_space<vmem>>, vector<16xf32>,
      %mul3A_1926 = arith.mulf %get3A_1925, %broadcast_in_dim3A_1909 : vector<16xf32>
      tpu.vector_store_idx %arg12[%add3A_33, %broadcast_in_dim3A_1910], %mul3A_1926 : memref<64x385xf32, #tpu.memory_space<vmem>>[vector<16xi32>, vector<16xi32>], vector<16xf32>,
      %add3A_1927 = arith.constant 12 : i32
      %add3A_1928 = arith.addi %mul3A_1658, %add3A_1927 : i32
      %slice3A_1929 = vector.extract_strided_slice %get3A_1662 {offsets = [12], sizes = [1], strides = [1]} : vector<16xf32> to vector<1xf32>
      %squeeze3A_1930 = vector.extract %slice3A_1929[0] : f32 from vector<1xf32>
      %broadcast_in_dim3A_1931 = vector.broadcast %squeeze3A_1930 : f32 to vector<16xf32>
      %broadcast_in_dim3A_1932 = vector.broadcast %add3A_1928 : i32 to vector<16xi32>
      %get3A_1933 = arith.index_cast %add3A_1928 : i32 to index
      %get3A_1934 = arith.constant 0 : index
      %get3A_1935 = tpu.vector_load %arg8[%get3A_1933, %get3A_1934] {strides = array<i32>} : memref<384x64xf32, #tpu.memory_space<vmem>>, vector<16xf32>,
      %mul3A_1936 = arith.mulf %get3A_1935, %broadcast_in_dim3A_1931 : vector<16xf32>
      tpu.vector_store_idx %arg12[%add3A_24, %broadcast_in_dim3A_1932], %mul3A_1936 : memref<64x385xf32, #tpu.memory_space<vmem>>[vector<16xi32>, vector<16xi32>], vector<16xf32>,
      %get3A_1937 = arith.index_cast %add3A_1928 : i32 to index
      %get3A_1938 = arith.constant 16 : index
      %get3A_1939 = tpu.vector_load %arg8[%get3A_1937, %get3A_1938] {strides = array<i32>} : memref<384x64xf32, #tpu.memory_space<vmem>>, vector<16xf32>,
      %mul3A_1940 = arith.mulf %get3A_1939, %broadcast_in_dim3A_1931 : vector<16xf32>
      tpu.vector_store_idx %arg12[%add3A_27, %broadcast_in_dim3A_1932], %mul3A_1940 : memref<64x385xf32, #tpu.memory_space<vmem>>[vector<16xi32>, vector<16xi32>], vector<16xf32>,
      %get3A_1941 = arith.index_cast %add3A_1928 : i32 to index
      %get3A_1942 = arith.constant 32 : index
      %get3A_1943 = tpu.vector_load %arg8[%get3A_1941, %get3A_1942] {strides = array<i32>} : memref<384x64xf32, #tpu.memory_space<vmem>>, vector<16xf32>,
      %mul3A_1944 = arith.mulf %get3A_1943, %broadcast_in_dim3A_1931 : vector<16xf32>
      tpu.vector_store_idx %arg12[%add3A_30, %broadcast_in_dim3A_1932], %mul3A_1944 : memref<64x385xf32, #tpu.memory_space<vmem>>[vector<16xi32>, vector<16xi32>], vector<16xf32>,
      %get3A_1945 = arith.index_cast %add3A_1928 : i32 to index
      %get3A_1946 = arith.constant 48 : index
      %get3A_1947 = tpu.vector_load %arg8[%get3A_1945, %get3A_1946] {strides = array<i32>} : memref<384x64xf32, #tpu.memory_space<vmem>>, vector<16xf32>,
      %mul3A_1948 = arith.mulf %get3A_1947, %broadcast_in_dim3A_1931 : vector<16xf32>
      tpu.vector_store_idx %arg12[%add3A_33, %broadcast_in_dim3A_1932], %mul3A_1948 : memref<64x385xf32, #tpu.memory_space<vmem>>[vector<16xi32>, vector<16xi32>], vector<16xf32>,
      %add3A_1949 = arith.constant 13 : i32
      %add3A_1950 = arith.addi %mul3A_1658, %add3A_1949 : i32
      %slice3A_1951 = vector.extract_strided_slice %get3A_1662 {offsets = [13], sizes = [1], strides = [1]} : vector<16xf32> to vector<1xf32>
      %squeeze3A_1952 = vector.extract %slice3A_1951[0] : f32 from vector<1xf32>
      %broadcast_in_dim3A_1953 = vector.broadcast %squeeze3A_1952 : f32 to vector<16xf32>
      %broadcast_in_dim3A_1954 = vector.broadcast %add3A_1950 : i32 to vector<16xi32>
      %get3A_1955 = arith.index_cast %add3A_1950 : i32 to index
      %get3A_1956 = arith.constant 0 : index
      %get3A_1957 = tpu.vector_load %arg8[%get3A_1955, %get3A_1956] {strides = array<i32>} : memref<384x64xf32, #tpu.memory_space<vmem>>, vector<16xf32>,
      %mul3A_1958 = arith.mulf %get3A_1957, %broadcast_in_dim3A_1953 : vector<16xf32>
      tpu.vector_store_idx %arg12[%add3A_24, %broadcast_in_dim3A_1954], %mul3A_1958 : memref<64x385xf32, #tpu.memory_space<vmem>>[vector<16xi32>, vector<16xi32>], vector<16xf32>,
      %get3A_1959 = arith.index_cast %add3A_1950 : i32 to index
      %get3A_1960 = arith.constant 16 : index
      %get3A_1961 = tpu.vector_load %arg8[%get3A_1959, %get3A_1960] {strides = array<i32>} : memref<384x64xf32, #tpu.memory_space<vmem>>, vector<16xf32>,
      %mul3A_1962 = arith.mulf %get3A_1961, %broadcast_in_dim3A_1953 : vector<16xf32>
      tpu.vector_store_idx %arg12[%add3A_27, %broadcast_in_dim3A_1954], %mul3A_1962 : memref<64x385xf32, #tpu.memory_space<vmem>>[vector<16xi32>, vector<16xi32>], vector<16xf32>,
      %get3A_1963 = arith.index_cast %add3A_1950 : i32 to index
      %get3A_1964 = arith.constant 32 : index
      %get3A_1965 = tpu.vector_load %arg8[%get3A_1963, %get3A_1964] {strides = array<i32>} : memref<384x64xf32, #tpu.memory_space<vmem>>, vector<16xf32>,
      %mul3A_1966 = arith.mulf %get3A_1965, %broadcast_in_dim3A_1953 : vector<16xf32>
      tpu.vector_store_idx %arg12[%add3A_30, %broadcast_in_dim3A_1954], %mul3A_1966 : memref<64x385xf32, #tpu.memory_space<vmem>>[vector<16xi32>, vector<16xi32>], vector<16xf32>,
      %get3A_1967 = arith.index_cast %add3A_1950 : i32 to index
      %get3A_1968 = arith.constant 48 : index
      %get3A_1969 = tpu.vector_load %arg8[%get3A_1967, %get3A_1968] {strides = array<i32>} : memref<384x64xf32, #tpu.memory_space<vmem>>, vector<16xf32>,
      %mul3A_1970 = arith.mulf %get3A_1969, %broadcast_in_dim3A_1953 : vector<16xf32>
      tpu.vector_store_idx %arg12[%add3A_33, %broadcast_in_dim3A_1954], %mul3A_1970 : memref<64x385xf32, #tpu.memory_space<vmem>>[vector<16xi32>, vector<16xi32>], vector<16xf32>,
      %add3A_1971 = arith.constant 14 : i32
      %add3A_1972 = arith.addi %mul3A_1658, %add3A_1971 : i32
      %slice3A_1973 = vector.extract_strided_slice %get3A_1662 {offsets = [14], sizes = [1], strides = [1]} : vector<16xf32> to vector<1xf32>
      %squeeze3A_1974 = vector.extract %slice3A_1973[0] : f32 from vector<1xf32>
      %broadcast_in_dim3A_1975 = vector.broadcast %squeeze3A_1974 : f32 to vector<16xf32>
      %broadcast_in_dim3A_1976 = vector.broadcast %add3A_1972 : i32 to vector<16xi32>
      %get3A_1977 = arith.index_cast %add3A_1972 : i32 to index
      %get3A_1978 = arith.constant 0 : index
      %get3A_1979 = tpu.vector_load %arg8[%get3A_1977, %get3A_1978] {strides = array<i32>} : memref<384x64xf32, #tpu.memory_space<vmem>>, vector<16xf32>,
      %mul3A_1980 = arith.mulf %get3A_1979, %broadcast_in_dim3A_1975 : vector<16xf32>
      tpu.vector_store_idx %arg12[%add3A_24, %broadcast_in_dim3A_1976], %mul3A_1980 : memref<64x385xf32, #tpu.memory_space<vmem>>[vector<16xi32>, vector<16xi32>], vector<16xf32>,
      %get3A_1981 = arith.index_cast %add3A_1972 : i32 to index
      %get3A_1982 = arith.constant 16 : index
      %get3A_1983 = tpu.vector_load %arg8[%get3A_1981, %get3A_1982] {strides = array<i32>} : memref<384x64xf32, #tpu.memory_space<vmem>>, vector<16xf32>,
      %mul3A_1984 = arith.mulf %get3A_1983, %broadcast_in_dim3A_1975 : vector<16xf32>
      tpu.vector_store_idx %arg12[%add3A_27, %broadcast_in_dim3A_1976], %mul3A_1984 : memref<64x385xf32, #tpu.memory_space<vmem>>[vector<16xi32>, vector<16xi32>], vector<16xf32>,
      %get3A_1985 = arith.index_cast %add3A_1972 : i32 to index
      %get3A_1986 = arith.constant 32 : index
      %get3A_1987 = tpu.vector_load %arg8[%get3A_1985, %get3A_1986] {strides = array<i32>} : memref<384x64xf32, #tpu.memory_space<vmem>>, vector<16xf32>,
      %mul3A_1988 = arith.mulf %get3A_1987, %broadcast_in_dim3A_1975 : vector<16xf32>
      tpu.vector_store_idx %arg12[%add3A_30, %broadcast_in_dim3A_1976], %mul3A_1988 : memref<64x385xf32, #tpu.memory_space<vmem>>[vector<16xi32>, vector<16xi32>], vector<16xf32>,
      %get3A_1989 = arith.index_cast %add3A_1972 : i32 to index
      %get3A_1990 = arith.constant 48 : index
      %get3A_1991 = tpu.vector_load %arg8[%get3A_1989, %get3A_1990] {strides = array<i32>} : memref<384x64xf32, #tpu.memory_space<vmem>>, vector<16xf32>,
      %mul3A_1992 = arith.mulf %get3A_1991, %broadcast_in_dim3A_1975 : vector<16xf32>
      tpu.vector_store_idx %arg12[%add3A_33, %broadcast_in_dim3A_1976], %mul3A_1992 : memref<64x385xf32, #tpu.memory_space<vmem>>[vector<16xi32>, vector<16xi32>], vector<16xf32>,
      %add3A_1993 = arith.constant 15 : i32
      %add3A_1994 = arith.addi %mul3A_1658, %add3A_1993 : i32
      %slice3A_1995 = vector.extract_strided_slice %get3A_1662 {offsets = [15], sizes = [1], strides = [1]} : vector<16xf32> to vector<1xf32>
      %squeeze3A_1996 = vector.extract %slice3A_1995[0] : f32 from vector<1xf32>
      %broadcast_in_dim3A_1997 = vector.broadcast %squeeze3A_1996 : f32 to vector<16xf32>
      %broadcast_in_dim3A_1998 = vector.broadcast %add3A_1994 : i32 to vector<16xi32>
      %get3A_1999 = arith.index_cast %add3A_1994 : i32 to index
      %get3A_2000 = arith.constant 0 : index
      %get3A_2001 = tpu.vector_load %arg8[%get3A_1999, %get3A_2000] {strides = array<i32>} : memref<384x64xf32, #tpu.memory_space<vmem>>, vector<16xf32>,
      %mul3A_2002 = arith.mulf %get3A_2001, %broadcast_in_dim3A_1997 : vector<16xf32>
      tpu.vector_store_idx %arg12[%add3A_24, %broadcast_in_dim3A_1998], %mul3A_2002 : memref<64x385xf32, #tpu.memory_space<vmem>>[vector<16xi32>, vector<16xi32>], vector<16xf32>,
      %get3A_2003 = arith.index_cast %add3A_1994 : i32 to index
      %get3A_2004 = arith.constant 16 : index
      %get3A_2005 = tpu.vector_load %arg8[%get3A_2003, %get3A_2004] {strides = array<i32>} : memref<384x64xf32, #tpu.memory_space<vmem>>, vector<16xf32>,
      %mul3A_2006 = arith.mulf %get3A_2005, %broadcast_in_dim3A_1997 : vector<16xf32>
      tpu.vector_store_idx %arg12[%add3A_27, %broadcast_in_dim3A_1998], %mul3A_2006 : memref<64x385xf32, #tpu.memory_space<vmem>>[vector<16xi32>, vector<16xi32>], vector<16xf32>,
      %get3A_2007 = arith.index_cast %add3A_1994 : i32 to index
      %get3A_2008 = arith.constant 32 : index
      %get3A_2009 = tpu.vector_load %arg8[%get3A_2007, %get3A_2008] {strides = array<i32>} : memref<384x64xf32, #tpu.memory_space<vmem>>, vector<16xf32>,
      %mul3A_2010 = arith.mulf %get3A_2009, %broadcast_in_dim3A_1997 : vector<16xf32>
      tpu.vector_store_idx %arg12[%add3A_30, %broadcast_in_dim3A_1998], %mul3A_2010 : memref<64x385xf32, #tpu.memory_space<vmem>>[vector<16xi32>, vector<16xi32>], vector<16xf32>,
      %get3A_2011 = arith.index_cast %add3A_1994 : i32 to index
      %get3A_2012 = arith.constant 48 : index
      %get3A_2013 = tpu.vector_load %arg8[%get3A_2011, %get3A_2012] {strides = array<i32>} : memref<384x64xf32, #tpu.memory_space<vmem>>, vector<16xf32>,
      %mul3A_2014 = arith.mulf %get3A_2013, %broadcast_in_dim3A_1997 : vector<16xf32>
      tpu.vector_store_idx %arg12[%add3A_33, %broadcast_in_dim3A_1998], %mul3A_2014 : memref<64x385xf32, #tpu.memory_space<vmem>>[vector<16xi32>, vector<16xi32>], vector<16xf32>,
      %scan3A_2015 = arith.constant 1 : i32
      %add3A_2016 = arith.constant 3 : i32
      %add3A_2017 = arith.addi %add3A_1606, %add3A_2016 : i32
      %lt3A_2018 = arith.constant 48 : i32
      %lt3A_2019 = arith.cmpi slt, %add3A_2017, %lt3A_2018 : i32
      %convert_element_type3A_2020 = arith.extui %lt3A_2019 : i1 to i32
      %cond3A_2021 = arith.constant 0 : i32
      %cond3A_2022 = arith.cmpi ne, %convert_element_type3A_2020, %cond3A_2021 : i32
      scf.if %cond3A_2022 {
        %add3A_2929 = arith.constant 3 : i32
        %add3A_2930 = arith.addi %add3A_1606, %add3A_2929 : i32
        %add3A_2931 = arith.addi %mul3A_21, %add3A_2930 : i32
        %dma_wait3A_2932 = arith.constant 0 : i32
        %dma_wait3A_2933 = arith.constant 0 : i32
        %dma_wait3A_2934 = tpu.memref_slice %arg6[%dma_wait3A_2933] : memref<2304xi32, #tpu.memory_space<vmem>> -> memref<384xi32, #tpu.memory_space<vmem>>
        %dma_wait3A_2935 = arith.constant 0 : i32
        %dma_wait3A_2936 = tpu.memref_slice %arg2[%select_n3A, %dma_wait3A_2932, %add3A_2931, %dma_wait3A_2935] : memref<4x1x384x384xi32, #tpu.memory_space<hbm>> -> memref<1x1x1x384xi32, #tpu.memory_space<hbm>>
        %dma_wait3A_2937 = tpu.memref_squeeze %dma_wait3A_2936 : memref<1x1x1x384xi32, #tpu.memory_space<hbm>> -> memref<384xi32, #tpu.memory_space<hbm>>
        %dma_wait3A_2938 = arith.constant 0 : i32
        %dma_wait3A_2939 = tpu.memref_slice %arg6[%dma_wait3A_2938] : memref<2304xi32, #tpu.memory_space<vmem>> -> memref<384xi32, #tpu.memory_space<vmem>>
        %dma_wait3A_2940 = arith.constant 0 : i32
        %dma_wait3A_2941 = tpu.memref_slice %arg2[%select_n3A, %dma_wait3A_2932, %add3A_2931, %dma_wait3A_2940] : memref<4x1x384x384xi32, #tpu.memory_space<hbm>> -> memref<1x1x1x384xi32, #tpu.memory_space<hbm>>
        %dma_wait3A_2942 = tpu.memref_squeeze %dma_wait3A_2941 : memref<1x1x1x384xi32, #tpu.memory_space<hbm>> -> memref<384xi32, #tpu.memory_space<hbm>>
        tpu.wait_dma2 semaphore(%arg18 : memref<!tpu.dma_semaphore, #tpu.memory_space<semaphore_mem>>) src(%dma_wait3A_2942 : memref<384xi32, #tpu.memory_space<hbm>>) dst(%dma_wait3A_2939 : memref<384xi32, #tpu.memory_space<vmem>>)
        %dma_start3A_2943 = arith.constant 0 : i32
        %dma_start3A_2944 = arith.constant 0 : i32
        %dma_start3A_2945 = tpu.memref_slice %arg8[%dma_start3A_2943, %dma_start3A_2944] : memref<384x64xf32, #tpu.memory_space<vmem>> -> memref<128x64xf32, #tpu.memory_space<vmem>>
        %dma_start3A_2946 = arith.constant 0 : i32
        %dma_start3A_2947 = tpu.memref_slice %arg6[%dma_start3A_2946] : memref<2304xi32, #tpu.memory_space<vmem>> -> memref<128xi32, #tpu.memory_space<vmem>>
        %dma_start3A_2948 = arith.constant 0 : i32
        %dma_start3A_2949 = arith.constant 0 : i32
        %dma_start3A_2950 = tpu.memref_slice %arg4[%dma_start3A_2948, %dma_start3A_2949] : memref<100000x64xf32, #tpu.memory_space<hbm>> -> memref<100000x64xf32, #tpu.memory_space<hbm>>
        tpu.enqueue_indirect_dma source(%dma_start3A_2950 : memref<100000x64xf32, #tpu.memory_space<hbm>>) target(%dma_start3A_2945 : memref<128x64xf32, #tpu.memory_space<vmem>>) offsets(%dma_start3A_2947 : memref<128xi32, #tpu.memory_space<vmem>>) semaphore(%arg13 : memref<!tpu.dma_semaphore, #tpu.memory_space<semaphore_mem>>)
        %dma_start3A_2951 = arith.constant 128 : i32
        %dma_start3A_2952 = arith.constant 0 : i32
        %dma_start3A_2953 = tpu.memref_slice %arg8[%dma_start3A_2951, %dma_start3A_2952] : memref<384x64xf32, #tpu.memory_space<vmem>> -> memref<128x64xf32, #tpu.memory_space<vmem>>
        %dma_start3A_2954 = arith.constant 128 : i32
        %dma_start3A_2955 = tpu.memref_slice %arg6[%dma_start3A_2954] : memref<2304xi32, #tpu.memory_space<vmem>> -> memref<128xi32, #tpu.memory_space<vmem>>
        %dma_start3A_2956 = arith.constant 0 : i32
        %dma_start3A_2957 = arith.constant 0 : i32
        %dma_start3A_2958 = tpu.memref_slice %arg4[%dma_start3A_2956, %dma_start3A_2957] : memref<100000x64xf32, #tpu.memory_space<hbm>> -> memref<100000x64xf32, #tpu.memory_space<hbm>>
        tpu.enqueue_indirect_dma source(%dma_start3A_2958 : memref<100000x64xf32, #tpu.memory_space<hbm>>) target(%dma_start3A_2953 : memref<128x64xf32, #tpu.memory_space<vmem>>) offsets(%dma_start3A_2955 : memref<128xi32, #tpu.memory_space<vmem>>) semaphore(%arg13 : memref<!tpu.dma_semaphore, #tpu.memory_space<semaphore_mem>>)
        %dma_start3A_2959 = arith.constant 256 : i32
        %dma_start3A_2960 = arith.constant 0 : i32
        %dma_start3A_2961 = tpu.memref_slice %arg8[%dma_start3A_2959, %dma_start3A_2960] : memref<384x64xf32, #tpu.memory_space<vmem>> -> memref<128x64xf32, #tpu.memory_space<vmem>>
        %dma_start3A_2962 = arith.constant 256 : i32
        %dma_start3A_2963 = tpu.memref_slice %arg6[%dma_start3A_2962] : memref<2304xi32, #tpu.memory_space<vmem>> -> memref<128xi32, #tpu.memory_space<vmem>>
        %dma_start3A_2964 = arith.constant 0 : i32
        %dma_start3A_2965 = arith.constant 0 : i32
        %dma_start3A_2966 = tpu.memref_slice %arg4[%dma_start3A_2964, %dma_start3A_2965] : memref<100000x64xf32, #tpu.memory_space<hbm>> -> memref<100000x64xf32, #tpu.memory_space<hbm>>
        tpu.enqueue_indirect_dma source(%dma_start3A_2966 : memref<100000x64xf32, #tpu.memory_space<hbm>>) target(%dma_start3A_2961 : memref<128x64xf32, #tpu.memory_space<vmem>>) offsets(%dma_start3A_2963 : memref<128xi32, #tpu.memory_space<vmem>>) semaphore(%arg13 : memref<!tpu.dma_semaphore, #tpu.memory_space<semaphore_mem>>)
      } else {
      }
      %add3A_2023 = arith.constant 2 : i32
      %add3A_2024 = arith.addi %add3A_1606, %add3A_2023 : i32
      %lt3A_2025 = arith.constant 48 : i32
      %lt3A_2026 = arith.cmpi slt, %add3A_2024, %lt3A_2025 : i32
      %convert_element_type3A_2027 = arith.extui %lt3A_2026 : i1 to i32
      %cond3A_2028 = arith.constant 0 : i32
      %cond3A_2029 = arith.cmpi ne, %convert_element_type3A_2027, %cond3A_2028 : i32
      scf.if %cond3A_2029 {
        %add3A_2929 = arith.constant 2 : i32
        %add3A_2930 = arith.addi %add3A_1606, %add3A_2929 : i32
        %add3A_2931 = arith.addi %mul3A_21, %add3A_2930 : i32
        %dma_start3A_2932 = arith.constant 0 : i32
        %dma_start3A_2933 = arith.constant 384 : i32
        %dma_start3A_2934 = tpu.memref_slice %arg7[%dma_start3A_2933] : memref<768xf32, #tpu.memory_space<vmem>> -> memref<384xf32, #tpu.memory_space<vmem>>
        %dma_start3A_2935 = arith.constant 0 : i32
        %dma_start3A_2936 = tpu.memref_slice %arg3[%select_n3A, %dma_start3A_2932, %add3A_2931, %dma_start3A_2935] : memref<4x1x384x384xf32, #tpu.memory_space<hbm>> -> memref<1x1x1x384xf32, #tpu.memory_space<hbm>>
        %dma_start3A_2937 = tpu.memref_squeeze %dma_start3A_2936 : memref<1x1x1x384xf32, #tpu.memory_space<hbm>> -> memref<384xf32, #tpu.memory_space<hbm>>
        %dma_start3A_2938 = arith.constant 384 : i32
        %dma_start3A_2939 = tpu.memref_slice %arg7[%dma_start3A_2938] : memref<768xf32, #tpu.memory_space<vmem>> -> memref<384xf32, #tpu.memory_space<vmem>>
        %dma_start3A_2940 = arith.constant 0 : i32
        %dma_start3A_2941 = tpu.memref_slice %arg3[%select_n3A, %dma_start3A_2932, %add3A_2931, %dma_start3A_2940] : memref<4x1x384x384xf32, #tpu.memory_space<hbm>> -> memref<1x1x1x384xf32, #tpu.memory_space<hbm>>
        %dma_start3A_2942 = tpu.memref_squeeze %dma_start3A_2941 : memref<1x1x1x384xf32, #tpu.memory_space<hbm>> -> memref<384xf32, #tpu.memory_space<hbm>>
        tpu.enqueue_dma source(%dma_start3A_2942 : memref<384xf32, #tpu.memory_space<hbm>>) target(%dma_start3A_2939 : memref<384xf32, #tpu.memory_space<vmem>>) target_semaphore(%arg25 : memref<!tpu.dma_semaphore, #tpu.memory_space<semaphore_mem>>)
      } else {
      }
      %add3A_2030 = arith.addi %mul3A_21, %add3A_1606 : i32
      %dma_start3A_2031 = arith.constant 0 : i32
      %dma_start3A_2032 = arith.constant 0 : i32
      %dma_start3A_2033 = tpu.memref_slice %arg12[%dma_start3A_2031, %dma_start3A_2032] : memref<64x385xf32, #tpu.memory_space<vmem>> -> memref<64x384xf32, #tpu.memory_space<vmem>>
      %dma_start3A_2034 = arith.constant 0 : i32
      %dma_start3A_2035 = arith.constant 0 : i32
      %dma_start3A_2036 = tpu.memref_slice %arg5[%select_n3A, %dma_start3A_2034, %add3A_2030, %dma_start3A_2035] : memref<4x64x384x384xf32, #tpu.memory_space<hbm>> -> memref<1x64x1x384xf32, #tpu.memory_space<hbm>>
      %dma_start3A_2037 = tpu.memref_squeeze %dma_start3A_2036 : memref<1x64x1x384xf32, #tpu.memory_space<hbm>> -> memref<64x384xf32, #tpu.memory_space<hbm>>
      %dma_start3A_2038 = arith.constant 0 : i32
      %dma_start3A_2039 = arith.constant 0 : i32
      %dma_start3A_2040 = tpu.memref_slice %arg5[%select_n3A, %dma_start3A_2038, %add3A_2030, %dma_start3A_2039] : memref<4x64x384x384xf32, #tpu.memory_space<hbm>> -> memref<1x64x1x384xf32, #tpu.memory_space<hbm>>
      %dma_start3A_2041 = tpu.memref_squeeze %dma_start3A_2040 : memref<1x64x1x384xf32, #tpu.memory_space<hbm>> -> memref<64x384xf32, #tpu.memory_space<hbm>>
      %dma_start3A_2042 = arith.constant 0 : i32
      %dma_start3A_2043 = arith.constant 0 : i32
      %dma_start3A_2044 = tpu.memref_slice %arg12[%dma_start3A_2042, %dma_start3A_2043] : memref<64x385xf32, #tpu.memory_space<vmem>> -> memref<64x384xf32, #tpu.memory_space<vmem>>
      tpu.enqueue_dma source(%dma_start3A_2044 : memref<64x384xf32, #tpu.memory_space<vmem>>) target(%dma_start3A_2041 : memref<64x384xf32, #tpu.memory_space<hbm>>) target_semaphore(%arg17 : memref<!tpu.dma_semaphore, #tpu.memory_space<semaphore_mem>>)
      %mul3A_2045 = arith.constant 6 : i32
      %mul3A_2046 = arith.muli %scan3A_284, %mul3A_2045 : i32
      %add3A_2047 = arith.constant 4 : i32
      %add3A_2048 = arith.addi %mul3A_2046, %add3A_2047 : i32
      %dma_wait3A_2049 = arith.constant 0 : i32
      %dma_wait3A_2050 = arith.constant 0 : i32
      %dma_wait3A_2051 = tpu.memref_slice %arg9[%dma_wait3A_2049, %dma_wait3A_2050] : memref<384x64xf32, #tpu.memory_space<vmem>> -> memref<128x64xf32, #tpu.memory_space<vmem>>
      %dma_wait3A_2052 = arith.constant 1536 : i32
      %dma_wait3A_2053 = tpu.memref_slice %arg6[%dma_wait3A_2052] : memref<2304xi32, #tpu.memory_space<vmem>> -> memref<128xi32, #tpu.memory_space<vmem>>
      %dma_wait3A_2054 = arith.constant 0 : i32
      %dma_wait3A_2055 = arith.constant 0 : i32
      %dma_wait3A_2056 = tpu.memref_slice %arg4[%dma_wait3A_2054, %dma_wait3A_2055] : memref<100000x64xf32, #tpu.memory_space<hbm>> -> memref<100000x64xf32, #tpu.memory_space<hbm>>
      tpu.wait_indirect_dma semaphore(%arg14 : memref<!tpu.dma_semaphore, #tpu.memory_space<semaphore_mem>>) src(%dma_wait3A_2056 : memref<100000x64xf32, #tpu.memory_space<hbm>>) dst(%dma_wait3A_2051 : memref<128x64xf32, #tpu.memory_space<vmem>>)
      %dma_wait3A_2057 = arith.constant 128 : i32
      %dma_wait3A_2058 = arith.constant 0 : i32
      %dma_wait3A_2059 = tpu.memref_slice %arg9[%dma_wait3A_2057, %dma_wait3A_2058] : memref<384x64xf32, #tpu.memory_space<vmem>> -> memref<128x64xf32, #tpu.memory_space<vmem>>
      %dma_wait3A_2060 = arith.constant 1664 : i32
      %dma_wait3A_2061 = tpu.memref_slice %arg6[%dma_wait3A_2060] : memref<2304xi32, #tpu.memory_space<vmem>> -> memref<128xi32, #tpu.memory_space<vmem>>
      %dma_wait3A_2062 = arith.constant 0 : i32
      %dma_wait3A_2063 = arith.constant 0 : i32
      %dma_wait3A_2064 = tpu.memref_slice %arg4[%dma_wait3A_2062, %dma_wait3A_2063] : memref<100000x64xf32, #tpu.memory_space<hbm>> -> memref<100000x64xf32, #tpu.memory_space<hbm>>
      tpu.wait_indirect_dma semaphore(%arg14 : memref<!tpu.dma_semaphore, #tpu.memory_space<semaphore_mem>>) src(%dma_wait3A_2064 : memref<100000x64xf32, #tpu.memory_space<hbm>>) dst(%dma_wait3A_2059 : memref<128x64xf32, #tpu.memory_space<vmem>>)
      %dma_wait3A_2065 = arith.constant 256 : i32
      %dma_wait3A_2066 = arith.constant 0 : i32
      %dma_wait3A_2067 = tpu.memref_slice %arg9[%dma_wait3A_2065, %dma_wait3A_2066] : memref<384x64xf32, #tpu.memory_space<vmem>> -> memref<128x64xf32, #tpu.memory_space<vmem>>
      %dma_wait3A_2068 = arith.constant 1792 : i32
      %dma_wait3A_2069 = tpu.memref_slice %arg6[%dma_wait3A_2068] : memref<2304xi32, #tpu.memory_space<vmem>> -> memref<128xi32, #tpu.memory_space<vmem>>
      %dma_wait3A_2070 = arith.constant 0 : i32
      %dma_wait3A_2071 = arith.constant 0 : i32
      %dma_wait3A_2072 = tpu.memref_slice %arg4[%dma_wait3A_2070, %dma_wait3A_2071] : memref<100000x64xf32, #tpu.memory_space<hbm>> -> memref<100000x64xf32, #tpu.memory_space<hbm>>
      tpu.wait_indirect_dma semaphore(%arg14 : memref<!tpu.dma_semaphore, #tpu.memory_space<semaphore_mem>>) src(%dma_wait3A_2072 : memref<100000x64xf32, #tpu.memory_space<hbm>>) dst(%dma_wait3A_2067 : memref<128x64xf32, #tpu.memory_space<vmem>>)
      %add3A_2073 = arith.addi %mul3A_21, %add3A_2048 : i32
      %dma_wait3A_2074 = arith.constant 0 : i32
      %dma_wait3A_2075 = arith.constant 0 : i32
      %dma_wait3A_2076 = tpu.memref_slice %arg7[%dma_wait3A_2075] : memref<768xf32, #tpu.memory_space<vmem>> -> memref<384xf32, #tpu.memory_space<vmem>>
      %dma_wait3A_2077 = arith.constant 0 : i32
      %dma_wait3A_2078 = tpu.memref_slice %arg3[%select_n3A, %dma_wait3A_2074, %add3A_2073, %dma_wait3A_2077] : memref<4x1x384x384xf32, #tpu.memory_space<hbm>> -> memref<1x1x1x384xf32, #tpu.memory_space<hbm>>
      %dma_wait3A_2079 = tpu.memref_squeeze %dma_wait3A_2078 : memref<1x1x1x384xf32, #tpu.memory_space<hbm>> -> memref<384xf32, #tpu.memory_space<hbm>>
      %dma_wait3A_2080 = arith.constant 0 : i32
      %dma_wait3A_2081 = tpu.memref_slice %arg7[%dma_wait3A_2080] : memref<768xf32, #tpu.memory_space<vmem>> -> memref<384xf32, #tpu.memory_space<vmem>>
      %dma_wait3A_2082 = arith.constant 0 : i32
      %dma_wait3A_2083 = tpu.memref_slice %arg3[%select_n3A, %dma_wait3A_2074, %add3A_2073, %dma_wait3A_2082] : memref<4x1x384x384xf32, #tpu.memory_space<hbm>> -> memref<1x1x1x384xf32, #tpu.memory_space<hbm>>
      %dma_wait3A_2084 = tpu.memref_squeeze %dma_wait3A_2083 : memref<1x1x1x384xf32, #tpu.memory_space<hbm>> -> memref<384xf32, #tpu.memory_space<hbm>>
      tpu.wait_dma2 semaphore(%arg24 : memref<!tpu.dma_semaphore, #tpu.memory_space<semaphore_mem>>) src(%dma_wait3A_2084 : memref<384xf32, #tpu.memory_space<hbm>>) dst(%dma_wait3A_2081 : memref<384xf32, #tpu.memory_space<vmem>>)
      %add3A_2085 = arith.constant 6 : i32
      %add3A_2086 = arith.addi %add3A_2048, %add3A_2085 : i32
      %lt3A_2087 = arith.constant 48 : i32
      %lt3A_2088 = arith.cmpi slt, %add3A_2086, %lt3A_2087 : i32
      %convert_element_type3A_2089 = arith.extui %lt3A_2088 : i1 to i32
      %cond3A_2090 = arith.constant 0 : i32
      %cond3A_2091 = arith.cmpi ne, %convert_element_type3A_2089, %cond3A_2090 : i32
      scf.if %cond3A_2091 {
        %add3A_2929 = arith.constant 6 : i32
        %add3A_2930 = arith.addi %add3A_2048, %add3A_2929 : i32
        %add3A_2931 = arith.addi %mul3A_21, %add3A_2930 : i32
        %dma_start3A_2932 = arith.constant 0 : i32
        %dma_start3A_2933 = arith.constant 1536 : i32
        %dma_start3A_2934 = tpu.memref_slice %arg6[%dma_start3A_2933] : memref<2304xi32, #tpu.memory_space<vmem>> -> memref<384xi32, #tpu.memory_space<vmem>>
        %dma_start3A_2935 = arith.constant 0 : i32
        %dma_start3A_2936 = tpu.memref_slice %arg2[%select_n3A, %dma_start3A_2932, %add3A_2931, %dma_start3A_2935] : memref<4x1x384x384xi32, #tpu.memory_space<hbm>> -> memref<1x1x1x384xi32, #tpu.memory_space<hbm>>
        %dma_start3A_2937 = tpu.memref_squeeze %dma_start3A_2936 : memref<1x1x1x384xi32, #tpu.memory_space<hbm>> -> memref<384xi32, #tpu.memory_space<hbm>>
        %dma_start3A_2938 = arith.constant 1536 : i32
        %dma_start3A_2939 = tpu.memref_slice %arg6[%dma_start3A_2938] : memref<2304xi32, #tpu.memory_space<vmem>> -> memref<384xi32, #tpu.memory_space<vmem>>
        %dma_start3A_2940 = arith.constant 0 : i32
        %dma_start3A_2941 = tpu.memref_slice %arg2[%select_n3A, %dma_start3A_2932, %add3A_2931, %dma_start3A_2940] : memref<4x1x384x384xi32, #tpu.memory_space<hbm>> -> memref<1x1x1x384xi32, #tpu.memory_space<hbm>>
        %dma_start3A_2942 = tpu.memref_squeeze %dma_start3A_2941 : memref<1x1x1x384xi32, #tpu.memory_space<hbm>> -> memref<384xi32, #tpu.memory_space<hbm>>
        tpu.enqueue_dma source(%dma_start3A_2942 : memref<384xi32, #tpu.memory_space<hbm>>) target(%dma_start3A_2939 : memref<384xi32, #tpu.memory_space<vmem>>) target_semaphore(%arg22 : memref<!tpu.dma_semaphore, #tpu.memory_space<semaphore_mem>>)
      } else {
      }
      %ge3A_2092 = arith.constant 2 : i32
      %ge3A_2093 = arith.cmpi sge, %add3A_2048, %ge3A_2092 : i32
      %convert_element_type3A_2094 = arith.extui %ge3A_2093 : i1 to i32
      %cond3A_2095 = arith.constant 0 : i32
      %cond3A_2096 = arith.cmpi ne, %convert_element_type3A_2094, %cond3A_2095 : i32
      scf.if %cond3A_2096 {
        %sub3A_2929 = arith.constant 2 : i32
        %sub3A_2930 = arith.subi %add3A_2048, %sub3A_2929 : i32
        %add3A_2931 = arith.addi %mul3A_21, %sub3A_2930 : i32
        %dma_wait3A_2932 = arith.constant 0 : i32
        %dma_wait3A_2933 = arith.constant 0 : i32
        %dma_wait3A_2934 = tpu.memref_slice %arg11[%dma_wait3A_2932, %dma_wait3A_2933] : memref<64x385xf32, #tpu.memory_space<vmem>> -> memref<64x384xf32, #tpu.memory_space<vmem>>
        %dma_wait3A_2935 = arith.constant 0 : i32
        %dma_wait3A_2936 = arith.constant 0 : i32
        %dma_wait3A_2937 = tpu.memref_slice %arg5[%select_n3A, %dma_wait3A_2935, %add3A_2931, %dma_wait3A_2936] : memref<4x64x384x384xf32, #tpu.memory_space<hbm>> -> memref<1x64x1x384xf32, #tpu.memory_space<hbm>>
        %dma_wait3A_2938 = tpu.memref_squeeze %dma_wait3A_2937 : memref<1x64x1x384xf32, #tpu.memory_space<hbm>> -> memref<64x384xf32, #tpu.memory_space<hbm>>
        %dma_wait3A_2939 = arith.constant 0 : i32
        %dma_wait3A_2940 = arith.constant 0 : i32
        %dma_wait3A_2941 = tpu.memref_slice %arg5[%select_n3A, %dma_wait3A_2939, %add3A_2931, %dma_wait3A_2940] : memref<4x64x384x384xf32, #tpu.memory_space<hbm>> -> memref<1x64x1x384xf32, #tpu.memory_space<hbm>>
        %dma_wait3A_2942 = tpu.memref_squeeze %dma_wait3A_2941 : memref<1x64x1x384xf32, #tpu.memory_space<hbm>> -> memref<64x384xf32, #tpu.memory_space<hbm>>
        %dma_wait3A_2943 = arith.constant 0 : i32
        %dma_wait3A_2944 = arith.constant 0 : i32
        %dma_wait3A_2945 = tpu.memref_slice %arg11[%dma_wait3A_2943, %dma_wait3A_2944] : memref<64x385xf32, #tpu.memory_space<vmem>> -> memref<64x384xf32, #tpu.memory_space<vmem>>
        tpu.wait_dma2 semaphore(%arg16 : memref<!tpu.dma_semaphore, #tpu.memory_space<semaphore_mem>>) src(%dma_wait3A_2945 : memref<64x384xf32, #tpu.memory_space<vmem>>) dst(%dma_wait3A_2942 : memref<64x384xf32, #tpu.memory_space<hbm>>)
      } else {
      }
      %scan3A_2097 = arith.constant 0 : i32
      %scan3A_2098 = arith.constant 0 : i32
      %mul3A_2099 = arith.constant 16 : i32
      %mul3A_2100 = arith.muli %scan3A_2098, %mul3A_2099 : i32
      %add3A_2101 = arith.constant 0 : i32
      %add3A_2102 = arith.addi %add3A_2101, %mul3A_2100 : i32
      %get3A_2103 = arith.index_cast %add3A_2102 : i32 to index
      %get3A_2104 = tpu.vector_load %arg7[%get3A_2103] {strides = array<i32>} : memref<768xf32, #tpu.memory_space<vmem>>, vector<16xf32>,
      %add3A_2105 = arith.constant 0 : i32
      %add3A_2106 = arith.addi %mul3A_2100, %add3A_2105 : i32
      %slice3A_2107 = vector.extract_strided_slice %get3A_2104 {offsets = [0], sizes = [1], strides = [1]} : vector<16xf32> to vector<1xf32>
      %squeeze3A_2108 = vector.extract %slice3A_2107[0] : f32 from vector<1xf32>
      %broadcast_in_dim3A_2109 = vector.broadcast %squeeze3A_2108 : f32 to vector<16xf32>
      %broadcast_in_dim3A_2110 = vector.broadcast %add3A_2106 : i32 to vector<16xi32>
      %get3A_2111 = arith.index_cast %add3A_2106 : i32 to index
      %get3A_2112 = arith.constant 0 : index
      %get3A_2113 = tpu.vector_load %arg9[%get3A_2111, %get3A_2112] {strides = array<i32>} : memref<384x64xf32, #tpu.memory_space<vmem>>, vector<16xf32>,
      %mul3A_2114 = arith.mulf %get3A_2113, %broadcast_in_dim3A_2109 : vector<16xf32>
      tpu.vector_store_idx %arg11[%add3A_24, %broadcast_in_dim3A_2110], %mul3A_2114 : memref<64x385xf32, #tpu.memory_space<vmem>>[vector<16xi32>, vector<16xi32>], vector<16xf32>,
      %get3A_2115 = arith.index_cast %add3A_2106 : i32 to index
      %get3A_2116 = arith.constant 16 : index
      %get3A_2117 = tpu.vector_load %arg9[%get3A_2115, %get3A_2116] {strides = array<i32>} : memref<384x64xf32, #tpu.memory_space<vmem>>, vector<16xf32>,
      %mul3A_2118 = arith.mulf %get3A_2117, %broadcast_in_dim3A_2109 : vector<16xf32>
      tpu.vector_store_idx %arg11[%add3A_27, %broadcast_in_dim3A_2110], %mul3A_2118 : memref<64x385xf32, #tpu.memory_space<vmem>>[vector<16xi32>, vector<16xi32>], vector<16xf32>,
      %get3A_2119 = arith.index_cast %add3A_2106 : i32 to index
      %get3A_2120 = arith.constant 32 : index
      %get3A_2121 = tpu.vector_load %arg9[%get3A_2119, %get3A_2120] {strides = array<i32>} : memref<384x64xf32, #tpu.memory_space<vmem>>, vector<16xf32>,
      %mul3A_2122 = arith.mulf %get3A_2121, %broadcast_in_dim3A_2109 : vector<16xf32>
      tpu.vector_store_idx %arg11[%add3A_30, %broadcast_in_dim3A_2110], %mul3A_2122 : memref<64x385xf32, #tpu.memory_space<vmem>>[vector<16xi32>, vector<16xi32>], vector<16xf32>,
      %get3A_2123 = arith.index_cast %add3A_2106 : i32 to index
      %get3A_2124 = arith.constant 48 : index
      %get3A_2125 = tpu.vector_load %arg9[%get3A_2123, %get3A_2124] {strides = array<i32>} : memref<384x64xf32, #tpu.memory_space<vmem>>, vector<16xf32>,
      %mul3A_2126 = arith.mulf %get3A_2125, %broadcast_in_dim3A_2109 : vector<16xf32>
      tpu.vector_store_idx %arg11[%add3A_33, %broadcast_in_dim3A_2110], %mul3A_2126 : memref<64x385xf32, #tpu.memory_space<vmem>>[vector<16xi32>, vector<16xi32>], vector<16xf32>,
      %add3A_2127 = arith.constant 1 : i32
      %add3A_2128 = arith.addi %mul3A_2100, %add3A_2127 : i32
      %slice3A_2129 = vector.extract_strided_slice %get3A_2104 {offsets = [1], sizes = [1], strides = [1]} : vector<16xf32> to vector<1xf32>
      %squeeze3A_2130 = vector.extract %slice3A_2129[0] : f32 from vector<1xf32>
      %broadcast_in_dim3A_2131 = vector.broadcast %squeeze3A_2130 : f32 to vector<16xf32>
      %broadcast_in_dim3A_2132 = vector.broadcast %add3A_2128 : i32 to vector<16xi32>
      %get3A_2133 = arith.index_cast %add3A_2128 : i32 to index
      %get3A_2134 = arith.constant 0 : index
      %get3A_2135 = tpu.vector_load %arg9[%get3A_2133, %get3A_2134] {strides = array<i32>} : memref<384x64xf32, #tpu.memory_space<vmem>>, vector<16xf32>,
      %mul3A_2136 = arith.mulf %get3A_2135, %broadcast_in_dim3A_2131 : vector<16xf32>
      tpu.vector_store_idx %arg11[%add3A_24, %broadcast_in_dim3A_2132], %mul3A_2136 : memref<64x385xf32, #tpu.memory_space<vmem>>[vector<16xi32>, vector<16xi32>], vector<16xf32>,
      %get3A_2137 = arith.index_cast %add3A_2128 : i32 to index
      %get3A_2138 = arith.constant 16 : index
      %get3A_2139 = tpu.vector_load %arg9[%get3A_2137, %get3A_2138] {strides = array<i32>} : memref<384x64xf32, #tpu.memory_space<vmem>>, vector<16xf32>,
      %mul3A_2140 = arith.mulf %get3A_2139, %broadcast_in_dim3A_2131 : vector<16xf32>
      tpu.vector_store_idx %arg11[%add3A_27, %broadcast_in_dim3A_2132], %mul3A_2140 : memref<64x385xf32, #tpu.memory_space<vmem>>[vector<16xi32>, vector<16xi32>], vector<16xf32>,
      %get3A_2141 = arith.index_cast %add3A_2128 : i32 to index
      %get3A_2142 = arith.constant 32 : index
      %get3A_2143 = tpu.vector_load %arg9[%get3A_2141, %get3A_2142] {strides = array<i32>} : memref<384x64xf32, #tpu.memory_space<vmem>>, vector<16xf32>,
      %mul3A_2144 = arith.mulf %get3A_2143, %broadcast_in_dim3A_2131 : vector<16xf32>
      tpu.vector_store_idx %arg11[%add3A_30, %broadcast_in_dim3A_2132], %mul3A_2144 : memref<64x385xf32, #tpu.memory_space<vmem>>[vector<16xi32>, vector<16xi32>], vector<16xf32>,
      %get3A_2145 = arith.index_cast %add3A_2128 : i32 to index
      %get3A_2146 = arith.constant 48 : index
      %get3A_2147 = tpu.vector_load %arg9[%get3A_2145, %get3A_2146] {strides = array<i32>} : memref<384x64xf32, #tpu.memory_space<vmem>>, vector<16xf32>,
      %mul3A_2148 = arith.mulf %get3A_2147, %broadcast_in_dim3A_2131 : vector<16xf32>
      tpu.vector_store_idx %arg11[%add3A_33, %broadcast_in_dim3A_2132], %mul3A_2148 : memref<64x385xf32, #tpu.memory_space<vmem>>[vector<16xi32>, vector<16xi32>], vector<16xf32>,
      %add3A_2149 = arith.constant 2 : i32
      %add3A_2150 = arith.addi %mul3A_2100, %add3A_2149 : i32
      %slice3A_2151 = vector.extract_strided_slice %get3A_2104 {offsets = [2], sizes = [1], strides = [1]} : vector<16xf32> to vector<1xf32>
      %squeeze3A_2152 = vector.extract %slice3A_2151[0] : f32 from vector<1xf32>
      %broadcast_in_dim3A_2153 = vector.broadcast %squeeze3A_2152 : f32 to vector<16xf32>
      %broadcast_in_dim3A_2154 = vector.broadcast %add3A_2150 : i32 to vector<16xi32>
      %get3A_2155 = arith.index_cast %add3A_2150 : i32 to index
      %get3A_2156 = arith.constant 0 : index
      %get3A_2157 = tpu.vector_load %arg9[%get3A_2155, %get3A_2156] {strides = array<i32>} : memref<384x64xf32, #tpu.memory_space<vmem>>, vector<16xf32>,
      %mul3A_2158 = arith.mulf %get3A_2157, %broadcast_in_dim3A_2153 : vector<16xf32>
      tpu.vector_store_idx %arg11[%add3A_24, %broadcast_in_dim3A_2154], %mul3A_2158 : memref<64x385xf32, #tpu.memory_space<vmem>>[vector<16xi32>, vector<16xi32>], vector<16xf32>,
      %get3A_2159 = arith.index_cast %add3A_2150 : i32 to index
      %get3A_2160 = arith.constant 16 : index
      %get3A_2161 = tpu.vector_load %arg9[%get3A_2159, %get3A_2160] {strides = array<i32>} : memref<384x64xf32, #tpu.memory_space<vmem>>, vector<16xf32>,
      %mul3A_2162 = arith.mulf %get3A_2161, %broadcast_in_dim3A_2153 : vector<16xf32>
      tpu.vector_store_idx %arg11[%add3A_27, %broadcast_in_dim3A_2154], %mul3A_2162 : memref<64x385xf32, #tpu.memory_space<vmem>>[vector<16xi32>, vector<16xi32>], vector<16xf32>,
      %get3A_2163 = arith.index_cast %add3A_2150 : i32 to index
      %get3A_2164 = arith.constant 32 : index
      %get3A_2165 = tpu.vector_load %arg9[%get3A_2163, %get3A_2164] {strides = array<i32>} : memref<384x64xf32, #tpu.memory_space<vmem>>, vector<16xf32>,
      %mul3A_2166 = arith.mulf %get3A_2165, %broadcast_in_dim3A_2153 : vector<16xf32>
      tpu.vector_store_idx %arg11[%add3A_30, %broadcast_in_dim3A_2154], %mul3A_2166 : memref<64x385xf32, #tpu.memory_space<vmem>>[vector<16xi32>, vector<16xi32>], vector<16xf32>,
      %get3A_2167 = arith.index_cast %add3A_2150 : i32 to index
      %get3A_2168 = arith.constant 48 : index
      %get3A_2169 = tpu.vector_load %arg9[%get3A_2167, %get3A_2168] {strides = array<i32>} : memref<384x64xf32, #tpu.memory_space<vmem>>, vector<16xf32>,
      %mul3A_2170 = arith.mulf %get3A_2169, %broadcast_in_dim3A_2153 : vector<16xf32>
      tpu.vector_store_idx %arg11[%add3A_33, %broadcast_in_dim3A_2154], %mul3A_2170 : memref<64x385xf32, #tpu.memory_space<vmem>>[vector<16xi32>, vector<16xi32>], vector<16xf32>,
      %add3A_2171 = arith.constant 3 : i32
      %add3A_2172 = arith.addi %mul3A_2100, %add3A_2171 : i32
      %slice3A_2173 = vector.extract_strided_slice %get3A_2104 {offsets = [3], sizes = [1], strides = [1]} : vector<16xf32> to vector<1xf32>
      %squeeze3A_2174 = vector.extract %slice3A_2173[0] : f32 from vector<1xf32>
      %broadcast_in_dim3A_2175 = vector.broadcast %squeeze3A_2174 : f32 to vector<16xf32>
      %broadcast_in_dim3A_2176 = vector.broadcast %add3A_2172 : i32 to vector<16xi32>
      %get3A_2177 = arith.index_cast %add3A_2172 : i32 to index
      %get3A_2178 = arith.constant 0 : index
      %get3A_2179 = tpu.vector_load %arg9[%get3A_2177, %get3A_2178] {strides = array<i32>} : memref<384x64xf32, #tpu.memory_space<vmem>>, vector<16xf32>,
      %mul3A_2180 = arith.mulf %get3A_2179, %broadcast_in_dim3A_2175 : vector<16xf32>
      tpu.vector_store_idx %arg11[%add3A_24, %broadcast_in_dim3A_2176], %mul3A_2180 : memref<64x385xf32, #tpu.memory_space<vmem>>[vector<16xi32>, vector<16xi32>], vector<16xf32>,
      %get3A_2181 = arith.index_cast %add3A_2172 : i32 to index
      %get3A_2182 = arith.constant 16 : index
      %get3A_2183 = tpu.vector_load %arg9[%get3A_2181, %get3A_2182] {strides = array<i32>} : memref<384x64xf32, #tpu.memory_space<vmem>>, vector<16xf32>,
      %mul3A_2184 = arith.mulf %get3A_2183, %broadcast_in_dim3A_2175 : vector<16xf32>
      tpu.vector_store_idx %arg11[%add3A_27, %broadcast_in_dim3A_2176], %mul3A_2184 : memref<64x385xf32, #tpu.memory_space<vmem>>[vector<16xi32>, vector<16xi32>], vector<16xf32>,
      %get3A_2185 = arith.index_cast %add3A_2172 : i32 to index
      %get3A_2186 = arith.constant 32 : index
      %get3A_2187 = tpu.vector_load %arg9[%get3A_2185, %get3A_2186] {strides = array<i32>} : memref<384x64xf32, #tpu.memory_space<vmem>>, vector<16xf32>,
      %mul3A_2188 = arith.mulf %get3A_2187, %broadcast_in_dim3A_2175 : vector<16xf32>
      tpu.vector_store_idx %arg11[%add3A_30, %broadcast_in_dim3A_2176], %mul3A_2188 : memref<64x385xf32, #tpu.memory_space<vmem>>[vector<16xi32>, vector<16xi32>], vector<16xf32>,
      %get3A_2189 = arith.index_cast %add3A_2172 : i32 to index
      %get3A_2190 = arith.constant 48 : index
      %get3A_2191 = tpu.vector_load %arg9[%get3A_2189, %get3A_2190] {strides = array<i32>} : memref<384x64xf32, #tpu.memory_space<vmem>>, vector<16xf32>,
      %mul3A_2192 = arith.mulf %get3A_2191, %broadcast_in_dim3A_2175 : vector<16xf32>
      tpu.vector_store_idx %arg11[%add3A_33, %broadcast_in_dim3A_2176], %mul3A_2192 : memref<64x385xf32, #tpu.memory_space<vmem>>[vector<16xi32>, vector<16xi32>], vector<16xf32>,
      %add3A_2193 = arith.constant 4 : i32
      %add3A_2194 = arith.addi %mul3A_2100, %add3A_2193 : i32
      %slice3A_2195 = vector.extract_strided_slice %get3A_2104 {offsets = [4], sizes = [1], strides = [1]} : vector<16xf32> to vector<1xf32>
      %squeeze3A_2196 = vector.extract %slice3A_2195[0] : f32 from vector<1xf32>
      %broadcast_in_dim3A_2197 = vector.broadcast %squeeze3A_2196 : f32 to vector<16xf32>
      %broadcast_in_dim3A_2198 = vector.broadcast %add3A_2194 : i32 to vector<16xi32>
      %get3A_2199 = arith.index_cast %add3A_2194 : i32 to index
      %get3A_2200 = arith.constant 0 : index
      %get3A_2201 = tpu.vector_load %arg9[%get3A_2199, %get3A_2200] {strides = array<i32>} : memref<384x64xf32, #tpu.memory_space<vmem>>, vector<16xf32>,
      %mul3A_2202 = arith.mulf %get3A_2201, %broadcast_in_dim3A_2197 : vector<16xf32>
      tpu.vector_store_idx %arg11[%add3A_24, %broadcast_in_dim3A_2198], %mul3A_2202 : memref<64x385xf32, #tpu.memory_space<vmem>>[vector<16xi32>, vector<16xi32>], vector<16xf32>,
      %get3A_2203 = arith.index_cast %add3A_2194 : i32 to index
      %get3A_2204 = arith.constant 16 : index
      %get3A_2205 = tpu.vector_load %arg9[%get3A_2203, %get3A_2204] {strides = array<i32>} : memref<384x64xf32, #tpu.memory_space<vmem>>, vector<16xf32>,
      %mul3A_2206 = arith.mulf %get3A_2205, %broadcast_in_dim3A_2197 : vector<16xf32>
      tpu.vector_store_idx %arg11[%add3A_27, %broadcast_in_dim3A_2198], %mul3A_2206 : memref<64x385xf32, #tpu.memory_space<vmem>>[vector<16xi32>, vector<16xi32>], vector<16xf32>,
      %get3A_2207 = arith.index_cast %add3A_2194 : i32 to index
      %get3A_2208 = arith.constant 32 : index
      %get3A_2209 = tpu.vector_load %arg9[%get3A_2207, %get3A_2208] {strides = array<i32>} : memref<384x64xf32, #tpu.memory_space<vmem>>, vector<16xf32>,
      %mul3A_2210 = arith.mulf %get3A_2209, %broadcast_in_dim3A_2197 : vector<16xf32>
      tpu.vector_store_idx %arg11[%add3A_30, %broadcast_in_dim3A_2198], %mul3A_2210 : memref<64x385xf32, #tpu.memory_space<vmem>>[vector<16xi32>, vector<16xi32>], vector<16xf32>,
      %get3A_2211 = arith.index_cast %add3A_2194 : i32 to index
      %get3A_2212 = arith.constant 48 : index
      %get3A_2213 = tpu.vector_load %arg9[%get3A_2211, %get3A_2212] {strides = array<i32>} : memref<384x64xf32, #tpu.memory_space<vmem>>, vector<16xf32>,
      %mul3A_2214 = arith.mulf %get3A_2213, %broadcast_in_dim3A_2197 : vector<16xf32>
      tpu.vector_store_idx %arg11[%add3A_33, %broadcast_in_dim3A_2198], %mul3A_2214 : memref<64x385xf32, #tpu.memory_space<vmem>>[vector<16xi32>, vector<16xi32>], vector<16xf32>,
      %add3A_2215 = arith.constant 5 : i32
      %add3A_2216 = arith.addi %mul3A_2100, %add3A_2215 : i32
      %slice3A_2217 = vector.extract_strided_slice %get3A_2104 {offsets = [5], sizes = [1], strides = [1]} : vector<16xf32> to vector<1xf32>
      %squeeze3A_2218 = vector.extract %slice3A_2217[0] : f32 from vector<1xf32>
      %broadcast_in_dim3A_2219 = vector.broadcast %squeeze3A_2218 : f32 to vector<16xf32>
      %broadcast_in_dim3A_2220 = vector.broadcast %add3A_2216 : i32 to vector<16xi32>
      %get3A_2221 = arith.index_cast %add3A_2216 : i32 to index
      %get3A_2222 = arith.constant 0 : index
      %get3A_2223 = tpu.vector_load %arg9[%get3A_2221, %get3A_2222] {strides = array<i32>} : memref<384x64xf32, #tpu.memory_space<vmem>>, vector<16xf32>,
      %mul3A_2224 = arith.mulf %get3A_2223, %broadcast_in_dim3A_2219 : vector<16xf32>
      tpu.vector_store_idx %arg11[%add3A_24, %broadcast_in_dim3A_2220], %mul3A_2224 : memref<64x385xf32, #tpu.memory_space<vmem>>[vector<16xi32>, vector<16xi32>], vector<16xf32>,
      %get3A_2225 = arith.index_cast %add3A_2216 : i32 to index
      %get3A_2226 = arith.constant 16 : index
      %get3A_2227 = tpu.vector_load %arg9[%get3A_2225, %get3A_2226] {strides = array<i32>} : memref<384x64xf32, #tpu.memory_space<vmem>>, vector<16xf32>,
      %mul3A_2228 = arith.mulf %get3A_2227, %broadcast_in_dim3A_2219 : vector<16xf32>
      tpu.vector_store_idx %arg11[%add3A_27, %broadcast_in_dim3A_2220], %mul3A_2228 : memref<64x385xf32, #tpu.memory_space<vmem>>[vector<16xi32>, vector<16xi32>], vector<16xf32>,
      %get3A_2229 = arith.index_cast %add3A_2216 : i32 to index
      %get3A_2230 = arith.constant 32 : index
      %get3A_2231 = tpu.vector_load %arg9[%get3A_2229, %get3A_2230] {strides = array<i32>} : memref<384x64xf32, #tpu.memory_space<vmem>>, vector<16xf32>,
      %mul3A_2232 = arith.mulf %get3A_2231, %broadcast_in_dim3A_2219 : vector<16xf32>
      tpu.vector_store_idx %arg11[%add3A_30, %broadcast_in_dim3A_2220], %mul3A_2232 : memref<64x385xf32, #tpu.memory_space<vmem>>[vector<16xi32>, vector<16xi32>], vector<16xf32>,
      %get3A_2233 = arith.index_cast %add3A_2216 : i32 to index
      %get3A_2234 = arith.constant 48 : index
      %get3A_2235 = tpu.vector_load %arg9[%get3A_2233, %get3A_2234] {strides = array<i32>} : memref<384x64xf32, #tpu.memory_space<vmem>>, vector<16xf32>,
      %mul3A_2236 = arith.mulf %get3A_2235, %broadcast_in_dim3A_2219 : vector<16xf32>
      tpu.vector_store_idx %arg11[%add3A_33, %broadcast_in_dim3A_2220], %mul3A_2236 : memref<64x385xf32, #tpu.memory_space<vmem>>[vector<16xi32>, vector<16xi32>], vector<16xf32>,
      %add3A_2237 = arith.constant 6 : i32
      %add3A_2238 = arith.addi %mul3A_2100, %add3A_2237 : i32
      %slice3A_2239 = vector.extract_strided_slice %get3A_2104 {offsets = [6], sizes = [1], strides = [1]} : vector<16xf32> to vector<1xf32>
      %squeeze3A_2240 = vector.extract %slice3A_2239[0] : f32 from vector<1xf32>
      %broadcast_in_dim3A_2241 = vector.broadcast %squeeze3A_2240 : f32 to vector<16xf32>
      %broadcast_in_dim3A_2242 = vector.broadcast %add3A_2238 : i32 to vector<16xi32>
      %get3A_2243 = arith.index_cast %add3A_2238 : i32 to index
      %get3A_2244 = arith.constant 0 : index
      %get3A_2245 = tpu.vector_load %arg9[%get3A_2243, %get3A_2244] {strides = array<i32>} : memref<384x64xf32, #tpu.memory_space<vmem>>, vector<16xf32>,
      %mul3A_2246 = arith.mulf %get3A_2245, %broadcast_in_dim3A_2241 : vector<16xf32>
      tpu.vector_store_idx %arg11[%add3A_24, %broadcast_in_dim3A_2242], %mul3A_2246 : memref<64x385xf32, #tpu.memory_space<vmem>>[vector<16xi32>, vector<16xi32>], vector<16xf32>,
      %get3A_2247 = arith.index_cast %add3A_2238 : i32 to index
      %get3A_2248 = arith.constant 16 : index
      %get3A_2249 = tpu.vector_load %arg9[%get3A_2247, %get3A_2248] {strides = array<i32>} : memref<384x64xf32, #tpu.memory_space<vmem>>, vector<16xf32>,
      %mul3A_2250 = arith.mulf %get3A_2249, %broadcast_in_dim3A_2241 : vector<16xf32>
      tpu.vector_store_idx %arg11[%add3A_27, %broadcast_in_dim3A_2242], %mul3A_2250 : memref<64x385xf32, #tpu.memory_space<vmem>>[vector<16xi32>, vector<16xi32>], vector<16xf32>,
      %get3A_2251 = arith.index_cast %add3A_2238 : i32 to index
      %get3A_2252 = arith.constant 32 : index
      %get3A_2253 = tpu.vector_load %arg9[%get3A_2251, %get3A_2252] {strides = array<i32>} : memref<384x64xf32, #tpu.memory_space<vmem>>, vector<16xf32>,
      %mul3A_2254 = arith.mulf %get3A_2253, %broadcast_in_dim3A_2241 : vector<16xf32>
      tpu.vector_store_idx %arg11[%add3A_30, %broadcast_in_dim3A_2242], %mul3A_2254 : memref<64x385xf32, #tpu.memory_space<vmem>>[vector<16xi32>, vector<16xi32>], vector<16xf32>,
      %get3A_2255 = arith.index_cast %add3A_2238 : i32 to index
      %get3A_2256 = arith.constant 48 : index
      %get3A_2257 = tpu.vector_load %arg9[%get3A_2255, %get3A_2256] {strides = array<i32>} : memref<384x64xf32, #tpu.memory_space<vmem>>, vector<16xf32>,
      %mul3A_2258 = arith.mulf %get3A_2257, %broadcast_in_dim3A_2241 : vector<16xf32>
      tpu.vector_store_idx %arg11[%add3A_33, %broadcast_in_dim3A_2242], %mul3A_2258 : memref<64x385xf32, #tpu.memory_space<vmem>>[vector<16xi32>, vector<16xi32>], vector<16xf32>,
      %add3A_2259 = arith.constant 7 : i32
      %add3A_2260 = arith.addi %mul3A_2100, %add3A_2259 : i32
      %slice3A_2261 = vector.extract_strided_slice %get3A_2104 {offsets = [7], sizes = [1], strides = [1]} : vector<16xf32> to vector<1xf32>
      %squeeze3A_2262 = vector.extract %slice3A_2261[0] : f32 from vector<1xf32>
      %broadcast_in_dim3A_2263 = vector.broadcast %squeeze3A_2262 : f32 to vector<16xf32>
      %broadcast_in_dim3A_2264 = vector.broadcast %add3A_2260 : i32 to vector<16xi32>
      %get3A_2265 = arith.index_cast %add3A_2260 : i32 to index
      %get3A_2266 = arith.constant 0 : index
      %get3A_2267 = tpu.vector_load %arg9[%get3A_2265, %get3A_2266] {strides = array<i32>} : memref<384x64xf32, #tpu.memory_space<vmem>>, vector<16xf32>,
      %mul3A_2268 = arith.mulf %get3A_2267, %broadcast_in_dim3A_2263 : vector<16xf32>
      tpu.vector_store_idx %arg11[%add3A_24, %broadcast_in_dim3A_2264], %mul3A_2268 : memref<64x385xf32, #tpu.memory_space<vmem>>[vector<16xi32>, vector<16xi32>], vector<16xf32>,
      %get3A_2269 = arith.index_cast %add3A_2260 : i32 to index
      %get3A_2270 = arith.constant 16 : index
      %get3A_2271 = tpu.vector_load %arg9[%get3A_2269, %get3A_2270] {strides = array<i32>} : memref<384x64xf32, #tpu.memory_space<vmem>>, vector<16xf32>,
      %mul3A_2272 = arith.mulf %get3A_2271, %broadcast_in_dim3A_2263 : vector<16xf32>
      tpu.vector_store_idx %arg11[%add3A_27, %broadcast_in_dim3A_2264], %mul3A_2272 : memref<64x385xf32, #tpu.memory_space<vmem>>[vector<16xi32>, vector<16xi32>], vector<16xf32>,
      %get3A_2273 = arith.index_cast %add3A_2260 : i32 to index
      %get3A_2274 = arith.constant 32 : index
      %get3A_2275 = tpu.vector_load %arg9[%get3A_2273, %get3A_2274] {strides = array<i32>} : memref<384x64xf32, #tpu.memory_space<vmem>>, vector<16xf32>,
      %mul3A_2276 = arith.mulf %get3A_2275, %broadcast_in_dim3A_2263 : vector<16xf32>
      tpu.vector_store_idx %arg11[%add3A_30, %broadcast_in_dim3A_2264], %mul3A_2276 : memref<64x385xf32, #tpu.memory_space<vmem>>[vector<16xi32>, vector<16xi32>], vector<16xf32>,
      %get3A_2277 = arith.index_cast %add3A_2260 : i32 to index
      %get3A_2278 = arith.constant 48 : index
      %get3A_2279 = tpu.vector_load %arg9[%get3A_2277, %get3A_2278] {strides = array<i32>} : memref<384x64xf32, #tpu.memory_space<vmem>>, vector<16xf32>,
      %mul3A_2280 = arith.mulf %get3A_2279, %broadcast_in_dim3A_2263 : vector<16xf32>
      tpu.vector_store_idx %arg11[%add3A_33, %broadcast_in_dim3A_2264], %mul3A_2280 : memref<64x385xf32, #tpu.memory_space<vmem>>[vector<16xi32>, vector<16xi32>], vector<16xf32>,
      %add3A_2281 = arith.constant 8 : i32
      %add3A_2282 = arith.addi %mul3A_2100, %add3A_2281 : i32
      %slice3A_2283 = vector.extract_strided_slice %get3A_2104 {offsets = [8], sizes = [1], strides = [1]} : vector<16xf32> to vector<1xf32>
      %squeeze3A_2284 = vector.extract %slice3A_2283[0] : f32 from vector<1xf32>
      %broadcast_in_dim3A_2285 = vector.broadcast %squeeze3A_2284 : f32 to vector<16xf32>
      %broadcast_in_dim3A_2286 = vector.broadcast %add3A_2282 : i32 to vector<16xi32>
      %get3A_2287 = arith.index_cast %add3A_2282 : i32 to index
      %get3A_2288 = arith.constant 0 : index
      %get3A_2289 = tpu.vector_load %arg9[%get3A_2287, %get3A_2288] {strides = array<i32>} : memref<384x64xf32, #tpu.memory_space<vmem>>, vector<16xf32>,
      %mul3A_2290 = arith.mulf %get3A_2289, %broadcast_in_dim3A_2285 : vector<16xf32>
      tpu.vector_store_idx %arg11[%add3A_24, %broadcast_in_dim3A_2286], %mul3A_2290 : memref<64x385xf32, #tpu.memory_space<vmem>>[vector<16xi32>, vector<16xi32>], vector<16xf32>,
      %get3A_2291 = arith.index_cast %add3A_2282 : i32 to index
      %get3A_2292 = arith.constant 16 : index
      %get3A_2293 = tpu.vector_load %arg9[%get3A_2291, %get3A_2292] {strides = array<i32>} : memref<384x64xf32, #tpu.memory_space<vmem>>, vector<16xf32>,
      %mul3A_2294 = arith.mulf %get3A_2293, %broadcast_in_dim3A_2285 : vector<16xf32>
      tpu.vector_store_idx %arg11[%add3A_27, %broadcast_in_dim3A_2286], %mul3A_2294 : memref<64x385xf32, #tpu.memory_space<vmem>>[vector<16xi32>, vector<16xi32>], vector<16xf32>,
      %get3A_2295 = arith.index_cast %add3A_2282 : i32 to index
      %get3A_2296 = arith.constant 32 : index
      %get3A_2297 = tpu.vector_load %arg9[%get3A_2295, %get3A_2296] {strides = array<i32>} : memref<384x64xf32, #tpu.memory_space<vmem>>, vector<16xf32>,
      %mul3A_2298 = arith.mulf %get3A_2297, %broadcast_in_dim3A_2285 : vector<16xf32>
      tpu.vector_store_idx %arg11[%add3A_30, %broadcast_in_dim3A_2286], %mul3A_2298 : memref<64x385xf32, #tpu.memory_space<vmem>>[vector<16xi32>, vector<16xi32>], vector<16xf32>,
      %get3A_2299 = arith.index_cast %add3A_2282 : i32 to index
      %get3A_2300 = arith.constant 48 : index
      %get3A_2301 = tpu.vector_load %arg9[%get3A_2299, %get3A_2300] {strides = array<i32>} : memref<384x64xf32, #tpu.memory_space<vmem>>, vector<16xf32>,
      %mul3A_2302 = arith.mulf %get3A_2301, %broadcast_in_dim3A_2285 : vector<16xf32>
      tpu.vector_store_idx %arg11[%add3A_33, %broadcast_in_dim3A_2286], %mul3A_2302 : memref<64x385xf32, #tpu.memory_space<vmem>>[vector<16xi32>, vector<16xi32>], vector<16xf32>,
      %add3A_2303 = arith.constant 9 : i32
      %add3A_2304 = arith.addi %mul3A_2100, %add3A_2303 : i32
      %slice3A_2305 = vector.extract_strided_slice %get3A_2104 {offsets = [9], sizes = [1], strides = [1]} : vector<16xf32> to vector<1xf32>
      %squeeze3A_2306 = vector.extract %slice3A_2305[0] : f32 from vector<1xf32>
      %broadcast_in_dim3A_2307 = vector.broadcast %squeeze3A_2306 : f32 to vector<16xf32>
      %broadcast_in_dim3A_2308 = vector.broadcast %add3A_2304 : i32 to vector<16xi32>
      %get3A_2309 = arith.index_cast %add3A_2304 : i32 to index
      %get3A_2310 = arith.constant 0 : index
      %get3A_2311 = tpu.vector_load %arg9[%get3A_2309, %get3A_2310] {strides = array<i32>} : memref<384x64xf32, #tpu.memory_space<vmem>>, vector<16xf32>,
      %mul3A_2312 = arith.mulf %get3A_2311, %broadcast_in_dim3A_2307 : vector<16xf32>
      tpu.vector_store_idx %arg11[%add3A_24, %broadcast_in_dim3A_2308], %mul3A_2312 : memref<64x385xf32, #tpu.memory_space<vmem>>[vector<16xi32>, vector<16xi32>], vector<16xf32>,
      %get3A_2313 = arith.index_cast %add3A_2304 : i32 to index
      %get3A_2314 = arith.constant 16 : index
      %get3A_2315 = tpu.vector_load %arg9[%get3A_2313, %get3A_2314] {strides = array<i32>} : memref<384x64xf32, #tpu.memory_space<vmem>>, vector<16xf32>,
      %mul3A_2316 = arith.mulf %get3A_2315, %broadcast_in_dim3A_2307 : vector<16xf32>
      tpu.vector_store_idx %arg11[%add3A_27, %broadcast_in_dim3A_2308], %mul3A_2316 : memref<64x385xf32, #tpu.memory_space<vmem>>[vector<16xi32>, vector<16xi32>], vector<16xf32>,
      %get3A_2317 = arith.index_cast %add3A_2304 : i32 to index
      %get3A_2318 = arith.constant 32 : index
      %get3A_2319 = tpu.vector_load %arg9[%get3A_2317, %get3A_2318] {strides = array<i32>} : memref<384x64xf32, #tpu.memory_space<vmem>>, vector<16xf32>,
      %mul3A_2320 = arith.mulf %get3A_2319, %broadcast_in_dim3A_2307 : vector<16xf32>
      tpu.vector_store_idx %arg11[%add3A_30, %broadcast_in_dim3A_2308], %mul3A_2320 : memref<64x385xf32, #tpu.memory_space<vmem>>[vector<16xi32>, vector<16xi32>], vector<16xf32>,
      %get3A_2321 = arith.index_cast %add3A_2304 : i32 to index
      %get3A_2322 = arith.constant 48 : index
      %get3A_2323 = tpu.vector_load %arg9[%get3A_2321, %get3A_2322] {strides = array<i32>} : memref<384x64xf32, #tpu.memory_space<vmem>>, vector<16xf32>,
      %mul3A_2324 = arith.mulf %get3A_2323, %broadcast_in_dim3A_2307 : vector<16xf32>
      tpu.vector_store_idx %arg11[%add3A_33, %broadcast_in_dim3A_2308], %mul3A_2324 : memref<64x385xf32, #tpu.memory_space<vmem>>[vector<16xi32>, vector<16xi32>], vector<16xf32>,
      %add3A_2325 = arith.constant 10 : i32
      %add3A_2326 = arith.addi %mul3A_2100, %add3A_2325 : i32
      %slice3A_2327 = vector.extract_strided_slice %get3A_2104 {offsets = [10], sizes = [1], strides = [1]} : vector<16xf32> to vector<1xf32>
      %squeeze3A_2328 = vector.extract %slice3A_2327[0] : f32 from vector<1xf32>
      %broadcast_in_dim3A_2329 = vector.broadcast %squeeze3A_2328 : f32 to vector<16xf32>
      %broadcast_in_dim3A_2330 = vector.broadcast %add3A_2326 : i32 to vector<16xi32>
      %get3A_2331 = arith.index_cast %add3A_2326 : i32 to index
      %get3A_2332 = arith.constant 0 : index
      %get3A_2333 = tpu.vector_load %arg9[%get3A_2331, %get3A_2332] {strides = array<i32>} : memref<384x64xf32, #tpu.memory_space<vmem>>, vector<16xf32>,
      %mul3A_2334 = arith.mulf %get3A_2333, %broadcast_in_dim3A_2329 : vector<16xf32>
      tpu.vector_store_idx %arg11[%add3A_24, %broadcast_in_dim3A_2330], %mul3A_2334 : memref<64x385xf32, #tpu.memory_space<vmem>>[vector<16xi32>, vector<16xi32>], vector<16xf32>,
      %get3A_2335 = arith.index_cast %add3A_2326 : i32 to index
      %get3A_2336 = arith.constant 16 : index
      %get3A_2337 = tpu.vector_load %arg9[%get3A_2335, %get3A_2336] {strides = array<i32>} : memref<384x64xf32, #tpu.memory_space<vmem>>, vector<16xf32>,
      %mul3A_2338 = arith.mulf %get3A_2337, %broadcast_in_dim3A_2329 : vector<16xf32>
      tpu.vector_store_idx %arg11[%add3A_27, %broadcast_in_dim3A_2330], %mul3A_2338 : memref<64x385xf32, #tpu.memory_space<vmem>>[vector<16xi32>, vector<16xi32>], vector<16xf32>,
      %get3A_2339 = arith.index_cast %add3A_2326 : i32 to index
      %get3A_2340 = arith.constant 32 : index
      %get3A_2341 = tpu.vector_load %arg9[%get3A_2339, %get3A_2340] {strides = array<i32>} : memref<384x64xf32, #tpu.memory_space<vmem>>, vector<16xf32>,
      %mul3A_2342 = arith.mulf %get3A_2341, %broadcast_in_dim3A_2329 : vector<16xf32>
      tpu.vector_store_idx %arg11[%add3A_30, %broadcast_in_dim3A_2330], %mul3A_2342 : memref<64x385xf32, #tpu.memory_space<vmem>>[vector<16xi32>, vector<16xi32>], vector<16xf32>,
      %get3A_2343 = arith.index_cast %add3A_2326 : i32 to index
      %get3A_2344 = arith.constant 48 : index
      %get3A_2345 = tpu.vector_load %arg9[%get3A_2343, %get3A_2344] {strides = array<i32>} : memref<384x64xf32, #tpu.memory_space<vmem>>, vector<16xf32>,
      %mul3A_2346 = arith.mulf %get3A_2345, %broadcast_in_dim3A_2329 : vector<16xf32>
      tpu.vector_store_idx %arg11[%add3A_33, %broadcast_in_dim3A_2330], %mul3A_2346 : memref<64x385xf32, #tpu.memory_space<vmem>>[vector<16xi32>, vector<16xi32>], vector<16xf32>,
      %add3A_2347 = arith.constant 11 : i32
      %add3A_2348 = arith.addi %mul3A_2100, %add3A_2347 : i32
      %slice3A_2349 = vector.extract_strided_slice %get3A_2104 {offsets = [11], sizes = [1], strides = [1]} : vector<16xf32> to vector<1xf32>
      %squeeze3A_2350 = vector.extract %slice3A_2349[0] : f32 from vector<1xf32>
      %broadcast_in_dim3A_2351 = vector.broadcast %squeeze3A_2350 : f32 to vector<16xf32>
      %broadcast_in_dim3A_2352 = vector.broadcast %add3A_2348 : i32 to vector<16xi32>
      %get3A_2353 = arith.index_cast %add3A_2348 : i32 to index
      %get3A_2354 = arith.constant 0 : index
      %get3A_2355 = tpu.vector_load %arg9[%get3A_2353, %get3A_2354] {strides = array<i32>} : memref<384x64xf32, #tpu.memory_space<vmem>>, vector<16xf32>,
      %mul3A_2356 = arith.mulf %get3A_2355, %broadcast_in_dim3A_2351 : vector<16xf32>
      tpu.vector_store_idx %arg11[%add3A_24, %broadcast_in_dim3A_2352], %mul3A_2356 : memref<64x385xf32, #tpu.memory_space<vmem>>[vector<16xi32>, vector<16xi32>], vector<16xf32>,
      %get3A_2357 = arith.index_cast %add3A_2348 : i32 to index
      %get3A_2358 = arith.constant 16 : index
      %get3A_2359 = tpu.vector_load %arg9[%get3A_2357, %get3A_2358] {strides = array<i32>} : memref<384x64xf32, #tpu.memory_space<vmem>>, vector<16xf32>,
      %mul3A_2360 = arith.mulf %get3A_2359, %broadcast_in_dim3A_2351 : vector<16xf32>
      tpu.vector_store_idx %arg11[%add3A_27, %broadcast_in_dim3A_2352], %mul3A_2360 : memref<64x385xf32, #tpu.memory_space<vmem>>[vector<16xi32>, vector<16xi32>], vector<16xf32>,
      %get3A_2361 = arith.index_cast %add3A_2348 : i32 to index
      %get3A_2362 = arith.constant 32 : index
      %get3A_2363 = tpu.vector_load %arg9[%get3A_2361, %get3A_2362] {strides = array<i32>} : memref<384x64xf32, #tpu.memory_space<vmem>>, vector<16xf32>,
      %mul3A_2364 = arith.mulf %get3A_2363, %broadcast_in_dim3A_2351 : vector<16xf32>
      tpu.vector_store_idx %arg11[%add3A_30, %broadcast_in_dim3A_2352], %mul3A_2364 : memref<64x385xf32, #tpu.memory_space<vmem>>[vector<16xi32>, vector<16xi32>], vector<16xf32>,
      %get3A_2365 = arith.index_cast %add3A_2348 : i32 to index
      %get3A_2366 = arith.constant 48 : index
      %get3A_2367 = tpu.vector_load %arg9[%get3A_2365, %get3A_2366] {strides = array<i32>} : memref<384x64xf32, #tpu.memory_space<vmem>>, vector<16xf32>,
      %mul3A_2368 = arith.mulf %get3A_2367, %broadcast_in_dim3A_2351 : vector<16xf32>
      tpu.vector_store_idx %arg11[%add3A_33, %broadcast_in_dim3A_2352], %mul3A_2368 : memref<64x385xf32, #tpu.memory_space<vmem>>[vector<16xi32>, vector<16xi32>], vector<16xf32>,
      %add3A_2369 = arith.constant 12 : i32
      %add3A_2370 = arith.addi %mul3A_2100, %add3A_2369 : i32
      %slice3A_2371 = vector.extract_strided_slice %get3A_2104 {offsets = [12], sizes = [1], strides = [1]} : vector<16xf32> to vector<1xf32>
      %squeeze3A_2372 = vector.extract %slice3A_2371[0] : f32 from vector<1xf32>
      %broadcast_in_dim3A_2373 = vector.broadcast %squeeze3A_2372 : f32 to vector<16xf32>
      %broadcast_in_dim3A_2374 = vector.broadcast %add3A_2370 : i32 to vector<16xi32>
      %get3A_2375 = arith.index_cast %add3A_2370 : i32 to index
      %get3A_2376 = arith.constant 0 : index
      %get3A_2377 = tpu.vector_load %arg9[%get3A_2375, %get3A_2376] {strides = array<i32>} : memref<384x64xf32, #tpu.memory_space<vmem>>, vector<16xf32>,
      %mul3A_2378 = arith.mulf %get3A_2377, %broadcast_in_dim3A_2373 : vector<16xf32>
      tpu.vector_store_idx %arg11[%add3A_24, %broadcast_in_dim3A_2374], %mul3A_2378 : memref<64x385xf32, #tpu.memory_space<vmem>>[vector<16xi32>, vector<16xi32>], vector<16xf32>,
      %get3A_2379 = arith.index_cast %add3A_2370 : i32 to index
      %get3A_2380 = arith.constant 16 : index
      %get3A_2381 = tpu.vector_load %arg9[%get3A_2379, %get3A_2380] {strides = array<i32>} : memref<384x64xf32, #tpu.memory_space<vmem>>, vector<16xf32>,
      %mul3A_2382 = arith.mulf %get3A_2381, %broadcast_in_dim3A_2373 : vector<16xf32>
      tpu.vector_store_idx %arg11[%add3A_27, %broadcast_in_dim3A_2374], %mul3A_2382 : memref<64x385xf32, #tpu.memory_space<vmem>>[vector<16xi32>, vector<16xi32>], vector<16xf32>,
      %get3A_2383 = arith.index_cast %add3A_2370 : i32 to index
      %get3A_2384 = arith.constant 32 : index
      %get3A_2385 = tpu.vector_load %arg9[%get3A_2383, %get3A_2384] {strides = array<i32>} : memref<384x64xf32, #tpu.memory_space<vmem>>, vector<16xf32>,
      %mul3A_2386 = arith.mulf %get3A_2385, %broadcast_in_dim3A_2373 : vector<16xf32>
      tpu.vector_store_idx %arg11[%add3A_30, %broadcast_in_dim3A_2374], %mul3A_2386 : memref<64x385xf32, #tpu.memory_space<vmem>>[vector<16xi32>, vector<16xi32>], vector<16xf32>,
      %get3A_2387 = arith.index_cast %add3A_2370 : i32 to index
      %get3A_2388 = arith.constant 48 : index
      %get3A_2389 = tpu.vector_load %arg9[%get3A_2387, %get3A_2388] {strides = array<i32>} : memref<384x64xf32, #tpu.memory_space<vmem>>, vector<16xf32>,
      %mul3A_2390 = arith.mulf %get3A_2389, %broadcast_in_dim3A_2373 : vector<16xf32>
      tpu.vector_store_idx %arg11[%add3A_33, %broadcast_in_dim3A_2374], %mul3A_2390 : memref<64x385xf32, #tpu.memory_space<vmem>>[vector<16xi32>, vector<16xi32>], vector<16xf32>,
      %add3A_2391 = arith.constant 13 : i32
      %add3A_2392 = arith.addi %mul3A_2100, %add3A_2391 : i32
      %slice3A_2393 = vector.extract_strided_slice %get3A_2104 {offsets = [13], sizes = [1], strides = [1]} : vector<16xf32> to vector<1xf32>
      %squeeze3A_2394 = vector.extract %slice3A_2393[0] : f32 from vector<1xf32>
      %broadcast_in_dim3A_2395 = vector.broadcast %squeeze3A_2394 : f32 to vector<16xf32>
      %broadcast_in_dim3A_2396 = vector.broadcast %add3A_2392 : i32 to vector<16xi32>
      %get3A_2397 = arith.index_cast %add3A_2392 : i32 to index
      %get3A_2398 = arith.constant 0 : index
      %get3A_2399 = tpu.vector_load %arg9[%get3A_2397, %get3A_2398] {strides = array<i32>} : memref<384x64xf32, #tpu.memory_space<vmem>>, vector<16xf32>,
      %mul3A_2400 = arith.mulf %get3A_2399, %broadcast_in_dim3A_2395 : vector<16xf32>
      tpu.vector_store_idx %arg11[%add3A_24, %broadcast_in_dim3A_2396], %mul3A_2400 : memref<64x385xf32, #tpu.memory_space<vmem>>[vector<16xi32>, vector<16xi32>], vector<16xf32>,
      %get3A_2401 = arith.index_cast %add3A_2392 : i32 to index
      %get3A_2402 = arith.constant 16 : index
      %get3A_2403 = tpu.vector_load %arg9[%get3A_2401, %get3A_2402] {strides = array<i32>} : memref<384x64xf32, #tpu.memory_space<vmem>>, vector<16xf32>,
      %mul3A_2404 = arith.mulf %get3A_2403, %broadcast_in_dim3A_2395 : vector<16xf32>
      tpu.vector_store_idx %arg11[%add3A_27, %broadcast_in_dim3A_2396], %mul3A_2404 : memref<64x385xf32, #tpu.memory_space<vmem>>[vector<16xi32>, vector<16xi32>], vector<16xf32>,
      %get3A_2405 = arith.index_cast %add3A_2392 : i32 to index
      %get3A_2406 = arith.constant 32 : index
      %get3A_2407 = tpu.vector_load %arg9[%get3A_2405, %get3A_2406] {strides = array<i32>} : memref<384x64xf32, #tpu.memory_space<vmem>>, vector<16xf32>,
      %mul3A_2408 = arith.mulf %get3A_2407, %broadcast_in_dim3A_2395 : vector<16xf32>
      tpu.vector_store_idx %arg11[%add3A_30, %broadcast_in_dim3A_2396], %mul3A_2408 : memref<64x385xf32, #tpu.memory_space<vmem>>[vector<16xi32>, vector<16xi32>], vector<16xf32>,
      %get3A_2409 = arith.index_cast %add3A_2392 : i32 to index
      %get3A_2410 = arith.constant 48 : index
      %get3A_2411 = tpu.vector_load %arg9[%get3A_2409, %get3A_2410] {strides = array<i32>} : memref<384x64xf32, #tpu.memory_space<vmem>>, vector<16xf32>,
      %mul3A_2412 = arith.mulf %get3A_2411, %broadcast_in_dim3A_2395 : vector<16xf32>
      tpu.vector_store_idx %arg11[%add3A_33, %broadcast_in_dim3A_2396], %mul3A_2412 : memref<64x385xf32, #tpu.memory_space<vmem>>[vector<16xi32>, vector<16xi32>], vector<16xf32>,
      %add3A_2413 = arith.constant 14 : i32
      %add3A_2414 = arith.addi %mul3A_2100, %add3A_2413 : i32
      %slice3A_2415 = vector.extract_strided_slice %get3A_2104 {offsets = [14], sizes = [1], strides = [1]} : vector<16xf32> to vector<1xf32>
      %squeeze3A_2416 = vector.extract %slice3A_2415[0] : f32 from vector<1xf32>
      %broadcast_in_dim3A_2417 = vector.broadcast %squeeze3A_2416 : f32 to vector<16xf32>
      %broadcast_in_dim3A_2418 = vector.broadcast %add3A_2414 : i32 to vector<16xi32>
      %get3A_2419 = arith.index_cast %add3A_2414 : i32 to index
      %get3A_2420 = arith.constant 0 : index
      %get3A_2421 = tpu.vector_load %arg9[%get3A_2419, %get3A_2420] {strides = array<i32>} : memref<384x64xf32, #tpu.memory_space<vmem>>, vector<16xf32>,
      %mul3A_2422 = arith.mulf %get3A_2421, %broadcast_in_dim3A_2417 : vector<16xf32>
      tpu.vector_store_idx %arg11[%add3A_24, %broadcast_in_dim3A_2418], %mul3A_2422 : memref<64x385xf32, #tpu.memory_space<vmem>>[vector<16xi32>, vector<16xi32>], vector<16xf32>,
      %get3A_2423 = arith.index_cast %add3A_2414 : i32 to index
      %get3A_2424 = arith.constant 16 : index
      %get3A_2425 = tpu.vector_load %arg9[%get3A_2423, %get3A_2424] {strides = array<i32>} : memref<384x64xf32, #tpu.memory_space<vmem>>, vector<16xf32>,
      %mul3A_2426 = arith.mulf %get3A_2425, %broadcast_in_dim3A_2417 : vector<16xf32>
      tpu.vector_store_idx %arg11[%add3A_27, %broadcast_in_dim3A_2418], %mul3A_2426 : memref<64x385xf32, #tpu.memory_space<vmem>>[vector<16xi32>, vector<16xi32>], vector<16xf32>,
      %get3A_2427 = arith.index_cast %add3A_2414 : i32 to index
      %get3A_2428 = arith.constant 32 : index
      %get3A_2429 = tpu.vector_load %arg9[%get3A_2427, %get3A_2428] {strides = array<i32>} : memref<384x64xf32, #tpu.memory_space<vmem>>, vector<16xf32>,
      %mul3A_2430 = arith.mulf %get3A_2429, %broadcast_in_dim3A_2417 : vector<16xf32>
      tpu.vector_store_idx %arg11[%add3A_30, %broadcast_in_dim3A_2418], %mul3A_2430 : memref<64x385xf32, #tpu.memory_space<vmem>>[vector<16xi32>, vector<16xi32>], vector<16xf32>,
      %get3A_2431 = arith.index_cast %add3A_2414 : i32 to index
      %get3A_2432 = arith.constant 48 : index
      %get3A_2433 = tpu.vector_load %arg9[%get3A_2431, %get3A_2432] {strides = array<i32>} : memref<384x64xf32, #tpu.memory_space<vmem>>, vector<16xf32>,
      %mul3A_2434 = arith.mulf %get3A_2433, %broadcast_in_dim3A_2417 : vector<16xf32>
      tpu.vector_store_idx %arg11[%add3A_33, %broadcast_in_dim3A_2418], %mul3A_2434 : memref<64x385xf32, #tpu.memory_space<vmem>>[vector<16xi32>, vector<16xi32>], vector<16xf32>,
      %add3A_2435 = arith.constant 15 : i32
      %add3A_2436 = arith.addi %mul3A_2100, %add3A_2435 : i32
      %slice3A_2437 = vector.extract_strided_slice %get3A_2104 {offsets = [15], sizes = [1], strides = [1]} : vector<16xf32> to vector<1xf32>
      %squeeze3A_2438 = vector.extract %slice3A_2437[0] : f32 from vector<1xf32>
      %broadcast_in_dim3A_2439 = vector.broadcast %squeeze3A_2438 : f32 to vector<16xf32>
      %broadcast_in_dim3A_2440 = vector.broadcast %add3A_2436 : i32 to vector<16xi32>
      %get3A_2441 = arith.index_cast %add3A_2436 : i32 to index
      %get3A_2442 = arith.constant 0 : index
      %get3A_2443 = tpu.vector_load %arg9[%get3A_2441, %get3A_2442] {strides = array<i32>} : memref<384x64xf32, #tpu.memory_space<vmem>>, vector<16xf32>,
      %mul3A_2444 = arith.mulf %get3A_2443, %broadcast_in_dim3A_2439 : vector<16xf32>
      tpu.vector_store_idx %arg11[%add3A_24, %broadcast_in_dim3A_2440], %mul3A_2444 : memref<64x385xf32, #tpu.memory_space<vmem>>[vector<16xi32>, vector<16xi32>], vector<16xf32>,
      %get3A_2445 = arith.index_cast %add3A_2436 : i32 to index
      %get3A_2446 = arith.constant 16 : index
      %get3A_2447 = tpu.vector_load %arg9[%get3A_2445, %get3A_2446] {strides = array<i32>} : memref<384x64xf32, #tpu.memory_space<vmem>>, vector<16xf32>,
      %mul3A_2448 = arith.mulf %get3A_2447, %broadcast_in_dim3A_2439 : vector<16xf32>
      tpu.vector_store_idx %arg11[%add3A_27, %broadcast_in_dim3A_2440], %mul3A_2448 : memref<64x385xf32, #tpu.memory_space<vmem>>[vector<16xi32>, vector<16xi32>], vector<16xf32>,
      %get3A_2449 = arith.index_cast %add3A_2436 : i32 to index
      %get3A_2450 = arith.constant 32 : index
      %get3A_2451 = tpu.vector_load %arg9[%get3A_2449, %get3A_2450] {strides = array<i32>} : memref<384x64xf32, #tpu.memory_space<vmem>>, vector<16xf32>,
      %mul3A_2452 = arith.mulf %get3A_2451, %broadcast_in_dim3A_2439 : vector<16xf32>
      tpu.vector_store_idx %arg11[%add3A_30, %broadcast_in_dim3A_2440], %mul3A_2452 : memref<64x385xf32, #tpu.memory_space<vmem>>[vector<16xi32>, vector<16xi32>], vector<16xf32>,
      %get3A_2453 = arith.index_cast %add3A_2436 : i32 to index
      %get3A_2454 = arith.constant 48 : index
      %get3A_2455 = tpu.vector_load %arg9[%get3A_2453, %get3A_2454] {strides = array<i32>} : memref<384x64xf32, #tpu.memory_space<vmem>>, vector<16xf32>,
      %mul3A_2456 = arith.mulf %get3A_2455, %broadcast_in_dim3A_2439 : vector<16xf32>
      tpu.vector_store_idx %arg11[%add3A_33, %broadcast_in_dim3A_2440], %mul3A_2456 : memref<64x385xf32, #tpu.memory_space<vmem>>[vector<16xi32>, vector<16xi32>], vector<16xf32>,
      %scan3A_2457 = arith.constant 1 : i32
      %add3A_2458 = arith.constant 3 : i32
      %add3A_2459 = arith.addi %add3A_2048, %add3A_2458 : i32
      %lt3A_2460 = arith.constant 48 : i32
      %lt3A_2461 = arith.cmpi slt, %add3A_2459, %lt3A_2460 : i32
      %convert_element_type3A_2462 = arith.extui %lt3A_2461 : i1 to i32
      %cond3A_2463 = arith.constant 0 : i32
      %cond3A_2464 = arith.cmpi ne, %convert_element_type3A_2462, %cond3A_2463 : i32
      scf.if %cond3A_2464 {
        %add3A_2929 = arith.constant 3 : i32
        %add3A_2930 = arith.addi %add3A_2048, %add3A_2929 : i32
        %add3A_2931 = arith.addi %mul3A_21, %add3A_2930 : i32
        %dma_wait3A_2932 = arith.constant 0 : i32
        %dma_wait3A_2933 = arith.constant 384 : i32
        %dma_wait3A_2934 = tpu.memref_slice %arg6[%dma_wait3A_2933] : memref<2304xi32, #tpu.memory_space<vmem>> -> memref<384xi32, #tpu.memory_space<vmem>>
        %dma_wait3A_2935 = arith.constant 0 : i32
        %dma_wait3A_2936 = tpu.memref_slice %arg2[%select_n3A, %dma_wait3A_2932, %add3A_2931, %dma_wait3A_2935] : memref<4x1x384x384xi32, #tpu.memory_space<hbm>> -> memref<1x1x1x384xi32, #tpu.memory_space<hbm>>
        %dma_wait3A_2937 = tpu.memref_squeeze %dma_wait3A_2936 : memref<1x1x1x384xi32, #tpu.memory_space<hbm>> -> memref<384xi32, #tpu.memory_space<hbm>>
        %dma_wait3A_2938 = arith.constant 384 : i32
        %dma_wait3A_2939 = tpu.memref_slice %arg6[%dma_wait3A_2938] : memref<2304xi32, #tpu.memory_space<vmem>> -> memref<384xi32, #tpu.memory_space<vmem>>
        %dma_wait3A_2940 = arith.constant 0 : i32
        %dma_wait3A_2941 = tpu.memref_slice %arg2[%select_n3A, %dma_wait3A_2932, %add3A_2931, %dma_wait3A_2940] : memref<4x1x384x384xi32, #tpu.memory_space<hbm>> -> memref<1x1x1x384xi32, #tpu.memory_space<hbm>>
        %dma_wait3A_2942 = tpu.memref_squeeze %dma_wait3A_2941 : memref<1x1x1x384xi32, #tpu.memory_space<hbm>> -> memref<384xi32, #tpu.memory_space<hbm>>
        tpu.wait_dma2 semaphore(%arg19 : memref<!tpu.dma_semaphore, #tpu.memory_space<semaphore_mem>>) src(%dma_wait3A_2942 : memref<384xi32, #tpu.memory_space<hbm>>) dst(%dma_wait3A_2939 : memref<384xi32, #tpu.memory_space<vmem>>)
        %dma_start3A_2943 = arith.constant 0 : i32
        %dma_start3A_2944 = arith.constant 0 : i32
        %dma_start3A_2945 = tpu.memref_slice %arg9[%dma_start3A_2943, %dma_start3A_2944] : memref<384x64xf32, #tpu.memory_space<vmem>> -> memref<128x64xf32, #tpu.memory_space<vmem>>
        %dma_start3A_2946 = arith.constant 384 : i32
        %dma_start3A_2947 = tpu.memref_slice %arg6[%dma_start3A_2946] : memref<2304xi32, #tpu.memory_space<vmem>> -> memref<128xi32, #tpu.memory_space<vmem>>
        %dma_start3A_2948 = arith.constant 0 : i32
        %dma_start3A_2949 = arith.constant 0 : i32
        %dma_start3A_2950 = tpu.memref_slice %arg4[%dma_start3A_2948, %dma_start3A_2949] : memref<100000x64xf32, #tpu.memory_space<hbm>> -> memref<100000x64xf32, #tpu.memory_space<hbm>>
        tpu.enqueue_indirect_dma source(%dma_start3A_2950 : memref<100000x64xf32, #tpu.memory_space<hbm>>) target(%dma_start3A_2945 : memref<128x64xf32, #tpu.memory_space<vmem>>) offsets(%dma_start3A_2947 : memref<128xi32, #tpu.memory_space<vmem>>) semaphore(%arg14 : memref<!tpu.dma_semaphore, #tpu.memory_space<semaphore_mem>>)
        %dma_start3A_2951 = arith.constant 128 : i32
        %dma_start3A_2952 = arith.constant 0 : i32
        %dma_start3A_2953 = tpu.memref_slice %arg9[%dma_start3A_2951, %dma_start3A_2952] : memref<384x64xf32, #tpu.memory_space<vmem>> -> memref<128x64xf32, #tpu.memory_space<vmem>>
        %dma_start3A_2954 = arith.constant 512 : i32
        %dma_start3A_2955 = tpu.memref_slice %arg6[%dma_start3A_2954] : memref<2304xi32, #tpu.memory_space<vmem>> -> memref<128xi32, #tpu.memory_space<vmem>>
        %dma_start3A_2956 = arith.constant 0 : i32
        %dma_start3A_2957 = arith.constant 0 : i32
        %dma_start3A_2958 = tpu.memref_slice %arg4[%dma_start3A_2956, %dma_start3A_2957] : memref<100000x64xf32, #tpu.memory_space<hbm>> -> memref<100000x64xf32, #tpu.memory_space<hbm>>
        tpu.enqueue_indirect_dma source(%dma_start3A_2958 : memref<100000x64xf32, #tpu.memory_space<hbm>>) target(%dma_start3A_2953 : memref<128x64xf32, #tpu.memory_space<vmem>>) offsets(%dma_start3A_2955 : memref<128xi32, #tpu.memory_space<vmem>>) semaphore(%arg14 : memref<!tpu.dma_semaphore, #tpu.memory_space<semaphore_mem>>)
        %dma_start3A_2959 = arith.constant 256 : i32
        %dma_start3A_2960 = arith.constant 0 : i32
        %dma_start3A_2961 = tpu.memref_slice %arg9[%dma_start3A_2959, %dma_start3A_2960] : memref<384x64xf32, #tpu.memory_space<vmem>> -> memref<128x64xf32, #tpu.memory_space<vmem>>
        %dma_start3A_2962 = arith.constant 640 : i32
        %dma_start3A_2963 = tpu.memref_slice %arg6[%dma_start3A_2962] : memref<2304xi32, #tpu.memory_space<vmem>> -> memref<128xi32, #tpu.memory_space<vmem>>
        %dma_start3A_2964 = arith.constant 0 : i32
        %dma_start3A_2965 = arith.constant 0 : i32
        %dma_start3A_2966 = tpu.memref_slice %arg4[%dma_start3A_2964, %dma_start3A_2965] : memref<100000x64xf32, #tpu.memory_space<hbm>> -> memref<100000x64xf32, #tpu.memory_space<hbm>>
        tpu.enqueue_indirect_dma source(%dma_start3A_2966 : memref<100000x64xf32, #tpu.memory_space<hbm>>) target(%dma_start3A_2961 : memref<128x64xf32, #tpu.memory_space<vmem>>) offsets(%dma_start3A_2963 : memref<128xi32, #tpu.memory_space<vmem>>) semaphore(%arg14 : memref<!tpu.dma_semaphore, #tpu.memory_space<semaphore_mem>>)
      } else {
      }
      %add3A_2465 = arith.constant 2 : i32
      %add3A_2466 = arith.addi %add3A_2048, %add3A_2465 : i32
      %lt3A_2467 = arith.constant 48 : i32
      %lt3A_2468 = arith.cmpi slt, %add3A_2466, %lt3A_2467 : i32
      %convert_element_type3A_2469 = arith.extui %lt3A_2468 : i1 to i32
      %cond3A_2470 = arith.constant 0 : i32
      %cond3A_2471 = arith.cmpi ne, %convert_element_type3A_2469, %cond3A_2470 : i32
      scf.if %cond3A_2471 {
        %add3A_2929 = arith.constant 2 : i32
        %add3A_2930 = arith.addi %add3A_2048, %add3A_2929 : i32
        %add3A_2931 = arith.addi %mul3A_21, %add3A_2930 : i32
        %dma_start3A_2932 = arith.constant 0 : i32
        %dma_start3A_2933 = arith.constant 0 : i32
        %dma_start3A_2934 = tpu.memref_slice %arg7[%dma_start3A_2933] : memref<768xf32, #tpu.memory_space<vmem>> -> memref<384xf32, #tpu.memory_space<vmem>>
        %dma_start3A_2935 = arith.constant 0 : i32
        %dma_start3A_2936 = tpu.memref_slice %arg3[%select_n3A, %dma_start3A_2932, %add3A_2931, %dma_start3A_2935] : memref<4x1x384x384xf32, #tpu.memory_space<hbm>> -> memref<1x1x1x384xf32, #tpu.memory_space<hbm>>
        %dma_start3A_2937 = tpu.memref_squeeze %dma_start3A_2936 : memref<1x1x1x384xf32, #tpu.memory_space<hbm>> -> memref<384xf32, #tpu.memory_space<hbm>>
        %dma_start3A_2938 = arith.constant 0 : i32
        %dma_start3A_2939 = tpu.memref_slice %arg7[%dma_start3A_2938] : memref<768xf32, #tpu.memory_space<vmem>> -> memref<384xf32, #tpu.memory_space<vmem>>
        %dma_start3A_2940 = arith.constant 0 : i32
        %dma_start3A_2941 = tpu.memref_slice %arg3[%select_n3A, %dma_start3A_2932, %add3A_2931, %dma_start3A_2940] : memref<4x1x384x384xf32, #tpu.memory_space<hbm>> -> memref<1x1x1x384xf32, #tpu.memory_space<hbm>>
        %dma_start3A_2942 = tpu.memref_squeeze %dma_start3A_2941 : memref<1x1x1x384xf32, #tpu.memory_space<hbm>> -> memref<384xf32, #tpu.memory_space<hbm>>
        tpu.enqueue_dma source(%dma_start3A_2942 : memref<384xf32, #tpu.memory_space<hbm>>) target(%dma_start3A_2939 : memref<384xf32, #tpu.memory_space<vmem>>) target_semaphore(%arg24 : memref<!tpu.dma_semaphore, #tpu.memory_space<semaphore_mem>>)
      } else {
      }
      %add3A_2472 = arith.addi %mul3A_21, %add3A_2048 : i32
      %dma_start3A_2473 = arith.constant 0 : i32
      %dma_start3A_2474 = arith.constant 0 : i32
      %dma_start3A_2475 = tpu.memref_slice %arg11[%dma_start3A_2473, %dma_start3A_2474] : memref<64x385xf32, #tpu.memory_space<vmem>> -> memref<64x384xf32, #tpu.memory_space<vmem>>
      %dma_start3A_2476 = arith.constant 0 : i32
      %dma_start3A_2477 = arith.constant 0 : i32
      %dma_start3A_2478 = tpu.memref_slice %arg5[%select_n3A, %dma_start3A_2476, %add3A_2472, %dma_start3A_2477] : memref<4x64x384x384xf32, #tpu.memory_space<hbm>> -> memref<1x64x1x384xf32, #tpu.memory_space<hbm>>
      %dma_start3A_2479 = tpu.memref_squeeze %dma_start3A_2478 : memref<1x64x1x384xf32, #tpu.memory_space<hbm>> -> memref<64x384xf32, #tpu.memory_space<hbm>>
      %dma_start3A_2480 = arith.constant 0 : i32
      %dma_start3A_2481 = arith.constant 0 : i32
      %dma_start3A_2482 = tpu.memref_slice %arg5[%select_n3A, %dma_start3A_2480, %add3A_2472, %dma_start3A_2481] : memref<4x64x384x384xf32, #tpu.memory_space<hbm>> -> memref<1x64x1x384xf32, #tpu.memory_space<hbm>>
      %dma_start3A_2483 = tpu.memref_squeeze %dma_start3A_2482 : memref<1x64x1x384xf32, #tpu.memory_space<hbm>> -> memref<64x384xf32, #tpu.memory_space<hbm>>
      %dma_start3A_2484 = arith.constant 0 : i32
      %dma_start3A_2485 = arith.constant 0 : i32
      %dma_start3A_2486 = tpu.memref_slice %arg11[%dma_start3A_2484, %dma_start3A_2485] : memref<64x385xf32, #tpu.memory_space<vmem>> -> memref<64x384xf32, #tpu.memory_space<vmem>>
      tpu.enqueue_dma source(%dma_start3A_2486 : memref<64x384xf32, #tpu.memory_space<vmem>>) target(%dma_start3A_2483 : memref<64x384xf32, #tpu.memory_space<hbm>>) target_semaphore(%arg16 : memref<!tpu.dma_semaphore, #tpu.memory_space<semaphore_mem>>)
      %mul3A_2487 = arith.constant 6 : i32
      %mul3A_2488 = arith.muli %scan3A_284, %mul3A_2487 : i32
      %add3A_2489 = arith.constant 5 : i32
      %add3A_2490 = arith.addi %mul3A_2488, %add3A_2489 : i32
      %dma_wait3A_2491 = arith.constant 0 : i32
      %dma_wait3A_2492 = arith.constant 0 : i32
      %dma_wait3A_2493 = tpu.memref_slice %arg10[%dma_wait3A_2491, %dma_wait3A_2492] : memref<384x64xf32, #tpu.memory_space<vmem>> -> memref<128x64xf32, #tpu.memory_space<vmem>>
      %dma_wait3A_2494 = arith.constant 1920 : i32
      %dma_wait3A_2495 = tpu.memref_slice %arg6[%dma_wait3A_2494] : memref<2304xi32, #tpu.memory_space<vmem>> -> memref<128xi32, #tpu.memory_space<vmem>>
      %dma_wait3A_2496 = arith.constant 0 : i32
      %dma_wait3A_2497 = arith.constant 0 : i32
      %dma_wait3A_2498 = tpu.memref_slice %arg4[%dma_wait3A_2496, %dma_wait3A_2497] : memref<100000x64xf32, #tpu.memory_space<hbm>> -> memref<100000x64xf32, #tpu.memory_space<hbm>>
      tpu.wait_indirect_dma semaphore(%arg15 : memref<!tpu.dma_semaphore, #tpu.memory_space<semaphore_mem>>) src(%dma_wait3A_2498 : memref<100000x64xf32, #tpu.memory_space<hbm>>) dst(%dma_wait3A_2493 : memref<128x64xf32, #tpu.memory_space<vmem>>)
      %dma_wait3A_2499 = arith.constant 128 : i32
      %dma_wait3A_2500 = arith.constant 0 : i32
      %dma_wait3A_2501 = tpu.memref_slice %arg10[%dma_wait3A_2499, %dma_wait3A_2500] : memref<384x64xf32, #tpu.memory_space<vmem>> -> memref<128x64xf32, #tpu.memory_space<vmem>>
      %dma_wait3A_2502 = arith.constant 2048 : i32
      %dma_wait3A_2503 = tpu.memref_slice %arg6[%dma_wait3A_2502] : memref<2304xi32, #tpu.memory_space<vmem>> -> memref<128xi32, #tpu.memory_space<vmem>>
      %dma_wait3A_2504 = arith.constant 0 : i32
      %dma_wait3A_2505 = arith.constant 0 : i32
      %dma_wait3A_2506 = tpu.memref_slice %arg4[%dma_wait3A_2504, %dma_wait3A_2505] : memref<100000x64xf32, #tpu.memory_space<hbm>> -> memref<100000x64xf32, #tpu.memory_space<hbm>>
      tpu.wait_indirect_dma semaphore(%arg15 : memref<!tpu.dma_semaphore, #tpu.memory_space<semaphore_mem>>) src(%dma_wait3A_2506 : memref<100000x64xf32, #tpu.memory_space<hbm>>) dst(%dma_wait3A_2501 : memref<128x64xf32, #tpu.memory_space<vmem>>)
      %dma_wait3A_2507 = arith.constant 256 : i32
      %dma_wait3A_2508 = arith.constant 0 : i32
      %dma_wait3A_2509 = tpu.memref_slice %arg10[%dma_wait3A_2507, %dma_wait3A_2508] : memref<384x64xf32, #tpu.memory_space<vmem>> -> memref<128x64xf32, #tpu.memory_space<vmem>>
      %dma_wait3A_2510 = arith.constant 2176 : i32
      %dma_wait3A_2511 = tpu.memref_slice %arg6[%dma_wait3A_2510] : memref<2304xi32, #tpu.memory_space<vmem>> -> memref<128xi32, #tpu.memory_space<vmem>>
      %dma_wait3A_2512 = arith.constant 0 : i32
      %dma_wait3A_2513 = arith.constant 0 : i32
      %dma_wait3A_2514 = tpu.memref_slice %arg4[%dma_wait3A_2512, %dma_wait3A_2513] : memref<100000x64xf32, #tpu.memory_space<hbm>> -> memref<100000x64xf32, #tpu.memory_space<hbm>>
      tpu.wait_indirect_dma semaphore(%arg15 : memref<!tpu.dma_semaphore, #tpu.memory_space<semaphore_mem>>) src(%dma_wait3A_2514 : memref<100000x64xf32, #tpu.memory_space<hbm>>) dst(%dma_wait3A_2509 : memref<128x64xf32, #tpu.memory_space<vmem>>)
      %add3A_2515 = arith.addi %mul3A_21, %add3A_2490 : i32
      %dma_wait3A_2516 = arith.constant 0 : i32
      %dma_wait3A_2517 = arith.constant 384 : i32
      %dma_wait3A_2518 = tpu.memref_slice %arg7[%dma_wait3A_2517] : memref<768xf32, #tpu.memory_space<vmem>> -> memref<384xf32, #tpu.memory_space<vmem>>
      %dma_wait3A_2519 = arith.constant 0 : i32
      %dma_wait3A_2520 = tpu.memref_slice %arg3[%select_n3A, %dma_wait3A_2516, %add3A_2515, %dma_wait3A_2519] : memref<4x1x384x384xf32, #tpu.memory_space<hbm>> -> memref<1x1x1x384xf32, #tpu.memory_space<hbm>>
      %dma_wait3A_2521 = tpu.memref_squeeze %dma_wait3A_2520 : memref<1x1x1x384xf32, #tpu.memory_space<hbm>> -> memref<384xf32, #tpu.memory_space<hbm>>
      %dma_wait3A_2522 = arith.constant 384 : i32
      %dma_wait3A_2523 = tpu.memref_slice %arg7[%dma_wait3A_2522] : memref<768xf32, #tpu.memory_space<vmem>> -> memref<384xf32, #tpu.memory_space<vmem>>
      %dma_wait3A_2524 = arith.constant 0 : i32
      %dma_wait3A_2525 = tpu.memref_slice %arg3[%select_n3A, %dma_wait3A_2516, %add3A_2515, %dma_wait3A_2524] : memref<4x1x384x384xf32, #tpu.memory_space<hbm>> -> memref<1x1x1x384xf32, #tpu.memory_space<hbm>>
      %dma_wait3A_2526 = tpu.memref_squeeze %dma_wait3A_2525 : memref<1x1x1x384xf32, #tpu.memory_space<hbm>> -> memref<384xf32, #tpu.memory_space<hbm>>
      tpu.wait_dma2 semaphore(%arg25 : memref<!tpu.dma_semaphore, #tpu.memory_space<semaphore_mem>>) src(%dma_wait3A_2526 : memref<384xf32, #tpu.memory_space<hbm>>) dst(%dma_wait3A_2523 : memref<384xf32, #tpu.memory_space<vmem>>)
      %add3A_2527 = arith.constant 6 : i32
      %add3A_2528 = arith.addi %add3A_2490, %add3A_2527 : i32
      %lt3A_2529 = arith.constant 48 : i32
      %lt3A_2530 = arith.cmpi slt, %add3A_2528, %lt3A_2529 : i32
      %convert_element_type3A_2531 = arith.extui %lt3A_2530 : i1 to i32
      %cond3A_2532 = arith.constant 0 : i32
      %cond3A_2533 = arith.cmpi ne, %convert_element_type3A_2531, %cond3A_2532 : i32
      scf.if %cond3A_2533 {
        %add3A_2929 = arith.constant 6 : i32
        %add3A_2930 = arith.addi %add3A_2490, %add3A_2929 : i32
        %add3A_2931 = arith.addi %mul3A_21, %add3A_2930 : i32
        %dma_start3A_2932 = arith.constant 0 : i32
        %dma_start3A_2933 = arith.constant 1920 : i32
        %dma_start3A_2934 = tpu.memref_slice %arg6[%dma_start3A_2933] : memref<2304xi32, #tpu.memory_space<vmem>> -> memref<384xi32, #tpu.memory_space<vmem>>
        %dma_start3A_2935 = arith.constant 0 : i32
        %dma_start3A_2936 = tpu.memref_slice %arg2[%select_n3A, %dma_start3A_2932, %add3A_2931, %dma_start3A_2935] : memref<4x1x384x384xi32, #tpu.memory_space<hbm>> -> memref<1x1x1x384xi32, #tpu.memory_space<hbm>>
        %dma_start3A_2937 = tpu.memref_squeeze %dma_start3A_2936 : memref<1x1x1x384xi32, #tpu.memory_space<hbm>> -> memref<384xi32, #tpu.memory_space<hbm>>
        %dma_start3A_2938 = arith.constant 1920 : i32
        %dma_start3A_2939 = tpu.memref_slice %arg6[%dma_start3A_2938] : memref<2304xi32, #tpu.memory_space<vmem>> -> memref<384xi32, #tpu.memory_space<vmem>>
        %dma_start3A_2940 = arith.constant 0 : i32
        %dma_start3A_2941 = tpu.memref_slice %arg2[%select_n3A, %dma_start3A_2932, %add3A_2931, %dma_start3A_2940] : memref<4x1x384x384xi32, #tpu.memory_space<hbm>> -> memref<1x1x1x384xi32, #tpu.memory_space<hbm>>
        %dma_start3A_2942 = tpu.memref_squeeze %dma_start3A_2941 : memref<1x1x1x384xi32, #tpu.memory_space<hbm>> -> memref<384xi32, #tpu.memory_space<hbm>>
        tpu.enqueue_dma source(%dma_start3A_2942 : memref<384xi32, #tpu.memory_space<hbm>>) target(%dma_start3A_2939 : memref<384xi32, #tpu.memory_space<vmem>>) target_semaphore(%arg23 : memref<!tpu.dma_semaphore, #tpu.memory_space<semaphore_mem>>)
      } else {
      }
      %ge3A_2534 = arith.constant 2 : i32
      %ge3A_2535 = arith.cmpi sge, %add3A_2490, %ge3A_2534 : i32
      %convert_element_type3A_2536 = arith.extui %ge3A_2535 : i1 to i32
      %cond3A_2537 = arith.constant 0 : i32
      %cond3A_2538 = arith.cmpi ne, %convert_element_type3A_2536, %cond3A_2537 : i32
      scf.if %cond3A_2538 {
        %sub3A_2929 = arith.constant 2 : i32
        %sub3A_2930 = arith.subi %add3A_2490, %sub3A_2929 : i32
        %add3A_2931 = arith.addi %mul3A_21, %sub3A_2930 : i32
        %dma_wait3A_2932 = arith.constant 0 : i32
        %dma_wait3A_2933 = arith.constant 0 : i32
        %dma_wait3A_2934 = tpu.memref_slice %arg12[%dma_wait3A_2932, %dma_wait3A_2933] : memref<64x385xf32, #tpu.memory_space<vmem>> -> memref<64x384xf32, #tpu.memory_space<vmem>>
        %dma_wait3A_2935 = arith.constant 0 : i32
        %dma_wait3A_2936 = arith.constant 0 : i32
        %dma_wait3A_2937 = tpu.memref_slice %arg5[%select_n3A, %dma_wait3A_2935, %add3A_2931, %dma_wait3A_2936] : memref<4x64x384x384xf32, #tpu.memory_space<hbm>> -> memref<1x64x1x384xf32, #tpu.memory_space<hbm>>
        %dma_wait3A_2938 = tpu.memref_squeeze %dma_wait3A_2937 : memref<1x64x1x384xf32, #tpu.memory_space<hbm>> -> memref<64x384xf32, #tpu.memory_space<hbm>>
        %dma_wait3A_2939 = arith.constant 0 : i32
        %dma_wait3A_2940 = arith.constant 0 : i32
        %dma_wait3A_2941 = tpu.memref_slice %arg5[%select_n3A, %dma_wait3A_2939, %add3A_2931, %dma_wait3A_2940] : memref<4x64x384x384xf32, #tpu.memory_space<hbm>> -> memref<1x64x1x384xf32, #tpu.memory_space<hbm>>
        %dma_wait3A_2942 = tpu.memref_squeeze %dma_wait3A_2941 : memref<1x64x1x384xf32, #tpu.memory_space<hbm>> -> memref<64x384xf32, #tpu.memory_space<hbm>>
        %dma_wait3A_2943 = arith.constant 0 : i32
        %dma_wait3A_2944 = arith.constant 0 : i32
        %dma_wait3A_2945 = tpu.memref_slice %arg12[%dma_wait3A_2943, %dma_wait3A_2944] : memref<64x385xf32, #tpu.memory_space<vmem>> -> memref<64x384xf32, #tpu.memory_space<vmem>>
        tpu.wait_dma2 semaphore(%arg17 : memref<!tpu.dma_semaphore, #tpu.memory_space<semaphore_mem>>) src(%dma_wait3A_2945 : memref<64x384xf32, #tpu.memory_space<vmem>>) dst(%dma_wait3A_2942 : memref<64x384xf32, #tpu.memory_space<hbm>>)
      } else {
      }
      %scan3A_2539 = arith.constant 0 : i32
      %scan3A_2540 = arith.constant 0 : i32
      %mul3A_2541 = arith.constant 16 : i32
      %mul3A_2542 = arith.muli %scan3A_2540, %mul3A_2541 : i32
      %add3A_2543 = arith.constant 384 : i32
      %add3A_2544 = arith.addi %add3A_2543, %mul3A_2542 : i32
      %get3A_2545 = arith.index_cast %add3A_2544 : i32 to index
      %get3A_2546 = tpu.vector_load %arg7[%get3A_2545] {strides = array<i32>} : memref<768xf32, #tpu.memory_space<vmem>>, vector<16xf32>,
      %add3A_2547 = arith.constant 0 : i32
      %add3A_2548 = arith.addi %mul3A_2542, %add3A_2547 : i32
      %slice3A_2549 = vector.extract_strided_slice %get3A_2546 {offsets = [0], sizes = [1], strides = [1]} : vector<16xf32> to vector<1xf32>
      %squeeze3A_2550 = vector.extract %slice3A_2549[0] : f32 from vector<1xf32>
      %broadcast_in_dim3A_2551 = vector.broadcast %squeeze3A_2550 : f32 to vector<16xf32>
      %broadcast_in_dim3A_2552 = vector.broadcast %add3A_2548 : i32 to vector<16xi32>
      %get3A_2553 = arith.index_cast %add3A_2548 : i32 to index
      %get3A_2554 = arith.constant 0 : index
      %get3A_2555 = tpu.vector_load %arg10[%get3A_2553, %get3A_2554] {strides = array<i32>} : memref<384x64xf32, #tpu.memory_space<vmem>>, vector<16xf32>,
      %mul3A_2556 = arith.mulf %get3A_2555, %broadcast_in_dim3A_2551 : vector<16xf32>
      tpu.vector_store_idx %arg12[%add3A_24, %broadcast_in_dim3A_2552], %mul3A_2556 : memref<64x385xf32, #tpu.memory_space<vmem>>[vector<16xi32>, vector<16xi32>], vector<16xf32>,
      %get3A_2557 = arith.index_cast %add3A_2548 : i32 to index
      %get3A_2558 = arith.constant 16 : index
      %get3A_2559 = tpu.vector_load %arg10[%get3A_2557, %get3A_2558] {strides = array<i32>} : memref<384x64xf32, #tpu.memory_space<vmem>>, vector<16xf32>,
      %mul3A_2560 = arith.mulf %get3A_2559, %broadcast_in_dim3A_2551 : vector<16xf32>
      tpu.vector_store_idx %arg12[%add3A_27, %broadcast_in_dim3A_2552], %mul3A_2560 : memref<64x385xf32, #tpu.memory_space<vmem>>[vector<16xi32>, vector<16xi32>], vector<16xf32>,
      %get3A_2561 = arith.index_cast %add3A_2548 : i32 to index
      %get3A_2562 = arith.constant 32 : index
      %get3A_2563 = tpu.vector_load %arg10[%get3A_2561, %get3A_2562] {strides = array<i32>} : memref<384x64xf32, #tpu.memory_space<vmem>>, vector<16xf32>,
      %mul3A_2564 = arith.mulf %get3A_2563, %broadcast_in_dim3A_2551 : vector<16xf32>
      tpu.vector_store_idx %arg12[%add3A_30, %broadcast_in_dim3A_2552], %mul3A_2564 : memref<64x385xf32, #tpu.memory_space<vmem>>[vector<16xi32>, vector<16xi32>], vector<16xf32>,
      %get3A_2565 = arith.index_cast %add3A_2548 : i32 to index
      %get3A_2566 = arith.constant 48 : index
      %get3A_2567 = tpu.vector_load %arg10[%get3A_2565, %get3A_2566] {strides = array<i32>} : memref<384x64xf32, #tpu.memory_space<vmem>>, vector<16xf32>,
      %mul3A_2568 = arith.mulf %get3A_2567, %broadcast_in_dim3A_2551 : vector<16xf32>
      tpu.vector_store_idx %arg12[%add3A_33, %broadcast_in_dim3A_2552], %mul3A_2568 : memref<64x385xf32, #tpu.memory_space<vmem>>[vector<16xi32>, vector<16xi32>], vector<16xf32>,
      %add3A_2569 = arith.constant 1 : i32
      %add3A_2570 = arith.addi %mul3A_2542, %add3A_2569 : i32
      %slice3A_2571 = vector.extract_strided_slice %get3A_2546 {offsets = [1], sizes = [1], strides = [1]} : vector<16xf32> to vector<1xf32>
      %squeeze3A_2572 = vector.extract %slice3A_2571[0] : f32 from vector<1xf32>
      %broadcast_in_dim3A_2573 = vector.broadcast %squeeze3A_2572 : f32 to vector<16xf32>
      %broadcast_in_dim3A_2574 = vector.broadcast %add3A_2570 : i32 to vector<16xi32>
      %get3A_2575 = arith.index_cast %add3A_2570 : i32 to index
      %get3A_2576 = arith.constant 0 : index
      %get3A_2577 = tpu.vector_load %arg10[%get3A_2575, %get3A_2576] {strides = array<i32>} : memref<384x64xf32, #tpu.memory_space<vmem>>, vector<16xf32>,
      %mul3A_2578 = arith.mulf %get3A_2577, %broadcast_in_dim3A_2573 : vector<16xf32>
      tpu.vector_store_idx %arg12[%add3A_24, %broadcast_in_dim3A_2574], %mul3A_2578 : memref<64x385xf32, #tpu.memory_space<vmem>>[vector<16xi32>, vector<16xi32>], vector<16xf32>,
      %get3A_2579 = arith.index_cast %add3A_2570 : i32 to index
      %get3A_2580 = arith.constant 16 : index
      %get3A_2581 = tpu.vector_load %arg10[%get3A_2579, %get3A_2580] {strides = array<i32>} : memref<384x64xf32, #tpu.memory_space<vmem>>, vector<16xf32>,
      %mul3A_2582 = arith.mulf %get3A_2581, %broadcast_in_dim3A_2573 : vector<16xf32>
      tpu.vector_store_idx %arg12[%add3A_27, %broadcast_in_dim3A_2574], %mul3A_2582 : memref<64x385xf32, #tpu.memory_space<vmem>>[vector<16xi32>, vector<16xi32>], vector<16xf32>,
      %get3A_2583 = arith.index_cast %add3A_2570 : i32 to index
      %get3A_2584 = arith.constant 32 : index
      %get3A_2585 = tpu.vector_load %arg10[%get3A_2583, %get3A_2584] {strides = array<i32>} : memref<384x64xf32, #tpu.memory_space<vmem>>, vector<16xf32>,
      %mul3A_2586 = arith.mulf %get3A_2585, %broadcast_in_dim3A_2573 : vector<16xf32>
      tpu.vector_store_idx %arg12[%add3A_30, %broadcast_in_dim3A_2574], %mul3A_2586 : memref<64x385xf32, #tpu.memory_space<vmem>>[vector<16xi32>, vector<16xi32>], vector<16xf32>,
      %get3A_2587 = arith.index_cast %add3A_2570 : i32 to index
      %get3A_2588 = arith.constant 48 : index
      %get3A_2589 = tpu.vector_load %arg10[%get3A_2587, %get3A_2588] {strides = array<i32>} : memref<384x64xf32, #tpu.memory_space<vmem>>, vector<16xf32>,
      %mul3A_2590 = arith.mulf %get3A_2589, %broadcast_in_dim3A_2573 : vector<16xf32>
      tpu.vector_store_idx %arg12[%add3A_33, %broadcast_in_dim3A_2574], %mul3A_2590 : memref<64x385xf32, #tpu.memory_space<vmem>>[vector<16xi32>, vector<16xi32>], vector<16xf32>,
      %add3A_2591 = arith.constant 2 : i32
      %add3A_2592 = arith.addi %mul3A_2542, %add3A_2591 : i32
      %slice3A_2593 = vector.extract_strided_slice %get3A_2546 {offsets = [2], sizes = [1], strides = [1]} : vector<16xf32> to vector<1xf32>
      %squeeze3A_2594 = vector.extract %slice3A_2593[0] : f32 from vector<1xf32>
      %broadcast_in_dim3A_2595 = vector.broadcast %squeeze3A_2594 : f32 to vector<16xf32>
      %broadcast_in_dim3A_2596 = vector.broadcast %add3A_2592 : i32 to vector<16xi32>
      %get3A_2597 = arith.index_cast %add3A_2592 : i32 to index
      %get3A_2598 = arith.constant 0 : index
      %get3A_2599 = tpu.vector_load %arg10[%get3A_2597, %get3A_2598] {strides = array<i32>} : memref<384x64xf32, #tpu.memory_space<vmem>>, vector<16xf32>,
      %mul3A_2600 = arith.mulf %get3A_2599, %broadcast_in_dim3A_2595 : vector<16xf32>
      tpu.vector_store_idx %arg12[%add3A_24, %broadcast_in_dim3A_2596], %mul3A_2600 : memref<64x385xf32, #tpu.memory_space<vmem>>[vector<16xi32>, vector<16xi32>], vector<16xf32>,
      %get3A_2601 = arith.index_cast %add3A_2592 : i32 to index
      %get3A_2602 = arith.constant 16 : index
      %get3A_2603 = tpu.vector_load %arg10[%get3A_2601, %get3A_2602] {strides = array<i32>} : memref<384x64xf32, #tpu.memory_space<vmem>>, vector<16xf32>,
      %mul3A_2604 = arith.mulf %get3A_2603, %broadcast_in_dim3A_2595 : vector<16xf32>
      tpu.vector_store_idx %arg12[%add3A_27, %broadcast_in_dim3A_2596], %mul3A_2604 : memref<64x385xf32, #tpu.memory_space<vmem>>[vector<16xi32>, vector<16xi32>], vector<16xf32>,
      %get3A_2605 = arith.index_cast %add3A_2592 : i32 to index
      %get3A_2606 = arith.constant 32 : index
      %get3A_2607 = tpu.vector_load %arg10[%get3A_2605, %get3A_2606] {strides = array<i32>} : memref<384x64xf32, #tpu.memory_space<vmem>>, vector<16xf32>,
      %mul3A_2608 = arith.mulf %get3A_2607, %broadcast_in_dim3A_2595 : vector<16xf32>
      tpu.vector_store_idx %arg12[%add3A_30, %broadcast_in_dim3A_2596], %mul3A_2608 : memref<64x385xf32, #tpu.memory_space<vmem>>[vector<16xi32>, vector<16xi32>], vector<16xf32>,
      %get3A_2609 = arith.index_cast %add3A_2592 : i32 to index
      %get3A_2610 = arith.constant 48 : index
      %get3A_2611 = tpu.vector_load %arg10[%get3A_2609, %get3A_2610] {strides = array<i32>} : memref<384x64xf32, #tpu.memory_space<vmem>>, vector<16xf32>,
      %mul3A_2612 = arith.mulf %get3A_2611, %broadcast_in_dim3A_2595 : vector<16xf32>
      tpu.vector_store_idx %arg12[%add3A_33, %broadcast_in_dim3A_2596], %mul3A_2612 : memref<64x385xf32, #tpu.memory_space<vmem>>[vector<16xi32>, vector<16xi32>], vector<16xf32>,
      %add3A_2613 = arith.constant 3 : i32
      %add3A_2614 = arith.addi %mul3A_2542, %add3A_2613 : i32
      %slice3A_2615 = vector.extract_strided_slice %get3A_2546 {offsets = [3], sizes = [1], strides = [1]} : vector<16xf32> to vector<1xf32>
      %squeeze3A_2616 = vector.extract %slice3A_2615[0] : f32 from vector<1xf32>
      %broadcast_in_dim3A_2617 = vector.broadcast %squeeze3A_2616 : f32 to vector<16xf32>
      %broadcast_in_dim3A_2618 = vector.broadcast %add3A_2614 : i32 to vector<16xi32>
      %get3A_2619 = arith.index_cast %add3A_2614 : i32 to index
      %get3A_2620 = arith.constant 0 : index
      %get3A_2621 = tpu.vector_load %arg10[%get3A_2619, %get3A_2620] {strides = array<i32>} : memref<384x64xf32, #tpu.memory_space<vmem>>, vector<16xf32>,
      %mul3A_2622 = arith.mulf %get3A_2621, %broadcast_in_dim3A_2617 : vector<16xf32>
      tpu.vector_store_idx %arg12[%add3A_24, %broadcast_in_dim3A_2618], %mul3A_2622 : memref<64x385xf32, #tpu.memory_space<vmem>>[vector<16xi32>, vector<16xi32>], vector<16xf32>,
      %get3A_2623 = arith.index_cast %add3A_2614 : i32 to index
      %get3A_2624 = arith.constant 16 : index
      %get3A_2625 = tpu.vector_load %arg10[%get3A_2623, %get3A_2624] {strides = array<i32>} : memref<384x64xf32, #tpu.memory_space<vmem>>, vector<16xf32>,
      %mul3A_2626 = arith.mulf %get3A_2625, %broadcast_in_dim3A_2617 : vector<16xf32>
      tpu.vector_store_idx %arg12[%add3A_27, %broadcast_in_dim3A_2618], %mul3A_2626 : memref<64x385xf32, #tpu.memory_space<vmem>>[vector<16xi32>, vector<16xi32>], vector<16xf32>,
      %get3A_2627 = arith.index_cast %add3A_2614 : i32 to index
      %get3A_2628 = arith.constant 32 : index
      %get3A_2629 = tpu.vector_load %arg10[%get3A_2627, %get3A_2628] {strides = array<i32>} : memref<384x64xf32, #tpu.memory_space<vmem>>, vector<16xf32>,
      %mul3A_2630 = arith.mulf %get3A_2629, %broadcast_in_dim3A_2617 : vector<16xf32>
      tpu.vector_store_idx %arg12[%add3A_30, %broadcast_in_dim3A_2618], %mul3A_2630 : memref<64x385xf32, #tpu.memory_space<vmem>>[vector<16xi32>, vector<16xi32>], vector<16xf32>,
      %get3A_2631 = arith.index_cast %add3A_2614 : i32 to index
      %get3A_2632 = arith.constant 48 : index
      %get3A_2633 = tpu.vector_load %arg10[%get3A_2631, %get3A_2632] {strides = array<i32>} : memref<384x64xf32, #tpu.memory_space<vmem>>, vector<16xf32>,
      %mul3A_2634 = arith.mulf %get3A_2633, %broadcast_in_dim3A_2617 : vector<16xf32>
      tpu.vector_store_idx %arg12[%add3A_33, %broadcast_in_dim3A_2618], %mul3A_2634 : memref<64x385xf32, #tpu.memory_space<vmem>>[vector<16xi32>, vector<16xi32>], vector<16xf32>,
      %add3A_2635 = arith.constant 4 : i32
      %add3A_2636 = arith.addi %mul3A_2542, %add3A_2635 : i32
      %slice3A_2637 = vector.extract_strided_slice %get3A_2546 {offsets = [4], sizes = [1], strides = [1]} : vector<16xf32> to vector<1xf32>
      %squeeze3A_2638 = vector.extract %slice3A_2637[0] : f32 from vector<1xf32>
      %broadcast_in_dim3A_2639 = vector.broadcast %squeeze3A_2638 : f32 to vector<16xf32>
      %broadcast_in_dim3A_2640 = vector.broadcast %add3A_2636 : i32 to vector<16xi32>
      %get3A_2641 = arith.index_cast %add3A_2636 : i32 to index
      %get3A_2642 = arith.constant 0 : index
      %get3A_2643 = tpu.vector_load %arg10[%get3A_2641, %get3A_2642] {strides = array<i32>} : memref<384x64xf32, #tpu.memory_space<vmem>>, vector<16xf32>,
      %mul3A_2644 = arith.mulf %get3A_2643, %broadcast_in_dim3A_2639 : vector<16xf32>
      tpu.vector_store_idx %arg12[%add3A_24, %broadcast_in_dim3A_2640], %mul3A_2644 : memref<64x385xf32, #tpu.memory_space<vmem>>[vector<16xi32>, vector<16xi32>], vector<16xf32>,
      %get3A_2645 = arith.index_cast %add3A_2636 : i32 to index
      %get3A_2646 = arith.constant 16 : index
      %get3A_2647 = tpu.vector_load %arg10[%get3A_2645, %get3A_2646] {strides = array<i32>} : memref<384x64xf32, #tpu.memory_space<vmem>>, vector<16xf32>,
      %mul3A_2648 = arith.mulf %get3A_2647, %broadcast_in_dim3A_2639 : vector<16xf32>
      tpu.vector_store_idx %arg12[%add3A_27, %broadcast_in_dim3A_2640], %mul3A_2648 : memref<64x385xf32, #tpu.memory_space<vmem>>[vector<16xi32>, vector<16xi32>], vector<16xf32>,
      %get3A_2649 = arith.index_cast %add3A_2636 : i32 to index
      %get3A_2650 = arith.constant 32 : index
      %get3A_2651 = tpu.vector_load %arg10[%get3A_2649, %get3A_2650] {strides = array<i32>} : memref<384x64xf32, #tpu.memory_space<vmem>>, vector<16xf32>,
      %mul3A_2652 = arith.mulf %get3A_2651, %broadcast_in_dim3A_2639 : vector<16xf32>
      tpu.vector_store_idx %arg12[%add3A_30, %broadcast_in_dim3A_2640], %mul3A_2652 : memref<64x385xf32, #tpu.memory_space<vmem>>[vector<16xi32>, vector<16xi32>], vector<16xf32>,
      %get3A_2653 = arith.index_cast %add3A_2636 : i32 to index
      %get3A_2654 = arith.constant 48 : index
      %get3A_2655 = tpu.vector_load %arg10[%get3A_2653, %get3A_2654] {strides = array<i32>} : memref<384x64xf32, #tpu.memory_space<vmem>>, vector<16xf32>,
      %mul3A_2656 = arith.mulf %get3A_2655, %broadcast_in_dim3A_2639 : vector<16xf32>
      tpu.vector_store_idx %arg12[%add3A_33, %broadcast_in_dim3A_2640], %mul3A_2656 : memref<64x385xf32, #tpu.memory_space<vmem>>[vector<16xi32>, vector<16xi32>], vector<16xf32>,
      %add3A_2657 = arith.constant 5 : i32
      %add3A_2658 = arith.addi %mul3A_2542, %add3A_2657 : i32
      %slice3A_2659 = vector.extract_strided_slice %get3A_2546 {offsets = [5], sizes = [1], strides = [1]} : vector<16xf32> to vector<1xf32>
      %squeeze3A_2660 = vector.extract %slice3A_2659[0] : f32 from vector<1xf32>
      %broadcast_in_dim3A_2661 = vector.broadcast %squeeze3A_2660 : f32 to vector<16xf32>
      %broadcast_in_dim3A_2662 = vector.broadcast %add3A_2658 : i32 to vector<16xi32>
      %get3A_2663 = arith.index_cast %add3A_2658 : i32 to index
      %get3A_2664 = arith.constant 0 : index
      %get3A_2665 = tpu.vector_load %arg10[%get3A_2663, %get3A_2664] {strides = array<i32>} : memref<384x64xf32, #tpu.memory_space<vmem>>, vector<16xf32>,
      %mul3A_2666 = arith.mulf %get3A_2665, %broadcast_in_dim3A_2661 : vector<16xf32>
      tpu.vector_store_idx %arg12[%add3A_24, %broadcast_in_dim3A_2662], %mul3A_2666 : memref<64x385xf32, #tpu.memory_space<vmem>>[vector<16xi32>, vector<16xi32>], vector<16xf32>,
      %get3A_2667 = arith.index_cast %add3A_2658 : i32 to index
      %get3A_2668 = arith.constant 16 : index
      %get3A_2669 = tpu.vector_load %arg10[%get3A_2667, %get3A_2668] {strides = array<i32>} : memref<384x64xf32, #tpu.memory_space<vmem>>, vector<16xf32>,
      %mul3A_2670 = arith.mulf %get3A_2669, %broadcast_in_dim3A_2661 : vector<16xf32>
      tpu.vector_store_idx %arg12[%add3A_27, %broadcast_in_dim3A_2662], %mul3A_2670 : memref<64x385xf32, #tpu.memory_space<vmem>>[vector<16xi32>, vector<16xi32>], vector<16xf32>,
      %get3A_2671 = arith.index_cast %add3A_2658 : i32 to index
      %get3A_2672 = arith.constant 32 : index
      %get3A_2673 = tpu.vector_load %arg10[%get3A_2671, %get3A_2672] {strides = array<i32>} : memref<384x64xf32, #tpu.memory_space<vmem>>, vector<16xf32>,
      %mul3A_2674 = arith.mulf %get3A_2673, %broadcast_in_dim3A_2661 : vector<16xf32>
      tpu.vector_store_idx %arg12[%add3A_30, %broadcast_in_dim3A_2662], %mul3A_2674 : memref<64x385xf32, #tpu.memory_space<vmem>>[vector<16xi32>, vector<16xi32>], vector<16xf32>,
      %get3A_2675 = arith.index_cast %add3A_2658 : i32 to index
      %get3A_2676 = arith.constant 48 : index
      %get3A_2677 = tpu.vector_load %arg10[%get3A_2675, %get3A_2676] {strides = array<i32>} : memref<384x64xf32, #tpu.memory_space<vmem>>, vector<16xf32>,
      %mul3A_2678 = arith.mulf %get3A_2677, %broadcast_in_dim3A_2661 : vector<16xf32>
      tpu.vector_store_idx %arg12[%add3A_33, %broadcast_in_dim3A_2662], %mul3A_2678 : memref<64x385xf32, #tpu.memory_space<vmem>>[vector<16xi32>, vector<16xi32>], vector<16xf32>,
      %add3A_2679 = arith.constant 6 : i32
      %add3A_2680 = arith.addi %mul3A_2542, %add3A_2679 : i32
      %slice3A_2681 = vector.extract_strided_slice %get3A_2546 {offsets = [6], sizes = [1], strides = [1]} : vector<16xf32> to vector<1xf32>
      %squeeze3A_2682 = vector.extract %slice3A_2681[0] : f32 from vector<1xf32>
      %broadcast_in_dim3A_2683 = vector.broadcast %squeeze3A_2682 : f32 to vector<16xf32>
      %broadcast_in_dim3A_2684 = vector.broadcast %add3A_2680 : i32 to vector<16xi32>
      %get3A_2685 = arith.index_cast %add3A_2680 : i32 to index
      %get3A_2686 = arith.constant 0 : index
      %get3A_2687 = tpu.vector_load %arg10[%get3A_2685, %get3A_2686] {strides = array<i32>} : memref<384x64xf32, #tpu.memory_space<vmem>>, vector<16xf32>,
      %mul3A_2688 = arith.mulf %get3A_2687, %broadcast_in_dim3A_2683 : vector<16xf32>
      tpu.vector_store_idx %arg12[%add3A_24, %broadcast_in_dim3A_2684], %mul3A_2688 : memref<64x385xf32, #tpu.memory_space<vmem>>[vector<16xi32>, vector<16xi32>], vector<16xf32>,
      %get3A_2689 = arith.index_cast %add3A_2680 : i32 to index
      %get3A_2690 = arith.constant 16 : index
      %get3A_2691 = tpu.vector_load %arg10[%get3A_2689, %get3A_2690] {strides = array<i32>} : memref<384x64xf32, #tpu.memory_space<vmem>>, vector<16xf32>,
      %mul3A_2692 = arith.mulf %get3A_2691, %broadcast_in_dim3A_2683 : vector<16xf32>
      tpu.vector_store_idx %arg12[%add3A_27, %broadcast_in_dim3A_2684], %mul3A_2692 : memref<64x385xf32, #tpu.memory_space<vmem>>[vector<16xi32>, vector<16xi32>], vector<16xf32>,
      %get3A_2693 = arith.index_cast %add3A_2680 : i32 to index
      %get3A_2694 = arith.constant 32 : index
      %get3A_2695 = tpu.vector_load %arg10[%get3A_2693, %get3A_2694] {strides = array<i32>} : memref<384x64xf32, #tpu.memory_space<vmem>>, vector<16xf32>,
      %mul3A_2696 = arith.mulf %get3A_2695, %broadcast_in_dim3A_2683 : vector<16xf32>
      tpu.vector_store_idx %arg12[%add3A_30, %broadcast_in_dim3A_2684], %mul3A_2696 : memref<64x385xf32, #tpu.memory_space<vmem>>[vector<16xi32>, vector<16xi32>], vector<16xf32>,
      %get3A_2697 = arith.index_cast %add3A_2680 : i32 to index
      %get3A_2698 = arith.constant 48 : index
      %get3A_2699 = tpu.vector_load %arg10[%get3A_2697, %get3A_2698] {strides = array<i32>} : memref<384x64xf32, #tpu.memory_space<vmem>>, vector<16xf32>,
      %mul3A_2700 = arith.mulf %get3A_2699, %broadcast_in_dim3A_2683 : vector<16xf32>
      tpu.vector_store_idx %arg12[%add3A_33, %broadcast_in_dim3A_2684], %mul3A_2700 : memref<64x385xf32, #tpu.memory_space<vmem>>[vector<16xi32>, vector<16xi32>], vector<16xf32>,
      %add3A_2701 = arith.constant 7 : i32
      %add3A_2702 = arith.addi %mul3A_2542, %add3A_2701 : i32
      %slice3A_2703 = vector.extract_strided_slice %get3A_2546 {offsets = [7], sizes = [1], strides = [1]} : vector<16xf32> to vector<1xf32>
      %squeeze3A_2704 = vector.extract %slice3A_2703[0] : f32 from vector<1xf32>
      %broadcast_in_dim3A_2705 = vector.broadcast %squeeze3A_2704 : f32 to vector<16xf32>
      %broadcast_in_dim3A_2706 = vector.broadcast %add3A_2702 : i32 to vector<16xi32>
      %get3A_2707 = arith.index_cast %add3A_2702 : i32 to index
      %get3A_2708 = arith.constant 0 : index
      %get3A_2709 = tpu.vector_load %arg10[%get3A_2707, %get3A_2708] {strides = array<i32>} : memref<384x64xf32, #tpu.memory_space<vmem>>, vector<16xf32>,
      %mul3A_2710 = arith.mulf %get3A_2709, %broadcast_in_dim3A_2705 : vector<16xf32>
      tpu.vector_store_idx %arg12[%add3A_24, %broadcast_in_dim3A_2706], %mul3A_2710 : memref<64x385xf32, #tpu.memory_space<vmem>>[vector<16xi32>, vector<16xi32>], vector<16xf32>,
      %get3A_2711 = arith.index_cast %add3A_2702 : i32 to index
      %get3A_2712 = arith.constant 16 : index
      %get3A_2713 = tpu.vector_load %arg10[%get3A_2711, %get3A_2712] {strides = array<i32>} : memref<384x64xf32, #tpu.memory_space<vmem>>, vector<16xf32>,
      %mul3A_2714 = arith.mulf %get3A_2713, %broadcast_in_dim3A_2705 : vector<16xf32>
      tpu.vector_store_idx %arg12[%add3A_27, %broadcast_in_dim3A_2706], %mul3A_2714 : memref<64x385xf32, #tpu.memory_space<vmem>>[vector<16xi32>, vector<16xi32>], vector<16xf32>,
      %get3A_2715 = arith.index_cast %add3A_2702 : i32 to index
      %get3A_2716 = arith.constant 32 : index
      %get3A_2717 = tpu.vector_load %arg10[%get3A_2715, %get3A_2716] {strides = array<i32>} : memref<384x64xf32, #tpu.memory_space<vmem>>, vector<16xf32>,
      %mul3A_2718 = arith.mulf %get3A_2717, %broadcast_in_dim3A_2705 : vector<16xf32>
      tpu.vector_store_idx %arg12[%add3A_30, %broadcast_in_dim3A_2706], %mul3A_2718 : memref<64x385xf32, #tpu.memory_space<vmem>>[vector<16xi32>, vector<16xi32>], vector<16xf32>,
      %get3A_2719 = arith.index_cast %add3A_2702 : i32 to index
      %get3A_2720 = arith.constant 48 : index
      %get3A_2721 = tpu.vector_load %arg10[%get3A_2719, %get3A_2720] {strides = array<i32>} : memref<384x64xf32, #tpu.memory_space<vmem>>, vector<16xf32>,
      %mul3A_2722 = arith.mulf %get3A_2721, %broadcast_in_dim3A_2705 : vector<16xf32>
      tpu.vector_store_idx %arg12[%add3A_33, %broadcast_in_dim3A_2706], %mul3A_2722 : memref<64x385xf32, #tpu.memory_space<vmem>>[vector<16xi32>, vector<16xi32>], vector<16xf32>,
      %add3A_2723 = arith.constant 8 : i32
      %add3A_2724 = arith.addi %mul3A_2542, %add3A_2723 : i32
      %slice3A_2725 = vector.extract_strided_slice %get3A_2546 {offsets = [8], sizes = [1], strides = [1]} : vector<16xf32> to vector<1xf32>
      %squeeze3A_2726 = vector.extract %slice3A_2725[0] : f32 from vector<1xf32>
      %broadcast_in_dim3A_2727 = vector.broadcast %squeeze3A_2726 : f32 to vector<16xf32>
      %broadcast_in_dim3A_2728 = vector.broadcast %add3A_2724 : i32 to vector<16xi32>
      %get3A_2729 = arith.index_cast %add3A_2724 : i32 to index
      %get3A_2730 = arith.constant 0 : index
      %get3A_2731 = tpu.vector_load %arg10[%get3A_2729, %get3A_2730] {strides = array<i32>} : memref<384x64xf32, #tpu.memory_space<vmem>>, vector<16xf32>,
      %mul3A_2732 = arith.mulf %get3A_2731, %broadcast_in_dim3A_2727 : vector<16xf32>
      tpu.vector_store_idx %arg12[%add3A_24, %broadcast_in_dim3A_2728], %mul3A_2732 : memref<64x385xf32, #tpu.memory_space<vmem>>[vector<16xi32>, vector<16xi32>], vector<16xf32>,
      %get3A_2733 = arith.index_cast %add3A_2724 : i32 to index
      %get3A_2734 = arith.constant 16 : index
      %get3A_2735 = tpu.vector_load %arg10[%get3A_2733, %get3A_2734] {strides = array<i32>} : memref<384x64xf32, #tpu.memory_space<vmem>>, vector<16xf32>,
      %mul3A_2736 = arith.mulf %get3A_2735, %broadcast_in_dim3A_2727 : vector<16xf32>
      tpu.vector_store_idx %arg12[%add3A_27, %broadcast_in_dim3A_2728], %mul3A_2736 : memref<64x385xf32, #tpu.memory_space<vmem>>[vector<16xi32>, vector<16xi32>], vector<16xf32>,
      %get3A_2737 = arith.index_cast %add3A_2724 : i32 to index
      %get3A_2738 = arith.constant 32 : index
      %get3A_2739 = tpu.vector_load %arg10[%get3A_2737, %get3A_2738] {strides = array<i32>} : memref<384x64xf32, #tpu.memory_space<vmem>>, vector<16xf32>,
      %mul3A_2740 = arith.mulf %get3A_2739, %broadcast_in_dim3A_2727 : vector<16xf32>
      tpu.vector_store_idx %arg12[%add3A_30, %broadcast_in_dim3A_2728], %mul3A_2740 : memref<64x385xf32, #tpu.memory_space<vmem>>[vector<16xi32>, vector<16xi32>], vector<16xf32>,
      %get3A_2741 = arith.index_cast %add3A_2724 : i32 to index
      %get3A_2742 = arith.constant 48 : index
      %get3A_2743 = tpu.vector_load %arg10[%get3A_2741, %get3A_2742] {strides = array<i32>} : memref<384x64xf32, #tpu.memory_space<vmem>>, vector<16xf32>,
      %mul3A_2744 = arith.mulf %get3A_2743, %broadcast_in_dim3A_2727 : vector<16xf32>
      tpu.vector_store_idx %arg12[%add3A_33, %broadcast_in_dim3A_2728], %mul3A_2744 : memref<64x385xf32, #tpu.memory_space<vmem>>[vector<16xi32>, vector<16xi32>], vector<16xf32>,
      %add3A_2745 = arith.constant 9 : i32
      %add3A_2746 = arith.addi %mul3A_2542, %add3A_2745 : i32
      %slice3A_2747 = vector.extract_strided_slice %get3A_2546 {offsets = [9], sizes = [1], strides = [1]} : vector<16xf32> to vector<1xf32>
      %squeeze3A_2748 = vector.extract %slice3A_2747[0] : f32 from vector<1xf32>
      %broadcast_in_dim3A_2749 = vector.broadcast %squeeze3A_2748 : f32 to vector<16xf32>
      %broadcast_in_dim3A_2750 = vector.broadcast %add3A_2746 : i32 to vector<16xi32>
      %get3A_2751 = arith.index_cast %add3A_2746 : i32 to index
      %get3A_2752 = arith.constant 0 : index
      %get3A_2753 = tpu.vector_load %arg10[%get3A_2751, %get3A_2752] {strides = array<i32>} : memref<384x64xf32, #tpu.memory_space<vmem>>, vector<16xf32>,
      %mul3A_2754 = arith.mulf %get3A_2753, %broadcast_in_dim3A_2749 : vector<16xf32>
      tpu.vector_store_idx %arg12[%add3A_24, %broadcast_in_dim3A_2750], %mul3A_2754 : memref<64x385xf32, #tpu.memory_space<vmem>>[vector<16xi32>, vector<16xi32>], vector<16xf32>,
      %get3A_2755 = arith.index_cast %add3A_2746 : i32 to index
      %get3A_2756 = arith.constant 16 : index
      %get3A_2757 = tpu.vector_load %arg10[%get3A_2755, %get3A_2756] {strides = array<i32>} : memref<384x64xf32, #tpu.memory_space<vmem>>, vector<16xf32>,
      %mul3A_2758 = arith.mulf %get3A_2757, %broadcast_in_dim3A_2749 : vector<16xf32>
      tpu.vector_store_idx %arg12[%add3A_27, %broadcast_in_dim3A_2750], %mul3A_2758 : memref<64x385xf32, #tpu.memory_space<vmem>>[vector<16xi32>, vector<16xi32>], vector<16xf32>,
      %get3A_2759 = arith.index_cast %add3A_2746 : i32 to index
      %get3A_2760 = arith.constant 32 : index
      %get3A_2761 = tpu.vector_load %arg10[%get3A_2759, %get3A_2760] {strides = array<i32>} : memref<384x64xf32, #tpu.memory_space<vmem>>, vector<16xf32>,
      %mul3A_2762 = arith.mulf %get3A_2761, %broadcast_in_dim3A_2749 : vector<16xf32>
      tpu.vector_store_idx %arg12[%add3A_30, %broadcast_in_dim3A_2750], %mul3A_2762 : memref<64x385xf32, #tpu.memory_space<vmem>>[vector<16xi32>, vector<16xi32>], vector<16xf32>,
      %get3A_2763 = arith.index_cast %add3A_2746 : i32 to index
      %get3A_2764 = arith.constant 48 : index
      %get3A_2765 = tpu.vector_load %arg10[%get3A_2763, %get3A_2764] {strides = array<i32>} : memref<384x64xf32, #tpu.memory_space<vmem>>, vector<16xf32>,
      %mul3A_2766 = arith.mulf %get3A_2765, %broadcast_in_dim3A_2749 : vector<16xf32>
      tpu.vector_store_idx %arg12[%add3A_33, %broadcast_in_dim3A_2750], %mul3A_2766 : memref<64x385xf32, #tpu.memory_space<vmem>>[vector<16xi32>, vector<16xi32>], vector<16xf32>,
      %add3A_2767 = arith.constant 10 : i32
      %add3A_2768 = arith.addi %mul3A_2542, %add3A_2767 : i32
      %slice3A_2769 = vector.extract_strided_slice %get3A_2546 {offsets = [10], sizes = [1], strides = [1]} : vector<16xf32> to vector<1xf32>
      %squeeze3A_2770 = vector.extract %slice3A_2769[0] : f32 from vector<1xf32>
      %broadcast_in_dim3A_2771 = vector.broadcast %squeeze3A_2770 : f32 to vector<16xf32>
      %broadcast_in_dim3A_2772 = vector.broadcast %add3A_2768 : i32 to vector<16xi32>
      %get3A_2773 = arith.index_cast %add3A_2768 : i32 to index
      %get3A_2774 = arith.constant 0 : index
      %get3A_2775 = tpu.vector_load %arg10[%get3A_2773, %get3A_2774] {strides = array<i32>} : memref<384x64xf32, #tpu.memory_space<vmem>>, vector<16xf32>,
      %mul3A_2776 = arith.mulf %get3A_2775, %broadcast_in_dim3A_2771 : vector<16xf32>
      tpu.vector_store_idx %arg12[%add3A_24, %broadcast_in_dim3A_2772], %mul3A_2776 : memref<64x385xf32, #tpu.memory_space<vmem>>[vector<16xi32>, vector<16xi32>], vector<16xf32>,
      %get3A_2777 = arith.index_cast %add3A_2768 : i32 to index
      %get3A_2778 = arith.constant 16 : index
      %get3A_2779 = tpu.vector_load %arg10[%get3A_2777, %get3A_2778] {strides = array<i32>} : memref<384x64xf32, #tpu.memory_space<vmem>>, vector<16xf32>,
      %mul3A_2780 = arith.mulf %get3A_2779, %broadcast_in_dim3A_2771 : vector<16xf32>
      tpu.vector_store_idx %arg12[%add3A_27, %broadcast_in_dim3A_2772], %mul3A_2780 : memref<64x385xf32, #tpu.memory_space<vmem>>[vector<16xi32>, vector<16xi32>], vector<16xf32>,
      %get3A_2781 = arith.index_cast %add3A_2768 : i32 to index
      %get3A_2782 = arith.constant 32 : index
      %get3A_2783 = tpu.vector_load %arg10[%get3A_2781, %get3A_2782] {strides = array<i32>} : memref<384x64xf32, #tpu.memory_space<vmem>>, vector<16xf32>,
      %mul3A_2784 = arith.mulf %get3A_2783, %broadcast_in_dim3A_2771 : vector<16xf32>
      tpu.vector_store_idx %arg12[%add3A_30, %broadcast_in_dim3A_2772], %mul3A_2784 : memref<64x385xf32, #tpu.memory_space<vmem>>[vector<16xi32>, vector<16xi32>], vector<16xf32>,
      %get3A_2785 = arith.index_cast %add3A_2768 : i32 to index
      %get3A_2786 = arith.constant 48 : index
      %get3A_2787 = tpu.vector_load %arg10[%get3A_2785, %get3A_2786] {strides = array<i32>} : memref<384x64xf32, #tpu.memory_space<vmem>>, vector<16xf32>,
      %mul3A_2788 = arith.mulf %get3A_2787, %broadcast_in_dim3A_2771 : vector<16xf32>
      tpu.vector_store_idx %arg12[%add3A_33, %broadcast_in_dim3A_2772], %mul3A_2788 : memref<64x385xf32, #tpu.memory_space<vmem>>[vector<16xi32>, vector<16xi32>], vector<16xf32>,
      %add3A_2789 = arith.constant 11 : i32
      %add3A_2790 = arith.addi %mul3A_2542, %add3A_2789 : i32
      %slice3A_2791 = vector.extract_strided_slice %get3A_2546 {offsets = [11], sizes = [1], strides = [1]} : vector<16xf32> to vector<1xf32>
      %squeeze3A_2792 = vector.extract %slice3A_2791[0] : f32 from vector<1xf32>
      %broadcast_in_dim3A_2793 = vector.broadcast %squeeze3A_2792 : f32 to vector<16xf32>
      %broadcast_in_dim3A_2794 = vector.broadcast %add3A_2790 : i32 to vector<16xi32>
      %get3A_2795 = arith.index_cast %add3A_2790 : i32 to index
      %get3A_2796 = arith.constant 0 : index
      %get3A_2797 = tpu.vector_load %arg10[%get3A_2795, %get3A_2796] {strides = array<i32>} : memref<384x64xf32, #tpu.memory_space<vmem>>, vector<16xf32>,
      %mul3A_2798 = arith.mulf %get3A_2797, %broadcast_in_dim3A_2793 : vector<16xf32>
      tpu.vector_store_idx %arg12[%add3A_24, %broadcast_in_dim3A_2794], %mul3A_2798 : memref<64x385xf32, #tpu.memory_space<vmem>>[vector<16xi32>, vector<16xi32>], vector<16xf32>,
      %get3A_2799 = arith.index_cast %add3A_2790 : i32 to index
      %get3A_2800 = arith.constant 16 : index
      %get3A_2801 = tpu.vector_load %arg10[%get3A_2799, %get3A_2800] {strides = array<i32>} : memref<384x64xf32, #tpu.memory_space<vmem>>, vector<16xf32>,
      %mul3A_2802 = arith.mulf %get3A_2801, %broadcast_in_dim3A_2793 : vector<16xf32>
      tpu.vector_store_idx %arg12[%add3A_27, %broadcast_in_dim3A_2794], %mul3A_2802 : memref<64x385xf32, #tpu.memory_space<vmem>>[vector<16xi32>, vector<16xi32>], vector<16xf32>,
      %get3A_2803 = arith.index_cast %add3A_2790 : i32 to index
      %get3A_2804 = arith.constant 32 : index
      %get3A_2805 = tpu.vector_load %arg10[%get3A_2803, %get3A_2804] {strides = array<i32>} : memref<384x64xf32, #tpu.memory_space<vmem>>, vector<16xf32>,
      %mul3A_2806 = arith.mulf %get3A_2805, %broadcast_in_dim3A_2793 : vector<16xf32>
      tpu.vector_store_idx %arg12[%add3A_30, %broadcast_in_dim3A_2794], %mul3A_2806 : memref<64x385xf32, #tpu.memory_space<vmem>>[vector<16xi32>, vector<16xi32>], vector<16xf32>,
      %get3A_2807 = arith.index_cast %add3A_2790 : i32 to index
      %get3A_2808 = arith.constant 48 : index
      %get3A_2809 = tpu.vector_load %arg10[%get3A_2807, %get3A_2808] {strides = array<i32>} : memref<384x64xf32, #tpu.memory_space<vmem>>, vector<16xf32>,
      %mul3A_2810 = arith.mulf %get3A_2809, %broadcast_in_dim3A_2793 : vector<16xf32>
      tpu.vector_store_idx %arg12[%add3A_33, %broadcast_in_dim3A_2794], %mul3A_2810 : memref<64x385xf32, #tpu.memory_space<vmem>>[vector<16xi32>, vector<16xi32>], vector<16xf32>,
      %add3A_2811 = arith.constant 12 : i32
      %add3A_2812 = arith.addi %mul3A_2542, %add3A_2811 : i32
      %slice3A_2813 = vector.extract_strided_slice %get3A_2546 {offsets = [12], sizes = [1], strides = [1]} : vector<16xf32> to vector<1xf32>
      %squeeze3A_2814 = vector.extract %slice3A_2813[0] : f32 from vector<1xf32>
      %broadcast_in_dim3A_2815 = vector.broadcast %squeeze3A_2814 : f32 to vector<16xf32>
      %broadcast_in_dim3A_2816 = vector.broadcast %add3A_2812 : i32 to vector<16xi32>
      %get3A_2817 = arith.index_cast %add3A_2812 : i32 to index
      %get3A_2818 = arith.constant 0 : index
      %get3A_2819 = tpu.vector_load %arg10[%get3A_2817, %get3A_2818] {strides = array<i32>} : memref<384x64xf32, #tpu.memory_space<vmem>>, vector<16xf32>,
      %mul3A_2820 = arith.mulf %get3A_2819, %broadcast_in_dim3A_2815 : vector<16xf32>
      tpu.vector_store_idx %arg12[%add3A_24, %broadcast_in_dim3A_2816], %mul3A_2820 : memref<64x385xf32, #tpu.memory_space<vmem>>[vector<16xi32>, vector<16xi32>], vector<16xf32>,
      %get3A_2821 = arith.index_cast %add3A_2812 : i32 to index
      %get3A_2822 = arith.constant 16 : index
      %get3A_2823 = tpu.vector_load %arg10[%get3A_2821, %get3A_2822] {strides = array<i32>} : memref<384x64xf32, #tpu.memory_space<vmem>>, vector<16xf32>,
      %mul3A_2824 = arith.mulf %get3A_2823, %broadcast_in_dim3A_2815 : vector<16xf32>
      tpu.vector_store_idx %arg12[%add3A_27, %broadcast_in_dim3A_2816], %mul3A_2824 : memref<64x385xf32, #tpu.memory_space<vmem>>[vector<16xi32>, vector<16xi32>], vector<16xf32>,
      %get3A_2825 = arith.index_cast %add3A_2812 : i32 to index
      %get3A_2826 = arith.constant 32 : index
      %get3A_2827 = tpu.vector_load %arg10[%get3A_2825, %get3A_2826] {strides = array<i32>} : memref<384x64xf32, #tpu.memory_space<vmem>>, vector<16xf32>,
      %mul3A_2828 = arith.mulf %get3A_2827, %broadcast_in_dim3A_2815 : vector<16xf32>
      tpu.vector_store_idx %arg12[%add3A_30, %broadcast_in_dim3A_2816], %mul3A_2828 : memref<64x385xf32, #tpu.memory_space<vmem>>[vector<16xi32>, vector<16xi32>], vector<16xf32>,
      %get3A_2829 = arith.index_cast %add3A_2812 : i32 to index
      %get3A_2830 = arith.constant 48 : index
      %get3A_2831 = tpu.vector_load %arg10[%get3A_2829, %get3A_2830] {strides = array<i32>} : memref<384x64xf32, #tpu.memory_space<vmem>>, vector<16xf32>,
      %mul3A_2832 = arith.mulf %get3A_2831, %broadcast_in_dim3A_2815 : vector<16xf32>
      tpu.vector_store_idx %arg12[%add3A_33, %broadcast_in_dim3A_2816], %mul3A_2832 : memref<64x385xf32, #tpu.memory_space<vmem>>[vector<16xi32>, vector<16xi32>], vector<16xf32>,
      %add3A_2833 = arith.constant 13 : i32
      %add3A_2834 = arith.addi %mul3A_2542, %add3A_2833 : i32
      %slice3A_2835 = vector.extract_strided_slice %get3A_2546 {offsets = [13], sizes = [1], strides = [1]} : vector<16xf32> to vector<1xf32>
      %squeeze3A_2836 = vector.extract %slice3A_2835[0] : f32 from vector<1xf32>
      %broadcast_in_dim3A_2837 = vector.broadcast %squeeze3A_2836 : f32 to vector<16xf32>
      %broadcast_in_dim3A_2838 = vector.broadcast %add3A_2834 : i32 to vector<16xi32>
      %get3A_2839 = arith.index_cast %add3A_2834 : i32 to index
      %get3A_2840 = arith.constant 0 : index
      %get3A_2841 = tpu.vector_load %arg10[%get3A_2839, %get3A_2840] {strides = array<i32>} : memref<384x64xf32, #tpu.memory_space<vmem>>, vector<16xf32>,
      %mul3A_2842 = arith.mulf %get3A_2841, %broadcast_in_dim3A_2837 : vector<16xf32>
      tpu.vector_store_idx %arg12[%add3A_24, %broadcast_in_dim3A_2838], %mul3A_2842 : memref<64x385xf32, #tpu.memory_space<vmem>>[vector<16xi32>, vector<16xi32>], vector<16xf32>,
      %get3A_2843 = arith.index_cast %add3A_2834 : i32 to index
      %get3A_2844 = arith.constant 16 : index
      %get3A_2845 = tpu.vector_load %arg10[%get3A_2843, %get3A_2844] {strides = array<i32>} : memref<384x64xf32, #tpu.memory_space<vmem>>, vector<16xf32>,
      %mul3A_2846 = arith.mulf %get3A_2845, %broadcast_in_dim3A_2837 : vector<16xf32>
      tpu.vector_store_idx %arg12[%add3A_27, %broadcast_in_dim3A_2838], %mul3A_2846 : memref<64x385xf32, #tpu.memory_space<vmem>>[vector<16xi32>, vector<16xi32>], vector<16xf32>,
      %get3A_2847 = arith.index_cast %add3A_2834 : i32 to index
      %get3A_2848 = arith.constant 32 : index
      %get3A_2849 = tpu.vector_load %arg10[%get3A_2847, %get3A_2848] {strides = array<i32>} : memref<384x64xf32, #tpu.memory_space<vmem>>, vector<16xf32>,
      %mul3A_2850 = arith.mulf %get3A_2849, %broadcast_in_dim3A_2837 : vector<16xf32>
      tpu.vector_store_idx %arg12[%add3A_30, %broadcast_in_dim3A_2838], %mul3A_2850 : memref<64x385xf32, #tpu.memory_space<vmem>>[vector<16xi32>, vector<16xi32>], vector<16xf32>,
      %get3A_2851 = arith.index_cast %add3A_2834 : i32 to index
      %get3A_2852 = arith.constant 48 : index
      %get3A_2853 = tpu.vector_load %arg10[%get3A_2851, %get3A_2852] {strides = array<i32>} : memref<384x64xf32, #tpu.memory_space<vmem>>, vector<16xf32>,
      %mul3A_2854 = arith.mulf %get3A_2853, %broadcast_in_dim3A_2837 : vector<16xf32>
      tpu.vector_store_idx %arg12[%add3A_33, %broadcast_in_dim3A_2838], %mul3A_2854 : memref<64x385xf32, #tpu.memory_space<vmem>>[vector<16xi32>, vector<16xi32>], vector<16xf32>,
      %add3A_2855 = arith.constant 14 : i32
      %add3A_2856 = arith.addi %mul3A_2542, %add3A_2855 : i32
      %slice3A_2857 = vector.extract_strided_slice %get3A_2546 {offsets = [14], sizes = [1], strides = [1]} : vector<16xf32> to vector<1xf32>
      %squeeze3A_2858 = vector.extract %slice3A_2857[0] : f32 from vector<1xf32>
      %broadcast_in_dim3A_2859 = vector.broadcast %squeeze3A_2858 : f32 to vector<16xf32>
      %broadcast_in_dim3A_2860 = vector.broadcast %add3A_2856 : i32 to vector<16xi32>
      %get3A_2861 = arith.index_cast %add3A_2856 : i32 to index
      %get3A_2862 = arith.constant 0 : index
      %get3A_2863 = tpu.vector_load %arg10[%get3A_2861, %get3A_2862] {strides = array<i32>} : memref<384x64xf32, #tpu.memory_space<vmem>>, vector<16xf32>,
      %mul3A_2864 = arith.mulf %get3A_2863, %broadcast_in_dim3A_2859 : vector<16xf32>
      tpu.vector_store_idx %arg12[%add3A_24, %broadcast_in_dim3A_2860], %mul3A_2864 : memref<64x385xf32, #tpu.memory_space<vmem>>[vector<16xi32>, vector<16xi32>], vector<16xf32>,
      %get3A_2865 = arith.index_cast %add3A_2856 : i32 to index
      %get3A_2866 = arith.constant 16 : index
      %get3A_2867 = tpu.vector_load %arg10[%get3A_2865, %get3A_2866] {strides = array<i32>} : memref<384x64xf32, #tpu.memory_space<vmem>>, vector<16xf32>,
      %mul3A_2868 = arith.mulf %get3A_2867, %broadcast_in_dim3A_2859 : vector<16xf32>
      tpu.vector_store_idx %arg12[%add3A_27, %broadcast_in_dim3A_2860], %mul3A_2868 : memref<64x385xf32, #tpu.memory_space<vmem>>[vector<16xi32>, vector<16xi32>], vector<16xf32>,
      %get3A_2869 = arith.index_cast %add3A_2856 : i32 to index
      %get3A_2870 = arith.constant 32 : index
      %get3A_2871 = tpu.vector_load %arg10[%get3A_2869, %get3A_2870] {strides = array<i32>} : memref<384x64xf32, #tpu.memory_space<vmem>>, vector<16xf32>,
      %mul3A_2872 = arith.mulf %get3A_2871, %broadcast_in_dim3A_2859 : vector<16xf32>
      tpu.vector_store_idx %arg12[%add3A_30, %broadcast_in_dim3A_2860], %mul3A_2872 : memref<64x385xf32, #tpu.memory_space<vmem>>[vector<16xi32>, vector<16xi32>], vector<16xf32>,
      %get3A_2873 = arith.index_cast %add3A_2856 : i32 to index
      %get3A_2874 = arith.constant 48 : index
      %get3A_2875 = tpu.vector_load %arg10[%get3A_2873, %get3A_2874] {strides = array<i32>} : memref<384x64xf32, #tpu.memory_space<vmem>>, vector<16xf32>,
      %mul3A_2876 = arith.mulf %get3A_2875, %broadcast_in_dim3A_2859 : vector<16xf32>
      tpu.vector_store_idx %arg12[%add3A_33, %broadcast_in_dim3A_2860], %mul3A_2876 : memref<64x385xf32, #tpu.memory_space<vmem>>[vector<16xi32>, vector<16xi32>], vector<16xf32>,
      %add3A_2877 = arith.constant 15 : i32
      %add3A_2878 = arith.addi %mul3A_2542, %add3A_2877 : i32
      %slice3A_2879 = vector.extract_strided_slice %get3A_2546 {offsets = [15], sizes = [1], strides = [1]} : vector<16xf32> to vector<1xf32>
      %squeeze3A_2880 = vector.extract %slice3A_2879[0] : f32 from vector<1xf32>
      %broadcast_in_dim3A_2881 = vector.broadcast %squeeze3A_2880 : f32 to vector<16xf32>
      %broadcast_in_dim3A_2882 = vector.broadcast %add3A_2878 : i32 to vector<16xi32>
      %get3A_2883 = arith.index_cast %add3A_2878 : i32 to index
      %get3A_2884 = arith.constant 0 : index
      %get3A_2885 = tpu.vector_load %arg10[%get3A_2883, %get3A_2884] {strides = array<i32>} : memref<384x64xf32, #tpu.memory_space<vmem>>, vector<16xf32>,
      %mul3A_2886 = arith.mulf %get3A_2885, %broadcast_in_dim3A_2881 : vector<16xf32>
      tpu.vector_store_idx %arg12[%add3A_24, %broadcast_in_dim3A_2882], %mul3A_2886 : memref<64x385xf32, #tpu.memory_space<vmem>>[vector<16xi32>, vector<16xi32>], vector<16xf32>,
      %get3A_2887 = arith.index_cast %add3A_2878 : i32 to index
      %get3A_2888 = arith.constant 16 : index
      %get3A_2889 = tpu.vector_load %arg10[%get3A_2887, %get3A_2888] {strides = array<i32>} : memref<384x64xf32, #tpu.memory_space<vmem>>, vector<16xf32>,
      %mul3A_2890 = arith.mulf %get3A_2889, %broadcast_in_dim3A_2881 : vector<16xf32>
      tpu.vector_store_idx %arg12[%add3A_27, %broadcast_in_dim3A_2882], %mul3A_2890 : memref<64x385xf32, #tpu.memory_space<vmem>>[vector<16xi32>, vector<16xi32>], vector<16xf32>,
      %get3A_2891 = arith.index_cast %add3A_2878 : i32 to index
      %get3A_2892 = arith.constant 32 : index
      %get3A_2893 = tpu.vector_load %arg10[%get3A_2891, %get3A_2892] {strides = array<i32>} : memref<384x64xf32, #tpu.memory_space<vmem>>, vector<16xf32>,
      %mul3A_2894 = arith.mulf %get3A_2893, %broadcast_in_dim3A_2881 : vector<16xf32>
      tpu.vector_store_idx %arg12[%add3A_30, %broadcast_in_dim3A_2882], %mul3A_2894 : memref<64x385xf32, #tpu.memory_space<vmem>>[vector<16xi32>, vector<16xi32>], vector<16xf32>,
      %get3A_2895 = arith.index_cast %add3A_2878 : i32 to index
      %get3A_2896 = arith.constant 48 : index
      %get3A_2897 = tpu.vector_load %arg10[%get3A_2895, %get3A_2896] {strides = array<i32>} : memref<384x64xf32, #tpu.memory_space<vmem>>, vector<16xf32>,
      %mul3A_2898 = arith.mulf %get3A_2897, %broadcast_in_dim3A_2881 : vector<16xf32>
      tpu.vector_store_idx %arg12[%add3A_33, %broadcast_in_dim3A_2882], %mul3A_2898 : memref<64x385xf32, #tpu.memory_space<vmem>>[vector<16xi32>, vector<16xi32>], vector<16xf32>,
      %scan3A_2899 = arith.constant 1 : i32
      %add3A_2900 = arith.constant 3 : i32
      %add3A_2901 = arith.addi %add3A_2490, %add3A_2900 : i32
      %lt3A_2902 = arith.constant 48 : i32
      %lt3A_2903 = arith.cmpi slt, %add3A_2901, %lt3A_2902 : i32
      %convert_element_type3A_2904 = arith.extui %lt3A_2903 : i1 to i32
      %cond3A_2905 = arith.constant 0 : i32
      %cond3A_2906 = arith.cmpi ne, %convert_element_type3A_2904, %cond3A_2905 : i32
      scf.if %cond3A_2906 {
        %add3A_2929 = arith.constant 3 : i32
        %add3A_2930 = arith.addi %add3A_2490, %add3A_2929 : i32
        %add3A_2931 = arith.addi %mul3A_21, %add3A_2930 : i32
        %dma_wait3A_2932 = arith.constant 0 : i32
        %dma_wait3A_2933 = arith.constant 768 : i32
        %dma_wait3A_2934 = tpu.memref_slice %arg6[%dma_wait3A_2933] : memref<2304xi32, #tpu.memory_space<vmem>> -> memref<384xi32, #tpu.memory_space<vmem>>
        %dma_wait3A_2935 = arith.constant 0 : i32
        %dma_wait3A_2936 = tpu.memref_slice %arg2[%select_n3A, %dma_wait3A_2932, %add3A_2931, %dma_wait3A_2935] : memref<4x1x384x384xi32, #tpu.memory_space<hbm>> -> memref<1x1x1x384xi32, #tpu.memory_space<hbm>>
        %dma_wait3A_2937 = tpu.memref_squeeze %dma_wait3A_2936 : memref<1x1x1x384xi32, #tpu.memory_space<hbm>> -> memref<384xi32, #tpu.memory_space<hbm>>
        %dma_wait3A_2938 = arith.constant 768 : i32
        %dma_wait3A_2939 = tpu.memref_slice %arg6[%dma_wait3A_2938] : memref<2304xi32, #tpu.memory_space<vmem>> -> memref<384xi32, #tpu.memory_space<vmem>>
        %dma_wait3A_2940 = arith.constant 0 : i32
        %dma_wait3A_2941 = tpu.memref_slice %arg2[%select_n3A, %dma_wait3A_2932, %add3A_2931, %dma_wait3A_2940] : memref<4x1x384x384xi32, #tpu.memory_space<hbm>> -> memref<1x1x1x384xi32, #tpu.memory_space<hbm>>
        %dma_wait3A_2942 = tpu.memref_squeeze %dma_wait3A_2941 : memref<1x1x1x384xi32, #tpu.memory_space<hbm>> -> memref<384xi32, #tpu.memory_space<hbm>>
        tpu.wait_dma2 semaphore(%arg20 : memref<!tpu.dma_semaphore, #tpu.memory_space<semaphore_mem>>) src(%dma_wait3A_2942 : memref<384xi32, #tpu.memory_space<hbm>>) dst(%dma_wait3A_2939 : memref<384xi32, #tpu.memory_space<vmem>>)
        %dma_start3A_2943 = arith.constant 0 : i32
        %dma_start3A_2944 = arith.constant 0 : i32
        %dma_start3A_2945 = tpu.memref_slice %arg10[%dma_start3A_2943, %dma_start3A_2944] : memref<384x64xf32, #tpu.memory_space<vmem>> -> memref<128x64xf32, #tpu.memory_space<vmem>>
        %dma_start3A_2946 = arith.constant 768 : i32
        %dma_start3A_2947 = tpu.memref_slice %arg6[%dma_start3A_2946] : memref<2304xi32, #tpu.memory_space<vmem>> -> memref<128xi32, #tpu.memory_space<vmem>>
        %dma_start3A_2948 = arith.constant 0 : i32
        %dma_start3A_2949 = arith.constant 0 : i32
        %dma_start3A_2950 = tpu.memref_slice %arg4[%dma_start3A_2948, %dma_start3A_2949] : memref<100000x64xf32, #tpu.memory_space<hbm>> -> memref<100000x64xf32, #tpu.memory_space<hbm>>
        tpu.enqueue_indirect_dma source(%dma_start3A_2950 : memref<100000x64xf32, #tpu.memory_space<hbm>>) target(%dma_start3A_2945 : memref<128x64xf32, #tpu.memory_space<vmem>>) offsets(%dma_start3A_2947 : memref<128xi32, #tpu.memory_space<vmem>>) semaphore(%arg15 : memref<!tpu.dma_semaphore, #tpu.memory_space<semaphore_mem>>)
        %dma_start3A_2951 = arith.constant 128 : i32
        %dma_start3A_2952 = arith.constant 0 : i32
        %dma_start3A_2953 = tpu.memref_slice %arg10[%dma_start3A_2951, %dma_start3A_2952] : memref<384x64xf32, #tpu.memory_space<vmem>> -> memref<128x64xf32, #tpu.memory_space<vmem>>
        %dma_start3A_2954 = arith.constant 896 : i32
        %dma_start3A_2955 = tpu.memref_slice %arg6[%dma_start3A_2954] : memref<2304xi32, #tpu.memory_space<vmem>> -> memref<128xi32, #tpu.memory_space<vmem>>
        %dma_start3A_2956 = arith.constant 0 : i32
        %dma_start3A_2957 = arith.constant 0 : i32
        %dma_start3A_2958 = tpu.memref_slice %arg4[%dma_start3A_2956, %dma_start3A_2957] : memref<100000x64xf32, #tpu.memory_space<hbm>> -> memref<100000x64xf32, #tpu.memory_space<hbm>>
        tpu.enqueue_indirect_dma source(%dma_start3A_2958 : memref<100000x64xf32, #tpu.memory_space<hbm>>) target(%dma_start3A_2953 : memref<128x64xf32, #tpu.memory_space<vmem>>) offsets(%dma_start3A_2955 : memref<128xi32, #tpu.memory_space<vmem>>) semaphore(%arg15 : memref<!tpu.dma_semaphore, #tpu.memory_space<semaphore_mem>>)
        %dma_start3A_2959 = arith.constant 256 : i32
        %dma_start3A_2960 = arith.constant 0 : i32
        %dma_start3A_2961 = tpu.memref_slice %arg10[%dma_start3A_2959, %dma_start3A_2960] : memref<384x64xf32, #tpu.memory_space<vmem>> -> memref<128x64xf32, #tpu.memory_space<vmem>>
        %dma_start3A_2962 = arith.constant 1024 : i32
        %dma_start3A_2963 = tpu.memref_slice %arg6[%dma_start3A_2962] : memref<2304xi32, #tpu.memory_space<vmem>> -> memref<128xi32, #tpu.memory_space<vmem>>
        %dma_start3A_2964 = arith.constant 0 : i32
        %dma_start3A_2965 = arith.constant 0 : i32
        %dma_start3A_2966 = tpu.memref_slice %arg4[%dma_start3A_2964, %dma_start3A_2965] : memref<100000x64xf32, #tpu.memory_space<hbm>> -> memref<100000x64xf32, #tpu.memory_space<hbm>>
        tpu.enqueue_indirect_dma source(%dma_start3A_2966 : memref<100000x64xf32, #tpu.memory_space<hbm>>) target(%dma_start3A_2961 : memref<128x64xf32, #tpu.memory_space<vmem>>) offsets(%dma_start3A_2963 : memref<128xi32, #tpu.memory_space<vmem>>) semaphore(%arg15 : memref<!tpu.dma_semaphore, #tpu.memory_space<semaphore_mem>>)
      } else {
      }
      %add3A_2907 = arith.constant 2 : i32
      %add3A_2908 = arith.addi %add3A_2490, %add3A_2907 : i32
      %lt3A_2909 = arith.constant 48 : i32
      %lt3A_2910 = arith.cmpi slt, %add3A_2908, %lt3A_2909 : i32
      %convert_element_type3A_2911 = arith.extui %lt3A_2910 : i1 to i32
      %cond3A_2912 = arith.constant 0 : i32
      %cond3A_2913 = arith.cmpi ne, %convert_element_type3A_2911, %cond3A_2912 : i32
      scf.if %cond3A_2913 {
        %add3A_2929 = arith.constant 2 : i32
        %add3A_2930 = arith.addi %add3A_2490, %add3A_2929 : i32
        %add3A_2931 = arith.addi %mul3A_21, %add3A_2930 : i32
        %dma_start3A_2932 = arith.constant 0 : i32
        %dma_start3A_2933 = arith.constant 384 : i32
        %dma_start3A_2934 = tpu.memref_slice %arg7[%dma_start3A_2933] : memref<768xf32, #tpu.memory_space<vmem>> -> memref<384xf32, #tpu.memory_space<vmem>>
        %dma_start3A_2935 = arith.constant 0 : i32
        %dma_start3A_2936 = tpu.memref_slice %arg3[%select_n3A, %dma_start3A_2932, %add3A_2931, %dma_start3A_2935] : memref<4x1x384x384xf32, #tpu.memory_space<hbm>> -> memref<1x1x1x384xf32, #tpu.memory_space<hbm>>
        %dma_start3A_2937 = tpu.memref_squeeze %dma_start3A_2936 : memref<1x1x1x384xf32, #tpu.memory_space<hbm>> -> memref<384xf32, #tpu.memory_space<hbm>>
        %dma_start3A_2938 = arith.constant 384 : i32
        %dma_start3A_2939 = tpu.memref_slice %arg7[%dma_start3A_2938] : memref<768xf32, #tpu.memory_space<vmem>> -> memref<384xf32, #tpu.memory_space<vmem>>
        %dma_start3A_2940 = arith.constant 0 : i32
        %dma_start3A_2941 = tpu.memref_slice %arg3[%select_n3A, %dma_start3A_2932, %add3A_2931, %dma_start3A_2940] : memref<4x1x384x384xf32, #tpu.memory_space<hbm>> -> memref<1x1x1x384xf32, #tpu.memory_space<hbm>>
        %dma_start3A_2942 = tpu.memref_squeeze %dma_start3A_2941 : memref<1x1x1x384xf32, #tpu.memory_space<hbm>> -> memref<384xf32, #tpu.memory_space<hbm>>
        tpu.enqueue_dma source(%dma_start3A_2942 : memref<384xf32, #tpu.memory_space<hbm>>) target(%dma_start3A_2939 : memref<384xf32, #tpu.memory_space<vmem>>) target_semaphore(%arg25 : memref<!tpu.dma_semaphore, #tpu.memory_space<semaphore_mem>>)
      } else {
      }
      %add3A_2914 = arith.addi %mul3A_21, %add3A_2490 : i32
      %dma_start3A_2915 = arith.constant 0 : i32
      %dma_start3A_2916 = arith.constant 0 : i32
      %dma_start3A_2917 = tpu.memref_slice %arg12[%dma_start3A_2915, %dma_start3A_2916] : memref<64x385xf32, #tpu.memory_space<vmem>> -> memref<64x384xf32, #tpu.memory_space<vmem>>
      %dma_start3A_2918 = arith.constant 0 : i32
      %dma_start3A_2919 = arith.constant 0 : i32
      %dma_start3A_2920 = tpu.memref_slice %arg5[%select_n3A, %dma_start3A_2918, %add3A_2914, %dma_start3A_2919] : memref<4x64x384x384xf32, #tpu.memory_space<hbm>> -> memref<1x64x1x384xf32, #tpu.memory_space<hbm>>
      %dma_start3A_2921 = tpu.memref_squeeze %dma_start3A_2920 : memref<1x64x1x384xf32, #tpu.memory_space<hbm>> -> memref<64x384xf32, #tpu.memory_space<hbm>>
      %dma_start3A_2922 = arith.constant 0 : i32
      %dma_start3A_2923 = arith.constant 0 : i32
      %dma_start3A_2924 = tpu.memref_slice %arg5[%select_n3A, %dma_start3A_2922, %add3A_2914, %dma_start3A_2923] : memref<4x64x384x384xf32, #tpu.memory_space<hbm>> -> memref<1x64x1x384xf32, #tpu.memory_space<hbm>>
      %dma_start3A_2925 = tpu.memref_squeeze %dma_start3A_2924 : memref<1x64x1x384xf32, #tpu.memory_space<hbm>> -> memref<64x384xf32, #tpu.memory_space<hbm>>
      %dma_start3A_2926 = arith.constant 0 : i32
      %dma_start3A_2927 = arith.constant 0 : i32
      %dma_start3A_2928 = tpu.memref_slice %arg12[%dma_start3A_2926, %dma_start3A_2927] : memref<64x385xf32, #tpu.memory_space<vmem>> -> memref<64x384xf32, #tpu.memory_space<vmem>>
      tpu.enqueue_dma source(%dma_start3A_2928 : memref<64x384xf32, #tpu.memory_space<vmem>>) target(%dma_start3A_2925 : memref<64x384xf32, #tpu.memory_space<hbm>>) target_semaphore(%arg17 : memref<!tpu.dma_semaphore, #tpu.memory_space<semaphore_mem>>)
    }
    %scan3A_251 = arith.constant 8 : i32
    %add3A_252 = arith.constant 46 : i32
    %add3A_253 = arith.addi %mul3A_21, %add3A_252 : i32
    %dma_wait3A_254 = arith.constant 0 : i32
    %dma_wait3A_255 = arith.constant 0 : i32
    %dma_wait3A_256 = tpu.memref_slice %arg11[%dma_wait3A_254, %dma_wait3A_255] : memref<64x385xf32, #tpu.memory_space<vmem>> -> memref<64x384xf32, #tpu.memory_space<vmem>>
    %dma_wait3A_257 = arith.constant 0 : i32
    %dma_wait3A_258 = arith.constant 0 : i32
    %dma_wait3A_259 = tpu.memref_slice %arg5[%select_n3A, %dma_wait3A_257, %add3A_253, %dma_wait3A_258] : memref<4x64x384x384xf32, #tpu.memory_space<hbm>> -> memref<1x64x1x384xf32, #tpu.memory_space<hbm>>
    %dma_wait3A_260 = tpu.memref_squeeze %dma_wait3A_259 : memref<1x64x1x384xf32, #tpu.memory_space<hbm>> -> memref<64x384xf32, #tpu.memory_space<hbm>>
    %dma_wait3A_261 = arith.constant 0 : i32
    %dma_wait3A_262 = arith.constant 0 : i32
    %dma_wait3A_263 = tpu.memref_slice %arg5[%select_n3A, %dma_wait3A_261, %add3A_253, %dma_wait3A_262] : memref<4x64x384x384xf32, #tpu.memory_space<hbm>> -> memref<1x64x1x384xf32, #tpu.memory_space<hbm>>
    %dma_wait3A_264 = tpu.memref_squeeze %dma_wait3A_263 : memref<1x64x1x384xf32, #tpu.memory_space<hbm>> -> memref<64x384xf32, #tpu.memory_space<hbm>>
    %dma_wait3A_265 = arith.constant 0 : i32
    %dma_wait3A_266 = arith.constant 0 : i32
    %dma_wait3A_267 = tpu.memref_slice %arg11[%dma_wait3A_265, %dma_wait3A_266] : memref<64x385xf32, #tpu.memory_space<vmem>> -> memref<64x384xf32, #tpu.memory_space<vmem>>
    tpu.wait_dma2 semaphore(%arg16 : memref<!tpu.dma_semaphore, #tpu.memory_space<semaphore_mem>>) src(%dma_wait3A_267 : memref<64x384xf32, #tpu.memory_space<vmem>>) dst(%dma_wait3A_264 : memref<64x384xf32, #tpu.memory_space<hbm>>)
    %add3A_268 = arith.constant 47 : i32
    %add3A_269 = arith.addi %mul3A_21, %add3A_268 : i32
    %dma_wait3A_270 = arith.constant 0 : i32
    %dma_wait3A_271 = arith.constant 0 : i32
    %dma_wait3A_272 = tpu.memref_slice %arg12[%dma_wait3A_270, %dma_wait3A_271] : memref<64x385xf32, #tpu.memory_space<vmem>> -> memref<64x384xf32, #tpu.memory_space<vmem>>
    %dma_wait3A_273 = arith.constant 0 : i32
    %dma_wait3A_274 = arith.constant 0 : i32
    %dma_wait3A_275 = tpu.memref_slice %arg5[%select_n3A, %dma_wait3A_273, %add3A_269, %dma_wait3A_274] : memref<4x64x384x384xf32, #tpu.memory_space<hbm>> -> memref<1x64x1x384xf32, #tpu.memory_space<hbm>>
    %dma_wait3A_276 = tpu.memref_squeeze %dma_wait3A_275 : memref<1x64x1x384xf32, #tpu.memory_space<hbm>> -> memref<64x384xf32, #tpu.memory_space<hbm>>
    %dma_wait3A_277 = arith.constant 0 : i32
    %dma_wait3A_278 = arith.constant 0 : i32
    %dma_wait3A_279 = tpu.memref_slice %arg5[%select_n3A, %dma_wait3A_277, %add3A_269, %dma_wait3A_278] : memref<4x64x384x384xf32, #tpu.memory_space<hbm>> -> memref<1x64x1x384xf32, #tpu.memory_space<hbm>>
    %dma_wait3A_280 = tpu.memref_squeeze %dma_wait3A_279 : memref<1x64x1x384xf32, #tpu.memory_space<hbm>> -> memref<64x384xf32, #tpu.memory_space<hbm>>
    %dma_wait3A_281 = arith.constant 0 : i32
    %dma_wait3A_282 = arith.constant 0 : i32
    %dma_wait3A_283 = tpu.memref_slice %arg12[%dma_wait3A_281, %dma_wait3A_282] : memref<64x385xf32, #tpu.memory_space<vmem>> -> memref<64x384xf32, #tpu.memory_space<vmem>>
    tpu.wait_dma2 semaphore(%arg17 : memref<!tpu.dma_semaphore, #tpu.memory_space<semaphore_mem>>) src(%dma_wait3A_283 : memref<64x384xf32, #tpu.memory_space<vmem>>) dst(%dma_wait3A_280 : memref<64x384xf32, #tpu.memory_space<hbm>>)
    return
  }
}

</mosaic_0001>

<sc_bundles>
// kernel: kernel.3.cloned.1.call-start
scs
__scs_entry_jumppad:
0x0: {  	(pc) =	sbr.rel $0x88, $3  }
0x1: {  	(tag) =	ssettag $0x0;
	lr =	simm.s32 $0x1  }
0x2: {  	[smem:$0x3F9E] =	sst lr;
	_ =	strace $0xD0000000  }
0x3: {  	_ = 	snop  }
0x4: {  	_ = 	snop  }
0x5: {  	_ = 	snop  }
0x6: {  	_ = 	snop  }
0x7: {  	_ = 	snop  }
__scs_overlays_trampoline_lowered:
0x8: {  	[smem:$0x3FAD] =	sst s0  }
0x9: {  	[smem:$0x3FAE] =	sst s1  }
0xa: {  	[smem:$0x3FAF] =	sst s2  }
0xb: {  	[smem:$0x3FB0] =	sst s3  }
0xc: {  	[smem:$0x3FB1] =	sst s4  }
0xd: {  	[smem:$0x3FB2] =	sst s5  }
0xe: {  	[smem:$0x3FB3] =	sst s6  }
0xf: {  	[smem:$0x3FB4] =	sst s7  }
0x10: {  	[smem:$0x3FB5] =	sst s8  }
0x11: {  	[smem:$0x3FB6] =	sst s9;
	s0 =	simm.s32 @!p0 $0x0  }
0x12: {  	s1 =	sld [smem:$0x3F9C];
	s0 =	simm.s32 @p0 $0x1  }
0x13: {  	[smem:$0x3FB7] =	sst s0;
	s0 =	simm.s32 @!p1 $0x0  }
0x14: {  	s2 =	sld [smem:$0x3F9B];
	s0 =	simm.s32 @p1 $0x1  }
0x15: {  	[smem:$0x3FB8] =	sst s0;
	s0 =	simm.s32 @!p2 $0x0  }
0x16: {  	s3 =	sld [smem:$0x3FDB];
	s0 =	simm.s32 @p2 $0x1  }
0x17: {  	s4 =	simm.s32 $0x1BF5;
	[smem:$0x3FBA] =	sst s0  }
0x18: {  	s0 =	sld [smem:$0x3F9D];
	_ =	swait.ge [sflag:s4], $0x0  }
0x19: {  	s7 =	sld [smem:$0x3F9E]  }
0x1a: {  	s8 =	sadd.s32 $0xFFFFE003, lr  }
0x1b: {  	s9 =	sadd.s32 $0xFFFFFEF7, lr;
	s5 =	simm.s32 $0xFFFFFFFF;
	p2 =	slt.u32 s8, $0xFFFFF086  }
0x1c: {  	p1 =	slt.u32 s9, $0xF7A;
	s5 =	simm.s32 @!p2 $0x0  }
0x1d: {  	s5 =	simm.s32 @p1 $0x1;
	p0 =	seq.s32 s7, s2  }
0x1e: {  	s7 =	smul.u32 @!p0 $0xF7A, s2;
	p2 =	seq.s32 @!p0 s5, $0x0  }
0x1f: {  	s9 =	smul.u32 $0xF7A, s1;
	s8 =	simm.s32 @!p0 $0x1BF5;
	p2 =	por !p2, p0  }
0x20: {  	[sflag:s8] =	ssyncset.s32 @!p0 $0xFFFFF086;
	s6 =	sadd.s32 @!p0 s3, s7;
	s7 =	simm.s32 @!p0 $0x108  }
0x21: {  	s3 =	sadd.s32 s3, s9;
	s6 =	sadd.s32 @!p0 $0x88, s6;
	s7 =	simm.s32 @p2 $0x1082  }
0x22: {  	[simem:s7], [sflag:s8] =	dma.local @!p0 [hbm:s6], $0xF7A  }
0x23: {  	s9 =	sor.u32 $0xD0000000, s2;
	s6 =	simm.s32 $0x108;
	_ =	swait.ge @!p0 [sflag:s8], $0x0  }
0x24: {  	s3 =	sadd.s32 $0x88, s3;
	s6 =	simm.s32 @!p1 $0x1082;
	[sflag:s4] =	ssyncset.s32 $0xFFFFF086  }
0x25: {  	[simem:s6], [sflag:s4] =	dma.local [hbm:s3], $0xF7A  }
0x26: {  	[smem:$0x3F9E] =	sst s1;
	(tag) =	ssettag s2;
	_ =	strace s9  }
0x27: {  	s1 =	sld [smem:$0x3FAE]  }
0x28: {  	s2 =	sld [smem:$0x3FAF]  }
0x29: {  	s4 =	sld [smem:$0x3FB1]  }
0x2a: {  	p0 =	seq.s32 s5, $0x0;
	s5 =	sld [smem:$0x3FB2]  }
0x2b: {  	s6 =	sld [smem:$0x3FB3]  }
0x2c: {  	s7 =	sld [smem:$0x3FB4]  }
0x2d: {  	s3 =	simm.s32 $0x108;
	s8 =	sld [smem:$0x3FB5]  }
0x2e: {  	s3 =	simm.s32 @!p0 $0x1082;
	s9 =	sld [smem:$0x3FB6]  }
0x2f: {  	lr =	sadd.s32 s0, s3;
	s0 =	sld [smem:$0x3FAD]  }
0x30: {  	s3 =	sld [smem:$0x3FB0]  }
0x31: {  	[smem:$0x3FB9] =	sst s10  }
0x32: {  	s10 =	sld [smem:$0x3FB7];
	_ =	sdelay $0x3  }
0x33: {  	p0 =	seq.s32 s10, $0x1;
	s10 =	sld [smem:$0x3FB9];
	_ =	sdelay $0x3  }
0x34: {  	[smem:$0x3FB9] =	sst s10  }
0x35: {  	s10 =	sld [smem:$0x3FB8];
	_ =	sdelay $0x3  }
0x36: {  	p1 =	seq.s32 s10, $0x1;
	s10 =	sld [smem:$0x3FB9];
	_ =	sdelay $0x3  }
0x37: {  	[smem:$0x3FB9] =	sst s10  }
0x38: {  	s10 =	sld [smem:$0x3FBA]  }
0x39: {  	_ = 	snop;
	(pc) =	sbr.ind lr, $3  }
0x3a: {  	_ = 	snop  }
0x3b: {  	_ = 	snop  }
0x3c: {  	p2 =	seq.s32 s10, $0x1;
	s10 =	sld [smem:$0x3FB9]  }
0x3d: {  	_ =	shalt  }
0x3e: {  	_ =	shalt  }
0x3f: {  	_ =	shalt  }
0x40: {  	_ =	shalt  }
0x41: {  	_ =	shalt  }
0x42: {  	_ =	shalt  }
0x43: {  	_ =	shalt  }
0x44: {  	_ =	shalt  }
0x45: {  	_ =	shalt  }
0x46: {  	_ =	shalt  }
0x47: {  	_ =	shalt  }
0x48: {  	_ =	shalt  }
0x49: {  	_ =	shalt  }
0x4a: {  	_ =	shalt  }
0x4b: {  	_ =	shalt  }
0x4c: {  	_ =	shalt  }
0x4d: {  	_ =	shalt  }
0x4e: {  	_ =	shalt  }
0x4f: {  	_ =	shalt  }
0x50: {  	_ =	shalt  }
0x51: {  	_ =	shalt  }
0x52: {  	_ =	shalt  }
0x53: {  	_ =	shalt  }
0x54: {  	_ =	shalt  }
0x55: {  	_ =	shalt  }
0x56: {  	_ =	shalt  }
0x57: {  	_ =	shalt  }
0x58: {  	_ =	shalt  }
0x59: {  	_ =	shalt  }
0x5a: {  	_ =	shalt  }
0x5b: {  	_ =	shalt  }
0x5c: {  	_ =	shalt  }
0x5d: {  	_ =	shalt  }
0x5e: {  	_ =	shalt  }
0x5f: {  	_ =	shalt  }
0x60: {  	_ =	shalt  }
0x61: {  	_ =	shalt  }
0x62: {  	_ =	shalt  }
0x63: {  	_ =	shalt  }
0x64: {  	_ =	shalt  }
0x65: {  	_ =	shalt  }
0x66: {  	_ =	shalt  }
0x67: {  	_ =	shalt  }
0x68: {  	_ =	shalt  }
0x69: {  	_ =	shalt  }
0x6a: {  	_ =	shalt  }
0x6b: {  	_ =	shalt  }
0x6c: {  	_ =	shalt  }
0x6d: {  	_ =	shalt  }
0x6e: {  	_ =	shalt  }
0x6f: {  	_ =	shalt  }
0x70: {  	_ =	shalt  }
0x71: {  	_ =	shalt  }
0x72: {  	_ =	shalt  }
0x73: {  	_ =	shalt  }
0x74: {  	_ =	shalt  }
0x75: {  	_ =	shalt  }
0x76: {  	_ =	shalt  }
0x77: {  	_ =	shalt  }
0x78: {  	_ =	shalt  }
0x79: {  	_ =	shalt  }
0x7a: {  	_ =	shalt  }
0x7b: {  	_ =	shalt  }
0x7c: {  	_ =	shalt  }
0x7d: {  	_ =	shalt  }
0x7e: {  	_ =	shalt  }
0x7f: {  	_ =	shalt  }
0x80: {  	_ =	shalt  }
0x81: {  	_ =	shalt  }
0x82: {  	_ =	shalt  }
0x83: {  	_ =	shalt  }
0x84: {  	_ =	shalt  }
0x85: {  	_ =	shalt  }
0x86: {  	_ =	shalt  }
0x87: {  	_ =	shalt  }
.Lfunc_end0:
.L_simem_size_0:
called_computation_lowered:
.L_overlay_start_0:
0x88: {  	s2 =	sld [smem:$0x3FD9]  }
0x89: {  	s3 =	sld [smem:$0x3FFE];
	_ =	sdelay $0x1  }
0x8a: {  	s1 =	srdreg.scid  }
0x8b: {  	s0 =	sand.u32 $0x1, s1  }
0x8c: {  	s16 =	sshll.u32 s0, $0xA;
	s2 =	sadd.s32 s3, s2  }
0x8d: {  	s2 =	sadd.s32 s2, s16  }
0x8e: {  	[smem:$0x3FC5] =	sst s2  }
0x8f: {  	_ = 	snop  }
0x90: {  	(tm) =	ssettm $0x1  }
0x91: {  	s17 =	sld [smem:$0x3FFB];
	_ =	sdelay $0x3  }
0x92: {  	_ =	strace s17  }
0x93: {  	s2 =	sld [smem:$0x3FFC];
	_ =	sdelay $0x3  }
0x94: {  	_ =	strace s2  }
0x95: {  	s2 =	sld [smem:$0x3FFD];
	_ =	sdelay $0x3  }
0x96: {  	_ =	strace s2  }
0x97: {  	_ =	strace $0x8FFFFFFF  }
0x98: {  	s18 =	sld [smem:$0x3FDB];
	_ =	sdelay $0x1  }
0x99: {  	s19 =	simm.s32 $_scs_section_size  }
0x9a: {  	s4 =	simm.s32 $_size__tile_overlayer_lowered;
	s5 =	simm.s32 $_tile_overlayer_lowered  }
0x9b: {  	s22 =	simm.s32 $0x1BFF;
	s21 =	sshll.u32 s5, $0x1;
	s2 =	sadd.s32 s19, s18  }
0x9c: {  	s6 =	simm.s32 $0x0;
	s20 =	sshll.u32 s4, $0x1;
	s4 =	sadd.s32 s21, s2  }
0x9d: {  	[timem:s6], [sflag:s22] =	dma.local [hbm:s4], s20  }
0x9e: {  	_ =	swait.ge [sflag:s22], s20  }
0x9f: {  	s3 =	ssub.s32 $0x0, s20;
	[sflag:s22] =	ssyncset.done $0x0  }
0xa0: {  	[sflag:s22] =	ssyncadd.s32 s3;
	_ =	sdelay $0x1  }
0xa1: {  	s23 =	simm.s32 $0x1B8B  }
0xa2: {  	_ =	swait.ge [sflag:s23], $0x1  }
0xa3: {  	[sflag:s23] =	ssyncset.done $0x0  }
0xa4: {  	s25 =	simm.s32 $0x1B8E;
	s24 =	sld [smem:$0x3FFE];
	[sflag:s23] =	ssyncadd.s32 $0xFFFFFFFF  }
0xa5: {  	s26 =	simm.s32 $execute0_lowered;
	[smem:$0x3FD2] =	sst s25  }
0xa6: {  	s4 =	sshll.u32 s26, $0x1;
	_ =	strace $0x80000046;
	[dreg:$0x1] =	wrdreg $0xFFFFFFFF  }
0xa7: {  	s28 =	simm.s32 $_size_execute0_lowered;
	s2 =	sadd.s32 s2, s4;
	[dreg:$0x0] =	wrdreg $0x0  }
0xa8: {  	s4 =	sshll.u32 s28, $0x1;
	[dreg:$0x2] =	wrdreg s2  }
0xa9: {  	[dreg:$0x3] =	wrdreg s4  }
0xaa: {  	[dreg:$0x4] =	wrdreg $0xC0  }
0xab: {  	_ =	task [dreg:s6], $0x5FFFF  }
0xac: {  	[dreg:$0x1] =	wrdreg $0xFFFFFFFF  }
0xad: {  	[dreg:$0x0] =	wrdreg $0x60  }
0xae: {  	[dreg:$0x2] =	wrdreg s24  }
0xaf: {  	[dreg:$0x3] =	wrdreg $0x9  }
0xb0: {  	_ =	task.clear_ibuf [dreg:s6], $0x4FFFF;
	_ =	strace $0x90000046  }
0xb1: {  	s29 =	simm.s32 $0x9;
	_ =	strace $0x80000048  }
0xb2: {  	_ =	swait.ge [sflag:s29], $0x1  }
0xb3: {  	[sflag:s29] =	ssyncadd.s32 $0xFFFFFFFF  }
0xb4: {  	_ =	strace $0x90000048  }
0xb5: {  	_ =	sfence  }
0xb6: {  	s30 =	sld [smem:$0x0];
	_ =	sdelay $0x2  }
0xb7: {  	s31 =	sshll.u32 s1, $0xD;
	s1 =	sshrl.u32 s1, $0x2  }
0xb8: {  	s3 =	sand.u32 $0x4000, s31;
	s1 =	sadd.s32 s1, s30  }
0xb9: {  	s0 =	sor.u32 s3, s0;
	s1 =	sshll.u32 s1, $0x11  }
0xba: {  	s0 =	sor.u32 s1, s0  }
0xbb: {  	s0 =	sadd.s32 $0x8F2B, s0  }
0xbc: {  	[sflag:s0] =	ssyncadd.remote.s32 $0x1  }
0xbd: {  	_ =	sfence.sel $0xFFFF  }
0xbe: {  	[dreg:$0x0] =	wrdreg $0xFFFFFFFF;
	(pc) =	sbr.abs _section_cstart, $3  }
0xbf: {  	[dreg:$0x1] =	wrdreg $0xFFFFFFFF  }
0xc0: {  	_ =	task.clear_ibuf [dreg:s6], $0x2FFFF;
	_ =	strace $0x9FFFFFFF  }
0xc1: {  	(tm) =	ssettm $0x7FFFFFFF  }
tec
execute0_lowered:
.L_overlay_start_1:
0x0: {  	(tag) =	ssettag $0x1  }
0x1: {  	s0 =	rddreg [dreg:$0x0]  }
0x2: {  	s2 =	simm.s32 $0x0;
	s1 =	srdreg.scid;
	s4 =	stileid.u32  }
0x3: {  	s30 =	simm.s32 $0x18E00;
	s29 =	simm.s32 $0x3;
	s31 =	simm.s32 $0xB  }
0x4: {  	s1 =	sand.u32 $0x1, s1;
	s3 =	sshll.u32 s4, $0x1;
	s9 =	sshrl.u32 s4, $0x2  }
0x5: {  	[smem:$0x7FF] =	sst s2;
	s3 =	sor.u32 s1, s3;
	s4 =	sshll.u32 s9, $0x3  }
0x6: {  	v0 =	vlaneseq.u32;
	s5 =	sadd.s32 $0x12400, s0;
	s8 =	ssub.s32 s3, s4;
	s3 =	smul.u32 $0x24000, s9  }
0x7: {  	s6 =	sadd.s32 $0x24400, s0;
	v0 =	vmul.u32 $0x188, v0;
	s1 =	ssub.s32 $0x2, s1;
	s10 =	smul.u32 $0x4800, s8  }
0x8: {  	s7 =	sadd.s32 $0xE7A00, s0;
	s11 =	sshrl.u32 s1, $0x1;
	s8 =	smul.u32 $0x30, s8  }
0x9: {  	_ =	strace $0x80000047;
	s4 =	sadd.s32 $0x400, s0;
	v1 =	vadd.s32 $0x1880, v0;
	v5 =	vadd.s32 $0x1881, v0;
	v6 =	vadd.s32 $0x3101, v0;
	s0 =	ssub.s32 s1, s11  }
0xa: {  	v7 =	vadd.s32 $0x4981, v0;
	v8 =	vor.u32 $0x2, v0;
	v9 =	vadd.s32 $0x1882, v0;
	s0 =	smax.u32 s0, $0x1;
	s25 =	sadd.s32 s3, s10;
	s19 =	sor.u32 $0x2, s8  }
0xb: {  	v10 =	vadd.s32 $0x3102, v0;
	v11 =	vadd.s32 $0x4982, v0;
	v12 =	vor.u32 $0x3, v0;
	s20 =	sor.u32 $0x1, s8;
	s21 =	sor.u32 $0x3, s8;
	[dreg:$0x11] =	wrdreg s0  }
0xc: {  	v13 =	vadd.s32 $0x1883, v0;
	v14 =	vadd.s32 $0x3103, v0;
	v15 =	vadd.s32 $0x4983, v0;
	s22 =	sor.u32 $0x8, s8;
	s23 =	sor.u32 $0x4, s8;
	[dreg:$0xa] =	wrdreg s19  }
0xd: {  	v16 =	vor.u32 $0x4, v0;
	v17 =	vadd.s32 $0x1884, v0;
	v18 =	vadd.s32 $0x3104, v0;
	s24 =	sor.u32 $0x9, s8;
	s0 =	simm.s32 $0x1;
	[dreg:$0xb] =	wrdreg s20  }
0xe: {  	v19 =	vadd.s32 $0x4984, v0;
	v20 =	vor.u32 $0x5, v0;
	v21 =	vadd.s32 $0x1885, v0;
	s10 =	sor.u32 $0x180, s25;
	s26 =	sor.u32 $0x300, s25;
	[dreg:$0xc] =	wrdreg s21  }
0xf: {  	v22 =	vadd.s32 $0x3105, v0;
	v23 =	vadd.s32 $0x4985, v0;
	v24 =	vor.u32 $0x6, v0;
	s12 =	sshrl.u32 s25, $0x3;
	s14 =	sor.u32 $0x480, s25;
	[dreg:$0xd] =	wrdreg s22  }
0x10: {  	v25 =	vadd.s32 $0x1886, v0;
	v26 =	vadd.s32 $0x3106, v0;
	v27 =	vadd.s32 $0x4986, v0;
	s15 =	sor.u32 $0x600, s25;
	s1 =	sor.u32 $0x780, s25;
	[dreg:$0xe] =	wrdreg s23  }
0x11: {  	v28 =	vor.u32 $0x7, v0;
	v29 =	vadd.s32 $0x1887, v0;
	v30 =	vadd.s32 $0x3107, v0;
	[dreg:$0xf] =	wrdreg s24;
	s25 =	sor.u32 $0x5, s8;
	s10 =	sshrl.u32 s10, $0x3  }
0x12: {  	v31 =	vadd.s32 $0x4987, v0;
	v32 =	vadd.s32 $0x8, v0;
	v33 =	vadd.s32 $0x1888, v0;
	s11 =	sshrl.u32 s26, $0x3;
	s13 =	sadd.s32 s4, s12;
	s1 =	sshrl.u32 s1, $0x3  }
0x13: {  	v34 =	vadd.s32 $0x3108, v0;
	v35 =	vadd.s32 $0x4988, v0;
	v36 =	vadd.s32 $0x9, v0;
	s17 =	sadd.s32 s5, s12;
	[dreg:$0x10] =	wrdreg s25;
	s26 =	sor.u32 $0xA, s8  }
0x14: {  	v37 =	vadd.s32 $0x1889, v0;
	v38 =	vadd.s32 $0x3109, v0;
	v39 =	vadd.s32 $0x4989, v0;
	s12 =	simm.s32 $0x80;
	s25 =	simm.s32 $0xA;
	[dreg:$0x2] =	wrdreg s13  }
0x15: {  	v40 =	vadd.s32 $0xA, v0;
	v41 =	vadd.s32 $0x188A, v0;
	v42 =	vadd.s32 $0x310A, v0;
	s28 =	sadd.s32 s4, s10;
	s11 =	sadd.s32 s4, s11;
	[dreg:$0x8] =	wrdreg s17  }
0x16: {  	v43 =	vadd.s32 $0x498A, v0;
	v44 =	vadd.s32 $0xB, v0;
	v45 =	vadd.s32 $0x188B, v0;
	s13 =	sshrl.u32 s15, $0x3;
	s1 =	sadd.s32 s4, s1;
	[dreg:$0x12] =	wrdreg s26  }
0x17: {  	v46 =	vadd.s32 $0x310B, v0;
	v47 =	vadd.s32 $0x498B, v0;
	v48 =	vadd.s32 $0xC, v0;
	s18 =	sadd.s32 s5, s10;
	s15 =	simm.s32 $0x2;
	[dreg:$0x3] =	wrdreg s28  }
0x18: {  	v49 =	vadd.s32 $0x188C, v0;
	v50 =	vadd.s32 $0x310C, v0;
	v51 =	vadd.s32 $0x498C, v0;
	s17 =	simm.s32 $0x5;
	s10 =	simm.s32 $0x0;
	[dreg:$0x4] =	wrdreg s11  }
0x19: {  	v52 =	vadd.s32 $0xD, v0;
	v53 =	vadd.s32 $0x188D, v0;
	v54 =	vadd.s32 $0x310D, v0;
	s11 =	sshrl.u32 s14, $0x3;
	s16 =	sadd.s32 s4, s13;
	[dreg:$0x7] =	wrdreg s1  }
0x1a: {  	v55 =	vadd.s32 $0x498D, v0;
	v56 =	vadd.s32 $0xE, v0;
	[tilespmem:$0x1FFC0] =	vst v1;
	v1 =	vadd.s32 $0x3100, v0;
	[dreg:$0x9] =	wrdreg s18;
	s18 =	smul.u32 $0x900000, s9;
	s28 =	sor.u32 $0xB, s8  }
0x1b: {  	v57 =	vadd.s32 $0x188E, v0;
	v58 =	vadd.s32 $0x310E, v0;
	[tilespmem:$0x1FFD0] =	vst v1;
	v1 =	vadd.s32 $0x4980, v0;
	s1 =	simm.s32 $0xC;
	s13 =	simm.s32 $0x12C00;
	[dreg:$0x6] =	wrdreg s16  }
0x1c: {  	v59 =	vadd.s32 $0x498E, v0;
	v60 =	vadd.s32 $0xF, v0;
	[tilespmem:$0x1FFE0] =	vst v1;
	v1 =	vor.u32 $0x1, v0;
	s14 =	simm.s32 $0x9;
	s11 =	sadd.s32 s4, s11;
	[dreg:$0x13] =	wrdreg s28  }
0x1d: {  	v61 =	vadd.s32 $0x188F, v0;
	v62 =	vadd.s32 $0x310F, v0;
	v63 =	vadd.s32 $0x498F, v0;
	[tilespmem:$0x1FFF0] =	vst v1;
	s16 =	simm.s32 $0xD;
	[dreg:$0x5] =	wrdreg s11;
	s11 =	simm.s32 $0x4  }
.LBB2_1:
0x1e: {  	[dreg:$0x14] =	wrdreg s10  }
0x1f: {  	s9 =	rddreg [dreg:$0x2]  }
0x20: {  	[tilespmem:s2], [sflag:$0x6] =	stream.linear.gather [hbm4b:s9+s2], $0x180, $0x38;
	[tilespmem:$0x1F000] =	vst v63  }
0x21: {  	s20 =	rddreg [dreg:$0x3];
	s10 =	simm.s32 $0x180  }
0x22: {  	[tilespmem:s10], [sflag:$0x7] =	stream.linear.gather [hbm4b:s20+s2], $0x180, $0x38;
	[tilespmem:$0x1F000] =	vst v63  }
0x23: {  	s21 =	rddreg [dreg:$0x4];
	s19 =	simm.s32 $0x300  }
0x24: {  	[tilespmem:s19], [sflag:$0x8] =	stream.linear.gather [hbm4b:s21+s2], $0x180, $0x38;
	[tilespmem:$0x1F000] =	vst v63  }
0x25: {  	s22 =	rddreg [dreg:$0x5];
	s20 =	simm.s32 $0x480  }
0x26: {  	[tilespmem:s20], [sflag:$0x9] =	stream.linear.gather [hbm4b:s22+s2], $0x180, $0x38;
	[tilespmem:$0x1F000] =	vst v63  }
0x27: {  	s23 =	rddreg [dreg:$0x6];
	s24 =	simm.s32 $0x600  }
0x28: {  	[tilespmem:s24], [sflag:$0xA] =	stream.linear.gather [hbm4b:s23+s2], $0x180, $0x38;
	[tilespmem:$0x1F000] =	vst v63  }
0x29: {  	s26 =	rddreg [dreg:$0x7];
	s28 =	simm.s32 $0x780  }
0x2a: {  	[tilespmem:s28], [sflag:$0xB] =	stream.linear.gather [hbm4b:s26+s2], $0x180, $0x38;
	[tilespmem:$0x1F000] =	vst v63  }
0x2b: {  	s21 =	rddreg [dreg:$0x8];
	s22 =	simm.s32 $0x900  }
0x2c: {  	[tilespmem:s22], [sflag:$0xC] =	stream.linear.gather [hbm4b:s21+s2], $0x180, $0x38;
	[tilespmem:$0x1F000] =	vst v63  }
0x2d: {  	s23 =	rddreg [dreg:$0x9];
	s24 =	simm.s32 $0xA80;
	s26 =	simm.s32 $0x6  }
0x2e: {  	[tilespmem:s24], [sflag:$0xD] =	stream.linear.gather [hbm4b:s23+s2], $0x180, $0x38;
	[tilespmem:$0x1F000] =	vst v63  }
0x2f: {  	_ =	swait.ge [sflag:s26], $0x180  }
0x30: {  	[sflag:s26] =	ssyncset.done $0x0  }
0x31: {  	s28 =	simm.s32 $0xC00;
	[sflag:s26] =	ssyncadd.s32 $0xFFFFFE80  }
0x32: {  	[tilespmem:s28], [sflag:$0x1] =	stream.indirect.gather [hbm4b:s6+s12], $0x40, s2, s12, $0xb8;
	[tilespmem:$0x1F000] =	vst v63  }
0x33: {  	s20 =	simm.s32 $0x2C00  }
0x34: {  	[tilespmem:s20], [sflag:$0x1] =	stream.indirect.gather [hbm4b:s6+s12], $0x40, s12, s12, $0xb8;
	[tilespmem:$0x1F000] =	vst v63  }
0x35: {  	s21 =	simm.s32 $0x100;
	s22 =	simm.s32 $0x4C00;
	s23 =	simm.s32 $0x7  }
0x36: {  	[tilespmem:s22], [sflag:$0x1] =	stream.indirect.gather [hbm4b:s6+s12], $0x40, s21, s12, $0xb8;
	[tilespmem:$0x1F000] =	vst v63  }
0x37: {  	_ =	swait.ge [sflag:s23], $0x180  }
0x38: {  	[sflag:s23] =	ssyncset.done $0x0  }
0x39: {  	s24 =	simm.s32 $0x6C00;
	[sflag:s23] =	ssyncadd.s32 $0xFFFFFE80  }
0x3a: {  	[tilespmem:s24], [sflag:$0x2] =	stream.indirect.gather [hbm4b:s6+s12], $0x40, s10, s12, $0xb8;
	[tilespmem:$0x1F000] =	vst v63  }
0x3b: {  	s26 =	simm.s32 $0x200;
	s28 =	simm.s32 $0x8C00  }
0x3c: {  	[tilespmem:s28], [sflag:$0x2] =	stream.indirect.gather [hbm4b:s6+s12], $0x40, s26, s12, $0xb8;
	[tilespmem:$0x1F000] =	vst v63  }
0x3d: {  	s20 =	simm.s32 $0xAC00;
	s21 =	simm.s32 $0x8;
	s10 =	simm.s32 $0x280  }
0x3e: {  	[tilespmem:s20], [sflag:$0x2] =	stream.indirect.gather [hbm4b:s6+s12], $0x40, s10, s12, $0xb8;
	[tilespmem:$0x1F000] =	vst v63  }
0x3f: {  	_ =	swait.ge [sflag:s21], $0x180  }
0x40: {  	[sflag:s21] =	ssyncset.done $0x0  }
0x41: {  	s22 =	simm.s32 $0xCC00;
	[sflag:s21] =	ssyncadd.s32 $0xFFFFFE80  }
0x42: {  	[tilespmem:s22], [sflag:$0x3] =	stream.indirect.gather [hbm4b:s6+s12], $0x40, s19, s12, $0xb8;
	[tilespmem:$0x1F000] =	vst v63  }
0x43: {  	s23 =	simm.s32 $0x380;
	s24 =	simm.s32 $0xEC00  }
0x44: {  	[tilespmem:s24], [sflag:$0x3] =	stream.indirect.gather [hbm4b:s6+s12], $0x40, s23, s12, $0xb8;
	[tilespmem:$0x1F000] =	vst v63  }
0x45: {  	s26 =	simm.s32 $0x400;
	s28 =	simm.s32 $0x10C00;
	s19 =	simm.s32 $0x0  }
0x46: {  	[tilespmem:s28], [sflag:$0x3] =	stream.indirect.gather [hbm4b:s6+s12], $0x40, s26, s12, $0xb8;
	[tilespmem:$0x1F000] =	vst v63  }
.LBB2_2:
0x47: {  	_ =	swait.ge [sflag:s0], $0x2000  }
0x48: {  	[sflag:s0] =	ssyncset.done $0x0  }
0x49: {  	[sflag:s0] =	ssyncadd.s32 $0xFFFFE000  }
0x4a: {  	s20 =	smul.u32 $0x6, s19;
	_ =	swait.ge [sflag:s0], $0x2000  }
0x4b: {  	[sflag:s0] =	ssyncset.done $0x0  }
0x4c: {  	p0 =	seq.s32 s19, $0x7;
	s21 =	sadd.s32 $0x6, s20;
	[sflag:s0] =	ssyncadd.s32 $0xFFFFE000  }
0x4d: {  	p1 =	seq.s32 @!p0 s19, $0x0;
	s21 =	sadd.s32 @!p0 s8, s21;
	_ =	swait.ge [sflag:s0], $0x2000  }
0x4e: {  	p1 =	por p0, !p1;
	s21 =	smul.u32 @!p0 $0x180, s21;
	[sflag:s0] =	ssyncset.done $0x0  }
.Ltmp0:
0x4f: {  	[sflag:s0] =	ssyncadd.s32 $0xFFFFE000;
	(pc) =	sbr.rel @!p1 .LBB2_3-.Ltmp0, $4  }
0x50: {  	s21 =	sadd.s32 @!p0 s3, s21;
	_ =	swait.ge [sflag:s1], $0x180  }
0x51: {  	s21 =	sshrl.u32 @!p0 s21, $0x3;
	[sflag:s1] =	ssyncset.done $0x0  }
0x52: {  	s23 =	simm.s32 @!p0 $0x0;
	s22 =	sadd.s32 @!p0 s4, s21;
	[sflag:s1] =	ssyncadd.s32 $0xFFFFFE80  }
0x53: {  	[tilespmem:s23], [sflag:$0x6] =	stream.linear.gather @!p0 [hbm4b:s22+s23], $0x180, $0x38;
	[tilespmem:$0x1F000] =	vst v63  }
.Ltmp1:
0x54: {  	(pc) =	sbr.rel .LBB2_5-.Ltmp1, $4  }
0x55: {  	_ = 	snop  }
0x56: {  	_ =	swait.ge [sflag:s11], $0x6000  }
0x57: {  	[sflag:s11] =	ssyncset.done $0x0  }
0x58: {  	p1 =	por $0x0, $0x0;
	[sflag:s11] =	ssyncadd.s32 $0xFFFFA000  }
.LBB2_3:
0x59: {  	p1 =	por @!p0 $0x1, $0x1  }
.LBB2_5:
0x5a: {  	v1 =	vld [tilespmem:$0x900];
	_ =	sdelay $0x1  }
0x5b: {  	v2 =	vld [tilespmem:$0xC00];
	_ =	sdelay $0x2  }
0x5c: {  	v3 =	vbroadcast v1, $0x0;
	_ =	sdelay $0x1  }
0x5d: {  	v2 =	vmul.f32 v3, v2;
	_ =	sdelay $0x1  }
0x5e: {  	v4 =	vld [tilespmem:$0x1FFC0];
	[tilespmem:v0+s13+$0x0] =	vst.idx.msk $0xffff, v2  }
0x5f: {  	v2 =	vld [tilespmem:$0xC10];
	_ =	sdelay $0x4  }
0x60: {  	v2 =	vmul.f32 v2, v3;
	_ =	sdelay $0x1  }
0x61: {  	[tilespmem:v4+s13+$0x0] =	vst.idx.msk $0xffff, v2;
	v4 =	vld [tilespmem:$0x1FFD0]  }
0x62: {  	v2 =	vld [tilespmem:$0xC20];
	_ =	sdelay $0x4  }
0x63: {  	v2 =	vmul.f32 v2, v3;
	_ =	sdelay $0x1  }
0x64: {  	[tilespmem:v4+s13+$0x0] =	vst.idx.msk $0xffff, v2  }
0x65: {  	v2 =	vld [tilespmem:$0xC30];
	_ =	sdelay $0x4  }
0x66: {  	v2 =	vmul.f32 v2, v3;
	v3 =	vld [tilespmem:$0x1FFE0];
	_ =	sdelay $0x7  }
0x67: {  	v4 =	vld [tilespmem:$0x1FFF0];
	[tilespmem:v3+s13+$0x0] =	vst.idx.msk $0xffff, v2  }
0x68: {  	v2 =	vld [tilespmem:$0xC40];
	_ =	sdelay $0x2  }
0x69: {  	v3 =	vbroadcast v1, $0x1;
	_ =	sdelay $0x1  }
0x6a: {  	v2 =	vmul.f32 v2, v3;
	_ =	sdelay $0x1  }
0x6b: {  	[tilespmem:v4+s13+$0x0] =	vst.idx.msk $0xffff, v2  }
0x6c: {  	v2 =	vld [tilespmem:$0xC50];
	_ =	sdelay $0x4  }
0x6d: {  	v2 =	vmul.f32 v2, v3;
	_ =	sdelay $0x1  }
0x6e: {  	[tilespmem:v5+s13+$0x0] =	vst.idx.msk $0xffff, v2  }
0x6f: {  	v2 =	vld [tilespmem:$0xC60];
	_ =	sdelay $0x4  }
0x70: {  	v2 =	vmul.f32 v2, v3;
	_ =	sdelay $0x1  }
0x71: {  	[tilespmem:v6+s13+$0x0] =	vst.idx.msk $0xffff, v2  }
0x72: {  	v2 =	vld [tilespmem:$0xC70];
	_ =	sdelay $0x4  }
0x73: {  	v2 =	vmul.f32 v2, v3;
	_ =	sdelay $0x1  }
0x74: {  	[tilespmem:v7+s13+$0x0] =	vst.idx.msk $0xffff, v2  }
0x75: {  	v2 =	vld [tilespmem:$0xC80];
	_ =	sdelay $0x2  }
0x76: {  	v3 =	vbroadcast v1, $0x2;
	_ =	sdelay $0x1  }
0x77: {  	v2 =	vmul.f32 v2, v3;
	_ =	sdelay $0x1  }
0x78: {  	[tilespmem:v8+s13+$0x0] =	vst.idx.msk $0xffff, v2  }
0x79: {  	v2 =	vld [tilespmem:$0xC90];
	_ =	sdelay $0x4  }
0x7a: {  	v2 =	vmul.f32 v2, v3;
	_ =	sdelay $0x1  }
0x7b: {  	[tilespmem:v9+s13+$0x0] =	vst.idx.msk $0xffff, v2  }
0x7c: {  	v2 =	vld [tilespmem:$0xCA0];
	_ =	sdelay $0x4  }
0x7d: {  	v2 =	vmul.f32 v2, v3;
	_ =	sdelay $0x1  }
0x7e: {  	[tilespmem:v10+s13+$0x0] =	vst.idx.msk $0xffff, v2  }
0x7f: {  	v2 =	vld [tilespmem:$0xCB0];
	_ =	sdelay $0x4  }
0x80: {  	v2 =	vmul.f32 v2, v3;
	_ =	sdelay $0x1  }
0x81: {  	[tilespmem:v11+s13+$0x0] =	vst.idx.msk $0xffff, v2  }
0x82: {  	v2 =	vld [tilespmem:$0xCC0];
	_ =	sdelay $0x2  }
0x83: {  	v3 =	vbroadcast v1, $0x3;
	_ =	sdelay $0x1  }
0x84: {  	v2 =	vmul.f32 v2, v3;
	_ =	sdelay $0x1  }
0x85: {  	[tilespmem:v12+s13+$0x0] =	vst.idx.msk $0xffff, v2  }
0x86: {  	v2 =	vld [tilespmem:$0xCD0];
	_ =	sdelay $0x4  }
0x87: {  	v2 =	vmul.f32 v2, v3;
	_ =	sdelay $0x1  }
0x88: {  	[tilespmem:v13+s13+$0x0] =	vst.idx.msk $0xffff, v2  }
0x89: {  	v2 =	vld [tilespmem:$0xCE0];
	_ =	sdelay $0x4  }
0x8a: {  	v2 =	vmul.f32 v2, v3;
	_ =	sdelay $0x1  }
0x8b: {  	[tilespmem:v14+s13+$0x0] =	vst.idx.msk $0xffff, v2  }
0x8c: {  	v2 =	vld [tilespmem:$0xCF0];
	_ =	sdelay $0x4  }
0x8d: {  	v2 =	vmul.f32 v2, v3;
	_ =	sdelay $0x1  }
0x8e: {  	[tilespmem:v15+s13+$0x0] =	vst.idx.msk $0xffff, v2  }
0x8f: {  	v2 =	vld [tilespmem:$0xD00];
	_ =	sdelay $0x2  }
0x90: {  	v3 =	vbroadcast v1, $0x4;
	_ =	sdelay $0x1  }
0x91: {  	v2 =	vmul.f32 v2, v3;
	_ =	sdelay $0x1  }
0x92: {  	[tilespmem:v16+s13+$0x0] =	vst.idx.msk $0xffff, v2  }
0x93: {  	v2 =	vld [tilespmem:$0xD10];
	_ =	sdelay $0x4  }
0x94: {  	v2 =	vmul.f32 v2, v3;
	_ =	sdelay $0x1  }
0x95: {  	[tilespmem:v17+s13+$0x0] =	vst.idx.msk $0xffff, v2  }
0x96: {  	v2 =	vld [tilespmem:$0xD20];
	_ =	sdelay $0x4  }
0x97: {  	v2 =	vmul.f32 v2, v3;
	_ =	sdelay $0x1  }
0x98: {  	[tilespmem:v18+s13+$0x0] =	vst.idx.msk $0xffff, v2  }
0x99: {  	v2 =	vld [tilespmem:$0xD30];
	_ =	sdelay $0x4  }
0x9a: {  	v2 =	vmul.f32 v2, v3;
	_ =	sdelay $0x1  }
0x9b: {  	[tilespmem:v19+s13+$0x0] =	vst.idx.msk $0xffff, v2  }
0x9c: {  	v2 =	vld [tilespmem:$0xD40];
	_ =	sdelay $0x2  }
0x9d: {  	v3 =	vbroadcast v1, $0x5;
	_ =	sdelay $0x1  }
0x9e: {  	v2 =	vmul.f32 v2, v3;
	_ =	sdelay $0x1  }
0x9f: {  	[tilespmem:v20+s13+$0x0] =	vst.idx.msk $0xffff, v2  }
0xa0: {  	v2 =	vld [tilespmem:$0xD50];
	_ =	sdelay $0x4  }
0xa1: {  	v2 =	vmul.f32 v2, v3;
	_ =	sdelay $0x1  }
0xa2: {  	[tilespmem:v21+s13+$0x0] =	vst.idx.msk $0xffff, v2  }
0xa3: {  	v2 =	vld [tilespmem:$0xD60];
	_ =	sdelay $0x4  }
0xa4: {  	v2 =	vmul.f32 v2, v3;
	_ =	sdelay $0x1  }
0xa5: {  	[tilespmem:v22+s13+$0x0] =	vst.idx.msk $0xffff, v2  }
0xa6: {  	v2 =	vld [tilespmem:$0xD70];
	_ =	sdelay $0x4  }
0xa7: {  	v2 =	vmul.f32 v2, v3;
	_ =	sdelay $0x1  }
0xa8: {  	[tilespmem:v23+s13+$0x0] =	vst.idx.msk $0xffff, v2  }
0xa9: {  	v2 =	vld [tilespmem:$0xD80];
	_ =	sdelay $0x2  }
0xaa: {  	v3 =	vbroadcast v1, $0x6;
	_ =	sdelay $0x1  }
0xab: {  	v2 =	vmul.f32 v2, v3;
	_ =	sdelay $0x1  }
0xac: {  	[tilespmem:v24+s13+$0x0] =	vst.idx.msk $0xffff, v2  }
0xad: {  	v2 =	vld [tilespmem:$0xD90];
	_ =	sdelay $0x4  }
0xae: {  	v2 =	vmul.f32 v2, v3;
	_ =	sdelay $0x1  }
0xaf: {  	[tilespmem:v25+s13+$0x0] =	vst.idx.msk $0xffff, v2  }
0xb0: {  	v2 =	vld [tilespmem:$0xDA0];
	_ =	sdelay $0x4  }
0xb1: {  	v2 =	vmul.f32 v2, v3;
	_ =	sdelay $0x1  }
0xb2: {  	[tilespmem:v26+s13+$0x0] =	vst.idx.msk $0xffff, v2  }
0xb3: {  	v2 =	vld [tilespmem:$0xDB0];
	_ =	sdelay $0x4  }
0xb4: {  	v2 =	vmul.f32 v2, v3;
	_ =	sdelay $0x1  }
0xb5: {  	[tilespmem:v27+s13+$0x0] =	vst.idx.msk $0xffff, v2  }
0xb6: {  	v2 =	vld [tilespmem:$0xDC0];
	_ =	sdelay $0x2  }
0xb7: {  	v3 =	vbroadcast v1, $0x7;
	_ =	sdelay $0x1  }
0xb8: {  	v2 =	vmul.f32 v2, v3;
	_ =	sdelay $0x1  }
0xb9: {  	[tilespmem:v28+s13+$0x0] =	vst.idx.msk $0xffff, v2  }
0xba: {  	v2 =	vld [tilespmem:$0xDD0];
	_ =	sdelay $0x4  }
0xbb: {  	v2 =	vmul.f32 v2, v3;
	_ =	sdelay $0x1  }
0xbc: {  	[tilespmem:v29+s13+$0x0] =	vst.idx.msk $0xffff, v2  }
0xbd: {  	v2 =	vld [tilespmem:$0xDE0];
	_ =	sdelay $0x4  }
0xbe: {  	v2 =	vmul.f32 v2, v3;
	_ =	sdelay $0x1  }
0xbf: {  	[tilespmem:v30+s13+$0x0] =	vst.idx.msk $0xffff, v2  }
0xc0: {  	v2 =	vld [tilespmem:$0xDF0];
	_ =	sdelay $0x4  }
0xc1: {  	v2 =	vmul.f32 v2, v3;
	_ =	sdelay $0x1  }
0xc2: {  	[tilespmem:v31+s13+$0x0] =	vst.idx.msk $0xffff, v2  }
0xc3: {  	v2 =	vld [tilespmem:$0xE00];
	_ =	sdelay $0x2  }
0xc4: {  	v3 =	vbroadcast v1, $0x8;
	_ =	sdelay $0x1  }
0xc5: {  	v2 =	vmul.f32 v2, v3;
	_ =	sdelay $0x1  }
0xc6: {  	[tilespmem:v32+s13+$0x0] =	vst.idx.msk $0xffff, v2  }
0xc7: {  	v2 =	vld [tilespmem:$0xE10];
	_ =	sdelay $0x4  }
0xc8: {  	v2 =	vmul.f32 v2, v3;
	_ =	sdelay $0x1  }
0xc9: {  	[tilespmem:v33+s13+$0x0] =	vst.idx.msk $0xffff, v2  }
0xca: {  	v2 =	vld [tilespmem:$0xE20];
	_ =	sdelay $0x4  }
0xcb: {  	v2 =	vmul.f32 v2, v3;
	_ =	sdelay $0x1  }
0xcc: {  	[tilespmem:v34+s13+$0x0] =	vst.idx.msk $0xffff, v2  }
0xcd: {  	v2 =	vld [tilespmem:$0xE30];
	_ =	sdelay $0x4  }
0xce: {  	v2 =	vmul.f32 v2, v3;
	_ =	sdelay $0x1  }
0xcf: {  	[tilespmem:v35+s13+$0x0] =	vst.idx.msk $0xffff, v2  }
0xd0: {  	v2 =	vld [tilespmem:$0xE40];
	_ =	sdelay $0x2  }
0xd1: {  	v3 =	vbroadcast v1, $0x9;
	_ =	sdelay $0x1  }
0xd2: {  	v2 =	vmul.f32 v2, v3;
	_ =	sdelay $0x1  }
0xd3: {  	[tilespmem:v36+s13+$0x0] =	vst.idx.msk $0xffff, v2  }
0xd4: {  	v2 =	vld [tilespmem:$0xE50];
	_ =	sdelay $0x4  }
0xd5: {  	v2 =	vmul.f32 v2, v3;
	_ =	sdelay $0x1  }
0xd6: {  	[tilespmem:v37+s13+$0x0] =	vst.idx.msk $0xffff, v2  }
0xd7: {  	v2 =	vld [tilespmem:$0xE60];
	_ =	sdelay $0x4  }
0xd8: {  	v2 =	vmul.f32 v2, v3;
	_ =	sdelay $0x1  }
0xd9: {  	[tilespmem:v38+s13+$0x0] =	vst.idx.msk $0xffff, v2  }
0xda: {  	v2 =	vld [tilespmem:$0xE70];
	_ =	sdelay $0x4  }
0xdb: {  	v2 =	vmul.f32 v2, v3;
	_ =	sdelay $0x1  }
0xdc: {  	[tilespmem:v39+s13+$0x0] =	vst.idx.msk $0xffff, v2  }
0xdd: {  	v2 =	vld [tilespmem:$0xE80];
	_ =	sdelay $0x2  }
0xde: {  	v3 =	vbroadcast v1, $0xA;
	_ =	sdelay $0x1  }
0xdf: {  	v2 =	vmul.f32 v2, v3;
	_ =	sdelay $0x1  }
0xe0: {  	[tilespmem:v40+s13+$0x0] =	vst.idx.msk $0xffff, v2  }
0xe1: {  	v2 =	vld [tilespmem:$0xE90];
	_ =	sdelay $0x4  }
0xe2: {  	v2 =	vmul.f32 v2, v3;
	_ =	sdelay $0x1  }
0xe3: {  	[tilespmem:v41+s13+$0x0] =	vst.idx.msk $0xffff, v2  }
0xe4: {  	v2 =	vld [tilespmem:$0xEA0];
	_ =	sdelay $0x4  }
0xe5: {  	v2 =	vmul.f32 v2, v3;
	_ =	sdelay $0x1  }
0xe6: {  	[tilespmem:v42+s13+$0x0] =	vst.idx.msk $0xffff, v2  }
0xe7: {  	v2 =	vld [tilespmem:$0xEB0];
	_ =	sdelay $0x4  }
0xe8: {  	v2 =	vmul.f32 v2, v3;
	_ =	sdelay $0x1  }
0xe9: {  	[tilespmem:v43+s13+$0x0] =	vst.idx.msk $0xffff, v2  }
0xea: {  	v2 =	vld [tilespmem:$0xEC0];
	_ =	sdelay $0x2  }
0xeb: {  	v3 =	vbroadcast v1, $0xB;
	_ =	sdelay $0x1  }
0xec: {  	v2 =	vmul.f32 v2, v3;
	_ =	sdelay $0x1  }
0xed: {  	[tilespmem:v44+s13+$0x0] =	vst.idx.msk $0xffff, v2  }
0xee: {  	v2 =	vld [tilespmem:$0xED0];
	_ =	sdelay $0x4  }
0xef: {  	v2 =	vmul.f32 v2, v3;
	_ =	sdelay $0x1  }
0xf0: {  	[tilespmem:v45+s13+$0x0] =	vst.idx.msk $0xffff, v2  }
0xf1: {  	v2 =	vld [tilespmem:$0xEE0];
	_ =	sdelay $0x4  }
0xf2: {  	v2 =	vmul.f32 v2, v3;
	_ =	sdelay $0x1  }
0xf3: {  	[tilespmem:v46+s13+$0x0] =	vst.idx.msk $0xffff, v2  }
0xf4: {  	v2 =	vld [tilespmem:$0xEF0];
	_ =	sdelay $0x4  }
0xf5: {  	v2 =	vmul.f32 v2, v3;
	_ =	sdelay $0x1  }
0xf6: {  	[tilespmem:v47+s13+$0x0] =	vst.idx.msk $0xffff, v2  }
0xf7: {  	v2 =	vld [tilespmem:$0xF00];
	_ =	sdelay $0x2  }
0xf8: {  	v3 =	vbroadcast v1, $0xC;
	_ =	sdelay $0x1  }
0xf9: {  	v2 =	vmul.f32 v2, v3;
	_ =	sdelay $0x1  }
0xfa: {  	[tilespmem:v48+s13+$0x0] =	vst.idx.msk $0xffff, v2  }
0xfb: {  	v2 =	vld [tilespmem:$0xF10];
	_ =	sdelay $0x4  }
0xfc: {  	v2 =	vmul.f32 v2, v3;
	_ =	sdelay $0x1  }
0xfd: {  	[tilespmem:v49+s13+$0x0] =	vst.idx.msk $0xffff, v2  }
0xfe: {  	v2 =	vld [tilespmem:$0xF20];
	_ =	sdelay $0x4  }
0xff: {  	v2 =	vmul.f32 v2, v3;
	_ =	sdelay $0x1  }
0x100: {  	[tilespmem:v50+s13+$0x0] =	vst.idx.msk $0xffff, v2  }
0x101: {  	v2 =	vld [tilespmem:$0xF30];
	_ =	sdelay $0x4  }
0x102: {  	v2 =	vmul.f32 v2, v3;
	_ =	sdelay $0x1  }
0x103: {  	[tilespmem:v51+s13+$0x0] =	vst.idx.msk $0xffff, v2  }
0x104: {  	v2 =	vld [tilespmem:$0xF40];
	_ =	sdelay $0x2  }
0x105: {  	v3 =	vbroadcast v1, $0xD;
	_ =	sdelay $0x1  }
0x106: {  	v2 =	vmul.f32 v2, v3;
	_ =	sdelay $0x1  }
0x107: {  	[tilespmem:v52+s13+$0x0] =	vst.idx.msk $0xffff, v2  }
0x108: {  	v2 =	vld [tilespmem:$0xF50];
	_ =	sdelay $0x4  }
0x109: {  	v2 =	vmul.f32 v2, v3;
	_ =	sdelay $0x1  }
0x10a: {  	[tilespmem:v53+s13+$0x0] =	vst.idx.msk $0xffff, v2  }
0x10b: {  	v2 =	vld [tilespmem:$0xF60];
	_ =	sdelay $0x4  }
0x10c: {  	v2 =	vmul.f32 v2, v3;
	_ =	sdelay $0x1  }
0x10d: {  	[tilespmem:v54+s13+$0x0] =	vst.idx.msk $0xffff, v2  }
0x10e: {  	v2 =	vld [tilespmem:$0xF70];
	_ =	sdelay $0x4  }
0x10f: {  	v2 =	vmul.f32 v2, v3;
	_ =	sdelay $0x1  }
0x110: {  	[tilespmem:v55+s13+$0x0] =	vst.idx.msk $0xffff, v2  }
0x111: {  	v2 =	vld [tilespmem:$0xF80];
	_ =	sdelay $0x2  }
0x112: {  	v3 =	vbroadcast v1, $0xE;
	_ =	sdelay $0x1  }
0x113: {  	v2 =	vmul.f32 v2, v3;
	_ =	sdelay $0x1  }
0x114: {  	[tilespmem:v56+s13+$0x0] =	vst.idx.msk $0xffff, v2  }
0x115: {  	v2 =	vld [tilespmem:$0xF90];
	_ =	sdelay $0x4  }
0x116: {  	v2 =	vmul.f32 v2, v3;
	_ =	sdelay $0x1  }
0x117: {  	[tilespmem:v57+s13+$0x0] =	vst.idx.msk $0xffff, v2  }
0x118: {  	v2 =	vld [tilespmem:$0xFA0];
	_ =	sdelay $0x4  }
0x119: {  	v2 =	vmul.f32 v2, v3;
	_ =	sdelay $0x1  }
0x11a: {  	[tilespmem:v58+s13+$0x0] =	vst.idx.msk $0xffff, v2  }
0x11b: {  	v2 =	vld [tilespmem:$0xFB0];
	_ =	sdelay $0x4  }
0x11c: {  	v2 =	vmul.f32 v2, v3;
	_ =	sdelay $0x1  }
0x11d: {  	[tilespmem:v59+s13+$0x0] =	vst.idx.msk $0xffff, v2  }
0x11e: {  	v2 =	vld [tilespmem:$0xFC0];
	_ =	sdelay $0x2  }
0x11f: {  	v1 =	vbroadcast v1, $0xF;
	_ =	sdelay $0x1  }
0x120: {  	v2 =	vmul.f32 v2, v1;
	_ =	sdelay $0x1  }
0x121: {  	[tilespmem:v60+s13+$0x0] =	vst.idx.msk $0xffff, v2  }
0x122: {  	v2 =	vld [tilespmem:$0xFD0];
	_ =	sdelay $0x4  }
0x123: {  	v2 =	vmul.f32 v2, v1;
	_ =	sdelay $0x1  }
0x124: {  	[tilespmem:v61+s13+$0x0] =	vst.idx.msk $0xffff, v2  }
0x125: {  	v2 =	vld [tilespmem:$0xFE0];
	_ =	sdelay $0x4  }
0x126: {  	v2 =	vmul.f32 v2, v1;
	_ =	sdelay $0x1  }
0x127: {  	[tilespmem:v62+s13+$0x0] =	vst.idx.msk $0xffff, v2  }
0x128: {  	v2 =	vld [tilespmem:$0xFF0];
	_ =	sdelay $0x4  }
0x129: {  	v1 =	vmul.f32 v2, v1;
	_ =	sdelay $0x1  }
0x12a: {  	[tilespmem:v63+s13+$0x0] =	vst.idx.msk $0xffff, v1  }
0x12b: {  	_ =	swait.ge [sflag:s14], $0x180  }
0x12c: {  	[sflag:s14] =	ssyncset.done $0x0  }
0x12d: {  	s9 =	simm.s32 $0x480;
	s10 =	simm.s32 $0xC00;
	[sflag:s14] =	ssyncadd.s32 $0xFFFFFE80  }
0x12e: {  	[tilespmem:s10], [sflag:$0x1] =	stream.indirect.gather [hbm4b:s6+s12], $0x40, s9, s12, $0xb8;
	[tilespmem:$0x1F000] =	vst v63  }
0x12f: {  	s22 =	simm.s32 $0x500;
	s23 =	rddreg [dreg:$0xa];
	s10 =	simm.s32 $0x2C00  }
0x130: {  	[tilespmem:s10], [sflag:$0x1] =	stream.indirect.gather [hbm4b:s6+s12], $0x40, s22, s12, $0xb8;
	[tilespmem:$0x1F000] =	vst v63  }
0x131: {  	s22 =	sadd.s32 s20, s23  }
0x132: {  	s24 =	simm.s32 $0x4C00;
	s28 =	simm.s32 $0x580;
	s26 =	smul.u32 $0x180, s22  }
0x133: {  	[tilespmem:s24], [sflag:$0x1] =	stream.indirect.gather [hbm4b:s6+s12], $0x40, s28, s12, $0xb8;
	[tilespmem:$0x1F000] =	vst v63  }
0x134: {  	s22 =	sadd.s32 s3, s26  }
0x135: {  	s23 =	sadd.s32 s8, s20;
	s10 =	simm.s32 $0x900;
	s22 =	sshrl.u32 s22, $0x3  }
0x136: {  	s23 =	smul.u32 $0x180, s23;
	s24 =	simm.s32 $0x0;
	s22 =	sadd.s32 s5, s22  }
0x137: {  	[tilespmem:s10], [sflag:$0xC] =	stream.linear.gather [hbm4b:s22+s24], $0x180, $0x38;
	[tilespmem:$0x1F000] =	vst v63  }
0x138: {  	s24 =	sadd.s32 s18, s23  }
0x139: {  	s22 =	sshrl.u32 s24, $0x3  }
0x13a: {  	s28 =	simm.s32 $0x12C00;
	s23 =	simm.s32 $0x620;
	s22 =	sadd.s32 s7, s22  }
0x13b: {  	[hbm4b:s22+s2] =	stream.linear.scatter [tilespmem:s28], [sflag:$0x4], $0x180, $0x38;
	[tilespmem:$0x1F000] =	vst v63  }
.LBB2_6:
0x13c: {  	p2 =	sne.s32 s23, $0x181E0  }
.Ltmp2:
0x13d: {  	_ = 	snop;
	(pc) =	sbr.rel @p2 .LBB2_6-.Ltmp2, $4  }
0x13e: {  	_ = 	snop  }
0x13f: {  	s24 =	sshra.s32 s23, $0x2;
	s23 =	sadd.s32 $0x620, s23  }
0x140: {  	s22 =	sadd.s32 $0x4800, s22;
	s24 =	sadd.s32 $0x12C00, s24  }
0x141: {  	[hbm4b:s22+s2] =	stream.linear.scatter [tilespmem:s24], [sflag:$0x4], $0x180, $0x38;
	[tilespmem:$0x1F000] =	vst v63  }
0x142: {  	_ =	swait.ge [sflag:s15], $0x2000  }
0x143: {  	[sflag:s15] =	ssyncset.done $0x0  }
0x144: {  	[sflag:s15] =	ssyncadd.s32 $0xFFFFE000  }
0x145: {  	_ =	swait.ge [sflag:s15], $0x2000  }
0x146: {  	[sflag:s15] =	ssyncset.done $0x0  }
0x147: {  	s22 =	sadd.s32 $0x7, s20;
	[sflag:s15] =	ssyncadd.s32 $0xFFFFE000  }
0x148: {  	s22 =	sadd.s32 @!p0 s8, s22;
	_ =	swait.ge [sflag:s15], $0x2000  }
0x149: {  	s22 =	smul.u32 @!p0 $0x180, s22;
	[sflag:s15] =	ssyncset.done $0x0  }
0x14a: {  	[sflag:s15] =	ssyncadd.s32 $0xFFFFE000  }
0x14b: {  	s22 =	sadd.s32 @!p0 s3, s22;
	_ =	swait.ge [sflag:s16], $0x180  }
0x14c: {  	s24 =	simm.s32 @!p0 $0x0;
	s22 =	sshrl.u32 @!p0 s22, $0x3;
	[sflag:s16] =	ssyncset.done $0x0  }
0x14d: {  	s28 =	simm.s32 @!p0 $0x180;
	s23 =	sadd.s32 @!p0 s4, s22;
	[sflag:s16] =	ssyncadd.s32 $0xFFFFFE80  }
0x14e: {  	[tilespmem:s28], [sflag:$0x7] =	stream.linear.gather @!p0 [hbm4b:s23+s24], $0x180, $0x38;
	[tilespmem:$0x1F000] =	vst v63  }
0x14f: {  	s23 =	simm.s32 @!p1 $0x5  }
0x150: {  	_ =	swait.ge @!p1 [sflag:s23], $0x6000  }
0x151: {  	[sflag:s23] =	ssyncset.done @!p1 $0x0  }
0x152: {  	[sflag:s23] =	ssyncadd.s32 @!p1 $0xFFFFA000  }
0x153: {  	v1 =	vld [tilespmem:$0xA80];
	_ =	sdelay $0x1  }
0x154: {  	v2 =	vld [tilespmem:$0x6C00];
	_ =	sdelay $0x2  }
0x155: {  	v3 =	vbroadcast v1, $0x0;
	_ =	sdelay $0x1  }
0x156: {  	v2 =	vmul.f32 v3, v2;
	_ =	sdelay $0x1  }
0x157: {  	v4 =	vld [tilespmem:$0x1FFC0];
	[tilespmem:v0+s30+$0x0] =	vst.idx.msk $0xffff, v2  }
0x158: {  	v2 =	vld [tilespmem:$0x6C10];
	_ =	sdelay $0x4  }
0x159: {  	v2 =	vmul.f32 v2, v3;
	_ =	sdelay $0x1  }
0x15a: {  	[tilespmem:v4+s30+$0x0] =	vst.idx.msk $0xffff, v2;
	v4 =	vld [tilespmem:$0x1FFD0]  }
0x15b: {  	v2 =	vld [tilespmem:$0x6C20];
	_ =	sdelay $0x4  }
0x15c: {  	v2 =	vmul.f32 v2, v3;
	_ =	sdelay $0x1  }
0x15d: {  	[tilespmem:v4+s30+$0x0] =	vst.idx.msk $0xffff, v2  }
0x15e: {  	v2 =	vld [tilespmem:$0x6C30];
	_ =	sdelay $0x4  }
0x15f: {  	v2 =	vmul.f32 v2, v3;
	v3 =	vld [tilespmem:$0x1FFE0];
	_ =	sdelay $0x7  }
0x160: {  	v4 =	vld [tilespmem:$0x1FFF0];
	[tilespmem:v3+s30+$0x0] =	vst.idx.msk $0xffff, v2  }
0x161: {  	v2 =	vld [tilespmem:$0x6C40];
	_ =	sdelay $0x2  }
0x162: {  	v3 =	vbroadcast v1, $0x1;
	_ =	sdelay $0x1  }
0x163: {  	v2 =	vmul.f32 v2, v3;
	_ =	sdelay $0x1  }
0x164: {  	[tilespmem:v4+s30+$0x0] =	vst.idx.msk $0xffff, v2  }
0x165: {  	v2 =	vld [tilespmem:$0x6C50];
	_ =	sdelay $0x4  }
0x166: {  	v2 =	vmul.f32 v2, v3;
	_ =	sdelay $0x1  }
0x167: {  	[tilespmem:v5+s30+$0x0] =	vst.idx.msk $0xffff, v2  }
0x168: {  	v2 =	vld [tilespmem:$0x6C60];
	_ =	sdelay $0x4  }
0x169: {  	v2 =	vmul.f32 v2, v3;
	_ =	sdelay $0x1  }
0x16a: {  	[tilespmem:v6+s30+$0x0] =	vst.idx.msk $0xffff, v2  }
0x16b: {  	v2 =	vld [tilespmem:$0x6C70];
	_ =	sdelay $0x4  }
0x16c: {  	v2 =	vmul.f32 v2, v3;
	_ =	sdelay $0x1  }
0x16d: {  	[tilespmem:v7+s30+$0x0] =	vst.idx.msk $0xffff, v2  }
0x16e: {  	v2 =	vld [tilespmem:$0x6C80];
	_ =	sdelay $0x2  }
0x16f: {  	v3 =	vbroadcast v1, $0x2;
	_ =	sdelay $0x1  }
0x170: {  	v2 =	vmul.f32 v2, v3;
	_ =	sdelay $0x1  }
0x171: {  	[tilespmem:v8+s30+$0x0] =	vst.idx.msk $0xffff, v2  }
0x172: {  	v2 =	vld [tilespmem:$0x6C90];
	_ =	sdelay $0x4  }
0x173: {  	v2 =	vmul.f32 v2, v3;
	_ =	sdelay $0x1  }
0x174: {  	[tilespmem:v9+s30+$0x0] =	vst.idx.msk $0xffff, v2  }
0x175: {  	v2 =	vld [tilespmem:$0x6CA0];
	_ =	sdelay $0x4  }
0x176: {  	v2 =	vmul.f32 v2, v3;
	_ =	sdelay $0x1  }
0x177: {  	[tilespmem:v10+s30+$0x0] =	vst.idx.msk $0xffff, v2  }
0x178: {  	v2 =	vld [tilespmem:$0x6CB0];
	_ =	sdelay $0x4  }
0x179: {  	v2 =	vmul.f32 v2, v3;
	_ =	sdelay $0x1  }
0x17a: {  	[tilespmem:v11+s30+$0x0] =	vst.idx.msk $0xffff, v2  }
0x17b: {  	v2 =	vld [tilespmem:$0x6CC0];
	_ =	sdelay $0x2  }
0x17c: {  	v3 =	vbroadcast v1, $0x3;
	_ =	sdelay $0x1  }
0x17d: {  	v2 =	vmul.f32 v2, v3;
	_ =	sdelay $0x1  }
0x17e: {  	[tilespmem:v12+s30+$0x0] =	vst.idx.msk $0xffff, v2  }
0x17f: {  	v2 =	vld [tilespmem:$0x6CD0];
	_ =	sdelay $0x4  }
0x180: {  	v2 =	vmul.f32 v2, v3;
	_ =	sdelay $0x1  }
0x181: {  	[tilespmem:v13+s30+$0x0] =	vst.idx.msk $0xffff, v2  }
0x182: {  	v2 =	vld [tilespmem:$0x6CE0];
	_ =	sdelay $0x4  }
0x183: {  	v2 =	vmul.f32 v2, v3;
	_ =	sdelay $0x1  }
0x184: {  	[tilespmem:v14+s30+$0x0] =	vst.idx.msk $0xffff, v2  }
0x185: {  	v2 =	vld [tilespmem:$0x6CF0];
	_ =	sdelay $0x4  }
0x186: {  	v2 =	vmul.f32 v2, v3;
	_ =	sdelay $0x1  }
0x187: {  	[tilespmem:v15+s30+$0x0] =	vst.idx.msk $0xffff, v2  }
0x188: {  	v2 =	vld [tilespmem:$0x6D00];
	_ =	sdelay $0x2  }
0x189: {  	v3 =	vbroadcast v1, $0x4;
	_ =	sdelay $0x1  }
0x18a: {  	v2 =	vmul.f32 v2, v3;
	_ =	sdelay $0x1  }
0x18b: {  	[tilespmem:v16+s30+$0x0] =	vst.idx.msk $0xffff, v2  }
0x18c: {  	v2 =	vld [tilespmem:$0x6D10];
	_ =	sdelay $0x4  }
0x18d: {  	v2 =	vmul.f32 v2, v3;
	_ =	sdelay $0x1  }
0x18e: {  	[tilespmem:v17+s30+$0x0] =	vst.idx.msk $0xffff, v2  }
0x18f: {  	v2 =	vld [tilespmem:$0x6D20];
	_ =	sdelay $0x4  }
0x190: {  	v2 =	vmul.f32 v2, v3;
	_ =	sdelay $0x1  }
0x191: {  	[tilespmem:v18+s30+$0x0] =	vst.idx.msk $0xffff, v2  }
0x192: {  	v2 =	vld [tilespmem:$0x6D30];
	_ =	sdelay $0x4  }
0x193: {  	v2 =	vmul.f32 v2, v3;
	_ =	sdelay $0x1  }
0x194: {  	[tilespmem:v19+s30+$0x0] =	vst.idx.msk $0xffff, v2  }
0x195: {  	v2 =	vld [tilespmem:$0x6D40];
	_ =	sdelay $0x2  }
0x196: {  	v3 =	vbroadcast v1, $0x5;
	_ =	sdelay $0x1  }
0x197: {  	v2 =	vmul.f32 v2, v3;
	_ =	sdelay $0x1  }
0x198: {  	[tilespmem:v20+s30+$0x0] =	vst.idx.msk $0xffff, v2  }
0x199: {  	v2 =	vld [tilespmem:$0x6D50];
	_ =	sdelay $0x4  }
0x19a: {  	v2 =	vmul.f32 v2, v3;
	_ =	sdelay $0x1  }
0x19b: {  	[tilespmem:v21+s30+$0x0] =	vst.idx.msk $0xffff, v2  }
0x19c: {  	v2 =	vld [tilespmem:$0x6D60];
	_ =	sdelay $0x4  }
0x19d: {  	v2 =	vmul.f32 v2, v3;
	_ =	sdelay $0x1  }
0x19e: {  	[tilespmem:v22+s30+$0x0] =	vst.idx.msk $0xffff, v2  }
0x19f: {  	v2 =	vld [tilespmem:$0x6D70];
	_ =	sdelay $0x4  }
0x1a0: {  	v2 =	vmul.f32 v2, v3;
	_ =	sdelay $0x1  }
0x1a1: {  	[tilespmem:v23+s30+$0x0] =	vst.idx.msk $0xffff, v2  }
0x1a2: {  	v2 =	vld [tilespmem:$0x6D80];
	_ =	sdelay $0x2  }
0x1a3: {  	v3 =	vbroadcast v1, $0x6;
	_ =	sdelay $0x1  }
0x1a4: {  	v2 =	vmul.f32 v2, v3;
	_ =	sdelay $0x1  }
0x1a5: {  	[tilespmem:v24+s30+$0x0] =	vst.idx.msk $0xffff, v2  }
0x1a6: {  	v2 =	vld [tilespmem:$0x6D90];
	_ =	sdelay $0x4  }
0x1a7: {  	v2 =	vmul.f32 v2, v3;
	_ =	sdelay $0x1  }
0x1a8: {  	[tilespmem:v25+s30+$0x0] =	vst.idx.msk $0xffff, v2  }
0x1a9: {  	v2 =	vld [tilespmem:$0x6DA0];
	_ =	sdelay $0x4  }
0x1aa: {  	v2 =	vmul.f32 v2, v3;
	_ =	sdelay $0x1  }
0x1ab: {  	[tilespmem:v26+s30+$0x0] =	vst.idx.msk $0xffff, v2  }
0x1ac: {  	v2 =	vld [tilespmem:$0x6DB0];
	_ =	sdelay $0x4  }
0x1ad: {  	v2 =	vmul.f32 v2, v3;
	_ =	sdelay $0x1  }
0x1ae: {  	[tilespmem:v27+s30+$0x0] =	vst.idx.msk $0xffff, v2  }
0x1af: {  	v2 =	vld [tilespmem:$0x6DC0];
	_ =	sdelay $0x2  }
0x1b0: {  	v3 =	vbroadcast v1, $0x7;
	_ =	sdelay $0x1  }
0x1b1: {  	v2 =	vmul.f32 v2, v3;
	_ =	sdelay $0x1  }
0x1b2: {  	[tilespmem:v28+s30+$0x0] =	vst.idx.msk $0xffff, v2  }
0x1b3: {  	v2 =	vld [tilespmem:$0x6DD0];
	_ =	sdelay $0x4  }
0x1b4: {  	v2 =	vmul.f32 v2, v3;
	_ =	sdelay $0x1  }
0x1b5: {  	[tilespmem:v29+s30+$0x0] =	vst.idx.msk $0xffff, v2  }
0x1b6: {  	v2 =	vld [tilespmem:$0x6DE0];
	_ =	sdelay $0x4  }
0x1b7: {  	v2 =	vmul.f32 v2, v3;
	_ =	sdelay $0x1  }
0x1b8: {  	[tilespmem:v30+s30+$0x0] =	vst.idx.msk $0xffff, v2  }
0x1b9: {  	v2 =	vld [tilespmem:$0x6DF0];
	_ =	sdelay $0x4  }
0x1ba: {  	v2 =	vmul.f32 v2, v3;
	_ =	sdelay $0x1  }
0x1bb: {  	[tilespmem:v31+s30+$0x0] =	vst.idx.msk $0xffff, v2  }
0x1bc: {  	v2 =	vld [tilespmem:$0x6E00];
	_ =	sdelay $0x2  }
0x1bd: {  	v3 =	vbroadcast v1, $0x8;
	_ =	sdelay $0x1  }
0x1be: {  	v2 =	vmul.f32 v2, v3;
	_ =	sdelay $0x1  }
0x1bf: {  	[tilespmem:v32+s30+$0x0] =	vst.idx.msk $0xffff, v2  }
0x1c0: {  	v2 =	vld [tilespmem:$0x6E10];
	_ =	sdelay $0x4  }
0x1c1: {  	v2 =	vmul.f32 v2, v3;
	_ =	sdelay $0x1  }
0x1c2: {  	[tilespmem:v33+s30+$0x0] =	vst.idx.msk $0xffff, v2  }
0x1c3: {  	v2 =	vld [tilespmem:$0x6E20];
	_ =	sdelay $0x4  }
0x1c4: {  	v2 =	vmul.f32 v2, v3;
	_ =	sdelay $0x1  }
0x1c5: {  	[tilespmem:v34+s30+$0x0] =	vst.idx.msk $0xffff, v2  }
0x1c6: {  	v2 =	vld [tilespmem:$0x6E30];
	_ =	sdelay $0x4  }
0x1c7: {  	v2 =	vmul.f32 v2, v3;
	_ =	sdelay $0x1  }
0x1c8: {  	[tilespmem:v35+s30+$0x0] =	vst.idx.msk $0xffff, v2  }
0x1c9: {  	v2 =	vld [tilespmem:$0x6E40];
	_ =	sdelay $0x2  }
0x1ca: {  	v3 =	vbroadcast v1, $0x9;
	_ =	sdelay $0x1  }
0x1cb: {  	v2 =	vmul.f32 v2, v3;
	_ =	sdelay $0x1  }
0x1cc: {  	[tilespmem:v36+s30+$0x0] =	vst.idx.msk $0xffff, v2  }
0x1cd: {  	v2 =	vld [tilespmem:$0x6E50];
	_ =	sdelay $0x4  }
0x1ce: {  	v2 =	vmul.f32 v2, v3;
	_ =	sdelay $0x1  }
0x1cf: {  	[tilespmem:v37+s30+$0x0] =	vst.idx.msk $0xffff, v2  }
0x1d0: {  	v2 =	vld [tilespmem:$0x6E60];
	_ =	sdelay $0x4  }
0x1d1: {  	v2 =	vmul.f32 v2, v3;
	_ =	sdelay $0x1  }
0x1d2: {  	[tilespmem:v38+s30+$0x0] =	vst.idx.msk $0xffff, v2  }
0x1d3: {  	v2 =	vld [tilespmem:$0x6E70];
	_ =	sdelay $0x4  }
0x1d4: {  	v2 =	vmul.f32 v2, v3;
	_ =	sdelay $0x1  }
0x1d5: {  	[tilespmem:v39+s30+$0x0] =	vst.idx.msk $0xffff, v2  }
0x1d6: {  	v2 =	vld [tilespmem:$0x6E80];
	_ =	sdelay $0x2  }
0x1d7: {  	v3 =	vbroadcast v1, $0xA;
	_ =	sdelay $0x1  }
0x1d8: {  	v2 =	vmul.f32 v2, v3;
	_ =	sdelay $0x1  }
0x1d9: {  	[tilespmem:v40+s30+$0x0] =	vst.idx.msk $0xffff, v2  }
0x1da: {  	v2 =	vld [tilespmem:$0x6E90];
	_ =	sdelay $0x4  }
0x1db: {  	v2 =	vmul.f32 v2, v3;
	_ =	sdelay $0x1  }
0x1dc: {  	[tilespmem:v41+s30+$0x0] =	vst.idx.msk $0xffff, v2  }
0x1dd: {  	v2 =	vld [tilespmem:$0x6EA0];
	_ =	sdelay $0x4  }
0x1de: {  	v2 =	vmul.f32 v2, v3;
	_ =	sdelay $0x1  }
0x1df: {  	[tilespmem:v42+s30+$0x0] =	vst.idx.msk $0xffff, v2  }
0x1e0: {  	v2 =	vld [tilespmem:$0x6EB0];
	_ =	sdelay $0x4  }
0x1e1: {  	v2 =	vmul.f32 v2, v3;
	_ =	sdelay $0x1  }
0x1e2: {  	[tilespmem:v43+s30+$0x0] =	vst.idx.msk $0xffff, v2  }
0x1e3: {  	v2 =	vld [tilespmem:$0x6EC0];
	_ =	sdelay $0x2  }
0x1e4: {  	v3 =	vbroadcast v1, $0xB;
	_ =	sdelay $0x1  }
0x1e5: {  	v2 =	vmul.f32 v2, v3;
	_ =	sdelay $0x1  }
0x1e6: {  	[tilespmem:v44+s30+$0x0] =	vst.idx.msk $0xffff, v2  }
0x1e7: {  	v2 =	vld [tilespmem:$0x6ED0];
	_ =	sdelay $0x4  }
0x1e8: {  	v2 =	vmul.f32 v2, v3;
	_ =	sdelay $0x1  }
0x1e9: {  	[tilespmem:v45+s30+$0x0] =	vst.idx.msk $0xffff, v2  }
0x1ea: {  	v2 =	vld [tilespmem:$0x6EE0];
	_ =	sdelay $0x4  }
0x1eb: {  	v2 =	vmul.f32 v2, v3;
	_ =	sdelay $0x1  }
0x1ec: {  	[tilespmem:v46+s30+$0x0] =	vst.idx.msk $0xffff, v2  }
0x1ed: {  	v2 =	vld [tilespmem:$0x6EF0];
	_ =	sdelay $0x4  }
0x1ee: {  	v2 =	vmul.f32 v2, v3;
	_ =	sdelay $0x1  }
0x1ef: {  	[tilespmem:v47+s30+$0x0] =	vst.idx.msk $0xffff, v2  }
0x1f0: {  	v2 =	vld [tilespmem:$0x6F00];
	_ =	sdelay $0x2  }
0x1f1: {  	v3 =	vbroadcast v1, $0xC;
	_ =	sdelay $0x1  }
0x1f2: {  	v2 =	vmul.f32 v2, v3;
	_ =	sdelay $0x1  }
0x1f3: {  	[tilespmem:v48+s30+$0x0] =	vst.idx.msk $0xffff, v2  }
0x1f4: {  	v2 =	vld [tilespmem:$0x6F10];
	_ =	sdelay $0x4  }
0x1f5: {  	v2 =	vmul.f32 v2, v3;
	_ =	sdelay $0x1  }
0x1f6: {  	[tilespmem:v49+s30+$0x0] =	vst.idx.msk $0xffff, v2  }
0x1f7: {  	v2 =	vld [tilespmem:$0x6F20];
	_ =	sdelay $0x4  }
0x1f8: {  	v2 =	vmul.f32 v2, v3;
	_ =	sdelay $0x1  }
0x1f9: {  	[tilespmem:v50+s30+$0x0] =	vst.idx.msk $0xffff, v2  }
0x1fa: {  	v2 =	vld [tilespmem:$0x6F30];
	_ =	sdelay $0x4  }
0x1fb: {  	v2 =	vmul.f32 v2, v3;
	_ =	sdelay $0x1  }
0x1fc: {  	[tilespmem:v51+s30+$0x0] =	vst.idx.msk $0xffff, v2  }
0x1fd: {  	v2 =	vld [tilespmem:$0x6F40];
	_ =	sdelay $0x2  }
0x1fe: {  	v3 =	vbroadcast v1, $0xD;
	_ =	sdelay $0x1  }
0x1ff: {  	v2 =	vmul.f32 v2, v3;
	_ =	sdelay $0x1  }
0x200: {  	[tilespmem:v52+s30+$0x0] =	vst.idx.msk $0xffff, v2  }
0x201: {  	v2 =	vld [tilespmem:$0x6F50];
	_ =	sdelay $0x4  }
0x202: {  	v2 =	vmul.f32 v2, v3;
	_ =	sdelay $0x1  }
0x203: {  	[tilespmem:v53+s30+$0x0] =	vst.idx.msk $0xffff, v2  }
0x204: {  	v2 =	vld [tilespmem:$0x6F60];
	_ =	sdelay $0x4  }
0x205: {  	v2 =	vmul.f32 v2, v3;
	_ =	sdelay $0x1  }
0x206: {  	[tilespmem:v54+s30+$0x0] =	vst.idx.msk $0xffff, v2  }
0x207: {  	v2 =	vld [tilespmem:$0x6F70];
	_ =	sdelay $0x4  }
0x208: {  	v2 =	vmul.f32 v2, v3;
	_ =	sdelay $0x1  }
0x209: {  	[tilespmem:v55+s30+$0x0] =	vst.idx.msk $0xffff, v2  }
0x20a: {  	v2 =	vld [tilespmem:$0x6F80];
	_ =	sdelay $0x2  }
0x20b: {  	v3 =	vbroadcast v1, $0xE;
	_ =	sdelay $0x1  }
0x20c: {  	v2 =	vmul.f32 v2, v3;
	_ =	sdelay $0x1  }
0x20d: {  	[tilespmem:v56+s30+$0x0] =	vst.idx.msk $0xffff, v2  }
0x20e: {  	v2 =	vld [tilespmem:$0x6F90];
	_ =	sdelay $0x4  }
0x20f: {  	v2 =	vmul.f32 v2, v3;
	_ =	sdelay $0x1  }
0x210: {  	[tilespmem:v57+s30+$0x0] =	vst.idx.msk $0xffff, v2  }
0x211: {  	v2 =	vld [tilespmem:$0x6FA0];
	_ =	sdelay $0x4  }
0x212: {  	v2 =	vmul.f32 v2, v3;
	_ =	sdelay $0x1  }
0x213: {  	[tilespmem:v58+s30+$0x0] =	vst.idx.msk $0xffff, v2  }
0x214: {  	v2 =	vld [tilespmem:$0x6FB0];
	_ =	sdelay $0x4  }
0x215: {  	v2 =	vmul.f32 v2, v3;
	_ =	sdelay $0x1  }
0x216: {  	[tilespmem:v59+s30+$0x0] =	vst.idx.msk $0xffff, v2  }
0x217: {  	v2 =	vld [tilespmem:$0x6FC0];
	_ =	sdelay $0x2  }
0x218: {  	v1 =	vbroadcast v1, $0xF;
	_ =	sdelay $0x1  }
0x219: {  	v2 =	vmul.f32 v2, v1;
	_ =	sdelay $0x1  }
0x21a: {  	[tilespmem:v60+s30+$0x0] =	vst.idx.msk $0xffff, v2  }
0x21b: {  	v2 =	vld [tilespmem:$0x6FD0];
	_ =	sdelay $0x4  }
0x21c: {  	v2 =	vmul.f32 v2, v1;
	_ =	sdelay $0x1  }
0x21d: {  	[tilespmem:v61+s30+$0x0] =	vst.idx.msk $0xffff, v2  }
0x21e: {  	v2 =	vld [tilespmem:$0x6FE0];
	_ =	sdelay $0x4  }
0x21f: {  	v2 =	vmul.f32 v2, v1;
	_ =	sdelay $0x1  }
0x220: {  	[tilespmem:v62+s30+$0x0] =	vst.idx.msk $0xffff, v2  }
0x221: {  	v2 =	vld [tilespmem:$0x6FF0];
	_ =	sdelay $0x4  }
0x222: {  	v1 =	vmul.f32 v2, v1;
	_ =	sdelay $0x1  }
0x223: {  	[tilespmem:v63+s30+$0x0] =	vst.idx.msk $0xffff, v1  }
0x224: {  	_ =	swait.ge [sflag:s25], $0x180  }
0x225: {  	s9 =	simm.s32 $0x600;
	[sflag:s25] =	ssyncset.done $0x0  }
0x226: {  	s10 =	simm.s32 $0x6C00;
	s24 =	rddreg [dreg:$0xc];
	[sflag:s25] =	ssyncadd.s32 $0xFFFFFE80  }
0x227: {  	[tilespmem:s10], [sflag:$0x2] =	stream.indirect.gather [hbm4b:s6+s12], $0x40, s9, s12, $0xb8;
	[tilespmem:$0x1F000] =	vst v63  }
0x228: {  	s23 =	simm.s32 $0x680;
	s10 =	simm.s32 $0x8C00;
	s9 =	sadd.s32 s20, s24  }
0x229: {  	[tilespmem:s10], [sflag:$0x2] =	stream.indirect.gather [hbm4b:s6+s12], $0x40, s23, s12, $0xb8;
	[tilespmem:$0x1F000] =	vst v63  }
0x22a: {  	s24 =	smul.u32 $0x180, s9;
	s10 =	simm.s32 $0xAC00;
	s23 =	simm.s32 $0x700  }
0x22b: {  	[tilespmem:s10], [sflag:$0x2] =	stream.indirect.gather [hbm4b:s6+s12], $0x40, s23, s12, $0xb8;
	[tilespmem:$0x1F000] =	vst v63  }
0x22c: {  	s23 =	sadd.s32 s3, s24;
	s10 =	rddreg [dreg:$0xb]  }
0x22d: {  	s9 =	simm.s32 $0x0;
	s28 =	sadd.s32 s20, s10;
	s23 =	sshrl.u32 s23, $0x3  }
0x22e: {  	s10 =	simm.s32 $0xA80;
	s23 =	sadd.s32 s5, s23;
	s28 =	smul.u32 $0x180, s28  }
0x22f: {  	[tilespmem:s10], [sflag:$0xD] =	stream.linear.gather [hbm4b:s23+s9], $0x180, $0x38;
	[tilespmem:$0x1F000] =	vst v63  }
0x230: {  	s23 =	sadd.s32 s18, s28  }
0x231: {  	s9 =	sshrl.u32 s23, $0x3  }
0x232: {  	s10 =	simm.s32 $0x18E00;
	s28 =	simm.s32 $0x620;
	s23 =	sadd.s32 s7, s9  }
0x233: {  	[hbm4b:s23+s2] =	stream.linear.scatter [tilespmem:s10], [sflag:$0x5], $0x180, $0x38;
	[tilespmem:$0x1F000] =	vst v63  }
.LBB2_8:
0x234: {  	p1 =	sne.s32 s28, $0x181E0  }
.Ltmp3:
0x235: {  	_ = 	snop;
	(pc) =	sbr.rel @p1 .LBB2_8-.Ltmp3, $4  }
0x236: {  	_ = 	snop  }
0x237: {  	s9 =	sshra.s32 s28, $0x2;
	s28 =	sadd.s32 $0x620, s28  }
0x238: {  	s23 =	sadd.s32 $0x4800, s23;
	s9 =	sadd.s32 $0x18E00, s9  }
0x239: {  	[hbm4b:s23+s2] =	stream.linear.scatter [tilespmem:s9], [sflag:$0x5], $0x180, $0x38;
	[tilespmem:$0x1F000] =	vst v63  }
0x23a: {  	_ =	swait.ge [sflag:s29], $0x2000  }
0x23b: {  	[sflag:s29] =	ssyncset.done $0x0  }
0x23c: {  	[sflag:s29] =	ssyncadd.s32 $0xFFFFE000  }
0x23d: {  	_ =	swait.ge [sflag:s29], $0x2000  }
0x23e: {  	[sflag:s29] =	ssyncset.done $0x0  }
0x23f: {  	[sflag:s29] =	ssyncadd.s32 $0xFFFFE000  }
0x240: {  	_ =	swait.ge [sflag:s29], $0x2000  }
0x241: {  	s9 =	rddreg [dreg:$0xd]  }
0x242: {  	s9 =	sadd.s32 @!p0 s20, s9  }
0x243: {  	[sflag:s29] =	ssyncset.done $0x0;
	s9 =	smul.u32 @!p0 $0x180, s9  }
0x244: {  	[sflag:s29] =	ssyncadd.s32 $0xFFFFE000  }
0x245: {  	_ =	swait.ge [sflag:s1], $0x180;
	s9 =	sadd.s32 @!p0 s3, s9  }
0x246: {  	s23 =	simm.s32 @!p0 $0x0;
	[sflag:s1] =	ssyncset.done $0x0;
	s9 =	sshrl.u32 @!p0 s9, $0x3  }
0x247: {  	s28 =	simm.s32 @!p0 $0x300;
	[sflag:s1] =	ssyncadd.s32 $0xFFFFFE80;
	s9 =	sadd.s32 @!p0 s4, s9  }
0x248: {  	[tilespmem:s28], [sflag:$0x8] =	stream.linear.gather @!p0 [hbm4b:s9+s23], $0x180, $0x38;
	[tilespmem:$0x1F000] =	vst v63  }
0x249: {  	_ =	swait.ge [sflag:s11], $0x6000  }
0x24a: {  	[sflag:s11] =	ssyncset.done $0x0  }
0x24b: {  	[sflag:s11] =	ssyncadd.s32 $0xFFFFA000  }
0x24c: {  	v1 =	vld [tilespmem:$0x900];
	_ =	sdelay $0x1  }
0x24d: {  	v2 =	vld [tilespmem:$0xCC00];
	_ =	sdelay $0x2  }
0x24e: {  	v3 =	vbroadcast v1, $0x0;
	_ =	sdelay $0x1  }
0x24f: {  	v2 =	vmul.f32 v3, v2;
	_ =	sdelay $0x1  }
0x250: {  	v4 =	vld [tilespmem:$0x1FFC0];
	[tilespmem:v0+s13+$0x0] =	vst.idx.msk $0xffff, v2  }
0x251: {  	v2 =	vld [tilespmem:$0xCC10];
	_ =	sdelay $0x4  }
0x252: {  	v2 =	vmul.f32 v2, v3;
	_ =	sdelay $0x1  }
0x253: {  	[tilespmem:v4+s13+$0x0] =	vst.idx.msk $0xffff, v2;
	v4 =	vld [tilespmem:$0x1FFD0]  }
0x254: {  	v2 =	vld [tilespmem:$0xCC20];
	_ =	sdelay $0x4  }
0x255: {  	v2 =	vmul.f32 v2, v3;
	_ =	sdelay $0x1  }
0x256: {  	[tilespmem:v4+s13+$0x0] =	vst.idx.msk $0xffff, v2  }
0x257: {  	v2 =	vld [tilespmem:$0xCC30];
	_ =	sdelay $0x4  }
0x258: {  	v2 =	vmul.f32 v2, v3;
	v3 =	vld [tilespmem:$0x1FFE0];
	_ =	sdelay $0x7  }
0x259: {  	v4 =	vld [tilespmem:$0x1FFF0];
	[tilespmem:v3+s13+$0x0] =	vst.idx.msk $0xffff, v2  }
0x25a: {  	v2 =	vld [tilespmem:$0xCC40];
	_ =	sdelay $0x2  }
0x25b: {  	v3 =	vbroadcast v1, $0x1;
	_ =	sdelay $0x1  }
0x25c: {  	v2 =	vmul.f32 v2, v3;
	_ =	sdelay $0x1  }
0x25d: {  	[tilespmem:v4+s13+$0x0] =	vst.idx.msk $0xffff, v2  }
0x25e: {  	v2 =	vld [tilespmem:$0xCC50];
	_ =	sdelay $0x4  }
0x25f: {  	v2 =	vmul.f32 v2, v3;
	_ =	sdelay $0x1  }
0x260: {  	[tilespmem:v5+s13+$0x0] =	vst.idx.msk $0xffff, v2  }
0x261: {  	v2 =	vld [tilespmem:$0xCC60];
	_ =	sdelay $0x4  }
0x262: {  	v2 =	vmul.f32 v2, v3;
	_ =	sdelay $0x1  }
0x263: {  	[tilespmem:v6+s13+$0x0] =	vst.idx.msk $0xffff, v2  }
0x264: {  	v2 =	vld [tilespmem:$0xCC70];
	_ =	sdelay $0x4  }
0x265: {  	v2 =	vmul.f32 v2, v3;
	_ =	sdelay $0x1  }
0x266: {  	[tilespmem:v7+s13+$0x0] =	vst.idx.msk $0xffff, v2  }
0x267: {  	v2 =	vld [tilespmem:$0xCC80];
	_ =	sdelay $0x2  }
0x268: {  	v3 =	vbroadcast v1, $0x2;
	_ =	sdelay $0x1  }
0x269: {  	v2 =	vmul.f32 v2, v3;
	_ =	sdelay $0x1  }
0x26a: {  	[tilespmem:v8+s13+$0x0] =	vst.idx.msk $0xffff, v2  }
0x26b: {  	v2 =	vld [tilespmem:$0xCC90];
	_ =	sdelay $0x4  }
0x26c: {  	v2 =	vmul.f32 v2, v3;
	_ =	sdelay $0x1  }
0x26d: {  	[tilespmem:v9+s13+$0x0] =	vst.idx.msk $0xffff, v2  }
0x26e: {  	v2 =	vld [tilespmem:$0xCCA0];
	_ =	sdelay $0x4  }
0x26f: {  	v2 =	vmul.f32 v2, v3;
	_ =	sdelay $0x1  }
0x270: {  	[tilespmem:v10+s13+$0x0] =	vst.idx.msk $0xffff, v2  }
0x271: {  	v2 =	vld [tilespmem:$0xCCB0];
	_ =	sdelay $0x4  }
0x272: {  	v2 =	vmul.f32 v2, v3;
	_ =	sdelay $0x1  }
0x273: {  	[tilespmem:v11+s13+$0x0] =	vst.idx.msk $0xffff, v2  }
0x274: {  	v2 =	vld [tilespmem:$0xCCC0];
	_ =	sdelay $0x2  }
0x275: {  	v3 =	vbroadcast v1, $0x3;
	_ =	sdelay $0x1  }
0x276: {  	v2 =	vmul.f32 v2, v3;
	_ =	sdelay $0x1  }
0x277: {  	[tilespmem:v12+s13+$0x0] =	vst.idx.msk $0xffff, v2  }
0x278: {  	v2 =	vld [tilespmem:$0xCCD0];
	_ =	sdelay $0x4  }
0x279: {  	v2 =	vmul.f32 v2, v3;
	_ =	sdelay $0x1  }
0x27a: {  	[tilespmem:v13+s13+$0x0] =	vst.idx.msk $0xffff, v2  }
0x27b: {  	v2 =	vld [tilespmem:$0xCCE0];
	_ =	sdelay $0x4  }
0x27c: {  	v2 =	vmul.f32 v2, v3;
	_ =	sdelay $0x1  }
0x27d: {  	[tilespmem:v14+s13+$0x0] =	vst.idx.msk $0xffff, v2  }
0x27e: {  	v2 =	vld [tilespmem:$0xCCF0];
	_ =	sdelay $0x4  }
0x27f: {  	v2 =	vmul.f32 v2, v3;
	_ =	sdelay $0x1  }
0x280: {  	[tilespmem:v15+s13+$0x0] =	vst.idx.msk $0xffff, v2  }
0x281: {  	v2 =	vld [tilespmem:$0xCD00];
	_ =	sdelay $0x2  }
0x282: {  	v3 =	vbroadcast v1, $0x4;
	_ =	sdelay $0x1  }
0x283: {  	v2 =	vmul.f32 v2, v3;
	_ =	sdelay $0x1  }
0x284: {  	[tilespmem:v16+s13+$0x0] =	vst.idx.msk $0xffff, v2  }
0x285: {  	v2 =	vld [tilespmem:$0xCD10];
	_ =	sdelay $0x4  }
0x286: {  	v2 =	vmul.f32 v2, v3;
	_ =	sdelay $0x1  }
0x287: {  	[tilespmem:v17+s13+$0x0] =	vst.idx.msk $0xffff, v2  }
0x288: {  	v2 =	vld [tilespmem:$0xCD20];
	_ =	sdelay $0x4  }
0x289: {  	v2 =	vmul.f32 v2, v3;
	_ =	sdelay $0x1  }
0x28a: {  	[tilespmem:v18+s13+$0x0] =	vst.idx.msk $0xffff, v2  }
0x28b: {  	v2 =	vld [tilespmem:$0xCD30];
	_ =	sdelay $0x4  }
0x28c: {  	v2 =	vmul.f32 v2, v3;
	_ =	sdelay $0x1  }
0x28d: {  	[tilespmem:v19+s13+$0x0] =	vst.idx.msk $0xffff, v2  }
0x28e: {  	v2 =	vld [tilespmem:$0xCD40];
	_ =	sdelay $0x2  }
0x28f: {  	v3 =	vbroadcast v1, $0x5;
	_ =	sdelay $0x1  }
0x290: {  	v2 =	vmul.f32 v2, v3;
	_ =	sdelay $0x1  }
0x291: {  	[tilespmem:v20+s13+$0x0] =	vst.idx.msk $0xffff, v2  }
0x292: {  	v2 =	vld [tilespmem:$0xCD50];
	_ =	sdelay $0x4  }
0x293: {  	v2 =	vmul.f32 v2, v3;
	_ =	sdelay $0x1  }
0x294: {  	[tilespmem:v21+s13+$0x0] =	vst.idx.msk $0xffff, v2  }
0x295: {  	v2 =	vld [tilespmem:$0xCD60];
	_ =	sdelay $0x4  }
0x296: {  	v2 =	vmul.f32 v2, v3;
	_ =	sdelay $0x1  }
0x297: {  	[tilespmem:v22+s13+$0x0] =	vst.idx.msk $0xffff, v2  }
0x298: {  	v2 =	vld [tilespmem:$0xCD70];
	_ =	sdelay $0x4  }
0x299: {  	v2 =	vmul.f32 v2, v3;
	_ =	sdelay $0x1  }
0x29a: {  	[tilespmem:v23+s13+$0x0] =	vst.idx.msk $0xffff, v2  }
0x29b: {  	v2 =	vld [tilespmem:$0xCD80];
	_ =	sdelay $0x2  }
0x29c: {  	v3 =	vbroadcast v1, $0x6;
	_ =	sdelay $0x1  }
0x29d: {  	v2 =	vmul.f32 v2, v3;
	_ =	sdelay $0x1  }
0x29e: {  	[tilespmem:v24+s13+$0x0] =	vst.idx.msk $0xffff, v2  }
0x29f: {  	v2 =	vld [tilespmem:$0xCD90];
	_ =	sdelay $0x4  }
0x2a0: {  	v2 =	vmul.f32 v2, v3;
	_ =	sdelay $0x1  }
0x2a1: {  	[tilespmem:v25+s13+$0x0] =	vst.idx.msk $0xffff, v2  }
0x2a2: {  	v2 =	vld [tilespmem:$0xCDA0];
	_ =	sdelay $0x4  }
0x2a3: {  	v2 =	vmul.f32 v2, v3;
	_ =	sdelay $0x1  }
0x2a4: {  	[tilespmem:v26+s13+$0x0] =	vst.idx.msk $0xffff, v2  }
0x2a5: {  	v2 =	vld [tilespmem:$0xCDB0];
	_ =	sdelay $0x4  }
0x2a6: {  	v2 =	vmul.f32 v2, v3;
	_ =	sdelay $0x1  }
0x2a7: {  	[tilespmem:v27+s13+$0x0] =	vst.idx.msk $0xffff, v2  }
0x2a8: {  	v2 =	vld [tilespmem:$0xCDC0];
	_ =	sdelay $0x2  }
0x2a9: {  	v3 =	vbroadcast v1, $0x7;
	_ =	sdelay $0x1  }
0x2aa: {  	v2 =	vmul.f32 v2, v3;
	_ =	sdelay $0x1  }
0x2ab: {  	[tilespmem:v28+s13+$0x0] =	vst.idx.msk $0xffff, v2  }
0x2ac: {  	v2 =	vld [tilespmem:$0xCDD0];
	_ =	sdelay $0x4  }
0x2ad: {  	v2 =	vmul.f32 v2, v3;
	_ =	sdelay $0x1  }
0x2ae: {  	[tilespmem:v29+s13+$0x0] =	vst.idx.msk $0xffff, v2  }
0x2af: {  	v2 =	vld [tilespmem:$0xCDE0];
	_ =	sdelay $0x4  }
0x2b0: {  	v2 =	vmul.f32 v2, v3;
	_ =	sdelay $0x1  }
0x2b1: {  	[tilespmem:v30+s13+$0x0] =	vst.idx.msk $0xffff, v2  }
0x2b2: {  	v2 =	vld [tilespmem:$0xCDF0];
	_ =	sdelay $0x4  }
0x2b3: {  	v2 =	vmul.f32 v2, v3;
	_ =	sdelay $0x1  }
0x2b4: {  	[tilespmem:v31+s13+$0x0] =	vst.idx.msk $0xffff, v2  }
0x2b5: {  	v2 =	vld [tilespmem:$0xCE00];
	_ =	sdelay $0x2  }
0x2b6: {  	v3 =	vbroadcast v1, $0x8;
	_ =	sdelay $0x1  }
0x2b7: {  	v2 =	vmul.f32 v2, v3;
	_ =	sdelay $0x1  }
0x2b8: {  	[tilespmem:v32+s13+$0x0] =	vst.idx.msk $0xffff, v2  }
0x2b9: {  	v2 =	vld [tilespmem:$0xCE10];
	_ =	sdelay $0x4  }
0x2ba: {  	v2 =	vmul.f32 v2, v3;
	_ =	sdelay $0x1  }
0x2bb: {  	[tilespmem:v33+s13+$0x0] =	vst.idx.msk $0xffff, v2  }
0x2bc: {  	v2 =	vld [tilespmem:$0xCE20];
	_ =	sdelay $0x4  }
0x2bd: {  	v2 =	vmul.f32 v2, v3;
	_ =	sdelay $0x1  }
0x2be: {  	[tilespmem:v34+s13+$0x0] =	vst.idx.msk $0xffff, v2  }
0x2bf: {  	v2 =	vld [tilespmem:$0xCE30];
	_ =	sdelay $0x4  }
0x2c0: {  	v2 =	vmul.f32 v2, v3;
	_ =	sdelay $0x1  }
0x2c1: {  	[tilespmem:v35+s13+$0x0] =	vst.idx.msk $0xffff, v2  }
0x2c2: {  	v2 =	vld [tilespmem:$0xCE40];
	_ =	sdelay $0x2  }
0x2c3: {  	v3 =	vbroadcast v1, $0x9;
	_ =	sdelay $0x1  }
0x2c4: {  	v2 =	vmul.f32 v2, v3;
	_ =	sdelay $0x1  }
0x2c5: {  	[tilespmem:v36+s13+$0x0] =	vst.idx.msk $0xffff, v2  }
0x2c6: {  	v2 =	vld [tilespmem:$0xCE50];
	_ =	sdelay $0x4  }
0x2c7: {  	v2 =	vmul.f32 v2, v3;
	_ =	sdelay $0x1  }
0x2c8: {  	[tilespmem:v37+s13+$0x0] =	vst.idx.msk $0xffff, v2  }
0x2c9: {  	v2 =	vld [tilespmem:$0xCE60];
	_ =	sdelay $0x4  }
0x2ca: {  	v2 =	vmul.f32 v2, v3;
	_ =	sdelay $0x1  }
0x2cb: {  	[tilespmem:v38+s13+$0x0] =	vst.idx.msk $0xffff, v2  }
0x2cc: {  	v2 =	vld [tilespmem:$0xCE70];
	_ =	sdelay $0x4  }
0x2cd: {  	v2 =	vmul.f32 v2, v3;
	_ =	sdelay $0x1  }
0x2ce: {  	[tilespmem:v39+s13+$0x0] =	vst.idx.msk $0xffff, v2  }
0x2cf: {  	v2 =	vld [tilespmem:$0xCE80];
	_ =	sdelay $0x2  }
0x2d0: {  	v3 =	vbroadcast v1, $0xA;
	_ =	sdelay $0x1  }
0x2d1: {  	v2 =	vmul.f32 v2, v3;
	_ =	sdelay $0x1  }
0x2d2: {  	[tilespmem:v40+s13+$0x0] =	vst.idx.msk $0xffff, v2  }
0x2d3: {  	v2 =	vld [tilespmem:$0xCE90];
	_ =	sdelay $0x4  }
0x2d4: {  	v2 =	vmul.f32 v2, v3;
	_ =	sdelay $0x1  }
0x2d5: {  	[tilespmem:v41+s13+$0x0] =	vst.idx.msk $0xffff, v2  }
0x2d6: {  	v2 =	vld [tilespmem:$0xCEA0];
	_ =	sdelay $0x4  }
0x2d7: {  	v2 =	vmul.f32 v2, v3;
	_ =	sdelay $0x1  }
0x2d8: {  	[tilespmem:v42+s13+$0x0] =	vst.idx.msk $0xffff, v2  }
0x2d9: {  	v2 =	vld [tilespmem:$0xCEB0];
	_ =	sdelay $0x4  }
0x2da: {  	v2 =	vmul.f32 v2, v3;
	_ =	sdelay $0x1  }
0x2db: {  	[tilespmem:v43+s13+$0x0] =	vst.idx.msk $0xffff, v2  }
0x2dc: {  	v2 =	vld [tilespmem:$0xCEC0];
	_ =	sdelay $0x2  }
0x2dd: {  	v3 =	vbroadcast v1, $0xB;
	_ =	sdelay $0x1  }
0x2de: {  	v2 =	vmul.f32 v2, v3;
	_ =	sdelay $0x1  }
0x2df: {  	[tilespmem:v44+s13+$0x0] =	vst.idx.msk $0xffff, v2  }
0x2e0: {  	v2 =	vld [tilespmem:$0xCED0];
	_ =	sdelay $0x4  }
0x2e1: {  	v2 =	vmul.f32 v2, v3;
	_ =	sdelay $0x1  }
0x2e2: {  	[tilespmem:v45+s13+$0x0] =	vst.idx.msk $0xffff, v2  }
0x2e3: {  	v2 =	vld [tilespmem:$0xCEE0];
	_ =	sdelay $0x4  }
0x2e4: {  	v2 =	vmul.f32 v2, v3;
	_ =	sdelay $0x1  }
0x2e5: {  	[tilespmem:v46+s13+$0x0] =	vst.idx.msk $0xffff, v2  }
0x2e6: {  	v2 =	vld [tilespmem:$0xCEF0];
	_ =	sdelay $0x4  }
0x2e7: {  	v2 =	vmul.f32 v2, v3;
	_ =	sdelay $0x1  }
0x2e8: {  	[tilespmem:v47+s13+$0x0] =	vst.idx.msk $0xffff, v2  }
0x2e9: {  	v2 =	vld [tilespmem:$0xCF00];
	_ =	sdelay $0x2  }
0x2ea: {  	v3 =	vbroadcast v1, $0xC;
	_ =	sdelay $0x1  }
0x2eb: {  	v2 =	vmul.f32 v2, v3;
	_ =	sdelay $0x1  }
0x2ec: {  	[tilespmem:v48+s13+$0x0] =	vst.idx.msk $0xffff, v2  }
0x2ed: {  	v2 =	vld [tilespmem:$0xCF10];
	_ =	sdelay $0x4  }
0x2ee: {  	v2 =	vmul.f32 v2, v3;
	_ =	sdelay $0x1  }
0x2ef: {  	[tilespmem:v49+s13+$0x0] =	vst.idx.msk $0xffff, v2  }
0x2f0: {  	v2 =	vld [tilespmem:$0xCF20];
	_ =	sdelay $0x4  }
0x2f1: {  	v2 =	vmul.f32 v2, v3;
	_ =	sdelay $0x1  }
0x2f2: {  	[tilespmem:v50+s13+$0x0] =	vst.idx.msk $0xffff, v2  }
0x2f3: {  	v2 =	vld [tilespmem:$0xCF30];
	_ =	sdelay $0x4  }
0x2f4: {  	v2 =	vmul.f32 v2, v3;
	_ =	sdelay $0x1  }
0x2f5: {  	[tilespmem:v51+s13+$0x0] =	vst.idx.msk $0xffff, v2  }
0x2f6: {  	v2 =	vld [tilespmem:$0xCF40];
	_ =	sdelay $0x2  }
0x2f7: {  	v3 =	vbroadcast v1, $0xD;
	_ =	sdelay $0x1  }
0x2f8: {  	v2 =	vmul.f32 v2, v3;
	_ =	sdelay $0x1  }
0x2f9: {  	[tilespmem:v52+s13+$0x0] =	vst.idx.msk $0xffff, v2  }
0x2fa: {  	v2 =	vld [tilespmem:$0xCF50];
	_ =	sdelay $0x4  }
0x2fb: {  	v2 =	vmul.f32 v2, v3;
	_ =	sdelay $0x1  }
0x2fc: {  	[tilespmem:v53+s13+$0x0] =	vst.idx.msk $0xffff, v2  }
0x2fd: {  	v2 =	vld [tilespmem:$0xCF60];
	_ =	sdelay $0x4  }
0x2fe: {  	v2 =	vmul.f32 v2, v3;
	_ =	sdelay $0x1  }
0x2ff: {  	[tilespmem:v54+s13+$0x0] =	vst.idx.msk $0xffff, v2  }
0x300: {  	v2 =	vld [tilespmem:$0xCF70];
	_ =	sdelay $0x4  }
0x301: {  	v2 =	vmul.f32 v2, v3;
	_ =	sdelay $0x1  }
0x302: {  	[tilespmem:v55+s13+$0x0] =	vst.idx.msk $0xffff, v2  }
0x303: {  	v2 =	vld [tilespmem:$0xCF80];
	_ =	sdelay $0x2  }
0x304: {  	v3 =	vbroadcast v1, $0xE;
	_ =	sdelay $0x1  }
0x305: {  	v2 =	vmul.f32 v2, v3;
	_ =	sdelay $0x1  }
0x306: {  	[tilespmem:v56+s13+$0x0] =	vst.idx.msk $0xffff, v2  }
0x307: {  	v2 =	vld [tilespmem:$0xCF90];
	_ =	sdelay $0x4  }
0x308: {  	v2 =	vmul.f32 v2, v3;
	_ =	sdelay $0x1  }
0x309: {  	[tilespmem:v57+s13+$0x0] =	vst.idx.msk $0xffff, v2  }
0x30a: {  	v2 =	vld [tilespmem:$0xCFA0];
	_ =	sdelay $0x4  }
0x30b: {  	v2 =	vmul.f32 v2, v3;
	_ =	sdelay $0x1  }
0x30c: {  	[tilespmem:v58+s13+$0x0] =	vst.idx.msk $0xffff, v2  }
0x30d: {  	v2 =	vld [tilespmem:$0xCFB0];
	_ =	sdelay $0x4  }
0x30e: {  	v2 =	vmul.f32 v2, v3;
	_ =	sdelay $0x1  }
0x30f: {  	[tilespmem:v59+s13+$0x0] =	vst.idx.msk $0xffff, v2  }
0x310: {  	v2 =	vld [tilespmem:$0xCFC0];
	_ =	sdelay $0x2  }
0x311: {  	v1 =	vbroadcast v1, $0xF;
	_ =	sdelay $0x1  }
0x312: {  	v2 =	vmul.f32 v2, v1;
	_ =	sdelay $0x1  }
0x313: {  	[tilespmem:v60+s13+$0x0] =	vst.idx.msk $0xffff, v2  }
0x314: {  	v2 =	vld [tilespmem:$0xCFD0];
	_ =	sdelay $0x4  }
0x315: {  	v2 =	vmul.f32 v2, v1;
	_ =	sdelay $0x1  }
0x316: {  	[tilespmem:v61+s13+$0x0] =	vst.idx.msk $0xffff, v2  }
0x317: {  	v2 =	vld [tilespmem:$0xCFE0];
	_ =	sdelay $0x4  }
0x318: {  	v2 =	vmul.f32 v2, v1;
	_ =	sdelay $0x1  }
0x319: {  	[tilespmem:v62+s13+$0x0] =	vst.idx.msk $0xffff, v2  }
0x31a: {  	v2 =	vld [tilespmem:$0xCFF0];
	_ =	sdelay $0x4  }
0x31b: {  	v1 =	vmul.f32 v2, v1;
	_ =	sdelay $0x1  }
0x31c: {  	[tilespmem:v63+s13+$0x0] =	vst.idx.msk $0xffff, v1  }
0x31d: {  	_ =	swait.ge [sflag:s31], $0x180  }
0x31e: {  	[sflag:s31] =	ssyncset.done $0x0  }
0x31f: {  	s10 =	simm.s32 $0xCC00;
	s23 =	simm.s32 $0x780;
	[sflag:s31] =	ssyncadd.s32 $0xFFFFFE80  }
0x320: {  	[tilespmem:s10], [sflag:$0x3] =	stream.indirect.gather [hbm4b:s6+s12], $0x40, s23, s12, $0xb8;
	[tilespmem:$0x1F000] =	vst v63  }
0x321: {  	s10 =	simm.s32 $0xEC00;
	s23 =	simm.s32 $0x800  }
0x322: {  	[tilespmem:s10], [sflag:$0x3] =	stream.indirect.gather [hbm4b:s6+s12], $0x40, s23, s12, $0xb8;
	[tilespmem:$0x1F000] =	vst v63  }
0x323: {  	s23 =	rddreg [dreg:$0xe]  }
0x324: {  	s9 =	sadd.s32 s20, s23  }
0x325: {  	s10 =	simm.s32 $0x880;
	s23 =	smul.u32 $0x180, s9;
	s9 =	simm.s32 $0x10C00  }
0x326: {  	[tilespmem:s9], [sflag:$0x3] =	stream.indirect.gather [hbm4b:s6+s12], $0x40, s10, s12, $0xb8;
	[tilespmem:$0x1F000] =	vst v63  }
0x327: {  	s10 =	sadd.s32 s3, s23  }
0x328: {  	s26 =	sadd.s32 s18, s26;
	s9 =	sshrl.u32 s10, $0x3  }
0x329: {  	s28 =	simm.s32 $0x0;
	s10 =	simm.s32 $0x900;
	s9 =	sadd.s32 s5, s9  }
0x32a: {  	[tilespmem:s10], [sflag:$0xC] =	stream.linear.gather [hbm4b:s9+s28], $0x180, $0x38;
	[tilespmem:$0x1F000] =	vst v63  }
0x32b: {  	s9 =	sshrl.u32 s26, $0x3  }
0x32c: {  	s10 =	simm.s32 $0x12C00;
	s28 =	simm.s32 $0x620;
	s26 =	sadd.s32 s7, s9  }
0x32d: {  	[hbm4b:s26+s2] =	stream.linear.scatter [tilespmem:s10], [sflag:$0x4], $0x180, $0x38;
	[tilespmem:$0x1F000] =	vst v63  }
.LBB2_10:
0x32e: {  	p1 =	sne.s32 s28, $0x181E0  }
.Ltmp4:
0x32f: {  	_ = 	snop;
	(pc) =	sbr.rel @p1 .LBB2_10-.Ltmp4, $4  }
0x330: {  	_ = 	snop  }
0x331: {  	s9 =	sshra.s32 s28, $0x2;
	s28 =	sadd.s32 $0x620, s28  }
0x332: {  	s26 =	sadd.s32 $0x4800, s26;
	s9 =	sadd.s32 $0x12C00, s9  }
0x333: {  	[hbm4b:s26+s2] =	stream.linear.scatter [tilespmem:s9], [sflag:$0x4], $0x180, $0x38;
	[tilespmem:$0x1F000] =	vst v63  }
0x334: {  	_ =	swait.ge [sflag:s0], $0x2000  }
0x335: {  	[sflag:s0] =	ssyncset.done $0x0  }
0x336: {  	[sflag:s0] =	ssyncadd.s32 $0xFFFFE000  }
0x337: {  	_ =	swait.ge [sflag:s0], $0x2000  }
0x338: {  	[sflag:s0] =	ssyncset.done $0x0  }
0x339: {  	[sflag:s0] =	ssyncadd.s32 $0xFFFFE000  }
0x33a: {  	_ =	swait.ge [sflag:s0], $0x2000  }
0x33b: {  	s9 =	rddreg [dreg:$0xf]  }
0x33c: {  	s9 =	sadd.s32 @!p0 s20, s9  }
0x33d: {  	[sflag:s0] =	ssyncset.done $0x0;
	s9 =	smul.u32 @!p0 $0x180, s9  }
0x33e: {  	[sflag:s0] =	ssyncadd.s32 $0xFFFFE000  }
0x33f: {  	_ =	swait.ge [sflag:s16], $0x180;
	s9 =	sadd.s32 @!p0 s3, s9  }
0x340: {  	s26 =	simm.s32 @!p0 $0x0;
	[sflag:s16] =	ssyncset.done $0x0;
	s9 =	sshrl.u32 @!p0 s9, $0x3  }
0x341: {  	s28 =	simm.s32 @!p0 $0x480;
	[sflag:s16] =	ssyncadd.s32 $0xFFFFFE80;
	s9 =	sadd.s32 @!p0 s4, s9  }
0x342: {  	[tilespmem:s28], [sflag:$0x9] =	stream.linear.gather @!p0 [hbm4b:s9+s26], $0x180, $0x38;
	[tilespmem:$0x1F000] =	vst v63  }
0x343: {  	_ =	swait.ge [sflag:s17], $0x6000  }
0x344: {  	[sflag:s17] =	ssyncset.done $0x0  }
0x345: {  	[sflag:s17] =	ssyncadd.s32 $0xFFFFA000  }
0x346: {  	v1 =	vld [tilespmem:$0xA80];
	_ =	sdelay $0x1  }
0x347: {  	v2 =	vld [tilespmem:$0xC00];
	_ =	sdelay $0x2  }
0x348: {  	v3 =	vbroadcast v1, $0x0;
	_ =	sdelay $0x1  }
0x349: {  	v2 =	vmul.f32 v3, v2;
	_ =	sdelay $0x1  }
0x34a: {  	v4 =	vld [tilespmem:$0x1FFC0];
	[tilespmem:v0+s30+$0x0] =	vst.idx.msk $0xffff, v2  }
0x34b: {  	v2 =	vld [tilespmem:$0xC10];
	_ =	sdelay $0x4  }
0x34c: {  	v2 =	vmul.f32 v2, v3;
	_ =	sdelay $0x1  }
0x34d: {  	[tilespmem:v4+s30+$0x0] =	vst.idx.msk $0xffff, v2;
	v4 =	vld [tilespmem:$0x1FFD0]  }
0x34e: {  	v2 =	vld [tilespmem:$0xC20];
	_ =	sdelay $0x4  }
0x34f: {  	v2 =	vmul.f32 v2, v3;
	_ =	sdelay $0x1  }
0x350: {  	[tilespmem:v4+s30+$0x0] =	vst.idx.msk $0xffff, v2  }
0x351: {  	v2 =	vld [tilespmem:$0xC30];
	_ =	sdelay $0x4  }
0x352: {  	v2 =	vmul.f32 v2, v3;
	v3 =	vld [tilespmem:$0x1FFE0];
	_ =	sdelay $0x7  }
0x353: {  	v4 =	vld [tilespmem:$0x1FFF0];
	[tilespmem:v3+s30+$0x0] =	vst.idx.msk $0xffff, v2  }
0x354: {  	v2 =	vld [tilespmem:$0xC40];
	_ =	sdelay $0x2  }
0x355: {  	v3 =	vbroadcast v1, $0x1;
	_ =	sdelay $0x1  }
0x356: {  	v2 =	vmul.f32 v2, v3;
	_ =	sdelay $0x1  }
0x357: {  	[tilespmem:v4+s30+$0x0] =	vst.idx.msk $0xffff, v2  }
0x358: {  	v2 =	vld [tilespmem:$0xC50];
	_ =	sdelay $0x4  }
0x359: {  	v2 =	vmul.f32 v2, v3;
	_ =	sdelay $0x1  }
0x35a: {  	[tilespmem:v5+s30+$0x0] =	vst.idx.msk $0xffff, v2  }
0x35b: {  	v2 =	vld [tilespmem:$0xC60];
	_ =	sdelay $0x4  }
0x35c: {  	v2 =	vmul.f32 v2, v3;
	_ =	sdelay $0x1  }
0x35d: {  	[tilespmem:v6+s30+$0x0] =	vst.idx.msk $0xffff, v2  }
0x35e: {  	v2 =	vld [tilespmem:$0xC70];
	_ =	sdelay $0x4  }
0x35f: {  	v2 =	vmul.f32 v2, v3;
	_ =	sdelay $0x1  }
0x360: {  	[tilespmem:v7+s30+$0x0] =	vst.idx.msk $0xffff, v2  }
0x361: {  	v2 =	vld [tilespmem:$0xC80];
	_ =	sdelay $0x2  }
0x362: {  	v3 =	vbroadcast v1, $0x2;
	_ =	sdelay $0x1  }
0x363: {  	v2 =	vmul.f32 v2, v3;
	_ =	sdelay $0x1  }
0x364: {  	[tilespmem:v8+s30+$0x0] =	vst.idx.msk $0xffff, v2  }
0x365: {  	v2 =	vld [tilespmem:$0xC90];
	_ =	sdelay $0x4  }
0x366: {  	v2 =	vmul.f32 v2, v3;
	_ =	sdelay $0x1  }
0x367: {  	[tilespmem:v9+s30+$0x0] =	vst.idx.msk $0xffff, v2  }
0x368: {  	v2 =	vld [tilespmem:$0xCA0];
	_ =	sdelay $0x4  }
0x369: {  	v2 =	vmul.f32 v2, v3;
	_ =	sdelay $0x1  }
0x36a: {  	[tilespmem:v10+s30+$0x0] =	vst.idx.msk $0xffff, v2  }
0x36b: {  	v2 =	vld [tilespmem:$0xCB0];
	_ =	sdelay $0x4  }
0x36c: {  	v2 =	vmul.f32 v2, v3;
	_ =	sdelay $0x1  }
0x36d: {  	[tilespmem:v11+s30+$0x0] =	vst.idx.msk $0xffff, v2  }
0x36e: {  	v2 =	vld [tilespmem:$0xCC0];
	_ =	sdelay $0x2  }
0x36f: {  	v3 =	vbroadcast v1, $0x3;
	_ =	sdelay $0x1  }
0x370: {  	v2 =	vmul.f32 v2, v3;
	_ =	sdelay $0x1  }
0x371: {  	[tilespmem:v12+s30+$0x0] =	vst.idx.msk $0xffff, v2  }
0x372: {  	v2 =	vld [tilespmem:$0xCD0];
	_ =	sdelay $0x4  }
0x373: {  	v2 =	vmul.f32 v2, v3;
	_ =	sdelay $0x1  }
0x374: {  	[tilespmem:v13+s30+$0x0] =	vst.idx.msk $0xffff, v2  }
0x375: {  	v2 =	vld [tilespmem:$0xCE0];
	_ =	sdelay $0x4  }
0x376: {  	v2 =	vmul.f32 v2, v3;
	_ =	sdelay $0x1  }
0x377: {  	[tilespmem:v14+s30+$0x0] =	vst.idx.msk $0xffff, v2  }
0x378: {  	v2 =	vld [tilespmem:$0xCF0];
	_ =	sdelay $0x4  }
0x379: {  	v2 =	vmul.f32 v2, v3;
	_ =	sdelay $0x1  }
0x37a: {  	[tilespmem:v15+s30+$0x0] =	vst.idx.msk $0xffff, v2  }
0x37b: {  	v2 =	vld [tilespmem:$0xD00];
	_ =	sdelay $0x2  }
0x37c: {  	v3 =	vbroadcast v1, $0x4;
	_ =	sdelay $0x1  }
0x37d: {  	v2 =	vmul.f32 v2, v3;
	_ =	sdelay $0x1  }
0x37e: {  	[tilespmem:v16+s30+$0x0] =	vst.idx.msk $0xffff, v2  }
0x37f: {  	v2 =	vld [tilespmem:$0xD10];
	_ =	sdelay $0x4  }
0x380: {  	v2 =	vmul.f32 v2, v3;
	_ =	sdelay $0x1  }
0x381: {  	[tilespmem:v17+s30+$0x0] =	vst.idx.msk $0xffff, v2  }
0x382: {  	v2 =	vld [tilespmem:$0xD20];
	_ =	sdelay $0x4  }
0x383: {  	v2 =	vmul.f32 v2, v3;
	_ =	sdelay $0x1  }
0x384: {  	[tilespmem:v18+s30+$0x0] =	vst.idx.msk $0xffff, v2  }
0x385: {  	v2 =	vld [tilespmem:$0xD30];
	_ =	sdelay $0x4  }
0x386: {  	v2 =	vmul.f32 v2, v3;
	_ =	sdelay $0x1  }
0x387: {  	[tilespmem:v19+s30+$0x0] =	vst.idx.msk $0xffff, v2  }
0x388: {  	v2 =	vld [tilespmem:$0xD40];
	_ =	sdelay $0x2  }
0x389: {  	v3 =	vbroadcast v1, $0x5;
	_ =	sdelay $0x1  }
0x38a: {  	v2 =	vmul.f32 v2, v3;
	_ =	sdelay $0x1  }
0x38b: {  	[tilespmem:v20+s30+$0x0] =	vst.idx.msk $0xffff, v2  }
0x38c: {  	v2 =	vld [tilespmem:$0xD50];
	_ =	sdelay $0x4  }
0x38d: {  	v2 =	vmul.f32 v2, v3;
	_ =	sdelay $0x1  }
0x38e: {  	[tilespmem:v21+s30+$0x0] =	vst.idx.msk $0xffff, v2  }
0x38f: {  	v2 =	vld [tilespmem:$0xD60];
	_ =	sdelay $0x4  }
0x390: {  	v2 =	vmul.f32 v2, v3;
	_ =	sdelay $0x1  }
0x391: {  	[tilespmem:v22+s30+$0x0] =	vst.idx.msk $0xffff, v2  }
0x392: {  	v2 =	vld [tilespmem:$0xD70];
	_ =	sdelay $0x4  }
0x393: {  	v2 =	vmul.f32 v2, v3;
	_ =	sdelay $0x1  }
0x394: {  	[tilespmem:v23+s30+$0x0] =	vst.idx.msk $0xffff, v2  }
0x395: {  	v2 =	vld [tilespmem:$0xD80];
	_ =	sdelay $0x2  }
0x396: {  	v3 =	vbroadcast v1, $0x6;
	_ =	sdelay $0x1  }
0x397: {  	v2 =	vmul.f32 v2, v3;
	_ =	sdelay $0x1  }
0x398: {  	[tilespmem:v24+s30+$0x0] =	vst.idx.msk $0xffff, v2  }
0x399: {  	v2 =	vld [tilespmem:$0xD90];
	_ =	sdelay $0x4  }
0x39a: {  	v2 =	vmul.f32 v2, v3;
	_ =	sdelay $0x1  }
0x39b: {  	[tilespmem:v25+s30+$0x0] =	vst.idx.msk $0xffff, v2  }
0x39c: {  	v2 =	vld [tilespmem:$0xDA0];
	_ =	sdelay $0x4  }
0x39d: {  	v2 =	vmul.f32 v2, v3;
	_ =	sdelay $0x1  }
0x39e: {  	[tilespmem:v26+s30+$0x0] =	vst.idx.msk $0xffff, v2  }
0x39f: {  	v2 =	vld [tilespmem:$0xDB0];
	_ =	sdelay $0x4  }
0x3a0: {  	v2 =	vmul.f32 v2, v3;
	_ =	sdelay $0x1  }
0x3a1: {  	[tilespmem:v27+s30+$0x0] =	vst.idx.msk $0xffff, v2  }
0x3a2: {  	v2 =	vld [tilespmem:$0xDC0];
	_ =	sdelay $0x2  }
0x3a3: {  	v3 =	vbroadcast v1, $0x7;
	_ =	sdelay $0x1  }
0x3a4: {  	v2 =	vmul.f32 v2, v3;
	_ =	sdelay $0x1  }
0x3a5: {  	[tilespmem:v28+s30+$0x0] =	vst.idx.msk $0xffff, v2  }
0x3a6: {  	v2 =	vld [tilespmem:$0xDD0];
	_ =	sdelay $0x4  }
0x3a7: {  	v2 =	vmul.f32 v2, v3;
	_ =	sdelay $0x1  }
0x3a8: {  	[tilespmem:v29+s30+$0x0] =	vst.idx.msk $0xffff, v2  }
0x3a9: {  	v2 =	vld [tilespmem:$0xDE0];
	_ =	sdelay $0x4  }
0x3aa: {  	v2 =	vmul.f32 v2, v3;
	_ =	sdelay $0x1  }
0x3ab: {  	[tilespmem:v30+s30+$0x0] =	vst.idx.msk $0xffff, v2  }
0x3ac: {  	v2 =	vld [tilespmem:$0xDF0];
	_ =	sdelay $0x4  }
0x3ad: {  	v2 =	vmul.f32 v2, v3;
	_ =	sdelay $0x1  }
0x3ae: {  	[tilespmem:v31+s30+$0x0] =	vst.idx.msk $0xffff, v2  }
0x3af: {  	v2 =	vld [tilespmem:$0xE00];
	_ =	sdelay $0x2  }
0x3b0: {  	v3 =	vbroadcast v1, $0x8;
	_ =	sdelay $0x1  }
0x3b1: {  	v2 =	vmul.f32 v2, v3;
	_ =	sdelay $0x1  }
0x3b2: {  	[tilespmem:v32+s30+$0x0] =	vst.idx.msk $0xffff, v2  }
0x3b3: {  	v2 =	vld [tilespmem:$0xE10];
	_ =	sdelay $0x4  }
0x3b4: {  	v2 =	vmul.f32 v2, v3;
	_ =	sdelay $0x1  }
0x3b5: {  	[tilespmem:v33+s30+$0x0] =	vst.idx.msk $0xffff, v2  }
0x3b6: {  	v2 =	vld [tilespmem:$0xE20];
	_ =	sdelay $0x4  }
0x3b7: {  	v2 =	vmul.f32 v2, v3;
	_ =	sdelay $0x1  }
0x3b8: {  	[tilespmem:v34+s30+$0x0] =	vst.idx.msk $0xffff, v2  }
0x3b9: {  	v2 =	vld [tilespmem:$0xE30];
	_ =	sdelay $0x4  }
0x3ba: {  	v2 =	vmul.f32 v2, v3;
	_ =	sdelay $0x1  }
0x3bb: {  	[tilespmem:v35+s30+$0x0] =	vst.idx.msk $0xffff, v2  }
0x3bc: {  	v2 =	vld [tilespmem:$0xE40];
	_ =	sdelay $0x2  }
0x3bd: {  	v3 =	vbroadcast v1, $0x9;
	_ =	sdelay $0x1  }
0x3be: {  	v2 =	vmul.f32 v2, v3;
	_ =	sdelay $0x1  }
0x3bf: {  	[tilespmem:v36+s30+$0x0] =	vst.idx.msk $0xffff, v2  }
0x3c0: {  	v2 =	vld [tilespmem:$0xE50];
	_ =	sdelay $0x4  }
0x3c1: {  	v2 =	vmul.f32 v2, v3;
	_ =	sdelay $0x1  }
0x3c2: {  	[tilespmem:v37+s30+$0x0] =	vst.idx.msk $0xffff, v2  }
0x3c3: {  	v2 =	vld [tilespmem:$0xE60];
	_ =	sdelay $0x4  }
0x3c4: {  	v2 =	vmul.f32 v2, v3;
	_ =	sdelay $0x1  }
0x3c5: {  	[tilespmem:v38+s30+$0x0] =	vst.idx.msk $0xffff, v2  }
0x3c6: {  	v2 =	vld [tilespmem:$0xE70];
	_ =	sdelay $0x4  }
0x3c7: {  	v2 =	vmul.f32 v2, v3;
	_ =	sdelay $0x1  }
0x3c8: {  	[tilespmem:v39+s30+$0x0] =	vst.idx.msk $0xffff, v2  }
0x3c9: {  	v2 =	vld [tilespmem:$0xE80];
	_ =	sdelay $0x2  }
0x3ca: {  	v3 =	vbroadcast v1, $0xA;
	_ =	sdelay $0x1  }
0x3cb: {  	v2 =	vmul.f32 v2, v3;
	_ =	sdelay $0x1  }
0x3cc: {  	[tilespmem:v40+s30+$0x0] =	vst.idx.msk $0xffff, v2  }
0x3cd: {  	v2 =	vld [tilespmem:$0xE90];
	_ =	sdelay $0x4  }
0x3ce: {  	v2 =	vmul.f32 v2, v3;
	_ =	sdelay $0x1  }
0x3cf: {  	[tilespmem:v41+s30+$0x0] =	vst.idx.msk $0xffff, v2  }
0x3d0: {  	v2 =	vld [tilespmem:$0xEA0];
	_ =	sdelay $0x4  }
0x3d1: {  	v2 =	vmul.f32 v2, v3;
	_ =	sdelay $0x1  }
0x3d2: {  	[tilespmem:v42+s30+$0x0] =	vst.idx.msk $0xffff, v2  }
0x3d3: {  	v2 =	vld [tilespmem:$0xEB0];
	_ =	sdelay $0x4  }
0x3d4: {  	v2 =	vmul.f32 v2, v3;
	_ =	sdelay $0x1  }
0x3d5: {  	[tilespmem:v43+s30+$0x0] =	vst.idx.msk $0xffff, v2  }
0x3d6: {  	v2 =	vld [tilespmem:$0xEC0];
	_ =	sdelay $0x2  }
0x3d7: {  	v3 =	vbroadcast v1, $0xB;
	_ =	sdelay $0x1  }
0x3d8: {  	v2 =	vmul.f32 v2, v3;
	_ =	sdelay $0x1  }
0x3d9: {  	[tilespmem:v44+s30+$0x0] =	vst.idx.msk $0xffff, v2  }
0x3da: {  	v2 =	vld [tilespmem:$0xED0];
	_ =	sdelay $0x4  }
0x3db: {  	v2 =	vmul.f32 v2, v3;
	_ =	sdelay $0x1  }
0x3dc: {  	[tilespmem:v45+s30+$0x0] =	vst.idx.msk $0xffff, v2  }
0x3dd: {  	v2 =	vld [tilespmem:$0xEE0];
	_ =	sdelay $0x4  }
0x3de: {  	v2 =	vmul.f32 v2, v3;
	_ =	sdelay $0x1  }
0x3df: {  	[tilespmem:v46+s30+$0x0] =	vst.idx.msk $0xffff, v2  }
0x3e0: {  	v2 =	vld [tilespmem:$0xEF0];
	_ =	sdelay $0x4  }
0x3e1: {  	v2 =	vmul.f32 v2, v3;
	_ =	sdelay $0x1  }
0x3e2: {  	[tilespmem:v47+s30+$0x0] =	vst.idx.msk $0xffff, v2  }
0x3e3: {  	v2 =	vld [tilespmem:$0xF00];
	_ =	sdelay $0x2  }
0x3e4: {  	v3 =	vbroadcast v1, $0xC;
	_ =	sdelay $0x1  }
0x3e5: {  	v2 =	vmul.f32 v2, v3;
	_ =	sdelay $0x1  }
0x3e6: {  	[tilespmem:v48+s30+$0x0] =	vst.idx.msk $0xffff, v2  }
0x3e7: {  	v2 =	vld [tilespmem:$0xF10];
	_ =	sdelay $0x4  }
0x3e8: {  	v2 =	vmul.f32 v2, v3;
	_ =	sdelay $0x1  }
0x3e9: {  	[tilespmem:v49+s30+$0x0] =	vst.idx.msk $0xffff, v2  }
0x3ea: {  	v2 =	vld [tilespmem:$0xF20];
	_ =	sdelay $0x4  }
0x3eb: {  	v2 =	vmul.f32 v2, v3;
	_ =	sdelay $0x1  }
0x3ec: {  	[tilespmem:v50+s30+$0x0] =	vst.idx.msk $0xffff, v2  }
0x3ed: {  	v2 =	vld [tilespmem:$0xF30];
	_ =	sdelay $0x4  }
0x3ee: {  	v2 =	vmul.f32 v2, v3;
	_ =	sdelay $0x1  }
0x3ef: {  	[tilespmem:v51+s30+$0x0] =	vst.idx.msk $0xffff, v2  }
0x3f0: {  	v2 =	vld [tilespmem:$0xF40];
	_ =	sdelay $0x2  }
0x3f1: {  	v3 =	vbroadcast v1, $0xD;
	_ =	sdelay $0x1  }
0x3f2: {  	v2 =	vmul.f32 v2, v3;
	_ =	sdelay $0x1  }
0x3f3: {  	[tilespmem:v52+s30+$0x0] =	vst.idx.msk $0xffff, v2  }
0x3f4: {  	v2 =	vld [tilespmem:$0xF50];
	_ =	sdelay $0x4  }
0x3f5: {  	v2 =	vmul.f32 v2, v3;
	_ =	sdelay $0x1  }
0x3f6: {  	[tilespmem:v53+s30+$0x0] =	vst.idx.msk $0xffff, v2  }
0x3f7: {  	v2 =	vld [tilespmem:$0xF60];
	_ =	sdelay $0x4  }
0x3f8: {  	v2 =	vmul.f32 v2, v3;
	_ =	sdelay $0x1  }
0x3f9: {  	[tilespmem:v54+s30+$0x0] =	vst.idx.msk $0xffff, v2  }
0x3fa: {  	v2 =	vld [tilespmem:$0xF70];
	_ =	sdelay $0x4  }
0x3fb: {  	v2 =	vmul.f32 v2, v3;
	_ =	sdelay $0x1  }
0x3fc: {  	[tilespmem:v55+s30+$0x0] =	vst.idx.msk $0xffff, v2  }
0x3fd: {  	v2 =	vld [tilespmem:$0xF80];
	_ =	sdelay $0x2  }
0x3fe: {  	v3 =	vbroadcast v1, $0xE;
	_ =	sdelay $0x1  }
0x3ff: {  	v2 =	vmul.f32 v2, v3;
	_ =	sdelay $0x1  }
0x400: {  	[tilespmem:v56+s30+$0x0] =	vst.idx.msk $0xffff, v2  }
0x401: {  	v2 =	vld [tilespmem:$0xF90];
	_ =	sdelay $0x4  }
0x402: {  	v2 =	vmul.f32 v2, v3;
	_ =	sdelay $0x1  }
0x403: {  	[tilespmem:v57+s30+$0x0] =	vst.idx.msk $0xffff, v2  }
0x404: {  	v2 =	vld [tilespmem:$0xFA0];
	_ =	sdelay $0x4  }
0x405: {  	v2 =	vmul.f32 v2, v3;
	_ =	sdelay $0x1  }
0x406: {  	[tilespmem:v58+s30+$0x0] =	vst.idx.msk $0xffff, v2  }
0x407: {  	v2 =	vld [tilespmem:$0xFB0];
	_ =	sdelay $0x4  }
0x408: {  	v2 =	vmul.f32 v2, v3;
	_ =	sdelay $0x1  }
0x409: {  	[tilespmem:v59+s30+$0x0] =	vst.idx.msk $0xffff, v2  }
0x40a: {  	v2 =	vld [tilespmem:$0xFC0];
	_ =	sdelay $0x2  }
0x40b: {  	v1 =	vbroadcast v1, $0xF;
	_ =	sdelay $0x1  }
0x40c: {  	v2 =	vmul.f32 v2, v1;
	_ =	sdelay $0x1  }
0x40d: {  	[tilespmem:v60+s30+$0x0] =	vst.idx.msk $0xffff, v2  }
0x40e: {  	v2 =	vld [tilespmem:$0xFD0];
	_ =	sdelay $0x4  }
0x40f: {  	v2 =	vmul.f32 v2, v1;
	_ =	sdelay $0x1  }
0x410: {  	[tilespmem:v61+s30+$0x0] =	vst.idx.msk $0xffff, v2  }
0x411: {  	v2 =	vld [tilespmem:$0xFE0];
	_ =	sdelay $0x4  }
0x412: {  	v2 =	vmul.f32 v2, v1;
	_ =	sdelay $0x1  }
0x413: {  	[tilespmem:v62+s30+$0x0] =	vst.idx.msk $0xffff, v2  }
0x414: {  	v2 =	vld [tilespmem:$0xFF0];
	_ =	sdelay $0x4  }
0x415: {  	v1 =	vmul.f32 v2, v1;
	_ =	sdelay $0x1  }
0x416: {  	s9 =	simm.s32 @!p0 $0x6;
	[tilespmem:v63+s30+$0x0] =	vst.idx.msk $0xffff, v1  }
0x417: {  	_ =	swait.ge @!p0 [sflag:s9], $0x180  }
0x418: {  	[sflag:s9] =	ssyncset.done @!p0 $0x0  }
0x419: {  	s28 =	simm.s32 @!p0 $0xC00;
	[sflag:s9] =	ssyncadd.s32 @!p0 $0xFFFFFE80;
	s9 =	simm.s32 @!p0 $0x80  }
0x41a: {  	[tilespmem:s28], [sflag:$0x1] =	stream.indirect.gather @!p0 [hbm4b:s6+s9], $0x40, s26, s9, $0xb8;
	[tilespmem:$0x1F000] =	vst v63  }
0x41b: {  	s10 =	rddreg [dreg:$0x10];
	s26 =	simm.s32 @!p0 $0x2C00  }
0x41c: {  	[tilespmem:s26], [sflag:$0x1] =	stream.indirect.gather @!p0 [hbm4b:s6+s9], $0x40, s9, s9, $0xb8;
	[tilespmem:$0x1F000] =	vst v63  }
0x41d: {  	s26 =	sadd.s32 s20, s10  }
0x41e: {  	s28 =	simm.s32 @!p0 $0x100;
	s10 =	simm.s32 @!p0 $0x4C00;
	s26 =	smul.u32 $0x180, s26  }
0x41f: {  	[tilespmem:s10], [sflag:$0x1] =	stream.indirect.gather @!p0 [hbm4b:s6+s9], $0x40, s28, s9, $0xb8;
	[tilespmem:$0x1F000] =	vst v63  }
0x420: {  	s10 =	sadd.s32 s3, s26  }
0x421: {  	s24 =	sadd.s32 s18, s24;
	s9 =	sshrl.u32 s10, $0x3  }
0x422: {  	s28 =	simm.s32 $0xA80;
	s10 =	simm.s32 $0x0;
	s9 =	sadd.s32 s5, s9  }
0x423: {  	[tilespmem:s28], [sflag:$0xD] =	stream.linear.gather [hbm4b:s9+s10], $0x180, $0x38;
	[tilespmem:$0x1F000] =	vst v63  }
0x424: {  	s9 =	sshrl.u32 s24, $0x3  }
0x425: {  	s10 =	simm.s32 $0x18E00;
	s28 =	simm.s32 $0x620;
	s24 =	sadd.s32 s7, s9  }
0x426: {  	[hbm4b:s24+s2] =	stream.linear.scatter [tilespmem:s10], [sflag:$0x5], $0x180, $0x38;
	[tilespmem:$0x1F000] =	vst v63  }
.LBB2_12:
0x427: {  	p1 =	sne.s32 s28, $0x181E0  }
.Ltmp5:
0x428: {  	_ = 	snop;
	(pc) =	sbr.rel @p1 .LBB2_12-.Ltmp5, $4  }
0x429: {  	_ = 	snop  }
0x42a: {  	s9 =	sshra.s32 s28, $0x2;
	s28 =	sadd.s32 $0x620, s28  }
0x42b: {  	s24 =	sadd.s32 $0x4800, s24;
	s9 =	sadd.s32 $0x18E00, s9  }
0x42c: {  	[hbm4b:s24+s2] =	stream.linear.scatter [tilespmem:s9], [sflag:$0x5], $0x180, $0x38;
	[tilespmem:$0x1F000] =	vst v63  }
0x42d: {  	_ =	swait.ge [sflag:s15], $0x2000  }
0x42e: {  	[sflag:s15] =	ssyncset.done $0x0  }
0x42f: {  	[sflag:s15] =	ssyncadd.s32 $0xFFFFE000  }
0x430: {  	_ =	swait.ge [sflag:s15], $0x2000  }
0x431: {  	[sflag:s15] =	ssyncset.done $0x0  }
0x432: {  	[sflag:s15] =	ssyncadd.s32 $0xFFFFE000  }
0x433: {  	_ =	swait.ge [sflag:s15], $0x2000  }
0x434: {  	s9 =	rddreg [dreg:$0x12]  }
0x435: {  	s9 =	sadd.s32 @!p0 s20, s9  }
0x436: {  	[sflag:s15] =	ssyncset.done $0x0;
	s9 =	smul.u32 @!p0 $0x180, s9  }
0x437: {  	[sflag:s15] =	ssyncadd.s32 $0xFFFFE000  }
0x438: {  	_ =	swait.ge [sflag:s1], $0x180;
	s9 =	sadd.s32 @!p0 s3, s9  }
0x439: {  	s24 =	simm.s32 @!p0 $0x0;
	[sflag:s1] =	ssyncset.done $0x0;
	s9 =	sshrl.u32 @!p0 s9, $0x3  }
0x43a: {  	s10 =	simm.s32 @!p0 $0x600;
	[sflag:s1] =	ssyncadd.s32 $0xFFFFFE80;
	s9 =	sadd.s32 @!p0 s4, s9  }
0x43b: {  	[tilespmem:s10], [sflag:$0xA] =	stream.linear.gather @!p0 [hbm4b:s9+s24], $0x180, $0x38;
	[tilespmem:$0x1F000] =	vst v63  }
0x43c: {  	_ =	swait.ge [sflag:s11], $0x6000  }
0x43d: {  	[sflag:s11] =	ssyncset.done $0x0  }
0x43e: {  	[sflag:s11] =	ssyncadd.s32 $0xFFFFA000  }
0x43f: {  	v1 =	vld [tilespmem:$0x900];
	_ =	sdelay $0x1  }
0x440: {  	v2 =	vld [tilespmem:$0x6C00];
	_ =	sdelay $0x2  }
0x441: {  	v3 =	vbroadcast v1, $0x0;
	_ =	sdelay $0x1  }
0x442: {  	v2 =	vmul.f32 v3, v2;
	_ =	sdelay $0x1  }
0x443: {  	v4 =	vld [tilespmem:$0x1FFC0];
	[tilespmem:v0+s13+$0x0] =	vst.idx.msk $0xffff, v2  }
0x444: {  	v2 =	vld [tilespmem:$0x6C10];
	_ =	sdelay $0x4  }
0x445: {  	v2 =	vmul.f32 v2, v3;
	_ =	sdelay $0x1  }
0x446: {  	[tilespmem:v4+s13+$0x0] =	vst.idx.msk $0xffff, v2;
	v4 =	vld [tilespmem:$0x1FFD0]  }
0x447: {  	v2 =	vld [tilespmem:$0x6C20];
	_ =	sdelay $0x4  }
0x448: {  	v2 =	vmul.f32 v2, v3;
	_ =	sdelay $0x1  }
0x449: {  	[tilespmem:v4+s13+$0x0] =	vst.idx.msk $0xffff, v2  }
0x44a: {  	v2 =	vld [tilespmem:$0x6C30];
	_ =	sdelay $0x4  }
0x44b: {  	v2 =	vmul.f32 v2, v3;
	v3 =	vld [tilespmem:$0x1FFE0];
	_ =	sdelay $0x7  }
0x44c: {  	v4 =	vld [tilespmem:$0x1FFF0];
	[tilespmem:v3+s13+$0x0] =	vst.idx.msk $0xffff, v2  }
0x44d: {  	v2 =	vld [tilespmem:$0x6C40];
	_ =	sdelay $0x2  }
0x44e: {  	v3 =	vbroadcast v1, $0x1;
	_ =	sdelay $0x1  }
0x44f: {  	v2 =	vmul.f32 v2, v3;
	_ =	sdelay $0x1  }
0x450: {  	[tilespmem:v4+s13+$0x0] =	vst.idx.msk $0xffff, v2  }
0x451: {  	v2 =	vld [tilespmem:$0x6C50];
	_ =	sdelay $0x4  }
0x452: {  	v2 =	vmul.f32 v2, v3;
	_ =	sdelay $0x1  }
0x453: {  	[tilespmem:v5+s13+$0x0] =	vst.idx.msk $0xffff, v2  }
0x454: {  	v2 =	vld [tilespmem:$0x6C60];
	_ =	sdelay $0x4  }
0x455: {  	v2 =	vmul.f32 v2, v3;
	_ =	sdelay $0x1  }
0x456: {  	[tilespmem:v6+s13+$0x0] =	vst.idx.msk $0xffff, v2  }
0x457: {  	v2 =	vld [tilespmem:$0x6C70];
	_ =	sdelay $0x4  }
0x458: {  	v2 =	vmul.f32 v2, v3;
	_ =	sdelay $0x1  }
0x459: {  	[tilespmem:v7+s13+$0x0] =	vst.idx.msk $0xffff, v2  }
0x45a: {  	v2 =	vld [tilespmem:$0x6C80];
	_ =	sdelay $0x2  }
0x45b: {  	v3 =	vbroadcast v1, $0x2;
	_ =	sdelay $0x1  }
0x45c: {  	v2 =	vmul.f32 v2, v3;
	_ =	sdelay $0x1  }
0x45d: {  	[tilespmem:v8+s13+$0x0] =	vst.idx.msk $0xffff, v2  }
0x45e: {  	v2 =	vld [tilespmem:$0x6C90];
	_ =	sdelay $0x4  }
0x45f: {  	v2 =	vmul.f32 v2, v3;
	_ =	sdelay $0x1  }
0x460: {  	[tilespmem:v9+s13+$0x0] =	vst.idx.msk $0xffff, v2  }
0x461: {  	v2 =	vld [tilespmem:$0x6CA0];
	_ =	sdelay $0x4  }
0x462: {  	v2 =	vmul.f32 v2, v3;
	_ =	sdelay $0x1  }
0x463: {  	[tilespmem:v10+s13+$0x0] =	vst.idx.msk $0xffff, v2  }
0x464: {  	v2 =	vld [tilespmem:$0x6CB0];
	_ =	sdelay $0x4  }
0x465: {  	v2 =	vmul.f32 v2, v3;
	_ =	sdelay $0x1  }
0x466: {  	[tilespmem:v11+s13+$0x0] =	vst.idx.msk $0xffff, v2  }
0x467: {  	v2 =	vld [tilespmem:$0x6CC0];
	_ =	sdelay $0x2  }
0x468: {  	v3 =	vbroadcast v1, $0x3;
	_ =	sdelay $0x1  }
0x469: {  	v2 =	vmul.f32 v2, v3;
	_ =	sdelay $0x1  }
0x46a: {  	[tilespmem:v12+s13+$0x0] =	vst.idx.msk $0xffff, v2  }
0x46b: {  	v2 =	vld [tilespmem:$0x6CD0];
	_ =	sdelay $0x4  }
0x46c: {  	v2 =	vmul.f32 v2, v3;
	_ =	sdelay $0x1  }
0x46d: {  	[tilespmem:v13+s13+$0x0] =	vst.idx.msk $0xffff, v2  }
0x46e: {  	v2 =	vld [tilespmem:$0x6CE0];
	_ =	sdelay $0x4  }
0x46f: {  	v2 =	vmul.f32 v2, v3;
	_ =	sdelay $0x1  }
0x470: {  	[tilespmem:v14+s13+$0x0] =	vst.idx.msk $0xffff, v2  }
0x471: {  	v2 =	vld [tilespmem:$0x6CF0];
	_ =	sdelay $0x4  }
0x472: {  	v2 =	vmul.f32 v2, v3;
	_ =	sdelay $0x1  }
0x473: {  	[tilespmem:v15+s13+$0x0] =	vst.idx.msk $0xffff, v2  }
0x474: {  	v2 =	vld [tilespmem:$0x6D00];
	_ =	sdelay $0x2  }
0x475: {  	v3 =	vbroadcast v1, $0x4;
	_ =	sdelay $0x1  }
0x476: {  	v2 =	vmul.f32 v2, v3;
	_ =	sdelay $0x1  }
0x477: {  	[tilespmem:v16+s13+$0x0] =	vst.idx.msk $0xffff, v2  }
0x478: {  	v2 =	vld [tilespmem:$0x6D10];
	_ =	sdelay $0x4  }
0x479: {  	v2 =	vmul.f32 v2, v3;
	_ =	sdelay $0x1  }
0x47a: {  	[tilespmem:v17+s13+$0x0] =	vst.idx.msk $0xffff, v2  }
0x47b: {  	v2 =	vld [tilespmem:$0x6D20];
	_ =	sdelay $0x4  }
0x47c: {  	v2 =	vmul.f32 v2, v3;
	_ =	sdelay $0x1  }
0x47d: {  	[tilespmem:v18+s13+$0x0] =	vst.idx.msk $0xffff, v2  }
0x47e: {  	v2 =	vld [tilespmem:$0x6D30];
	_ =	sdelay $0x4  }
0x47f: {  	v2 =	vmul.f32 v2, v3;
	_ =	sdelay $0x1  }
0x480: {  	[tilespmem:v19+s13+$0x0] =	vst.idx.msk $0xffff, v2  }
0x481: {  	v2 =	vld [tilespmem:$0x6D40];
	_ =	sdelay $0x2  }
0x482: {  	v3 =	vbroadcast v1, $0x5;
	_ =	sdelay $0x1  }
0x483: {  	v2 =	vmul.f32 v2, v3;
	_ =	sdelay $0x1  }
0x484: {  	[tilespmem:v20+s13+$0x0] =	vst.idx.msk $0xffff, v2  }
0x485: {  	v2 =	vld [tilespmem:$0x6D50];
	_ =	sdelay $0x4  }
0x486: {  	v2 =	vmul.f32 v2, v3;
	_ =	sdelay $0x1  }
0x487: {  	[tilespmem:v21+s13+$0x0] =	vst.idx.msk $0xffff, v2  }
0x488: {  	v2 =	vld [tilespmem:$0x6D60];
	_ =	sdelay $0x4  }
0x489: {  	v2 =	vmul.f32 v2, v3;
	_ =	sdelay $0x1  }
0x48a: {  	[tilespmem:v22+s13+$0x0] =	vst.idx.msk $0xffff, v2  }
0x48b: {  	v2 =	vld [tilespmem:$0x6D70];
	_ =	sdelay $0x4  }
0x48c: {  	v2 =	vmul.f32 v2, v3;
	_ =	sdelay $0x1  }
0x48d: {  	[tilespmem:v23+s13+$0x0] =	vst.idx.msk $0xffff, v2  }
0x48e: {  	v2 =	vld [tilespmem:$0x6D80];
	_ =	sdelay $0x2  }
0x48f: {  	v3 =	vbroadcast v1, $0x6;
	_ =	sdelay $0x1  }
0x490: {  	v2 =	vmul.f32 v2, v3;
	_ =	sdelay $0x1  }
0x491: {  	[tilespmem:v24+s13+$0x0] =	vst.idx.msk $0xffff, v2  }
0x492: {  	v2 =	vld [tilespmem:$0x6D90];
	_ =	sdelay $0x4  }
0x493: {  	v2 =	vmul.f32 v2, v3;
	_ =	sdelay $0x1  }
0x494: {  	[tilespmem:v25+s13+$0x0] =	vst.idx.msk $0xffff, v2  }
0x495: {  	v2 =	vld [tilespmem:$0x6DA0];
	_ =	sdelay $0x4  }
0x496: {  	v2 =	vmul.f32 v2, v3;
	_ =	sdelay $0x1  }
0x497: {  	[tilespmem:v26+s13+$0x0] =	vst.idx.msk $0xffff, v2  }
0x498: {  	v2 =	vld [tilespmem:$0x6DB0];
	_ =	sdelay $0x4  }
0x499: {  	v2 =	vmul.f32 v2, v3;
	_ =	sdelay $0x1  }
0x49a: {  	[tilespmem:v27+s13+$0x0] =	vst.idx.msk $0xffff, v2  }
0x49b: {  	v2 =	vld [tilespmem:$0x6DC0];
	_ =	sdelay $0x2  }
0x49c: {  	v3 =	vbroadcast v1, $0x7;
	_ =	sdelay $0x1  }
0x49d: {  	v2 =	vmul.f32 v2, v3;
	_ =	sdelay $0x1  }
0x49e: {  	[tilespmem:v28+s13+$0x0] =	vst.idx.msk $0xffff, v2  }
0x49f: {  	v2 =	vld [tilespmem:$0x6DD0];
	_ =	sdelay $0x4  }
0x4a0: {  	v2 =	vmul.f32 v2, v3;
	_ =	sdelay $0x1  }
0x4a1: {  	[tilespmem:v29+s13+$0x0] =	vst.idx.msk $0xffff, v2  }
0x4a2: {  	v2 =	vld [tilespmem:$0x6DE0];
	_ =	sdelay $0x4  }
0x4a3: {  	v2 =	vmul.f32 v2, v3;
	_ =	sdelay $0x1  }
0x4a4: {  	[tilespmem:v30+s13+$0x0] =	vst.idx.msk $0xffff, v2  }
0x4a5: {  	v2 =	vld [tilespmem:$0x6DF0];
	_ =	sdelay $0x4  }
0x4a6: {  	v2 =	vmul.f32 v2, v3;
	_ =	sdelay $0x1  }
0x4a7: {  	[tilespmem:v31+s13+$0x0] =	vst.idx.msk $0xffff, v2  }
0x4a8: {  	v2 =	vld [tilespmem:$0x6E00];
	_ =	sdelay $0x2  }
0x4a9: {  	v3 =	vbroadcast v1, $0x8;
	_ =	sdelay $0x1  }
0x4aa: {  	v2 =	vmul.f32 v2, v3;
	_ =	sdelay $0x1  }
0x4ab: {  	[tilespmem:v32+s13+$0x0] =	vst.idx.msk $0xffff, v2  }
0x4ac: {  	v2 =	vld [tilespmem:$0x6E10];
	_ =	sdelay $0x4  }
0x4ad: {  	v2 =	vmul.f32 v2, v3;
	_ =	sdelay $0x1  }
0x4ae: {  	[tilespmem:v33+s13+$0x0] =	vst.idx.msk $0xffff, v2  }
0x4af: {  	v2 =	vld [tilespmem:$0x6E20];
	_ =	sdelay $0x4  }
0x4b0: {  	v2 =	vmul.f32 v2, v3;
	_ =	sdelay $0x1  }
0x4b1: {  	[tilespmem:v34+s13+$0x0] =	vst.idx.msk $0xffff, v2  }
0x4b2: {  	v2 =	vld [tilespmem:$0x6E30];
	_ =	sdelay $0x4  }
0x4b3: {  	v2 =	vmul.f32 v2, v3;
	_ =	sdelay $0x1  }
0x4b4: {  	[tilespmem:v35+s13+$0x0] =	vst.idx.msk $0xffff, v2  }
0x4b5: {  	v2 =	vld [tilespmem:$0x6E40];
	_ =	sdelay $0x2  }
0x4b6: {  	v3 =	vbroadcast v1, $0x9;
	_ =	sdelay $0x1  }
0x4b7: {  	v2 =	vmul.f32 v2, v3;
	_ =	sdelay $0x1  }
0x4b8: {  	[tilespmem:v36+s13+$0x0] =	vst.idx.msk $0xffff, v2  }
0x4b9: {  	v2 =	vld [tilespmem:$0x6E50];
	_ =	sdelay $0x4  }
0x4ba: {  	v2 =	vmul.f32 v2, v3;
	_ =	sdelay $0x1  }
0x4bb: {  	[tilespmem:v37+s13+$0x0] =	vst.idx.msk $0xffff, v2  }
0x4bc: {  	v2 =	vld [tilespmem:$0x6E60];
	_ =	sdelay $0x4  }
0x4bd: {  	v2 =	vmul.f32 v2, v3;
	_ =	sdelay $0x1  }
0x4be: {  	[tilespmem:v38+s13+$0x0] =	vst.idx.msk $0xffff, v2  }
0x4bf: {  	v2 =	vld [tilespmem:$0x6E70];
	_ =	sdelay $0x4  }
0x4c0: {  	v2 =	vmul.f32 v2, v3;
	_ =	sdelay $0x1  }
0x4c1: {  	[tilespmem:v39+s13+$0x0] =	vst.idx.msk $0xffff, v2  }
0x4c2: {  	v2 =	vld [tilespmem:$0x6E80];
	_ =	sdelay $0x2  }
0x4c3: {  	v3 =	vbroadcast v1, $0xA;
	_ =	sdelay $0x1  }
0x4c4: {  	v2 =	vmul.f32 v2, v3;
	_ =	sdelay $0x1  }
0x4c5: {  	[tilespmem:v40+s13+$0x0] =	vst.idx.msk $0xffff, v2  }
0x4c6: {  	v2 =	vld [tilespmem:$0x6E90];
	_ =	sdelay $0x4  }
0x4c7: {  	v2 =	vmul.f32 v2, v3;
	_ =	sdelay $0x1  }
0x4c8: {  	[tilespmem:v41+s13+$0x0] =	vst.idx.msk $0xffff, v2  }
0x4c9: {  	v2 =	vld [tilespmem:$0x6EA0];
	_ =	sdelay $0x4  }
0x4ca: {  	v2 =	vmul.f32 v2, v3;
	_ =	sdelay $0x1  }
0x4cb: {  	[tilespmem:v42+s13+$0x0] =	vst.idx.msk $0xffff, v2  }
0x4cc: {  	v2 =	vld [tilespmem:$0x6EB0];
	_ =	sdelay $0x4  }
0x4cd: {  	v2 =	vmul.f32 v2, v3;
	_ =	sdelay $0x1  }
0x4ce: {  	[tilespmem:v43+s13+$0x0] =	vst.idx.msk $0xffff, v2  }
0x4cf: {  	v2 =	vld [tilespmem:$0x6EC0];
	_ =	sdelay $0x2  }
0x4d0: {  	v3 =	vbroadcast v1, $0xB;
	_ =	sdelay $0x1  }
0x4d1: {  	v2 =	vmul.f32 v2, v3;
	_ =	sdelay $0x1  }
0x4d2: {  	[tilespmem:v44+s13+$0x0] =	vst.idx.msk $0xffff, v2  }
0x4d3: {  	v2 =	vld [tilespmem:$0x6ED0];
	_ =	sdelay $0x4  }
0x4d4: {  	v2 =	vmul.f32 v2, v3;
	_ =	sdelay $0x1  }
0x4d5: {  	[tilespmem:v45+s13+$0x0] =	vst.idx.msk $0xffff, v2  }
0x4d6: {  	v2 =	vld [tilespmem:$0x6EE0];
	_ =	sdelay $0x4  }
0x4d7: {  	v2 =	vmul.f32 v2, v3;
	_ =	sdelay $0x1  }
0x4d8: {  	[tilespmem:v46+s13+$0x0] =	vst.idx.msk $0xffff, v2  }
0x4d9: {  	v2 =	vld [tilespmem:$0x6EF0];
	_ =	sdelay $0x4  }
0x4da: {  	v2 =	vmul.f32 v2, v3;
	_ =	sdelay $0x1  }
0x4db: {  	[tilespmem:v47+s13+$0x0] =	vst.idx.msk $0xffff, v2  }
0x4dc: {  	v2 =	vld [tilespmem:$0x6F00];
	_ =	sdelay $0x2  }
0x4dd: {  	v3 =	vbroadcast v1, $0xC;
	_ =	sdelay $0x1  }
0x4de: {  	v2 =	vmul.f32 v2, v3;
	_ =	sdelay $0x1  }
0x4df: {  	[tilespmem:v48+s13+$0x0] =	vst.idx.msk $0xffff, v2  }
0x4e0: {  	v2 =	vld [tilespmem:$0x6F10];
	_ =	sdelay $0x4  }
0x4e1: {  	v2 =	vmul.f32 v2, v3;
	_ =	sdelay $0x1  }
0x4e2: {  	[tilespmem:v49+s13+$0x0] =	vst.idx.msk $0xffff, v2  }
0x4e3: {  	v2 =	vld [tilespmem:$0x6F20];
	_ =	sdelay $0x4  }
0x4e4: {  	v2 =	vmul.f32 v2, v3;
	_ =	sdelay $0x1  }
0x4e5: {  	[tilespmem:v50+s13+$0x0] =	vst.idx.msk $0xffff, v2  }
0x4e6: {  	v2 =	vld [tilespmem:$0x6F30];
	_ =	sdelay $0x4  }
0x4e7: {  	v2 =	vmul.f32 v2, v3;
	_ =	sdelay $0x1  }
0x4e8: {  	[tilespmem:v51+s13+$0x0] =	vst.idx.msk $0xffff, v2  }
0x4e9: {  	v2 =	vld [tilespmem:$0x6F40];
	_ =	sdelay $0x2  }
0x4ea: {  	v3 =	vbroadcast v1, $0xD;
	_ =	sdelay $0x1  }
0x4eb: {  	v2 =	vmul.f32 v2, v3;
	_ =	sdelay $0x1  }
0x4ec: {  	[tilespmem:v52+s13+$0x0] =	vst.idx.msk $0xffff, v2  }
0x4ed: {  	v2 =	vld [tilespmem:$0x6F50];
	_ =	sdelay $0x4  }
0x4ee: {  	v2 =	vmul.f32 v2, v3;
	_ =	sdelay $0x1  }
0x4ef: {  	[tilespmem:v53+s13+$0x0] =	vst.idx.msk $0xffff, v2  }
0x4f0: {  	v2 =	vld [tilespmem:$0x6F60];
	_ =	sdelay $0x4  }
0x4f1: {  	v2 =	vmul.f32 v2, v3;
	_ =	sdelay $0x1  }
0x4f2: {  	[tilespmem:v54+s13+$0x0] =	vst.idx.msk $0xffff, v2  }
0x4f3: {  	v2 =	vld [tilespmem:$0x6F70];
	_ =	sdelay $0x4  }
0x4f4: {  	v2 =	vmul.f32 v2, v3;
	_ =	sdelay $0x1  }
0x4f5: {  	[tilespmem:v55+s13+$0x0] =	vst.idx.msk $0xffff, v2  }
0x4f6: {  	v2 =	vld [tilespmem:$0x6F80];
	_ =	sdelay $0x2  }
0x4f7: {  	v3 =	vbroadcast v1, $0xE;
	_ =	sdelay $0x1  }
0x4f8: {  	v2 =	vmul.f32 v2, v3;
	_ =	sdelay $0x1  }
0x4f9: {  	[tilespmem:v56+s13+$0x0] =	vst.idx.msk $0xffff, v2  }
0x4fa: {  	v2 =	vld [tilespmem:$0x6F90];
	_ =	sdelay $0x4  }
0x4fb: {  	v2 =	vmul.f32 v2, v3;
	_ =	sdelay $0x1  }
0x4fc: {  	[tilespmem:v57+s13+$0x0] =	vst.idx.msk $0xffff, v2  }
0x4fd: {  	v2 =	vld [tilespmem:$0x6FA0];
	_ =	sdelay $0x4  }
0x4fe: {  	v2 =	vmul.f32 v2, v3;
	_ =	sdelay $0x1  }
0x4ff: {  	[tilespmem:v58+s13+$0x0] =	vst.idx.msk $0xffff, v2  }
0x500: {  	v2 =	vld [tilespmem:$0x6FB0];
	_ =	sdelay $0x4  }
0x501: {  	v2 =	vmul.f32 v2, v3;
	_ =	sdelay $0x1  }
0x502: {  	[tilespmem:v59+s13+$0x0] =	vst.idx.msk $0xffff, v2  }
0x503: {  	v2 =	vld [tilespmem:$0x6FC0];
	_ =	sdelay $0x2  }
0x504: {  	v1 =	vbroadcast v1, $0xF;
	_ =	sdelay $0x1  }
0x505: {  	v2 =	vmul.f32 v2, v1;
	_ =	sdelay $0x1  }
0x506: {  	[tilespmem:v60+s13+$0x0] =	vst.idx.msk $0xffff, v2  }
0x507: {  	v2 =	vld [tilespmem:$0x6FD0];
	_ =	sdelay $0x4  }
0x508: {  	v2 =	vmul.f32 v2, v1;
	_ =	sdelay $0x1  }
0x509: {  	[tilespmem:v61+s13+$0x0] =	vst.idx.msk $0xffff, v2  }
0x50a: {  	v2 =	vld [tilespmem:$0x6FE0];
	_ =	sdelay $0x4  }
0x50b: {  	v2 =	vmul.f32 v2, v1;
	_ =	sdelay $0x1  }
0x50c: {  	[tilespmem:v62+s13+$0x0] =	vst.idx.msk $0xffff, v2  }
0x50d: {  	v2 =	vld [tilespmem:$0x6FF0];
	_ =	sdelay $0x4  }
0x50e: {  	v1 =	vmul.f32 v2, v1;
	_ =	sdelay $0x1  }
0x50f: {  	s9 =	simm.s32 @!p0 $0x7;
	[tilespmem:v63+s13+$0x0] =	vst.idx.msk $0xffff, v1  }
0x510: {  	_ =	swait.ge @!p0 [sflag:s9], $0x180  }
0x511: {  	s28 =	simm.s32 @!p0 $0x6C00;
	[sflag:s9] =	ssyncset.done @!p0 $0x0  }
0x512: {  	s10 =	simm.s32 @!p0 $0x180;
	[sflag:s9] =	ssyncadd.s32 @!p0 $0xFFFFFE80;
	s9 =	simm.s32 @!p0 $0x80  }
0x513: {  	[tilespmem:s28], [sflag:$0x2] =	stream.indirect.gather @!p0 [hbm4b:s6+s9], $0x40, s10, s9, $0xb8;
	[tilespmem:$0x1F000] =	vst v63  }
0x514: {  	s10 =	simm.s32 @!p0 $0x200;
	s28 =	simm.s32 @!p0 $0x8C00  }
0x515: {  	[tilespmem:s28], [sflag:$0x2] =	stream.indirect.gather @!p0 [hbm4b:s6+s9], $0x40, s10, s9, $0xb8;
	[tilespmem:$0x1F000] =	vst v63  }
0x516: {  	s10 =	simm.s32 @!p0 $0x280;
	s28 =	simm.s32 @!p0 $0xAC00  }
0x517: {  	[tilespmem:s28], [sflag:$0x2] =	stream.indirect.gather @!p0 [hbm4b:s6+s9], $0x40, s10, s9, $0xb8;
	[tilespmem:$0x1F000] =	vst v63  }
0x518: {  	s9 =	sadd.s32 @!p0 s5, s21;
	s10 =	simm.s32 @!p0 $0x900  }
0x519: {  	[tilespmem:s10], [sflag:$0xC] =	stream.linear.gather @!p0 [hbm4b:s9+s24], $0x180, $0x38;
	[tilespmem:$0x1F000] =	vst v63  }
0x51a: {  	s24 =	sadd.s32 s18, s23  }
0x51b: {  	s9 =	sshrl.u32 s24, $0x3  }
0x51c: {  	s28 =	simm.s32 $0x12C00;
	s23 =	simm.s32 $0x620;
	s21 =	sadd.s32 s7, s9  }
0x51d: {  	[hbm4b:s21+s2] =	stream.linear.scatter [tilespmem:s28], [sflag:$0x4], $0x180, $0x38;
	[tilespmem:$0x1F000] =	vst v63  }
.LBB2_14:
0x51e: {  	p1 =	sne.s32 s23, $0x181E0  }
.Ltmp6:
0x51f: {  	_ = 	snop;
	(pc) =	sbr.rel @p1 .LBB2_14-.Ltmp6, $4  }
0x520: {  	_ = 	snop  }
0x521: {  	s9 =	sshra.s32 s23, $0x2;
	s23 =	sadd.s32 $0x620, s23  }
0x522: {  	s21 =	sadd.s32 $0x4800, s21;
	s9 =	sadd.s32 $0x12C00, s9  }
0x523: {  	[hbm4b:s21+s2] =	stream.linear.scatter [tilespmem:s9], [sflag:$0x4], $0x180, $0x38;
	[tilespmem:$0x1F000] =	vst v63  }
0x524: {  	_ =	swait.ge [sflag:s29], $0x2000  }
0x525: {  	[sflag:s29] =	ssyncset.done $0x0  }
0x526: {  	[sflag:s29] =	ssyncadd.s32 $0xFFFFE000  }
0x527: {  	_ =	swait.ge [sflag:s29], $0x2000  }
0x528: {  	[sflag:s29] =	ssyncset.done $0x0  }
0x529: {  	[sflag:s29] =	ssyncadd.s32 $0xFFFFE000  }
0x52a: {  	_ =	swait.ge [sflag:s29], $0x2000  }
0x52b: {  	s9 =	rddreg [dreg:$0x13]  }
0x52c: {  	s9 =	sadd.s32 @!p0 s20, s9  }
0x52d: {  	[sflag:s29] =	ssyncset.done $0x0;
	s9 =	smul.u32 @!p0 $0x180, s9  }
0x52e: {  	[sflag:s29] =	ssyncadd.s32 $0xFFFFE000  }
0x52f: {  	_ =	swait.ge [sflag:s16], $0x180;
	s9 =	sadd.s32 @!p0 s3, s9  }
0x530: {  	s10 =	simm.s32 @!p0 $0x780;
	[sflag:s16] =	ssyncset.done $0x0;
	s9 =	sshrl.u32 @!p0 s9, $0x3  }
0x531: {  	s20 =	simm.s32 @!p0 $0x0;
	[sflag:s16] =	ssyncadd.s32 $0xFFFFFE80;
	s9 =	sadd.s32 @!p0 s4, s9  }
0x532: {  	[tilespmem:s10], [sflag:$0xB] =	stream.linear.gather @!p0 [hbm4b:s9+s20], $0x180, $0x38;
	[tilespmem:$0x1F000] =	vst v63  }
0x533: {  	_ =	swait.ge [sflag:s17], $0x6000  }
0x534: {  	[sflag:s17] =	ssyncset.done $0x0  }
0x535: {  	[sflag:s17] =	ssyncadd.s32 $0xFFFFA000  }
0x536: {  	v1 =	vld [tilespmem:$0xA80];
	_ =	sdelay $0x1  }
0x537: {  	v2 =	vld [tilespmem:$0xCC00];
	_ =	sdelay $0x2  }
0x538: {  	v3 =	vbroadcast v1, $0x0;
	_ =	sdelay $0x1  }
0x539: {  	v2 =	vmul.f32 v3, v2;
	_ =	sdelay $0x1  }
0x53a: {  	v4 =	vld [tilespmem:$0x1FFC0];
	[tilespmem:v0+s30+$0x0] =	vst.idx.msk $0xffff, v2  }
0x53b: {  	v2 =	vld [tilespmem:$0xCC10];
	_ =	sdelay $0x4  }
0x53c: {  	v2 =	vmul.f32 v2, v3;
	_ =	sdelay $0x1  }
0x53d: {  	[tilespmem:v4+s30+$0x0] =	vst.idx.msk $0xffff, v2;
	v4 =	vld [tilespmem:$0x1FFD0]  }
0x53e: {  	v2 =	vld [tilespmem:$0xCC20];
	_ =	sdelay $0x4  }
0x53f: {  	v2 =	vmul.f32 v2, v3;
	_ =	sdelay $0x1  }
0x540: {  	[tilespmem:v4+s30+$0x0] =	vst.idx.msk $0xffff, v2  }
0x541: {  	v2 =	vld [tilespmem:$0xCC30];
	_ =	sdelay $0x4  }
0x542: {  	v2 =	vmul.f32 v2, v3;
	v3 =	vld [tilespmem:$0x1FFE0];
	_ =	sdelay $0x7  }
0x543: {  	v4 =	vld [tilespmem:$0x1FFF0];
	[tilespmem:v3+s30+$0x0] =	vst.idx.msk $0xffff, v2  }
0x544: {  	v2 =	vld [tilespmem:$0xCC40];
	_ =	sdelay $0x2  }
0x545: {  	v3 =	vbroadcast v1, $0x1;
	_ =	sdelay $0x1  }
0x546: {  	v2 =	vmul.f32 v2, v3;
	_ =	sdelay $0x1  }
0x547: {  	[tilespmem:v4+s30+$0x0] =	vst.idx.msk $0xffff, v2  }
0x548: {  	v2 =	vld [tilespmem:$0xCC50];
	_ =	sdelay $0x4  }
0x549: {  	v2 =	vmul.f32 v2, v3;
	_ =	sdelay $0x1  }
0x54a: {  	[tilespmem:v5+s30+$0x0] =	vst.idx.msk $0xffff, v2  }
0x54b: {  	v2 =	vld [tilespmem:$0xCC60];
	_ =	sdelay $0x4  }
0x54c: {  	v2 =	vmul.f32 v2, v3;
	_ =	sdelay $0x1  }
0x54d: {  	[tilespmem:v6+s30+$0x0] =	vst.idx.msk $0xffff, v2  }
0x54e: {  	v2 =	vld [tilespmem:$0xCC70];
	_ =	sdelay $0x4  }
0x54f: {  	v2 =	vmul.f32 v2, v3;
	_ =	sdelay $0x1  }
0x550: {  	[tilespmem:v7+s30+$0x0] =	vst.idx.msk $0xffff, v2  }
0x551: {  	v2 =	vld [tilespmem:$0xCC80];
	_ =	sdelay $0x2  }
0x552: {  	v3 =	vbroadcast v1, $0x2;
	_ =	sdelay $0x1  }
0x553: {  	v2 =	vmul.f32 v2, v3;
	_ =	sdelay $0x1  }
0x554: {  	[tilespmem:v8+s30+$0x0] =	vst.idx.msk $0xffff, v2  }
0x555: {  	v2 =	vld [tilespmem:$0xCC90];
	_ =	sdelay $0x4  }
0x556: {  	v2 =	vmul.f32 v2, v3;
	_ =	sdelay $0x1  }
0x557: {  	[tilespmem:v9+s30+$0x0] =	vst.idx.msk $0xffff, v2  }
0x558: {  	v2 =	vld [tilespmem:$0xCCA0];
	_ =	sdelay $0x4  }
0x559: {  	v2 =	vmul.f32 v2, v3;
	_ =	sdelay $0x1  }
0x55a: {  	[tilespmem:v10+s30+$0x0] =	vst.idx.msk $0xffff, v2  }
0x55b: {  	v2 =	vld [tilespmem:$0xCCB0];
	_ =	sdelay $0x4  }
0x55c: {  	v2 =	vmul.f32 v2, v3;
	_ =	sdelay $0x1  }
0x55d: {  	[tilespmem:v11+s30+$0x0] =	vst.idx.msk $0xffff, v2  }
0x55e: {  	v2 =	vld [tilespmem:$0xCCC0];
	_ =	sdelay $0x2  }
0x55f: {  	v3 =	vbroadcast v1, $0x3;
	_ =	sdelay $0x1  }
0x560: {  	v2 =	vmul.f32 v2, v3;
	_ =	sdelay $0x1  }
0x561: {  	[tilespmem:v12+s30+$0x0] =	vst.idx.msk $0xffff, v2  }
0x562: {  	v2 =	vld [tilespmem:$0xCCD0];
	_ =	sdelay $0x4  }
0x563: {  	v2 =	vmul.f32 v2, v3;
	_ =	sdelay $0x1  }
0x564: {  	[tilespmem:v13+s30+$0x0] =	vst.idx.msk $0xffff, v2  }
0x565: {  	v2 =	vld [tilespmem:$0xCCE0];
	_ =	sdelay $0x4  }
0x566: {  	v2 =	vmul.f32 v2, v3;
	_ =	sdelay $0x1  }
0x567: {  	[tilespmem:v14+s30+$0x0] =	vst.idx.msk $0xffff, v2  }
0x568: {  	v2 =	vld [tilespmem:$0xCCF0];
	_ =	sdelay $0x4  }
0x569: {  	v2 =	vmul.f32 v2, v3;
	_ =	sdelay $0x1  }
0x56a: {  	[tilespmem:v15+s30+$0x0] =	vst.idx.msk $0xffff, v2  }
0x56b: {  	v2 =	vld [tilespmem:$0xCD00];
	_ =	sdelay $0x2  }
0x56c: {  	v3 =	vbroadcast v1, $0x4;
	_ =	sdelay $0x1  }
0x56d: {  	v2 =	vmul.f32 v2, v3;
	_ =	sdelay $0x1  }
0x56e: {  	[tilespmem:v16+s30+$0x0] =	vst.idx.msk $0xffff, v2  }
0x56f: {  	v2 =	vld [tilespmem:$0xCD10];
	_ =	sdelay $0x4  }
0x570: {  	v2 =	vmul.f32 v2, v3;
	_ =	sdelay $0x1  }
0x571: {  	[tilespmem:v17+s30+$0x0] =	vst.idx.msk $0xffff, v2  }
0x572: {  	v2 =	vld [tilespmem:$0xCD20];
	_ =	sdelay $0x4  }
0x573: {  	v2 =	vmul.f32 v2, v3;
	_ =	sdelay $0x1  }
0x574: {  	[tilespmem:v18+s30+$0x0] =	vst.idx.msk $0xffff, v2  }
0x575: {  	v2 =	vld [tilespmem:$0xCD30];
	_ =	sdelay $0x4  }
0x576: {  	v2 =	vmul.f32 v2, v3;
	_ =	sdelay $0x1  }
0x577: {  	[tilespmem:v19+s30+$0x0] =	vst.idx.msk $0xffff, v2  }
0x578: {  	v2 =	vld [tilespmem:$0xCD40];
	_ =	sdelay $0x2  }
0x579: {  	v3 =	vbroadcast v1, $0x5;
	_ =	sdelay $0x1  }
0x57a: {  	v2 =	vmul.f32 v2, v3;
	_ =	sdelay $0x1  }
0x57b: {  	[tilespmem:v20+s30+$0x0] =	vst.idx.msk $0xffff, v2  }
0x57c: {  	v2 =	vld [tilespmem:$0xCD50];
	_ =	sdelay $0x4  }
0x57d: {  	v2 =	vmul.f32 v2, v3;
	_ =	sdelay $0x1  }
0x57e: {  	[tilespmem:v21+s30+$0x0] =	vst.idx.msk $0xffff, v2  }
0x57f: {  	v2 =	vld [tilespmem:$0xCD60];
	_ =	sdelay $0x4  }
0x580: {  	v2 =	vmul.f32 v2, v3;
	_ =	sdelay $0x1  }
0x581: {  	[tilespmem:v22+s30+$0x0] =	vst.idx.msk $0xffff, v2  }
0x582: {  	v2 =	vld [tilespmem:$0xCD70];
	_ =	sdelay $0x4  }
0x583: {  	v2 =	vmul.f32 v2, v3;
	_ =	sdelay $0x1  }
0x584: {  	[tilespmem:v23+s30+$0x0] =	vst.idx.msk $0xffff, v2  }
0x585: {  	v2 =	vld [tilespmem:$0xCD80];
	_ =	sdelay $0x2  }
0x586: {  	v3 =	vbroadcast v1, $0x6;
	_ =	sdelay $0x1  }
0x587: {  	v2 =	vmul.f32 v2, v3;
	_ =	sdelay $0x1  }
0x588: {  	[tilespmem:v24+s30+$0x0] =	vst.idx.msk $0xffff, v2  }
0x589: {  	v2 =	vld [tilespmem:$0xCD90];
	_ =	sdelay $0x4  }
0x58a: {  	v2 =	vmul.f32 v2, v3;
	_ =	sdelay $0x1  }
0x58b: {  	[tilespmem:v25+s30+$0x0] =	vst.idx.msk $0xffff, v2  }
0x58c: {  	v2 =	vld [tilespmem:$0xCDA0];
	_ =	sdelay $0x4  }
0x58d: {  	v2 =	vmul.f32 v2, v3;
	_ =	sdelay $0x1  }
0x58e: {  	[tilespmem:v26+s30+$0x0] =	vst.idx.msk $0xffff, v2  }
0x58f: {  	v2 =	vld [tilespmem:$0xCDB0];
	_ =	sdelay $0x4  }
0x590: {  	v2 =	vmul.f32 v2, v3;
	_ =	sdelay $0x1  }
0x591: {  	[tilespmem:v27+s30+$0x0] =	vst.idx.msk $0xffff, v2  }
0x592: {  	v2 =	vld [tilespmem:$0xCDC0];
	_ =	sdelay $0x2  }
0x593: {  	v3 =	vbroadcast v1, $0x7;
	_ =	sdelay $0x1  }
0x594: {  	v2 =	vmul.f32 v2, v3;
	_ =	sdelay $0x1  }
0x595: {  	[tilespmem:v28+s30+$0x0] =	vst.idx.msk $0xffff, v2  }
0x596: {  	v2 =	vld [tilespmem:$0xCDD0];
	_ =	sdelay $0x4  }
0x597: {  	v2 =	vmul.f32 v2, v3;
	_ =	sdelay $0x1  }
0x598: {  	[tilespmem:v29+s30+$0x0] =	vst.idx.msk $0xffff, v2  }
0x599: {  	v2 =	vld [tilespmem:$0xCDE0];
	_ =	sdelay $0x4  }
0x59a: {  	v2 =	vmul.f32 v2, v3;
	_ =	sdelay $0x1  }
0x59b: {  	[tilespmem:v30+s30+$0x0] =	vst.idx.msk $0xffff, v2  }
0x59c: {  	v2 =	vld [tilespmem:$0xCDF0];
	_ =	sdelay $0x4  }
0x59d: {  	v2 =	vmul.f32 v2, v3;
	_ =	sdelay $0x1  }
0x59e: {  	[tilespmem:v31+s30+$0x0] =	vst.idx.msk $0xffff, v2  }
0x59f: {  	v2 =	vld [tilespmem:$0xCE00];
	_ =	sdelay $0x2  }
0x5a0: {  	v3 =	vbroadcast v1, $0x8;
	_ =	sdelay $0x1  }
0x5a1: {  	v2 =	vmul.f32 v2, v3;
	_ =	sdelay $0x1  }
0x5a2: {  	[tilespmem:v32+s30+$0x0] =	vst.idx.msk $0xffff, v2  }
0x5a3: {  	v2 =	vld [tilespmem:$0xCE10];
	_ =	sdelay $0x4  }
0x5a4: {  	v2 =	vmul.f32 v2, v3;
	_ =	sdelay $0x1  }
0x5a5: {  	[tilespmem:v33+s30+$0x0] =	vst.idx.msk $0xffff, v2  }
0x5a6: {  	v2 =	vld [tilespmem:$0xCE20];
	_ =	sdelay $0x4  }
0x5a7: {  	v2 =	vmul.f32 v2, v3;
	_ =	sdelay $0x1  }
0x5a8: {  	[tilespmem:v34+s30+$0x0] =	vst.idx.msk $0xffff, v2  }
0x5a9: {  	v2 =	vld [tilespmem:$0xCE30];
	_ =	sdelay $0x4  }
0x5aa: {  	v2 =	vmul.f32 v2, v3;
	_ =	sdelay $0x1  }
0x5ab: {  	[tilespmem:v35+s30+$0x0] =	vst.idx.msk $0xffff, v2  }
0x5ac: {  	v2 =	vld [tilespmem:$0xCE40];
	_ =	sdelay $0x2  }
0x5ad: {  	v3 =	vbroadcast v1, $0x9;
	_ =	sdelay $0x1  }
0x5ae: {  	v2 =	vmul.f32 v2, v3;
	_ =	sdelay $0x1  }
0x5af: {  	[tilespmem:v36+s30+$0x0] =	vst.idx.msk $0xffff, v2  }
0x5b0: {  	v2 =	vld [tilespmem:$0xCE50];
	_ =	sdelay $0x4  }
0x5b1: {  	v2 =	vmul.f32 v2, v3;
	_ =	sdelay $0x1  }
0x5b2: {  	[tilespmem:v37+s30+$0x0] =	vst.idx.msk $0xffff, v2  }
0x5b3: {  	v2 =	vld [tilespmem:$0xCE60];
	_ =	sdelay $0x4  }
0x5b4: {  	v2 =	vmul.f32 v2, v3;
	_ =	sdelay $0x1  }
0x5b5: {  	[tilespmem:v38+s30+$0x0] =	vst.idx.msk $0xffff, v2  }
0x5b6: {  	v2 =	vld [tilespmem:$0xCE70];
	_ =	sdelay $0x4  }
0x5b7: {  	v2 =	vmul.f32 v2, v3;
	_ =	sdelay $0x1  }
0x5b8: {  	[tilespmem:v39+s30+$0x0] =	vst.idx.msk $0xffff, v2  }
0x5b9: {  	v2 =	vld [tilespmem:$0xCE80];
	_ =	sdelay $0x2  }
0x5ba: {  	v3 =	vbroadcast v1, $0xA;
	_ =	sdelay $0x1  }
0x5bb: {  	v2 =	vmul.f32 v2, v3;
	_ =	sdelay $0x1  }
0x5bc: {  	[tilespmem:v40+s30+$0x0] =	vst.idx.msk $0xffff, v2  }
0x5bd: {  	v2 =	vld [tilespmem:$0xCE90];
	_ =	sdelay $0x4  }
0x5be: {  	v2 =	vmul.f32 v2, v3;
	_ =	sdelay $0x1  }
0x5bf: {  	[tilespmem:v41+s30+$0x0] =	vst.idx.msk $0xffff, v2  }
0x5c0: {  	v2 =	vld [tilespmem:$0xCEA0];
	_ =	sdelay $0x4  }
0x5c1: {  	v2 =	vmul.f32 v2, v3;
	_ =	sdelay $0x1  }
0x5c2: {  	[tilespmem:v42+s30+$0x0] =	vst.idx.msk $0xffff, v2  }
0x5c3: {  	v2 =	vld [tilespmem:$0xCEB0];
	_ =	sdelay $0x4  }
0x5c4: {  	v2 =	vmul.f32 v2, v3;
	_ =	sdelay $0x1  }
0x5c5: {  	[tilespmem:v43+s30+$0x0] =	vst.idx.msk $0xffff, v2  }
0x5c6: {  	v2 =	vld [tilespmem:$0xCEC0];
	_ =	sdelay $0x2  }
0x5c7: {  	v3 =	vbroadcast v1, $0xB;
	_ =	sdelay $0x1  }
0x5c8: {  	v2 =	vmul.f32 v2, v3;
	_ =	sdelay $0x1  }
0x5c9: {  	[tilespmem:v44+s30+$0x0] =	vst.idx.msk $0xffff, v2  }
0x5ca: {  	v2 =	vld [tilespmem:$0xCED0];
	_ =	sdelay $0x4  }
0x5cb: {  	v2 =	vmul.f32 v2, v3;
	_ =	sdelay $0x1  }
0x5cc: {  	[tilespmem:v45+s30+$0x0] =	vst.idx.msk $0xffff, v2  }
0x5cd: {  	v2 =	vld [tilespmem:$0xCEE0];
	_ =	sdelay $0x4  }
0x5ce: {  	v2 =	vmul.f32 v2, v3;
	_ =	sdelay $0x1  }
0x5cf: {  	[tilespmem:v46+s30+$0x0] =	vst.idx.msk $0xffff, v2  }
0x5d0: {  	v2 =	vld [tilespmem:$0xCEF0];
	_ =	sdelay $0x4  }
0x5d1: {  	v2 =	vmul.f32 v2, v3;
	_ =	sdelay $0x1  }
0x5d2: {  	[tilespmem:v47+s30+$0x0] =	vst.idx.msk $0xffff, v2  }
0x5d3: {  	v2 =	vld [tilespmem:$0xCF00];
	_ =	sdelay $0x2  }
0x5d4: {  	v3 =	vbroadcast v1, $0xC;
	_ =	sdelay $0x1  }
0x5d5: {  	v2 =	vmul.f32 v2, v3;
	_ =	sdelay $0x1  }
0x5d6: {  	[tilespmem:v48+s30+$0x0] =	vst.idx.msk $0xffff, v2  }
0x5d7: {  	v2 =	vld [tilespmem:$0xCF10];
	_ =	sdelay $0x4  }
0x5d8: {  	v2 =	vmul.f32 v2, v3;
	_ =	sdelay $0x1  }
0x5d9: {  	[tilespmem:v49+s30+$0x0] =	vst.idx.msk $0xffff, v2  }
0x5da: {  	v2 =	vld [tilespmem:$0xCF20];
	_ =	sdelay $0x4  }
0x5db: {  	v2 =	vmul.f32 v2, v3;
	_ =	sdelay $0x1  }
0x5dc: {  	[tilespmem:v50+s30+$0x0] =	vst.idx.msk $0xffff, v2  }
0x5dd: {  	v2 =	vld [tilespmem:$0xCF30];
	_ =	sdelay $0x4  }
0x5de: {  	v2 =	vmul.f32 v2, v3;
	_ =	sdelay $0x1  }
0x5df: {  	[tilespmem:v51+s30+$0x0] =	vst.idx.msk $0xffff, v2  }
0x5e0: {  	v2 =	vld [tilespmem:$0xCF40];
	_ =	sdelay $0x2  }
0x5e1: {  	v3 =	vbroadcast v1, $0xD;
	_ =	sdelay $0x1  }
0x5e2: {  	v2 =	vmul.f32 v2, v3;
	_ =	sdelay $0x1  }
0x5e3: {  	[tilespmem:v52+s30+$0x0] =	vst.idx.msk $0xffff, v2  }
0x5e4: {  	v2 =	vld [tilespmem:$0xCF50];
	_ =	sdelay $0x4  }
0x5e5: {  	v2 =	vmul.f32 v2, v3;
	_ =	sdelay $0x1  }
0x5e6: {  	[tilespmem:v53+s30+$0x0] =	vst.idx.msk $0xffff, v2  }
0x5e7: {  	v2 =	vld [tilespmem:$0xCF60];
	_ =	sdelay $0x4  }
0x5e8: {  	v2 =	vmul.f32 v2, v3;
	_ =	sdelay $0x1  }
0x5e9: {  	[tilespmem:v54+s30+$0x0] =	vst.idx.msk $0xffff, v2  }
0x5ea: {  	v2 =	vld [tilespmem:$0xCF70];
	_ =	sdelay $0x4  }
0x5eb: {  	v2 =	vmul.f32 v2, v3;
	_ =	sdelay $0x1  }
0x5ec: {  	[tilespmem:v55+s30+$0x0] =	vst.idx.msk $0xffff, v2  }
0x5ed: {  	v2 =	vld [tilespmem:$0xCF80];
	_ =	sdelay $0x2  }
0x5ee: {  	v3 =	vbroadcast v1, $0xE;
	_ =	sdelay $0x1  }
0x5ef: {  	v2 =	vmul.f32 v2, v3;
	_ =	sdelay $0x1  }
0x5f0: {  	[tilespmem:v56+s30+$0x0] =	vst.idx.msk $0xffff, v2  }
0x5f1: {  	v2 =	vld [tilespmem:$0xCF90];
	_ =	sdelay $0x4  }
0x5f2: {  	v2 =	vmul.f32 v2, v3;
	_ =	sdelay $0x1  }
0x5f3: {  	[tilespmem:v57+s30+$0x0] =	vst.idx.msk $0xffff, v2  }
0x5f4: {  	v2 =	vld [tilespmem:$0xCFA0];
	_ =	sdelay $0x4  }
0x5f5: {  	v2 =	vmul.f32 v2, v3;
	_ =	sdelay $0x1  }
0x5f6: {  	[tilespmem:v58+s30+$0x0] =	vst.idx.msk $0xffff, v2  }
0x5f7: {  	v2 =	vld [tilespmem:$0xCFB0];
	_ =	sdelay $0x4  }
0x5f8: {  	v2 =	vmul.f32 v2, v3;
	_ =	sdelay $0x1  }
0x5f9: {  	[tilespmem:v59+s30+$0x0] =	vst.idx.msk $0xffff, v2  }
0x5fa: {  	v2 =	vld [tilespmem:$0xCFC0];
	_ =	sdelay $0x2  }
0x5fb: {  	v1 =	vbroadcast v1, $0xF;
	_ =	sdelay $0x1  }
0x5fc: {  	v2 =	vmul.f32 v2, v1;
	_ =	sdelay $0x1  }
0x5fd: {  	[tilespmem:v60+s30+$0x0] =	vst.idx.msk $0xffff, v2  }
0x5fe: {  	v2 =	vld [tilespmem:$0xCFD0];
	_ =	sdelay $0x4  }
0x5ff: {  	v2 =	vmul.f32 v2, v1;
	_ =	sdelay $0x1  }
0x600: {  	[tilespmem:v61+s30+$0x0] =	vst.idx.msk $0xffff, v2  }
0x601: {  	v2 =	vld [tilespmem:$0xCFE0];
	_ =	sdelay $0x4  }
0x602: {  	v2 =	vmul.f32 v2, v1;
	_ =	sdelay $0x1  }
0x603: {  	[tilespmem:v62+s30+$0x0] =	vst.idx.msk $0xffff, v2  }
0x604: {  	v2 =	vld [tilespmem:$0xCFF0];
	_ =	sdelay $0x4  }
0x605: {  	v1 =	vmul.f32 v2, v1;
	_ =	sdelay $0x1  }
0x606: {  	s9 =	simm.s32 @!p0 $0x8;
	[tilespmem:v63+s30+$0x0] =	vst.idx.msk $0xffff, v1  }
0x607: {  	_ =	swait.ge @!p0 [sflag:s9], $0x180  }
0x608: {  	s21 =	simm.s32 @!p0 $0xCC00;
	[sflag:s9] =	ssyncset.done @!p0 $0x0  }
0x609: {  	s10 =	simm.s32 @!p0 $0x300;
	[sflag:s9] =	ssyncadd.s32 @!p0 $0xFFFFFE80;
	s9 =	simm.s32 @!p0 $0x80  }
0x60a: {  	[tilespmem:s21], [sflag:$0x3] =	stream.indirect.gather @!p0 [hbm4b:s6+s9], $0x40, s10, s9, $0xb8;
	[tilespmem:$0x1F000] =	vst v63  }
0x60b: {  	s10 =	simm.s32 @!p0 $0x380;
	s21 =	simm.s32 @!p0 $0xEC00  }
0x60c: {  	[tilespmem:s21], [sflag:$0x3] =	stream.indirect.gather @!p0 [hbm4b:s6+s9], $0x40, s10, s9, $0xb8;
	[tilespmem:$0x1F000] =	vst v63  }
0x60d: {  	s10 =	simm.s32 @!p0 $0x400;
	s21 =	simm.s32 @!p0 $0x10C00  }
0x60e: {  	[tilespmem:s21], [sflag:$0x3] =	stream.indirect.gather @!p0 [hbm4b:s6+s9], $0x40, s10, s9, $0xb8;
	[tilespmem:$0x1F000] =	vst v63  }
0x60f: {  	s26 =	sadd.s32 s18, s26;
	s9 =	sadd.s32 @!p0 s5, s22;
	s10 =	simm.s32 @!p0 $0xA80  }
0x610: {  	[tilespmem:s10], [sflag:$0xD] =	stream.linear.gather @!p0 [hbm4b:s9+s20], $0x180, $0x38;
	[tilespmem:$0x1F000] =	vst v63  }
0x611: {  	s9 =	sshrl.u32 s26, $0x3  }
0x612: {  	s28 =	simm.s32 $0x18E00;
	s21 =	simm.s32 $0x620;
	s20 =	sadd.s32 s7, s9  }
0x613: {  	[hbm4b:s20+s2] =	stream.linear.scatter [tilespmem:s28], [sflag:$0x5], $0x180, $0x38;
	[tilespmem:$0x1F000] =	vst v63  }
.LBB2_16:
0x614: {  	p0 =	sne.s32 s21, $0x181E0  }
.Ltmp7:
0x615: {  	_ = 	snop;
	(pc) =	sbr.rel @p0 .LBB2_16-.Ltmp7, $4  }
0x616: {  	_ = 	snop  }
0x617: {  	s9 =	sshra.s32 s21, $0x2;
	s21 =	sadd.s32 $0x620, s21  }
0x618: {  	s20 =	sadd.s32 $0x4800, s20;
	s9 =	sadd.s32 $0x18E00, s9  }
0x619: {  	[hbm4b:s20+s2] =	stream.linear.scatter [tilespmem:s9], [sflag:$0x5], $0x180, $0x38;
	[tilespmem:$0x1F000] =	vst v63  }
0x61a: {  	s19 =	sadd.s32 $0x1, s19  }
0x61b: {  	p0 =	sne.s32 s19, $0x8  }
.Ltmp8:
0x61c: {  	_ = 	snop;
	(pc) =	sbr.rel @p0 .LBB2_2-.Ltmp8, $1  }
0x61d: {  	_ =	sdelay $0x3  }
0x61e: {  	_ =	swait.ge [sflag:s11], $0x6000  }
0x61f: {  	[sflag:s11] =	ssyncset.done $0x0  }
0x620: {  	[sflag:s11] =	ssyncadd.s32 $0xFFFFA000  }
0x621: {  	_ =	swait.ge [sflag:s17], $0x6000  }
0x622: {  	s10 =	rddreg [dreg:$0x14]  }
0x623: {  	s9 =	rddreg [dreg:$0x11];
	s10 =	sadd.s32 $0x1, s10  }
0x624: {  	p0 =	sne.s32 s10, s9  }
.Ltmp9:
0x625: {  	_ = 	snop;
	(pc) =	sbr.rel @p0 .LBB2_1-.Ltmp9, $3  }
0x626: {  	_ =	sdelay $0x1  }
0x627: {  	[sflag:s17] =	ssyncset.done $0x0  }
0x628: {  	[sflag:s17] =	ssyncadd.s32 $0xFFFFA000  }
0x629: {  	_ =	sfence.sel $0x180000  }
0x62a: {  	[bflag:$0x0] =	sbarrier.arrive $0xFFFF  }
0x62b: {  	_ =	strace $0x90000047  }
0x62c: {  	s0 =	stileid.u32;
	[bflag:$0x2] =	sbarrier.arrive $0xFFFF  }
0x62d: {  	p0 =	sne.s32 s0, $0x0;
	s0 =	rddreg [dreg:$0x1]  }
0x62e: {  	s0 =	sadd.s32 @!p0 $0x100000, s0  }
0x62f: {  	[sflag:s0] =	ssyncadd.tile.s32 @!p0 $0x1;
	_ =	shalt  }
.Lfunc_end2:
_tile_overlayer_lowered:
.L_overlay_start_2:
0x630: {  	(tag) =	ssettag $0x2  }
0x631: {  	s0 =	rddreg [dreg:$0x0];
	s2 =	stileid.u32  }
0x632: {  	s1 =	rddreg [dreg:$0x1];
	p0 =	sne.s32 s2, $0x0  }
0x633: {  	s3 =	rddreg [dreg:$0x2];
	[bflag:$0x3] =	sbarrier.arrive $0xFFFF;
	s2 =	simm.s32 @!p0 $0x1C0E  }
0x634: {  	[timem:s3], [sflag:s2] =	dma.local @!p0 [hbm:s0], s1  }
0x635: {  	s0 =	simm.s32 @!p0 $0xE  }
0x636: {  	_ =	swait.ge @!p0 [sflag:s0], s1  }
0x637: {  	s1 =	ssub.s32 @!p0 $0x0, s1;
	[sflag:s0] =	ssyncset.done @!p0 $0x0  }
0x638: {  	[sflag:s0] =	ssyncadd.s32 @!p0 s1  }
0x639: {  	[bflag:$0x3] =	sbarrier.arrive $0xFFFF  }
0x63a: {  	_ =	shalt  }

</sc_bundles>
